<compile_context>
chip_gen: v7x
topology: tpu7x:2x2x1
jax: 0.10.2.dev20260603
libtpu: 0.0.44.dev20260713+nightly
codegen_flags: <defaults>
</compile_context>

<pallas_src>
import functools

import jax
import jax.numpy as jnp
from jax import lax
from jax.experimental import pallas as pl
from jax.experimental.pallas import tpu as pltpu
from jax.experimental.pallas import tpu_sc as plsc

_N_NODES = 10000
_N_EDGES = 320000
_D = 128

_NC = 2
_NS = 16
_NW = _NC * _NS

_N_SLICES = 2
_E_HALF = _N_EDGES // _N_SLICES
_CHUNK = 256
_IDX_ROWS = _CHUNK // 128
_N_CHUNKS = _E_HALF // _CHUNK
_NBUF = 2
_HALF = _N_NODES // 2
_TRASH = _HALF
_ACC_ROWS = _HALF + 16
_ZROWS = 128
_N_ABLK = _HALF // _ZROWS
_A_TAIL = _HALF % _ZROWS


def _edge_mlp(x2d, ea_t, w1a, w1b, b1, w2, b2, half):
    e_tile = 6400
    grid = (_E_HALF // e_tile,)
    off = half * (_E_HALF // e_tile)

    def body(x_ref, ea_ref, w1a_ref, w1b_ref, b1_ref, w2_ref, b2_ref, out_ref):
        h = lax.dot_general(
            ea_ref[...],
            w1a_ref[...],
            dimension_numbers=(((0,), (0,)), ((), ())),
            preferred_element_type=jnp.float32,
        )
        h = h + jnp.dot(
            x_ref[...].astype(jnp.bfloat16),
            w1b_ref[...].astype(jnp.bfloat16),
            preferred_element_type=jnp.float32,
        )
        h = jnp.maximum(h + b1_ref[...], 0.0)
        out_ref[...] = (
            jnp.dot(
                h.astype(jnp.bfloat16),
                w2_ref[...].astype(jnp.bfloat16),
                preferred_element_type=jnp.float32,
            )
            + b2_ref[...]
        )

    return pl.pallas_call(
        body,
        grid=grid,
        in_specs=[
            pl.BlockSpec((e_tile, _D), lambda i: (i + off, 0)),
            pl.BlockSpec((4, e_tile), lambda i: (0, i + off)),
            pl.BlockSpec((4, _D), lambda i: (0, 0)),
            pl.BlockSpec((_D, _D), lambda i: (0, 0)),
            pl.BlockSpec((1, _D), lambda i: (0, 0)),
            pl.BlockSpec((_D, _D), lambda i: (0, 0)),
            pl.BlockSpec((1, _D), lambda i: (0, 0)),
        ],
        out_specs=pl.BlockSpec((e_tile, _D), lambda i: (i, 0)),
        out_shape=jax.ShapeDtypeStruct((_E_HALF, _D), jnp.float32),
    )(x2d, ea_t, w1a, w1b, b1, w2, b2)


def _scatter_sc(vg, dst2d):
    mesh = plsc.VectorSubcoreMesh(core_axis_name="c", subcore_axis_name="s")

    @functools.partial(
        pl.kernel,
        out_type=jax.ShapeDtypeStruct((_N_NODES, _D), jnp.float32),
        mesh=mesh,
        scratch_types=[
            pltpu.VMEM((_NBUF, _IDX_ROWS, 128), jnp.int32),
            pltpu.VMEM((_NBUF, _CHUNK, _D), jnp.float32),
            pltpu.VMEM_SHARED((_ACC_ROWS, _D), jnp.float32),
            pltpu.SemaphoreType.DMA,
            pltpu.SemaphoreType.DMA,
            pltpu.SemaphoreType.DMA,
            pltpu.SemaphoreType.DMA,
            pltpu.SemaphoreType.DMA,
            pltpu.SemaphoreType.DMA,
        ],
    )
    def scatter_kernel(
        vg_hbm, dst_hbm, out_hbm, idx_v, rows_v, acc_sh, r0, r1, r2, s0, s1, s2
    ):
        cid = lax.axis_index("c")
        sid = lax.axis_index("s")
        lo = cid * _HALF
        rsem = [r0, r1, r2]
        ssem = [s0, s1, s2]

        zbuf = rows_v.at[0].at[pl.ds(0, _ZROWS)]
        zv = jnp.zeros((16,), jnp.float32)

        def zrow(r, carry):
            for c16 in range(_D // 16):
                rows_v[0, r, pl.ds(c16 * 16, 16)] = zv
            return carry

        lax.fori_loop(0, _ZROWS, zrow, 0)

        n_blk_iters = -(-_N_ABLK // _NS)

        def zblk(it, carry):
            b = it * _NS + sid

            @pl.when(b < _N_ABLK)
            def _():
                pltpu.sync_copy(zbuf, acc_sh.at[pl.ds(b * _ZROWS, _ZROWS)])

            return carry

        lax.fori_loop(0, n_blk_iters, zblk, 0)

        @pl.when(sid == 0)
        def _():
            pltpu.sync_copy(
                zbuf.at[pl.ds(0, _A_TAIL)],
                acc_sh.at[pl.ds(_N_ABLK * _ZROWS, _A_TAIL)],
            )

        n_extra = _N_CHUNKS - (_N_CHUNKS // _NS) * _NS
        n_i = jnp.where(sid < n_extra, _N_CHUNKS // _NS + 1, _N_CHUNKS // _NS)

        def issue_reads(k, b):
            chunk = k * _NS + sid
            pltpu.async_copy(dst_hbm.at[chunk], idx_v.at[b], rsem[b])
            pltpu.async_copy(
                vg_hbm.at[pl.ds(chunk * _CHUNK, _CHUNK)], rows_v.at[b], rsem[b]
            )

        def wait_reads(k, b):
            chunk = k * _NS + sid
            pltpu.make_async_copy(dst_hbm.at[chunk], idx_v.at[b], rsem[b]).wait()
            pltpu.make_async_copy(
                vg_hbm.at[pl.ds(chunk * _CHUNK, _CHUNK)], rows_v.at[b], rsem[b]
            ).wait()

        def drain_adds(b):
            for j in range(_IDX_ROWS):
                pltpu.make_async_copy(
                    rows_v.at[b].at[pl.ds(j * 128, 128)],
                    acc_sh.at[idx_v.at[b].at[j]],
                    ssem[b],
                ).wait()

        issue_reads(0, 0)
        issue_reads(1, 1)
        plsc.subcore_barrier()

        trash = _TRASH + lax.iota(jnp.int32, 16)
        n_slots = -(-(_N_CHUNKS // _NS + 1) // _NBUF)

        def slot_body(it3, carry):
            for b in range(_NBUF):
                k = it3 * _NBUF + b
                b2 = (b + 2) % _NBUF

                @pl.when(k < n_i)
                def _():
                    wait_reads(k, b)
                    for j in range(_IDX_ROWS):
                        for c16 in range(128 // 16):
                            v = idx_v[b, j, pl.ds(c16 * 16, 16)]
                            local = v - lo
                            ok = (local >= 0) & (local < _HALF)
                            idx_v[b, j, pl.ds(c16 * 16, 16)] = jnp.where(
                                ok, local, trash
                            )
                    for j in range(_IDX_ROWS):
                        pltpu.async_copy(
                            rows_v.at[b].at[pl.ds(j * 128, 128)],
                            acc_sh.at[idx_v.at[b].at[j]],
                            ssem[b],
                            add=True,
                        )

                drain_guard = (
                    (k + 2 < n_i) if _NBUF == 2 else (k >= 1) & (k + 2 < n_i)
                )

                @pl.when(drain_guard)
                def _():
                    drain_adds(b2)

                @pl.when(k + 2 < n_i)
                def _():
                    issue_reads(k + 2, b2)

            return carry

        lax.fori_loop(0, n_slots, slot_body, 0)
        for b in range(_NBUF):
            drain_adds(b)
        plsc.subcore_barrier()

        def wblk(it, carry):
            b = it * _NS + sid

            @pl.when(b < _N_ABLK)
            def _():
                pltpu.sync_copy(
                    acc_sh.at[pl.ds(b * _ZROWS, _ZROWS)],
                    out_hbm.at[pl.ds(lo + b * _ZROWS, _ZROWS)],
                )

            return carry

        lax.fori_loop(0, n_blk_iters, wblk, 0)

        @pl.when(sid == 0)
        def _():
            pltpu.sync_copy(
                acc_sh.at[pl.ds(_N_ABLK * _ZROWS, _A_TAIL)],
                out_hbm.at[pl.ds(lo + _N_ABLK * _ZROWS, _A_TAIL)],
            )

    return scatter_kernel(vg, dst2d)


def _node_mlp(parts, w3, b3, w4, b4):
    n_tile = 2000
    grid = (_N_NODES // n_tile,)

    def body(p0_ref, p1_ref, w3_ref, b3_ref, w4_ref, b4_ref, out_ref):
        v = p0_ref[...] + p1_ref[...]
        h = jnp.maximum(
            jnp.dot(v, w3_ref[...], preferred_element_type=jnp.float32) + b3_ref[...],
            0.0,
        )
        out_ref[...] = (
            jnp.dot(h, w4_ref[...], preferred_element_type=jnp.float32) + b4_ref[...]
        )

    return pl.pallas_call(
        body,
        grid=grid,
        in_specs=[
            pl.BlockSpec((n_tile, _D), lambda i: (i, 0)),
            pl.BlockSpec((n_tile, _D), lambda i: (i, 0)),
            pl.BlockSpec((_D, _D), lambda i: (0, 0)),
            pl.BlockSpec((1, _D), lambda i: (0, 0)),
            pl.BlockSpec((_D, _D), lambda i: (0, 0)),
            pl.BlockSpec((1, _D), lambda i: (0, 0)),
        ],
        out_specs=pl.BlockSpec((n_tile, _D), lambda i: (i, 0)),
        out_shape=jax.ShapeDtypeStruct((_N_NODES, _D), jnp.float32),
    )(parts[0], parts[1], w3, b3, w4, b4)


def kernel(x, edge_index, edge_attr, W1, b1, W2, b2, W3, b3, W4, b4):
    x2d = x.reshape(_N_EDGES, _D)
    w1a = W1[:4]
    w1b = W1[4:]
    vg = [
        _edge_mlp(
            x2d,
            edge_attr.T,
            w1a,
            w1b,
            b1.reshape(1, _D),
            W2,
            b2.reshape(1, _D),
            h,
        )
        for h in range(_N_SLICES)
    ]
    dst4 = edge_index[1].reshape(_N_SLICES, _N_CHUNKS, _IDX_ROWS, 128)
    parts = [_scatter_sc(vg[h], dst4[h]) for h in range(_N_SLICES)]
    out = _node_mlp(parts, W3, b3.reshape(1, _D), W4, b4.reshape(1, _D))
    return out.reshape(1, _N_NODES, _D)

# --- scband reference (transcript-rebuilt; emitter-appended) ---
"""Pipeline reference for scband-healencoder-40518721470589 (READ-ONLY COPY).

The authoritative reference and input builder live on the scoring server;
editing this copy changes nothing except your own understanding.
"""

import jax, jax.numpy as jnp
import numpy as np

N_NODES = 10000
N_EDGES = 320000
D_EDGE = 4
D_X = 128
D_HID = 128
D_OUT = 128


def setup_inputs(seed: int = 0) -> dict:
    key = jax.random.key(seed)
    ks = jax.random.split(key, 12)
    x = jax.random.normal(ks[0], (1, N_EDGES, D_X), dtype=jnp.float32)
    edge_index = jax.random.randint(ks[1], (2, N_EDGES), 0, N_NODES, dtype=jnp.int32)
    edge_attr = jax.random.normal(ks[2], (N_EDGES, D_EDGE), dtype=jnp.float32) * 0.1
    d_in = D_EDGE + D_X  # edge_in = 132
    W1 = jax.random.normal(ks[3], (d_in, D_HID), dtype=jnp.float32) / np.sqrt(d_in)
    b1 = jnp.zeros((D_HID,), dtype=jnp.float32)
    W2 = jax.random.normal(ks[4], (D_HID, D_HID), dtype=jnp.float32) / np.sqrt(D_HID)
    b2 = jnp.zeros((D_HID,), dtype=jnp.float32)
    W3 = jax.random.normal(ks[5], (D_HID, D_OUT), dtype=jnp.float32) / np.sqrt(D_HID)
    b3 = jnp.zeros((D_OUT,), dtype=jnp.float32)
    W4 = jax.random.normal(ks[6], (D_OUT, D_OUT), dtype=jnp.float32) / np.sqrt(D_OUT)
    b4 = jnp.zeros((D_OUT,), dtype=jnp.float32)
    return {"x": x, "edge_index": edge_index, "edge_attr": edge_attr,
            "W1": W1, "b1": b1, "W2": W2, "b2": b2,
            "W3": W3, "b3": b3, "W4": W4, "b4": b4}


def reference(x, edge_index, edge_attr, W1, b1, W2, b2, W3, b3, W4, b4):
    B = x.shape[0]
    # edge_attr broadcast over batch, concat with per-edge features
    ea = jnp.broadcast_to(edge_attr[None, :, :], (B,) + edge_attr.shape)
    v_g_prime = jnp.concatenate([ea, x], axis=-1)
    # edge_embedder MLP: Linear -> relu -> Linear
    h = jax.nn.relu(v_g_prime @ W1 + b1)
    v_g = h @ W2 + b2
    # scatter_sum over destination nodes (edge_index[1]) along dim=1
    dst = edge_index[1]
    v_m_sum = jnp.zeros((B, N_NODES, v_g.shape[-1]), dtype=v_g.dtype).at[:, dst].add(v_g)
    # g2m FeedForward: Linear -> relu -> Linear
    h2 = jax.nn.relu(v_m_sum @ W3 + b3)
    out = h2 @ W4 + b4
    return out

if __name__ == "__main__":
    import jax
    _d = setup_inputs()
    print(jax.jit(kernel)(*tuple(_d.values())))

</pallas_src>

<mosaic_0001>
#map = affine_map<(d0, d1) -> (0, 0)>
#map1 = affine_map<(d0, d1) -> (0, 0, 0)>
module attributes {stable_mosaic.version = 14 : i64} {
  func.func @scatter_kernel(%arg0: i32, %arg1: i32, %arg2: memref<160000x128xf32, #tpu.memory_space<hbm>>, %arg3: memref<625x2x128xi32, #tpu.memory_space<hbm>>, %arg4: memref<10000x128xf32, #tpu.memory_space<hbm>>, %arg5: memref<2x2x128xi32, #tpu.memory_space<vmem>>, %arg6: memref<2x256x128xf32, #tpu.memory_space<vmem>>, %arg7: memref<5016x128xf32, #tpu.memory_space<vmem_shared>>, %arg8: memref<!tpu.dma_semaphore, #tpu.memory_space<semaphore_mem>>, %arg9: memref<!tpu.dma_semaphore, #tpu.memory_space<semaphore_mem>>, %arg10: memref<!tpu.dma_semaphore, #tpu.memory_space<semaphore_mem>>, %arg11: memref<!tpu.dma_semaphore, #tpu.memory_space<semaphore_mem>>, %arg12: memref<!tpu.dma_semaphore, #tpu.memory_space<semaphore_mem>>, %arg13: memref<!tpu.dma_semaphore, #tpu.memory_space<semaphore_mem>>) attributes {dimension_semantics = [#tpu.dimension_semantics<core_parallel>, #tpu.dimension_semantics<subcore_parallel>], iteration_bounds = array<i64: 2, 16>, scalar_prefetch = 0 : i64, scratch_operands = 9 : i64, tpu.core_type = #tpu.core_type<sc_vector_subcore>, window_params = [{transform_indices = #map}, {transform_indices = #map1}, {transform_indices = #map}]} {
    %mul3A = arith.constant 5000 : i32
    %mul3A_0 = arith.muli %arg0, %mul3A : i32
    %broadcast_in_dim3A = arith.constant 0.000000e+00 : f32
    %broadcast_in_dim3A_1 = vector.broadcast %broadcast_in_dim3A : f32 to vector<16xf32>
    %scan3A = arith.constant 0 : i32
    %scan3A_2 = arith.constant 0 : i32
    %scan3A_3 = arith.constant 128 : i32
    %scan3A_4 = arith.addi %scan3A_2, %scan3A_3 : i32
    %scan3A_5 = arith.constant 1 : i32
    scf.for %scan3A_185 = %scan3A_2 to %scan3A_4 step %scan3A_5  : i32 {
      %swap3A = arith.constant 0 : i32
      %swap3A_186 = arith.index_cast %swap3A : i32 to index
      %swap3A_187 = arith.index_cast %scan3A_185 : i32 to index
      %swap3A_188 = arith.constant 0 : index
      %swap3A_189 = tpu.vector_load %arg6[%swap3A_186, %swap3A_187, %swap3A_188] {strides = array<i32>} : memref<2x256x128xf32, #tpu.memory_space<vmem>>, vector<1x1x16xf32>,
      %swap3A_190 = vector.shape_cast %swap3A_189 : vector<1x1x16xf32> to vector<16xf32>
      %swap3A_191 = vector.shape_cast %broadcast_in_dim3A_1 : vector<16xf32> to vector<1x1x16xf32>
      tpu.vector_store %arg6[%swap3A_186, %swap3A_187, %swap3A_188], %swap3A_191 {strides = array<i32>} : memref<2x256x128xf32, #tpu.memory_space<vmem>>, vector<1x1x16xf32>,
      %swap3A_192 = arith.constant 0 : i32
      %swap3A_193 = arith.index_cast %swap3A_192 : i32 to index
      %swap3A_194 = arith.index_cast %scan3A_185 : i32 to index
      %swap3A_195 = arith.constant 16 : index
      %swap3A_196 = tpu.vector_load %arg6[%swap3A_193, %swap3A_194, %swap3A_195] {strides = array<i32>} : memref<2x256x128xf32, #tpu.memory_space<vmem>>, vector<1x1x16xf32>,
      %swap3A_197 = vector.shape_cast %swap3A_196 : vector<1x1x16xf32> to vector<16xf32>
      %swap3A_198 = vector.shape_cast %broadcast_in_dim3A_1 : vector<16xf32> to vector<1x1x16xf32>
      tpu.vector_store %arg6[%swap3A_193, %swap3A_194, %swap3A_195], %swap3A_198 {strides = array<i32>} : memref<2x256x128xf32, #tpu.memory_space<vmem>>, vector<1x1x16xf32>,
      %swap3A_199 = arith.constant 0 : i32
      %swap3A_200 = arith.index_cast %swap3A_199 : i32 to index
      %swap3A_201 = arith.index_cast %scan3A_185 : i32 to index
      %swap3A_202 = arith.constant 32 : index
      %swap3A_203 = tpu.vector_load %arg6[%swap3A_200, %swap3A_201, %swap3A_202] {strides = array<i32>} : memref<2x256x128xf32, #tpu.memory_space<vmem>>, vector<1x1x16xf32>,
      %swap3A_204 = vector.shape_cast %swap3A_203 : vector<1x1x16xf32> to vector<16xf32>
      %swap3A_205 = vector.shape_cast %broadcast_in_dim3A_1 : vector<16xf32> to vector<1x1x16xf32>
      tpu.vector_store %arg6[%swap3A_200, %swap3A_201, %swap3A_202], %swap3A_205 {strides = array<i32>} : memref<2x256x128xf32, #tpu.memory_space<vmem>>, vector<1x1x16xf32>,
      %swap3A_206 = arith.constant 0 : i32
      %swap3A_207 = arith.index_cast %swap3A_206 : i32 to index
      %swap3A_208 = arith.index_cast %scan3A_185 : i32 to index
      %swap3A_209 = arith.constant 48 : index
      %swap3A_210 = tpu.vector_load %arg6[%swap3A_207, %swap3A_208, %swap3A_209] {strides = array<i32>} : memref<2x256x128xf32, #tpu.memory_space<vmem>>, vector<1x1x16xf32>,
      %swap3A_211 = vector.shape_cast %swap3A_210 : vector<1x1x16xf32> to vector<16xf32>
      %swap3A_212 = vector.shape_cast %broadcast_in_dim3A_1 : vector<16xf32> to vector<1x1x16xf32>
      tpu.vector_store %arg6[%swap3A_207, %swap3A_208, %swap3A_209], %swap3A_212 {strides = array<i32>} : memref<2x256x128xf32, #tpu.memory_space<vmem>>, vector<1x1x16xf32>,
      %swap3A_213 = arith.constant 0 : i32
      %swap3A_214 = arith.index_cast %swap3A_213 : i32 to index
      %swap3A_215 = arith.index_cast %scan3A_185 : i32 to index
      %swap3A_216 = arith.constant 64 : index
      %swap3A_217 = tpu.vector_load %arg6[%swap3A_214, %swap3A_215, %swap3A_216] {strides = array<i32>} : memref<2x256x128xf32, #tpu.memory_space<vmem>>, vector<1x1x16xf32>,
      %swap3A_218 = vector.shape_cast %swap3A_217 : vector<1x1x16xf32> to vector<16xf32>
      %swap3A_219 = vector.shape_cast %broadcast_in_dim3A_1 : vector<16xf32> to vector<1x1x16xf32>
      tpu.vector_store %arg6[%swap3A_214, %swap3A_215, %swap3A_216], %swap3A_219 {strides = array<i32>} : memref<2x256x128xf32, #tpu.memory_space<vmem>>, vector<1x1x16xf32>,
      %swap3A_220 = arith.constant 0 : i32
      %swap3A_221 = arith.index_cast %swap3A_220 : i32 to index
      %swap3A_222 = arith.index_cast %scan3A_185 : i32 to index
      %swap3A_223 = arith.constant 80 : index
      %swap3A_224 = tpu.vector_load %arg6[%swap3A_221, %swap3A_222, %swap3A_223] {strides = array<i32>} : memref<2x256x128xf32, #tpu.memory_space<vmem>>, vector<1x1x16xf32>,
      %swap3A_225 = vector.shape_cast %swap3A_224 : vector<1x1x16xf32> to vector<16xf32>
      %swap3A_226 = vector.shape_cast %broadcast_in_dim3A_1 : vector<16xf32> to vector<1x1x16xf32>
      tpu.vector_store %arg6[%swap3A_221, %swap3A_222, %swap3A_223], %swap3A_226 {strides = array<i32>} : memref<2x256x128xf32, #tpu.memory_space<vmem>>, vector<1x1x16xf32>,
      %swap3A_227 = arith.constant 0 : i32
      %swap3A_228 = arith.index_cast %swap3A_227 : i32 to index
      %swap3A_229 = arith.index_cast %scan3A_185 : i32 to index
      %swap3A_230 = arith.constant 96 : index
      %swap3A_231 = tpu.vector_load %arg6[%swap3A_228, %swap3A_229, %swap3A_230] {strides = array<i32>} : memref<2x256x128xf32, #tpu.memory_space<vmem>>, vector<1x1x16xf32>,
      %swap3A_232 = vector.shape_cast %swap3A_231 : vector<1x1x16xf32> to vector<16xf32>
      %swap3A_233 = vector.shape_cast %broadcast_in_dim3A_1 : vector<16xf32> to vector<1x1x16xf32>
      tpu.vector_store %arg6[%swap3A_228, %swap3A_229, %swap3A_230], %swap3A_233 {strides = array<i32>} : memref<2x256x128xf32, #tpu.memory_space<vmem>>, vector<1x1x16xf32>,
      %swap3A_234 = arith.constant 0 : i32
      %swap3A_235 = arith.index_cast %swap3A_234 : i32 to index
      %swap3A_236 = arith.index_cast %scan3A_185 : i32 to index
      %swap3A_237 = arith.constant 112 : index
      %swap3A_238 = tpu.vector_load %arg6[%swap3A_235, %swap3A_236, %swap3A_237] {strides = array<i32>} : memref<2x256x128xf32, #tpu.memory_space<vmem>>, vector<1x1x16xf32>,
      %swap3A_239 = vector.shape_cast %swap3A_238 : vector<1x1x16xf32> to vector<16xf32>
      %swap3A_240 = vector.shape_cast %broadcast_in_dim3A_1 : vector<16xf32> to vector<1x1x16xf32>
      tpu.vector_store %arg6[%swap3A_235, %swap3A_236, %swap3A_237], %swap3A_240 {strides = array<i32>} : memref<2x256x128xf32, #tpu.memory_space<vmem>>, vector<1x1x16xf32>,
    }
    %scan3A_6 = arith.constant 128 : i32
    %scan3A_7 = arith.constant 0 : i32
    %scan3A_8 = arith.constant 0 : i32
    %scan3A_9 = arith.constant 0 : i32
    %scan3A_10 = arith.constant 3 : i32
    %scan3A_11 = arith.addi %scan3A_9, %scan3A_10 : i32
    %scan3A_12 = arith.constant 1 : i32
    scf.for %scan3A_185 = %scan3A_9 to %scan3A_11 step %scan3A_12  : i32 {
      %mul3A_186 = arith.constant 16 : i32
      %mul3A_187 = arith.muli %scan3A_185, %mul3A_186 : i32
      %add3A_188 = arith.addi %mul3A_187, %arg1 : i32
      %lt3A_189 = arith.constant 39 : i32
      %lt3A_190 = arith.cmpi slt, %add3A_188, %lt3A_189 : i32
      %convert_element_type3A_191 = arith.extui %lt3A_190 : i1 to i32
      %cond3A_192 = arith.constant 0 : i32
      %cond3A_193 = arith.cmpi ne, %convert_element_type3A_191, %cond3A_192 : i32
      scf.if %cond3A_193 {
        %mul3A_194 = arith.constant 128 : i32
        %mul3A_195 = arith.muli %add3A_188, %mul3A_194 : i32
        "tpu.region"() ({
          %run_scoped3A = tpu.sem_alloc : memref<!tpu.dma_semaphore, #tpu.memory_space<semaphore_mem>>
          %dma_start3A_196 = arith.constant 0 : i32
          %dma_start3A_197 = arith.constant 0 : i32
          %dma_start3A_198 = tpu.memref_slice %arg6[%scan3A_8, %dma_start3A_196, %dma_start3A_197] : memref<2x256x128xf32, #tpu.memory_space<vmem>> -> memref<1x256x128xf32, #tpu.memory_space<vmem>>
          %dma_start3A_199 = tpu.memref_squeeze %dma_start3A_198 : memref<1x256x128xf32, #tpu.memory_space<vmem>> -> memref<256x128xf32, #tpu.memory_space<vmem>>
          %dma_start3A_200 = arith.constant 0 : i32
          %dma_start3A_201 = arith.constant 0 : i32
          %dma_start3A_202 = tpu.memref_slice %dma_start3A_199[%dma_start3A_200, %dma_start3A_201] : memref<256x128xf32, #tpu.memory_space<vmem>> -> memref<128x128xf32, #tpu.memory_space<vmem>>
          %dma_start3A_203 = arith.constant 0 : i32
          %dma_start3A_204 = tpu.memref_slice %arg7[%mul3A_195, %dma_start3A_203] : memref<5016x128xf32, #tpu.memory_space<vmem_shared>> -> memref<128x128xf32, #tpu.memory_space<vmem_shared>>
          %dma_start3A_205 = arith.constant 0 : i32
          %dma_start3A_206 = tpu.memref_slice %arg7[%mul3A_195, %dma_start3A_205] : memref<5016x128xf32, #tpu.memory_space<vmem_shared>> -> memref<128x128xf32, #tpu.memory_space<vmem_shared>>
          %dma_start3A_207 = arith.constant 0 : i32
          %dma_start3A_208 = arith.constant 0 : i32
          %dma_start3A_209 = tpu.memref_slice %arg6[%scan3A_8, %dma_start3A_207, %dma_start3A_208] : memref<2x256x128xf32, #tpu.memory_space<vmem>> -> memref<1x256x128xf32, #tpu.memory_space<vmem>>
          %dma_start3A_210 = tpu.memref_squeeze %dma_start3A_209 : memref<1x256x128xf32, #tpu.memory_space<vmem>> -> memref<256x128xf32, #tpu.memory_space<vmem>>
          %dma_start3A_211 = arith.constant 0 : i32
          %dma_start3A_212 = arith.constant 0 : i32
          %dma_start3A_213 = tpu.memref_slice %dma_start3A_210[%dma_start3A_211, %dma_start3A_212] : memref<256x128xf32, #tpu.memory_space<vmem>> -> memref<128x128xf32, #tpu.memory_space<vmem>>
          tpu.enqueue_dma source(%dma_start3A_213 : memref<128x128xf32, #tpu.memory_space<vmem>>) target(%dma_start3A_206 : memref<128x128xf32, #tpu.memory_space<vmem_shared>>) target_semaphore(%run_scoped3A : memref<!tpu.dma_semaphore, #tpu.memory_space<semaphore_mem>>)
          %dma_wait3A_214 = arith.constant 0 : i32
          %dma_wait3A_215 = arith.constant 0 : i32
          %dma_wait3A_216 = tpu.memref_slice %arg6[%scan3A_8, %dma_wait3A_214, %dma_wait3A_215] : memref<2x256x128xf32, #tpu.memory_space<vmem>> -> memref<1x256x128xf32, #tpu.memory_space<vmem>>
          %dma_wait3A_217 = tpu.memref_squeeze %dma_wait3A_216 : memref<1x256x128xf32, #tpu.memory_space<vmem>> -> memref<256x128xf32, #tpu.memory_space<vmem>>
          %dma_wait3A_218 = arith.constant 0 : i32
          %dma_wait3A_219 = arith.constant 0 : i32
          %dma_wait3A_220 = tpu.memref_slice %dma_wait3A_217[%dma_wait3A_218, %dma_wait3A_219] : memref<256x128xf32, #tpu.memory_space<vmem>> -> memref<128x128xf32, #tpu.memory_space<vmem>>
          %dma_wait3A_221 = arith.constant 0 : i32
          %dma_wait3A_222 = tpu.memref_slice %arg7[%mul3A_195, %dma_wait3A_221] : memref<5016x128xf32, #tpu.memory_space<vmem_shared>> -> memref<128x128xf32, #tpu.memory_space<vmem_shared>>
          %dma_wait3A_223 = arith.constant 0 : i32
          %dma_wait3A_224 = tpu.memref_slice %arg7[%mul3A_195, %dma_wait3A_223] : memref<5016x128xf32, #tpu.memory_space<vmem_shared>> -> memref<128x128xf32, #tpu.memory_space<vmem_shared>>
          %dma_wait3A_225 = arith.constant 0 : i32
          %dma_wait3A_226 = arith.constant 0 : i32
          %dma_wait3A_227 = tpu.memref_slice %arg6[%scan3A_8, %dma_wait3A_225, %dma_wait3A_226] : memref<2x256x128xf32, #tpu.memory_space<vmem>> -> memref<1x256x128xf32, #tpu.memory_space<vmem>>
          %dma_wait3A_228 = tpu.memref_squeeze %dma_wait3A_227 : memref<1x256x128xf32, #tpu.memory_space<vmem>> -> memref<256x128xf32, #tpu.memory_space<vmem>>
          %dma_wait3A_229 = arith.constant 0 : i32
          %dma_wait3A_230 = arith.constant 0 : i32
          %dma_wait3A_231 = tpu.memref_slice %dma_wait3A_228[%dma_wait3A_229, %dma_wait3A_230] : memref<256x128xf32, #tpu.memory_space<vmem>> -> memref<128x128xf32, #tpu.memory_space<vmem>>
          tpu.wait_dma2 semaphore(%run_scoped3A : memref<!tpu.dma_semaphore, #tpu.memory_space<semaphore_mem>>) src(%dma_wait3A_231 : memref<128x128xf32, #tpu.memory_space<vmem>>) dst(%dma_wait3A_224 : memref<128x128xf32, #tpu.memory_space<vmem_shared>>)
          tpu.yield
        }) : () -> ()
      } else {
      }
    }
    %scan3A_13 = arith.constant 3 : i32
    %eq3A = arith.constant 0 : i32
    %eq3A_14 = arith.cmpi eq, %arg1, %eq3A : i32
    %convert_element_type3A = arith.extui %eq3A_14 : i1 to i32
    %cond3A = arith.constant 0 : i32
    %cond3A_15 = arith.constant 0 : i32
    %cond3A_16 = arith.cmpi ne, %convert_element_type3A, %cond3A_15 : i32
    scf.if %cond3A_16 {
      "tpu.region"() ({
        %run_scoped3A = tpu.sem_alloc : memref<!tpu.dma_semaphore, #tpu.memory_space<semaphore_mem>>
        %dma_start3A_185 = arith.constant 0 : i32
        %dma_start3A_186 = arith.constant 0 : i32
        %dma_start3A_187 = tpu.memref_slice %arg6[%cond3A, %dma_start3A_185, %dma_start3A_186] : memref<2x256x128xf32, #tpu.memory_space<vmem>> -> memref<1x256x128xf32, #tpu.memory_space<vmem>>
        %dma_start3A_188 = tpu.memref_squeeze %dma_start3A_187 : memref<1x256x128xf32, #tpu.memory_space<vmem>> -> memref<256x128xf32, #tpu.memory_space<vmem>>
        %dma_start3A_189 = arith.constant 0 : i32
        %dma_start3A_190 = arith.constant 0 : i32
        %dma_start3A_191 = tpu.memref_slice %dma_start3A_188[%dma_start3A_189, %dma_start3A_190] : memref<256x128xf32, #tpu.memory_space<vmem>> -> memref<128x128xf32, #tpu.memory_space<vmem>>
        %dma_start3A_192 = arith.constant 0 : i32
        %dma_start3A_193 = arith.constant 0 : i32
        %dma_start3A_194 = tpu.memref_slice %dma_start3A_191[%dma_start3A_192, %dma_start3A_193] : memref<128x128xf32, #tpu.memory_space<vmem>> -> memref<8x128xf32, #tpu.memory_space<vmem>>
        %dma_start3A_195 = arith.constant 4992 : i32
        %dma_start3A_196 = arith.constant 0 : i32
        %dma_start3A_197 = tpu.memref_slice %arg7[%dma_start3A_195, %dma_start3A_196] : memref<5016x128xf32, #tpu.memory_space<vmem_shared>> -> memref<8x128xf32, #tpu.memory_space<vmem_shared>>
        %dma_start3A_198 = arith.constant 4992 : i32
        %dma_start3A_199 = arith.constant 0 : i32
        %dma_start3A_200 = tpu.memref_slice %arg7[%dma_start3A_198, %dma_start3A_199] : memref<5016x128xf32, #tpu.memory_space<vmem_shared>> -> memref<8x128xf32, #tpu.memory_space<vmem_shared>>
        %dma_start3A_201 = arith.constant 0 : i32
        %dma_start3A_202 = arith.constant 0 : i32
        %dma_start3A_203 = tpu.memref_slice %arg6[%cond3A, %dma_start3A_201, %dma_start3A_202] : memref<2x256x128xf32, #tpu.memory_space<vmem>> -> memref<1x256x128xf32, #tpu.memory_space<vmem>>
        %dma_start3A_204 = tpu.memref_squeeze %dma_start3A_203 : memref<1x256x128xf32, #tpu.memory_space<vmem>> -> memref<256x128xf32, #tpu.memory_space<vmem>>
        %dma_start3A_205 = arith.constant 0 : i32
        %dma_start3A_206 = arith.constant 0 : i32
        %dma_start3A_207 = tpu.memref_slice %dma_start3A_204[%dma_start3A_205, %dma_start3A_206] : memref<256x128xf32, #tpu.memory_space<vmem>> -> memref<128x128xf32, #tpu.memory_space<vmem>>
        %dma_start3A_208 = arith.constant 0 : i32
        %dma_start3A_209 = arith.constant 0 : i32
        %dma_start3A_210 = tpu.memref_slice %dma_start3A_207[%dma_start3A_208, %dma_start3A_209] : memref<128x128xf32, #tpu.memory_space<vmem>> -> memref<8x128xf32, #tpu.memory_space<vmem>>
        tpu.enqueue_dma source(%dma_start3A_210 : memref<8x128xf32, #tpu.memory_space<vmem>>) target(%dma_start3A_200 : memref<8x128xf32, #tpu.memory_space<vmem_shared>>) target_semaphore(%run_scoped3A : memref<!tpu.dma_semaphore, #tpu.memory_space<semaphore_mem>>)
        %dma_wait3A_211 = arith.constant 0 : i32
        %dma_wait3A_212 = arith.constant 0 : i32
        %dma_wait3A_213 = tpu.memref_slice %arg6[%cond3A, %dma_wait3A_211, %dma_wait3A_212] : memref<2x256x128xf32, #tpu.memory_space<vmem>> -> memref<1x256x128xf32, #tpu.memory_space<vmem>>
        %dma_wait3A_214 = tpu.memref_squeeze %dma_wait3A_213 : memref<1x256x128xf32, #tpu.memory_space<vmem>> -> memref<256x128xf32, #tpu.memory_space<vmem>>
        %dma_wait3A_215 = arith.constant 0 : i32
        %dma_wait3A_216 = arith.constant 0 : i32
        %dma_wait3A_217 = tpu.memref_slice %dma_wait3A_214[%dma_wait3A_215, %dma_wait3A_216] : memref<256x128xf32, #tpu.memory_space<vmem>> -> memref<128x128xf32, #tpu.memory_space<vmem>>
        %dma_wait3A_218 = arith.constant 0 : i32
        %dma_wait3A_219 = arith.constant 0 : i32
        %dma_wait3A_220 = tpu.memref_slice %dma_wait3A_217[%dma_wait3A_218, %dma_wait3A_219] : memref<128x128xf32, #tpu.memory_space<vmem>> -> memref<8x128xf32, #tpu.memory_space<vmem>>
        %dma_wait3A_221 = arith.constant 4992 : i32
        %dma_wait3A_222 = arith.constant 0 : i32
        %dma_wait3A_223 = tpu.memref_slice %arg7[%dma_wait3A_221, %dma_wait3A_222] : memref<5016x128xf32, #tpu.memory_space<vmem_shared>> -> memref<8x128xf32, #tpu.memory_space<vmem_shared>>
        %dma_wait3A_224 = arith.constant 4992 : i32
        %dma_wait3A_225 = arith.constant 0 : i32
        %dma_wait3A_226 = tpu.memref_slice %arg7[%dma_wait3A_224, %dma_wait3A_225] : memref<5016x128xf32, #tpu.memory_space<vmem_shared>> -> memref<8x128xf32, #tpu.memory_space<vmem_shared>>
        %dma_wait3A_227 = arith.constant 0 : i32
        %dma_wait3A_228 = arith.constant 0 : i32
        %dma_wait3A_229 = tpu.memref_slice %arg6[%cond3A, %dma_wait3A_227, %dma_wait3A_228] : memref<2x256x128xf32, #tpu.memory_space<vmem>> -> memref<1x256x128xf32, #tpu.memory_space<vmem>>
        %dma_wait3A_230 = tpu.memref_squeeze %dma_wait3A_229 : memref<1x256x128xf32, #tpu.memory_space<vmem>> -> memref<256x128xf32, #tpu.memory_space<vmem>>
        %dma_wait3A_231 = arith.constant 0 : i32
        %dma_wait3A_232 = arith.constant 0 : i32
        %dma_wait3A_233 = tpu.memref_slice %dma_wait3A_230[%dma_wait3A_231, %dma_wait3A_232] : memref<256x128xf32, #tpu.memory_space<vmem>> -> memref<128x128xf32, #tpu.memory_space<vmem>>
        %dma_wait3A_234 = arith.constant 0 : i32
        %dma_wait3A_235 = arith.constant 0 : i32
        %dma_wait3A_236 = tpu.memref_slice %dma_wait3A_233[%dma_wait3A_234, %dma_wait3A_235] : memref<128x128xf32, #tpu.memory_space<vmem>> -> memref<8x128xf32, #tpu.memory_space<vmem>>
        tpu.wait_dma2 semaphore(%run_scoped3A : memref<!tpu.dma_semaphore, #tpu.memory_space<semaphore_mem>>) src(%dma_wait3A_236 : memref<8x128xf32, #tpu.memory_space<vmem>>) dst(%dma_wait3A_226 : memref<8x128xf32, #tpu.memory_space<vmem_shared>>)
        tpu.yield
      }) : () -> ()
    } else {
    }
    %lt3A = arith.constant 1 : i32
    %lt3A_17 = arith.cmpi slt, %arg1, %lt3A : i32
    %jit3A = arith.constant 40 : i32
    %jit3A_18 = arith.constant 39 : i32
    %select_n3A = arith.select %lt3A_17, %jit3A, %jit3A_18 : i32
    %add3A = arith.constant 0 : i32
    %add3A_19 = arith.addi %add3A, %arg1 : i32
    %dma_start3A = arith.constant 0 : i32
    %dma_start3A_20 = arith.constant 0 : i32
    %dma_start3A_21 = arith.constant 0 : i32
    %dma_start3A_22 = tpu.memref_slice %arg5[%dma_start3A, %dma_start3A_20, %dma_start3A_21] : memref<2x2x128xi32, #tpu.memory_space<vmem>> -> memref<1x2x128xi32, #tpu.memory_space<vmem>>
    %dma_start3A_23 = tpu.memref_squeeze %dma_start3A_22 : memref<1x2x128xi32, #tpu.memory_space<vmem>> -> memref<2x128xi32, #tpu.memory_space<vmem>>
    %dma_start3A_24 = arith.constant 0 : i32
    %dma_start3A_25 = arith.constant 0 : i32
    %dma_start3A_26 = tpu.memref_slice %arg3[%add3A_19, %dma_start3A_24, %dma_start3A_25] : memref<625x2x128xi32, #tpu.memory_space<hbm>> -> memref<1x2x128xi32, #tpu.memory_space<hbm>>
    %dma_start3A_27 = tpu.memref_squeeze %dma_start3A_26 : memref<1x2x128xi32, #tpu.memory_space<hbm>> -> memref<2x128xi32, #tpu.memory_space<hbm>>
    %dma_start3A_28 = arith.constant 0 : i32
    %dma_start3A_29 = arith.constant 0 : i32
    %dma_start3A_30 = tpu.memref_slice %arg5[%dma_start3A, %dma_start3A_28, %dma_start3A_29] : memref<2x2x128xi32, #tpu.memory_space<vmem>> -> memref<1x2x128xi32, #tpu.memory_space<vmem>>
    %dma_start3A_31 = tpu.memref_squeeze %dma_start3A_30 : memref<1x2x128xi32, #tpu.memory_space<vmem>> -> memref<2x128xi32, #tpu.memory_space<vmem>>
    %dma_start3A_32 = arith.constant 0 : i32
    %dma_start3A_33 = arith.constant 0 : i32
    %dma_start3A_34 = tpu.memref_slice %arg3[%add3A_19, %dma_start3A_32, %dma_start3A_33] : memref<625x2x128xi32, #tpu.memory_space<hbm>> -> memref<1x2x128xi32, #tpu.memory_space<hbm>>
    %dma_start3A_35 = tpu.memref_squeeze %dma_start3A_34 : memref<1x2x128xi32, #tpu.memory_space<hbm>> -> memref<2x128xi32, #tpu.memory_space<hbm>>
    tpu.enqueue_dma source(%dma_start3A_35 : memref<2x128xi32, #tpu.memory_space<hbm>>) target(%dma_start3A_31 : memref<2x128xi32, #tpu.memory_space<vmem>>) target_semaphore(%arg8 : memref<!tpu.dma_semaphore, #tpu.memory_space<semaphore_mem>>)
    %mul3A_36 = arith.constant 256 : i32
    %mul3A_37 = arith.muli %add3A_19, %mul3A_36 : i32
    %dma_start3A_38 = arith.constant 0 : i32
    %dma_start3A_39 = arith.constant 0 : i32
    %dma_start3A_40 = arith.constant 0 : i32
    %dma_start3A_41 = tpu.memref_slice %arg6[%dma_start3A_38, %dma_start3A_39, %dma_start3A_40] : memref<2x256x128xf32, #tpu.memory_space<vmem>> -> memref<1x256x128xf32, #tpu.memory_space<vmem>>
    %dma_start3A_42 = tpu.memref_squeeze %dma_start3A_41 : memref<1x256x128xf32, #tpu.memory_space<vmem>> -> memref<256x128xf32, #tpu.memory_space<vmem>>
    %dma_start3A_43 = arith.constant 0 : i32
    %dma_start3A_44 = tpu.memref_slice %arg2[%mul3A_37, %dma_start3A_43] : memref<160000x128xf32, #tpu.memory_space<hbm>> -> memref<256x128xf32, #tpu.memory_space<hbm>>
    %dma_start3A_45 = arith.constant 0 : i32
    %dma_start3A_46 = arith.constant 0 : i32
    %dma_start3A_47 = tpu.memref_slice %arg6[%dma_start3A_38, %dma_start3A_45, %dma_start3A_46] : memref<2x256x128xf32, #tpu.memory_space<vmem>> -> memref<1x256x128xf32, #tpu.memory_space<vmem>>
    %dma_start3A_48 = tpu.memref_squeeze %dma_start3A_47 : memref<1x256x128xf32, #tpu.memory_space<vmem>> -> memref<256x128xf32, #tpu.memory_space<vmem>>
    %dma_start3A_49 = arith.constant 0 : i32
    %dma_start3A_50 = tpu.memref_slice %arg2[%mul3A_37, %dma_start3A_49] : memref<160000x128xf32, #tpu.memory_space<hbm>> -> memref<256x128xf32, #tpu.memory_space<hbm>>
    tpu.enqueue_dma source(%dma_start3A_50 : memref<256x128xf32, #tpu.memory_space<hbm>>) target(%dma_start3A_48 : memref<256x128xf32, #tpu.memory_space<vmem>>) target_semaphore(%arg8 : memref<!tpu.dma_semaphore, #tpu.memory_space<semaphore_mem>>)
    %add3A_51 = arith.constant 16 : i32
    %add3A_52 = arith.addi %add3A_51, %arg1 : i32
    %dma_start3A_53 = arith.constant 1 : i32
    %dma_start3A_54 = arith.constant 0 : i32
    %dma_start3A_55 = arith.constant 0 : i32
    %dma_start3A_56 = tpu.memref_slice %arg5[%dma_start3A_53, %dma_start3A_54, %dma_start3A_55] : memref<2x2x128xi32, #tpu.memory_space<vmem>> -> memref<1x2x128xi32, #tpu.memory_space<vmem>>
    %dma_start3A_57 = tpu.memref_squeeze %dma_start3A_56 : memref<1x2x128xi32, #tpu.memory_space<vmem>> -> memref<2x128xi32, #tpu.memory_space<vmem>>
    %dma_start3A_58 = arith.constant 0 : i32
    %dma_start3A_59 = arith.constant 0 : i32
    %dma_start3A_60 = tpu.memref_slice %arg3[%add3A_52, %dma_start3A_58, %dma_start3A_59] : memref<625x2x128xi32, #tpu.memory_space<hbm>> -> memref<1x2x128xi32, #tpu.memory_space<hbm>>
    %dma_start3A_61 = tpu.memref_squeeze %dma_start3A_60 : memref<1x2x128xi32, #tpu.memory_space<hbm>> -> memref<2x128xi32, #tpu.memory_space<hbm>>
    %dma_start3A_62 = arith.constant 0 : i32
    %dma_start3A_63 = arith.constant 0 : i32
    %dma_start3A_64 = tpu.memref_slice %arg5[%dma_start3A_53, %dma_start3A_62, %dma_start3A_63] : memref<2x2x128xi32, #tpu.memory_space<vmem>> -> memref<1x2x128xi32, #tpu.memory_space<vmem>>
    %dma_start3A_65 = tpu.memref_squeeze %dma_start3A_64 : memref<1x2x128xi32, #tpu.memory_space<vmem>> -> memref<2x128xi32, #tpu.memory_space<vmem>>
    %dma_start3A_66 = arith.constant 0 : i32
    %dma_start3A_67 = arith.constant 0 : i32
    %dma_start3A_68 = tpu.memref_slice %arg3[%add3A_52, %dma_start3A_66, %dma_start3A_67] : memref<625x2x128xi32, #tpu.memory_space<hbm>> -> memref<1x2x128xi32, #tpu.memory_space<hbm>>
    %dma_start3A_69 = tpu.memref_squeeze %dma_start3A_68 : memref<1x2x128xi32, #tpu.memory_space<hbm>> -> memref<2x128xi32, #tpu.memory_space<hbm>>
    tpu.enqueue_dma source(%dma_start3A_69 : memref<2x128xi32, #tpu.memory_space<hbm>>) target(%dma_start3A_65 : memref<2x128xi32, #tpu.memory_space<vmem>>) target_semaphore(%arg9 : memref<!tpu.dma_semaphore, #tpu.memory_space<semaphore_mem>>)
    %mul3A_70 = arith.constant 256 : i32
    %mul3A_71 = arith.muli %add3A_52, %mul3A_70 : i32
    %dma_start3A_72 = arith.constant 1 : i32
    %dma_start3A_73 = arith.constant 0 : i32
    %dma_start3A_74 = arith.constant 0 : i32
    %dma_start3A_75 = tpu.memref_slice %arg6[%dma_start3A_72, %dma_start3A_73, %dma_start3A_74] : memref<2x256x128xf32, #tpu.memory_space<vmem>> -> memref<1x256x128xf32, #tpu.memory_space<vmem>>
    %dma_start3A_76 = tpu.memref_squeeze %dma_start3A_75 : memref<1x256x128xf32, #tpu.memory_space<vmem>> -> memref<256x128xf32, #tpu.memory_space<vmem>>
    %dma_start3A_77 = arith.constant 0 : i32
    %dma_start3A_78 = tpu.memref_slice %arg2[%mul3A_71, %dma_start3A_77] : memref<160000x128xf32, #tpu.memory_space<hbm>> -> memref<256x128xf32, #tpu.memory_space<hbm>>
    %dma_start3A_79 = arith.constant 0 : i32
    %dma_start3A_80 = arith.constant 0 : i32
    %dma_start3A_81 = tpu.memref_slice %arg6[%dma_start3A_72, %dma_start3A_79, %dma_start3A_80] : memref<2x256x128xf32, #tpu.memory_space<vmem>> -> memref<1x256x128xf32, #tpu.memory_space<vmem>>
    %dma_start3A_82 = tpu.memref_squeeze %dma_start3A_81 : memref<1x256x128xf32, #tpu.memory_space<vmem>> -> memref<256x128xf32, #tpu.memory_space<vmem>>
    %dma_start3A_83 = arith.constant 0 : i32
    %dma_start3A_84 = tpu.memref_slice %arg2[%mul3A_71, %dma_start3A_83] : memref<160000x128xf32, #tpu.memory_space<hbm>> -> memref<256x128xf32, #tpu.memory_space<hbm>>
    tpu.enqueue_dma source(%dma_start3A_84 : memref<256x128xf32, #tpu.memory_space<hbm>>) target(%dma_start3A_82 : memref<256x128xf32, #tpu.memory_space<vmem>>) target_semaphore(%arg9 : memref<!tpu.dma_semaphore, #tpu.memory_space<semaphore_mem>>)
    %barrier3A = arith.constant 0 : index
    tpu.barrier barrier_id(%barrier3A)
    %iota3A = tpu.iota {dimensions = array<i32: 0>} : vector<16xi32>
    %add3A_85 = arith.constant 5000 : i32
    %add3A_86 = vector.broadcast %add3A_85 : i32 to vector<16xi32>
    %add3A_87 = arith.addi %add3A_86, %iota3A : vector<16xi32>
    %scan3A_88 = arith.constant 0 : i32
    %scan3A_89 = arith.constant 0 : i32
    %scan3A_90 = arith.constant 20 : i32
    %scan3A_91 = arith.addi %scan3A_89, %scan3A_90 : i32
    %scan3A_92 = arith.constant 1 : i32
    scf.for %scan3A_185 = %scan3A_89 to %scan3A_91 step %scan3A_92  : i32 {
      %mul3A_186 = arith.constant 2 : i32
      %mul3A_187 = arith.muli %scan3A_185, %mul3A_186 : i32
      %add3A_188 = arith.constant 0 : i32
      %add3A_189 = arith.addi %mul3A_187, %add3A_188 : i32
      %lt3A_190 = arith.cmpi slt, %add3A_189, %select_n3A : i32
      %convert_element_type3A_191 = arith.extui %lt3A_190 : i1 to i32
      %cond3A_192 = arith.constant 0 : i32
      %cond3A_193 = arith.cmpi ne, %convert_element_type3A_191, %cond3A_192 : i32
      scf.if %cond3A_193 {
        %mul3A_226 = arith.constant 16 : i32
        %mul3A_227 = arith.muli %add3A_189, %mul3A_226 : i32
        %add3A_228 = arith.addi %mul3A_227, %arg1 : i32
        %dma_wait3A_229 = arith.constant 0 : i32
        %dma_wait3A_230 = arith.constant 0 : i32
        %dma_wait3A_231 = arith.constant 0 : i32
        %dma_wait3A_232 = tpu.memref_slice %arg5[%dma_wait3A_229, %dma_wait3A_230, %dma_wait3A_231] : memref<2x2x128xi32, #tpu.memory_space<vmem>> -> memref<1x2x128xi32, #tpu.memory_space<vmem>>
        %dma_wait3A_233 = tpu.memref_squeeze %dma_wait3A_232 : memref<1x2x128xi32, #tpu.memory_space<vmem>> -> memref<2x128xi32, #tpu.memory_space<vmem>>
        %dma_wait3A_234 = arith.constant 0 : i32
        %dma_wait3A_235 = arith.constant 0 : i32
        %dma_wait3A_236 = tpu.memref_slice %arg3[%add3A_228, %dma_wait3A_234, %dma_wait3A_235] : memref<625x2x128xi32, #tpu.memory_space<hbm>> -> memref<1x2x128xi32, #tpu.memory_space<hbm>>
        %dma_wait3A_237 = tpu.memref_squeeze %dma_wait3A_236 : memref<1x2x128xi32, #tpu.memory_space<hbm>> -> memref<2x128xi32, #tpu.memory_space<hbm>>
        %dma_wait3A_238 = arith.constant 0 : i32
        %dma_wait3A_239 = arith.constant 0 : i32
        %dma_wait3A_240 = tpu.memref_slice %arg5[%dma_wait3A_229, %dma_wait3A_238, %dma_wait3A_239] : memref<2x2x128xi32, #tpu.memory_space<vmem>> -> memref<1x2x128xi32, #tpu.memory_space<vmem>>
        %dma_wait3A_241 = tpu.memref_squeeze %dma_wait3A_240 : memref<1x2x128xi32, #tpu.memory_space<vmem>> -> memref<2x128xi32, #tpu.memory_space<vmem>>
        %dma_wait3A_242 = arith.constant 0 : i32
        %dma_wait3A_243 = arith.constant 0 : i32
        %dma_wait3A_244 = tpu.memref_slice %arg3[%add3A_228, %dma_wait3A_242, %dma_wait3A_243] : memref<625x2x128xi32, #tpu.memory_space<hbm>> -> memref<1x2x128xi32, #tpu.memory_space<hbm>>
        %dma_wait3A_245 = tpu.memref_squeeze %dma_wait3A_244 : memref<1x2x128xi32, #tpu.memory_space<hbm>> -> memref<2x128xi32, #tpu.memory_space<hbm>>
        tpu.wait_dma2 semaphore(%arg8 : memref<!tpu.dma_semaphore, #tpu.memory_space<semaphore_mem>>) src(%dma_wait3A_245 : memref<2x128xi32, #tpu.memory_space<hbm>>) dst(%dma_wait3A_241 : memref<2x128xi32, #tpu.memory_space<vmem>>)
        %mul3A_246 = arith.constant 256 : i32
        %mul3A_247 = arith.muli %add3A_228, %mul3A_246 : i32
        %dma_wait3A_248 = arith.constant 0 : i32
        %dma_wait3A_249 = arith.constant 0 : i32
        %dma_wait3A_250 = arith.constant 0 : i32
        %dma_wait3A_251 = tpu.memref_slice %arg6[%dma_wait3A_248, %dma_wait3A_249, %dma_wait3A_250] : memref<2x256x128xf32, #tpu.memory_space<vmem>> -> memref<1x256x128xf32, #tpu.memory_space<vmem>>
        %dma_wait3A_252 = tpu.memref_squeeze %dma_wait3A_251 : memref<1x256x128xf32, #tpu.memory_space<vmem>> -> memref<256x128xf32, #tpu.memory_space<vmem>>
        %dma_wait3A_253 = arith.constant 0 : i32
        %dma_wait3A_254 = tpu.memref_slice %arg2[%mul3A_247, %dma_wait3A_253] : memref<160000x128xf32, #tpu.memory_space<hbm>> -> memref<256x128xf32, #tpu.memory_space<hbm>>
        %dma_wait3A_255 = arith.constant 0 : i32
        %dma_wait3A_256 = arith.constant 0 : i32
        %dma_wait3A_257 = tpu.memref_slice %arg6[%dma_wait3A_248, %dma_wait3A_255, %dma_wait3A_256] : memref<2x256x128xf32, #tpu.memory_space<vmem>> -> memref<1x256x128xf32, #tpu.memory_space<vmem>>
        %dma_wait3A_258 = tpu.memref_squeeze %dma_wait3A_257 : memref<1x256x128xf32, #tpu.memory_space<vmem>> -> memref<256x128xf32, #tpu.memory_space<vmem>>
        %dma_wait3A_259 = arith.constant 0 : i32
        %dma_wait3A_260 = tpu.memref_slice %arg2[%mul3A_247, %dma_wait3A_259] : memref<160000x128xf32, #tpu.memory_space<hbm>> -> memref<256x128xf32, #tpu.memory_space<hbm>>
        tpu.wait_dma2 semaphore(%arg8 : memref<!tpu.dma_semaphore, #tpu.memory_space<semaphore_mem>>) src(%dma_wait3A_260 : memref<256x128xf32, #tpu.memory_space<hbm>>) dst(%dma_wait3A_258 : memref<256x128xf32, #tpu.memory_space<vmem>>)
        %get3A = arith.constant 0 : i32
        %get3A_261 = arith.constant 0 : i32
        %get3A_262 = arith.index_cast %get3A : i32 to index
        %get3A_263 = arith.index_cast %get3A_261 : i32 to index
        %get3A_264 = arith.constant 0 : index
        %get3A_265 = tpu.vector_load %arg5[%get3A_262, %get3A_263, %get3A_264] {strides = array<i32>} : memref<2x2x128xi32, #tpu.memory_space<vmem>>, vector<1x1x16xi32>,
        %get3A_266 = vector.shape_cast %get3A_265 : vector<1x1x16xi32> to vector<16xi32>
        %sub3A = vector.broadcast %mul3A_0 : i32 to vector<16xi32>
        %sub3A_267 = arith.subi %get3A_266, %sub3A : vector<16xi32>
        %ge3A = arith.constant 0 : i32
        %ge3A_268 = vector.broadcast %ge3A : i32 to vector<16xi32>
        %ge3A_269 = arith.cmpi sge, %sub3A_267, %ge3A_268 : vector<16xi32>
        %lt3A_270 = arith.constant 5000 : i32
        %lt3A_271 = vector.broadcast %lt3A_270 : i32 to vector<16xi32>
        %lt3A_272 = arith.cmpi slt, %sub3A_267, %lt3A_271 : vector<16xi32>
        %and3A = arith.andi %ge3A_269, %lt3A_272 : vector<16xi1>
        %select_n3A_273 = arith.select %and3A, %sub3A_267, %add3A_87 : vector<16xi1>, vector<16xi32>
        %swap3A = arith.constant 0 : i32
        %swap3A_274 = arith.constant 0 : i32
        %swap3A_275 = arith.index_cast %swap3A : i32 to index
        %swap3A_276 = arith.index_cast %swap3A_274 : i32 to index
        %swap3A_277 = arith.constant 0 : index
        %swap3A_278 = tpu.vector_load %arg5[%swap3A_275, %swap3A_276, %swap3A_277] {strides = array<i32>} : memref<2x2x128xi32, #tpu.memory_space<vmem>>, vector<1x1x16xi32>,
        %swap3A_279 = vector.shape_cast %swap3A_278 : vector<1x1x16xi32> to vector<16xi32>
        %swap3A_280 = vector.shape_cast %select_n3A_273 : vector<16xi32> to vector<1x1x16xi32>
        tpu.vector_store %arg5[%swap3A_275, %swap3A_276, %swap3A_277], %swap3A_280 {strides = array<i32>} : memref<2x2x128xi32, #tpu.memory_space<vmem>>, vector<1x1x16xi32>,
        %get3A_281 = arith.constant 0 : i32
        %get3A_282 = arith.constant 0 : i32
        %get3A_283 = arith.index_cast %get3A_281 : i32 to index
        %get3A_284 = arith.index_cast %get3A_282 : i32 to index
        %get3A_285 = arith.constant 16 : index
        %get3A_286 = tpu.vector_load %arg5[%get3A_283, %get3A_284, %get3A_285] {strides = array<i32>} : memref<2x2x128xi32, #tpu.memory_space<vmem>>, vector<1x1x16xi32>,
        %get3A_287 = vector.shape_cast %get3A_286 : vector<1x1x16xi32> to vector<16xi32>
        %sub3A_288 = vector.broadcast %mul3A_0 : i32 to vector<16xi32>
        %sub3A_289 = arith.subi %get3A_287, %sub3A_288 : vector<16xi32>
        %ge3A_290 = arith.constant 0 : i32
        %ge3A_291 = vector.broadcast %ge3A_290 : i32 to vector<16xi32>
        %ge3A_292 = arith.cmpi sge, %sub3A_289, %ge3A_291 : vector<16xi32>
        %lt3A_293 = arith.constant 5000 : i32
        %lt3A_294 = vector.broadcast %lt3A_293 : i32 to vector<16xi32>
        %lt3A_295 = arith.cmpi slt, %sub3A_289, %lt3A_294 : vector<16xi32>
        %and3A_296 = arith.andi %ge3A_292, %lt3A_295 : vector<16xi1>
        %select_n3A_297 = arith.select %and3A_296, %sub3A_289, %add3A_87 : vector<16xi1>, vector<16xi32>
        %swap3A_298 = arith.constant 0 : i32
        %swap3A_299 = arith.constant 0 : i32
        %swap3A_300 = arith.index_cast %swap3A_298 : i32 to index
        %swap3A_301 = arith.index_cast %swap3A_299 : i32 to index
        %swap3A_302 = arith.constant 16 : index
        %swap3A_303 = tpu.vector_load %arg5[%swap3A_300, %swap3A_301, %swap3A_302] {strides = array<i32>} : memref<2x2x128xi32, #tpu.memory_space<vmem>>, vector<1x1x16xi32>,
        %swap3A_304 = vector.shape_cast %swap3A_303 : vector<1x1x16xi32> to vector<16xi32>
        %swap3A_305 = vector.shape_cast %select_n3A_297 : vector<16xi32> to vector<1x1x16xi32>
        tpu.vector_store %arg5[%swap3A_300, %swap3A_301, %swap3A_302], %swap3A_305 {strides = array<i32>} : memref<2x2x128xi32, #tpu.memory_space<vmem>>, vector<1x1x16xi32>,
        %get3A_306 = arith.constant 0 : i32
        %get3A_307 = arith.constant 0 : i32
        %get3A_308 = arith.index_cast %get3A_306 : i32 to index
        %get3A_309 = arith.index_cast %get3A_307 : i32 to index
        %get3A_310 = arith.constant 32 : index
        %get3A_311 = tpu.vector_load %arg5[%get3A_308, %get3A_309, %get3A_310] {strides = array<i32>} : memref<2x2x128xi32, #tpu.memory_space<vmem>>, vector<1x1x16xi32>,
        %get3A_312 = vector.shape_cast %get3A_311 : vector<1x1x16xi32> to vector<16xi32>
        %sub3A_313 = vector.broadcast %mul3A_0 : i32 to vector<16xi32>
        %sub3A_314 = arith.subi %get3A_312, %sub3A_313 : vector<16xi32>
        %ge3A_315 = arith.constant 0 : i32
        %ge3A_316 = vector.broadcast %ge3A_315 : i32 to vector<16xi32>
        %ge3A_317 = arith.cmpi sge, %sub3A_314, %ge3A_316 : vector<16xi32>
        %lt3A_318 = arith.constant 5000 : i32
        %lt3A_319 = vector.broadcast %lt3A_318 : i32 to vector<16xi32>
        %lt3A_320 = arith.cmpi slt, %sub3A_314, %lt3A_319 : vector<16xi32>
        %and3A_321 = arith.andi %ge3A_317, %lt3A_320 : vector<16xi1>
        %select_n3A_322 = arith.select %and3A_321, %sub3A_314, %add3A_87 : vector<16xi1>, vector<16xi32>
        %swap3A_323 = arith.constant 0 : i32
        %swap3A_324 = arith.constant 0 : i32
        %swap3A_325 = arith.index_cast %swap3A_323 : i32 to index
        %swap3A_326 = arith.index_cast %swap3A_324 : i32 to index
        %swap3A_327 = arith.constant 32 : index
        %swap3A_328 = tpu.vector_load %arg5[%swap3A_325, %swap3A_326, %swap3A_327] {strides = array<i32>} : memref<2x2x128xi32, #tpu.memory_space<vmem>>, vector<1x1x16xi32>,
        %swap3A_329 = vector.shape_cast %swap3A_328 : vector<1x1x16xi32> to vector<16xi32>
        %swap3A_330 = vector.shape_cast %select_n3A_322 : vector<16xi32> to vector<1x1x16xi32>
        tpu.vector_store %arg5[%swap3A_325, %swap3A_326, %swap3A_327], %swap3A_330 {strides = array<i32>} : memref<2x2x128xi32, #tpu.memory_space<vmem>>, vector<1x1x16xi32>,
        %get3A_331 = arith.constant 0 : i32
        %get3A_332 = arith.constant 0 : i32
        %get3A_333 = arith.index_cast %get3A_331 : i32 to index
        %get3A_334 = arith.index_cast %get3A_332 : i32 to index
        %get3A_335 = arith.constant 48 : index
        %get3A_336 = tpu.vector_load %arg5[%get3A_333, %get3A_334, %get3A_335] {strides = array<i32>} : memref<2x2x128xi32, #tpu.memory_space<vmem>>, vector<1x1x16xi32>,
        %get3A_337 = vector.shape_cast %get3A_336 : vector<1x1x16xi32> to vector<16xi32>
        %sub3A_338 = vector.broadcast %mul3A_0 : i32 to vector<16xi32>
        %sub3A_339 = arith.subi %get3A_337, %sub3A_338 : vector<16xi32>
        %ge3A_340 = arith.constant 0 : i32
        %ge3A_341 = vector.broadcast %ge3A_340 : i32 to vector<16xi32>
        %ge3A_342 = arith.cmpi sge, %sub3A_339, %ge3A_341 : vector<16xi32>
        %lt3A_343 = arith.constant 5000 : i32
        %lt3A_344 = vector.broadcast %lt3A_343 : i32 to vector<16xi32>
        %lt3A_345 = arith.cmpi slt, %sub3A_339, %lt3A_344 : vector<16xi32>
        %and3A_346 = arith.andi %ge3A_342, %lt3A_345 : vector<16xi1>
        %select_n3A_347 = arith.select %and3A_346, %sub3A_339, %add3A_87 : vector<16xi1>, vector<16xi32>
        %swap3A_348 = arith.constant 0 : i32
        %swap3A_349 = arith.constant 0 : i32
        %swap3A_350 = arith.index_cast %swap3A_348 : i32 to index
        %swap3A_351 = arith.index_cast %swap3A_349 : i32 to index
        %swap3A_352 = arith.constant 48 : index
        %swap3A_353 = tpu.vector_load %arg5[%swap3A_350, %swap3A_351, %swap3A_352] {strides = array<i32>} : memref<2x2x128xi32, #tpu.memory_space<vmem>>, vector<1x1x16xi32>,
        %swap3A_354 = vector.shape_cast %swap3A_353 : vector<1x1x16xi32> to vector<16xi32>
        %swap3A_355 = vector.shape_cast %select_n3A_347 : vector<16xi32> to vector<1x1x16xi32>
        tpu.vector_store %arg5[%swap3A_350, %swap3A_351, %swap3A_352], %swap3A_355 {strides = array<i32>} : memref<2x2x128xi32, #tpu.memory_space<vmem>>, vector<1x1x16xi32>,
        %get3A_356 = arith.constant 0 : i32
        %get3A_357 = arith.constant 0 : i32
        %get3A_358 = arith.index_cast %get3A_356 : i32 to index
        %get3A_359 = arith.index_cast %get3A_357 : i32 to index
        %get3A_360 = arith.constant 64 : index
        %get3A_361 = tpu.vector_load %arg5[%get3A_358, %get3A_359, %get3A_360] {strides = array<i32>} : memref<2x2x128xi32, #tpu.memory_space<vmem>>, vector<1x1x16xi32>,
        %get3A_362 = vector.shape_cast %get3A_361 : vector<1x1x16xi32> to vector<16xi32>
        %sub3A_363 = vector.broadcast %mul3A_0 : i32 to vector<16xi32>
        %sub3A_364 = arith.subi %get3A_362, %sub3A_363 : vector<16xi32>
        %ge3A_365 = arith.constant 0 : i32
        %ge3A_366 = vector.broadcast %ge3A_365 : i32 to vector<16xi32>
        %ge3A_367 = arith.cmpi sge, %sub3A_364, %ge3A_366 : vector<16xi32>
        %lt3A_368 = arith.constant 5000 : i32
        %lt3A_369 = vector.broadcast %lt3A_368 : i32 to vector<16xi32>
        %lt3A_370 = arith.cmpi slt, %sub3A_364, %lt3A_369 : vector<16xi32>
        %and3A_371 = arith.andi %ge3A_367, %lt3A_370 : vector<16xi1>
        %select_n3A_372 = arith.select %and3A_371, %sub3A_364, %add3A_87 : vector<16xi1>, vector<16xi32>
        %swap3A_373 = arith.constant 0 : i32
        %swap3A_374 = arith.constant 0 : i32
        %swap3A_375 = arith.index_cast %swap3A_373 : i32 to index
        %swap3A_376 = arith.index_cast %swap3A_374 : i32 to index
        %swap3A_377 = arith.constant 64 : index
        %swap3A_378 = tpu.vector_load %arg5[%swap3A_375, %swap3A_376, %swap3A_377] {strides = array<i32>} : memref<2x2x128xi32, #tpu.memory_space<vmem>>, vector<1x1x16xi32>,
        %swap3A_379 = vector.shape_cast %swap3A_378 : vector<1x1x16xi32> to vector<16xi32>
        %swap3A_380 = vector.shape_cast %select_n3A_372 : vector<16xi32> to vector<1x1x16xi32>
        tpu.vector_store %arg5[%swap3A_375, %swap3A_376, %swap3A_377], %swap3A_380 {strides = array<i32>} : memref<2x2x128xi32, #tpu.memory_space<vmem>>, vector<1x1x16xi32>,
        %get3A_381 = arith.constant 0 : i32
        %get3A_382 = arith.constant 0 : i32
        %get3A_383 = arith.index_cast %get3A_381 : i32 to index
        %get3A_384 = arith.index_cast %get3A_382 : i32 to index
        %get3A_385 = arith.constant 80 : index
        %get3A_386 = tpu.vector_load %arg5[%get3A_383, %get3A_384, %get3A_385] {strides = array<i32>} : memref<2x2x128xi32, #tpu.memory_space<vmem>>, vector<1x1x16xi32>,
        %get3A_387 = vector.shape_cast %get3A_386 : vector<1x1x16xi32> to vector<16xi32>
        %sub3A_388 = vector.broadcast %mul3A_0 : i32 to vector<16xi32>
        %sub3A_389 = arith.subi %get3A_387, %sub3A_388 : vector<16xi32>
        %ge3A_390 = arith.constant 0 : i32
        %ge3A_391 = vector.broadcast %ge3A_390 : i32 to vector<16xi32>
        %ge3A_392 = arith.cmpi sge, %sub3A_389, %ge3A_391 : vector<16xi32>
        %lt3A_393 = arith.constant 5000 : i32
        %lt3A_394 = vector.broadcast %lt3A_393 : i32 to vector<16xi32>
        %lt3A_395 = arith.cmpi slt, %sub3A_389, %lt3A_394 : vector<16xi32>
        %and3A_396 = arith.andi %ge3A_392, %lt3A_395 : vector<16xi1>
        %select_n3A_397 = arith.select %and3A_396, %sub3A_389, %add3A_87 : vector<16xi1>, vector<16xi32>
        %swap3A_398 = arith.constant 0 : i32
        %swap3A_399 = arith.constant 0 : i32
        %swap3A_400 = arith.index_cast %swap3A_398 : i32 to index
        %swap3A_401 = arith.index_cast %swap3A_399 : i32 to index
        %swap3A_402 = arith.constant 80 : index
        %swap3A_403 = tpu.vector_load %arg5[%swap3A_400, %swap3A_401, %swap3A_402] {strides = array<i32>} : memref<2x2x128xi32, #tpu.memory_space<vmem>>, vector<1x1x16xi32>,
        %swap3A_404 = vector.shape_cast %swap3A_403 : vector<1x1x16xi32> to vector<16xi32>
        %swap3A_405 = vector.shape_cast %select_n3A_397 : vector<16xi32> to vector<1x1x16xi32>
        tpu.vector_store %arg5[%swap3A_400, %swap3A_401, %swap3A_402], %swap3A_405 {strides = array<i32>} : memref<2x2x128xi32, #tpu.memory_space<vmem>>, vector<1x1x16xi32>,
        %get3A_406 = arith.constant 0 : i32
        %get3A_407 = arith.constant 0 : i32
        %get3A_408 = arith.index_cast %get3A_406 : i32 to index
        %get3A_409 = arith.index_cast %get3A_407 : i32 to index
        %get3A_410 = arith.constant 96 : index
        %get3A_411 = tpu.vector_load %arg5[%get3A_408, %get3A_409, %get3A_410] {strides = array<i32>} : memref<2x2x128xi32, #tpu.memory_space<vmem>>, vector<1x1x16xi32>,
        %get3A_412 = vector.shape_cast %get3A_411 : vector<1x1x16xi32> to vector<16xi32>
        %sub3A_413 = vector.broadcast %mul3A_0 : i32 to vector<16xi32>
        %sub3A_414 = arith.subi %get3A_412, %sub3A_413 : vector<16xi32>
        %ge3A_415 = arith.constant 0 : i32
        %ge3A_416 = vector.broadcast %ge3A_415 : i32 to vector<16xi32>
        %ge3A_417 = arith.cmpi sge, %sub3A_414, %ge3A_416 : vector<16xi32>
        %lt3A_418 = arith.constant 5000 : i32
        %lt3A_419 = vector.broadcast %lt3A_418 : i32 to vector<16xi32>
        %lt3A_420 = arith.cmpi slt, %sub3A_414, %lt3A_419 : vector<16xi32>
        %and3A_421 = arith.andi %ge3A_417, %lt3A_420 : vector<16xi1>
        %select_n3A_422 = arith.select %and3A_421, %sub3A_414, %add3A_87 : vector<16xi1>, vector<16xi32>
        %swap3A_423 = arith.constant 0 : i32
        %swap3A_424 = arith.constant 0 : i32
        %swap3A_425 = arith.index_cast %swap3A_423 : i32 to index
        %swap3A_426 = arith.index_cast %swap3A_424 : i32 to index
        %swap3A_427 = arith.constant 96 : index
        %swap3A_428 = tpu.vector_load %arg5[%swap3A_425, %swap3A_426, %swap3A_427] {strides = array<i32>} : memref<2x2x128xi32, #tpu.memory_space<vmem>>, vector<1x1x16xi32>,
        %swap3A_429 = vector.shape_cast %swap3A_428 : vector<1x1x16xi32> to vector<16xi32>
        %swap3A_430 = vector.shape_cast %select_n3A_422 : vector<16xi32> to vector<1x1x16xi32>
        tpu.vector_store %arg5[%swap3A_425, %swap3A_426, %swap3A_427], %swap3A_430 {strides = array<i32>} : memref<2x2x128xi32, #tpu.memory_space<vmem>>, vector<1x1x16xi32>,
        %get3A_431 = arith.constant 0 : i32
        %get3A_432 = arith.constant 0 : i32
        %get3A_433 = arith.index_cast %get3A_431 : i32 to index
        %get3A_434 = arith.index_cast %get3A_432 : i32 to index
        %get3A_435 = arith.constant 112 : index
        %get3A_436 = tpu.vector_load %arg5[%get3A_433, %get3A_434, %get3A_435] {strides = array<i32>} : memref<2x2x128xi32, #tpu.memory_space<vmem>>, vector<1x1x16xi32>,
        %get3A_437 = vector.shape_cast %get3A_436 : vector<1x1x16xi32> to vector<16xi32>
        %sub3A_438 = vector.broadcast %mul3A_0 : i32 to vector<16xi32>
        %sub3A_439 = arith.subi %get3A_437, %sub3A_438 : vector<16xi32>
        %ge3A_440 = arith.constant 0 : i32
        %ge3A_441 = vector.broadcast %ge3A_440 : i32 to vector<16xi32>
        %ge3A_442 = arith.cmpi sge, %sub3A_439, %ge3A_441 : vector<16xi32>
        %lt3A_443 = arith.constant 5000 : i32
        %lt3A_444 = vector.broadcast %lt3A_443 : i32 to vector<16xi32>
        %lt3A_445 = arith.cmpi slt, %sub3A_439, %lt3A_444 : vector<16xi32>
        %and3A_446 = arith.andi %ge3A_442, %lt3A_445 : vector<16xi1>
        %select_n3A_447 = arith.select %and3A_446, %sub3A_439, %add3A_87 : vector<16xi1>, vector<16xi32>
        %swap3A_448 = arith.constant 0 : i32
        %swap3A_449 = arith.constant 0 : i32
        %swap3A_450 = arith.index_cast %swap3A_448 : i32 to index
        %swap3A_451 = arith.index_cast %swap3A_449 : i32 to index
        %swap3A_452 = arith.constant 112 : index
        %swap3A_453 = tpu.vector_load %arg5[%swap3A_450, %swap3A_451, %swap3A_452] {strides = array<i32>} : memref<2x2x128xi32, #tpu.memory_space<vmem>>, vector<1x1x16xi32>,
        %swap3A_454 = vector.shape_cast %swap3A_453 : vector<1x1x16xi32> to vector<16xi32>
        %swap3A_455 = vector.shape_cast %select_n3A_447 : vector<16xi32> to vector<1x1x16xi32>
        tpu.vector_store %arg5[%swap3A_450, %swap3A_451, %swap3A_452], %swap3A_455 {strides = array<i32>} : memref<2x2x128xi32, #tpu.memory_space<vmem>>, vector<1x1x16xi32>,
        %get3A_456 = arith.constant 0 : i32
        %get3A_457 = arith.constant 1 : i32
        %get3A_458 = arith.index_cast %get3A_456 : i32 to index
        %get3A_459 = arith.index_cast %get3A_457 : i32 to index
        %get3A_460 = arith.constant 0 : index
        %get3A_461 = tpu.vector_load %arg5[%get3A_458, %get3A_459, %get3A_460] {strides = array<i32>} : memref<2x2x128xi32, #tpu.memory_space<vmem>>, vector<1x1x16xi32>,
        %get3A_462 = vector.shape_cast %get3A_461 : vector<1x1x16xi32> to vector<16xi32>
        %sub3A_463 = vector.broadcast %mul3A_0 : i32 to vector<16xi32>
        %sub3A_464 = arith.subi %get3A_462, %sub3A_463 : vector<16xi32>
        %ge3A_465 = arith.constant 0 : i32
        %ge3A_466 = vector.broadcast %ge3A_465 : i32 to vector<16xi32>
        %ge3A_467 = arith.cmpi sge, %sub3A_464, %ge3A_466 : vector<16xi32>
        %lt3A_468 = arith.constant 5000 : i32
        %lt3A_469 = vector.broadcast %lt3A_468 : i32 to vector<16xi32>
        %lt3A_470 = arith.cmpi slt, %sub3A_464, %lt3A_469 : vector<16xi32>
        %and3A_471 = arith.andi %ge3A_467, %lt3A_470 : vector<16xi1>
        %select_n3A_472 = arith.select %and3A_471, %sub3A_464, %add3A_87 : vector<16xi1>, vector<16xi32>
        %swap3A_473 = arith.constant 0 : i32
        %swap3A_474 = arith.constant 1 : i32
        %swap3A_475 = arith.index_cast %swap3A_473 : i32 to index
        %swap3A_476 = arith.index_cast %swap3A_474 : i32 to index
        %swap3A_477 = arith.constant 0 : index
        %swap3A_478 = tpu.vector_load %arg5[%swap3A_475, %swap3A_476, %swap3A_477] {strides = array<i32>} : memref<2x2x128xi32, #tpu.memory_space<vmem>>, vector<1x1x16xi32>,
        %swap3A_479 = vector.shape_cast %swap3A_478 : vector<1x1x16xi32> to vector<16xi32>
        %swap3A_480 = vector.shape_cast %select_n3A_472 : vector<16xi32> to vector<1x1x16xi32>
        tpu.vector_store %arg5[%swap3A_475, %swap3A_476, %swap3A_477], %swap3A_480 {strides = array<i32>} : memref<2x2x128xi32, #tpu.memory_space<vmem>>, vector<1x1x16xi32>,
        %get3A_481 = arith.constant 0 : i32
        %get3A_482 = arith.constant 1 : i32
        %get3A_483 = arith.index_cast %get3A_481 : i32 to index
        %get3A_484 = arith.index_cast %get3A_482 : i32 to index
        %get3A_485 = arith.constant 16 : index
        %get3A_486 = tpu.vector_load %arg5[%get3A_483, %get3A_484, %get3A_485] {strides = array<i32>} : memref<2x2x128xi32, #tpu.memory_space<vmem>>, vector<1x1x16xi32>,
        %get3A_487 = vector.shape_cast %get3A_486 : vector<1x1x16xi32> to vector<16xi32>
        %sub3A_488 = vector.broadcast %mul3A_0 : i32 to vector<16xi32>
        %sub3A_489 = arith.subi %get3A_487, %sub3A_488 : vector<16xi32>
        %ge3A_490 = arith.constant 0 : i32
        %ge3A_491 = vector.broadcast %ge3A_490 : i32 to vector<16xi32>
        %ge3A_492 = arith.cmpi sge, %sub3A_489, %ge3A_491 : vector<16xi32>
        %lt3A_493 = arith.constant 5000 : i32
        %lt3A_494 = vector.broadcast %lt3A_493 : i32 to vector<16xi32>
        %lt3A_495 = arith.cmpi slt, %sub3A_489, %lt3A_494 : vector<16xi32>
        %and3A_496 = arith.andi %ge3A_492, %lt3A_495 : vector<16xi1>
        %select_n3A_497 = arith.select %and3A_496, %sub3A_489, %add3A_87 : vector<16xi1>, vector<16xi32>
        %swap3A_498 = arith.constant 0 : i32
        %swap3A_499 = arith.constant 1 : i32
        %swap3A_500 = arith.index_cast %swap3A_498 : i32 to index
        %swap3A_501 = arith.index_cast %swap3A_499 : i32 to index
        %swap3A_502 = arith.constant 16 : index
        %swap3A_503 = tpu.vector_load %arg5[%swap3A_500, %swap3A_501, %swap3A_502] {strides = array<i32>} : memref<2x2x128xi32, #tpu.memory_space<vmem>>, vector<1x1x16xi32>,
        %swap3A_504 = vector.shape_cast %swap3A_503 : vector<1x1x16xi32> to vector<16xi32>
        %swap3A_505 = vector.shape_cast %select_n3A_497 : vector<16xi32> to vector<1x1x16xi32>
        tpu.vector_store %arg5[%swap3A_500, %swap3A_501, %swap3A_502], %swap3A_505 {strides = array<i32>} : memref<2x2x128xi32, #tpu.memory_space<vmem>>, vector<1x1x16xi32>,
        %get3A_506 = arith.constant 0 : i32
        %get3A_507 = arith.constant 1 : i32
        %get3A_508 = arith.index_cast %get3A_506 : i32 to index
        %get3A_509 = arith.index_cast %get3A_507 : i32 to index
        %get3A_510 = arith.constant 32 : index
        %get3A_511 = tpu.vector_load %arg5[%get3A_508, %get3A_509, %get3A_510] {strides = array<i32>} : memref<2x2x128xi32, #tpu.memory_space<vmem>>, vector<1x1x16xi32>,
        %get3A_512 = vector.shape_cast %get3A_511 : vector<1x1x16xi32> to vector<16xi32>
        %sub3A_513 = vector.broadcast %mul3A_0 : i32 to vector<16xi32>
        %sub3A_514 = arith.subi %get3A_512, %sub3A_513 : vector<16xi32>
        %ge3A_515 = arith.constant 0 : i32
        %ge3A_516 = vector.broadcast %ge3A_515 : i32 to vector<16xi32>
        %ge3A_517 = arith.cmpi sge, %sub3A_514, %ge3A_516 : vector<16xi32>
        %lt3A_518 = arith.constant 5000 : i32
        %lt3A_519 = vector.broadcast %lt3A_518 : i32 to vector<16xi32>
        %lt3A_520 = arith.cmpi slt, %sub3A_514, %lt3A_519 : vector<16xi32>
        %and3A_521 = arith.andi %ge3A_517, %lt3A_520 : vector<16xi1>
        %select_n3A_522 = arith.select %and3A_521, %sub3A_514, %add3A_87 : vector<16xi1>, vector<16xi32>
        %swap3A_523 = arith.constant 0 : i32
        %swap3A_524 = arith.constant 1 : i32
        %swap3A_525 = arith.index_cast %swap3A_523 : i32 to index
        %swap3A_526 = arith.index_cast %swap3A_524 : i32 to index
        %swap3A_527 = arith.constant 32 : index
        %swap3A_528 = tpu.vector_load %arg5[%swap3A_525, %swap3A_526, %swap3A_527] {strides = array<i32>} : memref<2x2x128xi32, #tpu.memory_space<vmem>>, vector<1x1x16xi32>,
        %swap3A_529 = vector.shape_cast %swap3A_528 : vector<1x1x16xi32> to vector<16xi32>
        %swap3A_530 = vector.shape_cast %select_n3A_522 : vector<16xi32> to vector<1x1x16xi32>
        tpu.vector_store %arg5[%swap3A_525, %swap3A_526, %swap3A_527], %swap3A_530 {strides = array<i32>} : memref<2x2x128xi32, #tpu.memory_space<vmem>>, vector<1x1x16xi32>,
        %get3A_531 = arith.constant 0 : i32
        %get3A_532 = arith.constant 1 : i32
        %get3A_533 = arith.index_cast %get3A_531 : i32 to index
        %get3A_534 = arith.index_cast %get3A_532 : i32 to index
        %get3A_535 = arith.constant 48 : index
        %get3A_536 = tpu.vector_load %arg5[%get3A_533, %get3A_534, %get3A_535] {strides = array<i32>} : memref<2x2x128xi32, #tpu.memory_space<vmem>>, vector<1x1x16xi32>,
        %get3A_537 = vector.shape_cast %get3A_536 : vector<1x1x16xi32> to vector<16xi32>
        %sub3A_538 = vector.broadcast %mul3A_0 : i32 to vector<16xi32>
        %sub3A_539 = arith.subi %get3A_537, %sub3A_538 : vector<16xi32>
        %ge3A_540 = arith.constant 0 : i32
        %ge3A_541 = vector.broadcast %ge3A_540 : i32 to vector<16xi32>
        %ge3A_542 = arith.cmpi sge, %sub3A_539, %ge3A_541 : vector<16xi32>
        %lt3A_543 = arith.constant 5000 : i32
        %lt3A_544 = vector.broadcast %lt3A_543 : i32 to vector<16xi32>
        %lt3A_545 = arith.cmpi slt, %sub3A_539, %lt3A_544 : vector<16xi32>
        %and3A_546 = arith.andi %ge3A_542, %lt3A_545 : vector<16xi1>
        %select_n3A_547 = arith.select %and3A_546, %sub3A_539, %add3A_87 : vector<16xi1>, vector<16xi32>
        %swap3A_548 = arith.constant 0 : i32
        %swap3A_549 = arith.constant 1 : i32
        %swap3A_550 = arith.index_cast %swap3A_548 : i32 to index
        %swap3A_551 = arith.index_cast %swap3A_549 : i32 to index
        %swap3A_552 = arith.constant 48 : index
        %swap3A_553 = tpu.vector_load %arg5[%swap3A_550, %swap3A_551, %swap3A_552] {strides = array<i32>} : memref<2x2x128xi32, #tpu.memory_space<vmem>>, vector<1x1x16xi32>,
        %swap3A_554 = vector.shape_cast %swap3A_553 : vector<1x1x16xi32> to vector<16xi32>
        %swap3A_555 = vector.shape_cast %select_n3A_547 : vector<16xi32> to vector<1x1x16xi32>
        tpu.vector_store %arg5[%swap3A_550, %swap3A_551, %swap3A_552], %swap3A_555 {strides = array<i32>} : memref<2x2x128xi32, #tpu.memory_space<vmem>>, vector<1x1x16xi32>,
        %get3A_556 = arith.constant 0 : i32
        %get3A_557 = arith.constant 1 : i32
        %get3A_558 = arith.index_cast %get3A_556 : i32 to index
        %get3A_559 = arith.index_cast %get3A_557 : i32 to index
        %get3A_560 = arith.constant 64 : index
        %get3A_561 = tpu.vector_load %arg5[%get3A_558, %get3A_559, %get3A_560] {strides = array<i32>} : memref<2x2x128xi32, #tpu.memory_space<vmem>>, vector<1x1x16xi32>,
        %get3A_562 = vector.shape_cast %get3A_561 : vector<1x1x16xi32> to vector<16xi32>
        %sub3A_563 = vector.broadcast %mul3A_0 : i32 to vector<16xi32>
        %sub3A_564 = arith.subi %get3A_562, %sub3A_563 : vector<16xi32>
        %ge3A_565 = arith.constant 0 : i32
        %ge3A_566 = vector.broadcast %ge3A_565 : i32 to vector<16xi32>
        %ge3A_567 = arith.cmpi sge, %sub3A_564, %ge3A_566 : vector<16xi32>
        %lt3A_568 = arith.constant 5000 : i32
        %lt3A_569 = vector.broadcast %lt3A_568 : i32 to vector<16xi32>
        %lt3A_570 = arith.cmpi slt, %sub3A_564, %lt3A_569 : vector<16xi32>
        %and3A_571 = arith.andi %ge3A_567, %lt3A_570 : vector<16xi1>
        %select_n3A_572 = arith.select %and3A_571, %sub3A_564, %add3A_87 : vector<16xi1>, vector<16xi32>
        %swap3A_573 = arith.constant 0 : i32
        %swap3A_574 = arith.constant 1 : i32
        %swap3A_575 = arith.index_cast %swap3A_573 : i32 to index
        %swap3A_576 = arith.index_cast %swap3A_574 : i32 to index
        %swap3A_577 = arith.constant 64 : index
        %swap3A_578 = tpu.vector_load %arg5[%swap3A_575, %swap3A_576, %swap3A_577] {strides = array<i32>} : memref<2x2x128xi32, #tpu.memory_space<vmem>>, vector<1x1x16xi32>,
        %swap3A_579 = vector.shape_cast %swap3A_578 : vector<1x1x16xi32> to vector<16xi32>
        %swap3A_580 = vector.shape_cast %select_n3A_572 : vector<16xi32> to vector<1x1x16xi32>
        tpu.vector_store %arg5[%swap3A_575, %swap3A_576, %swap3A_577], %swap3A_580 {strides = array<i32>} : memref<2x2x128xi32, #tpu.memory_space<vmem>>, vector<1x1x16xi32>,
        %get3A_581 = arith.constant 0 : i32
        %get3A_582 = arith.constant 1 : i32
        %get3A_583 = arith.index_cast %get3A_581 : i32 to index
        %get3A_584 = arith.index_cast %get3A_582 : i32 to index
        %get3A_585 = arith.constant 80 : index
        %get3A_586 = tpu.vector_load %arg5[%get3A_583, %get3A_584, %get3A_585] {strides = array<i32>} : memref<2x2x128xi32, #tpu.memory_space<vmem>>, vector<1x1x16xi32>,
        %get3A_587 = vector.shape_cast %get3A_586 : vector<1x1x16xi32> to vector<16xi32>
        %sub3A_588 = vector.broadcast %mul3A_0 : i32 to vector<16xi32>
        %sub3A_589 = arith.subi %get3A_587, %sub3A_588 : vector<16xi32>
        %ge3A_590 = arith.constant 0 : i32
        %ge3A_591 = vector.broadcast %ge3A_590 : i32 to vector<16xi32>
        %ge3A_592 = arith.cmpi sge, %sub3A_589, %ge3A_591 : vector<16xi32>
        %lt3A_593 = arith.constant 5000 : i32
        %lt3A_594 = vector.broadcast %lt3A_593 : i32 to vector<16xi32>
        %lt3A_595 = arith.cmpi slt, %sub3A_589, %lt3A_594 : vector<16xi32>
        %and3A_596 = arith.andi %ge3A_592, %lt3A_595 : vector<16xi1>
        %select_n3A_597 = arith.select %and3A_596, %sub3A_589, %add3A_87 : vector<16xi1>, vector<16xi32>
        %swap3A_598 = arith.constant 0 : i32
        %swap3A_599 = arith.constant 1 : i32
        %swap3A_600 = arith.index_cast %swap3A_598 : i32 to index
        %swap3A_601 = arith.index_cast %swap3A_599 : i32 to index
        %swap3A_602 = arith.constant 80 : index
        %swap3A_603 = tpu.vector_load %arg5[%swap3A_600, %swap3A_601, %swap3A_602] {strides = array<i32>} : memref<2x2x128xi32, #tpu.memory_space<vmem>>, vector<1x1x16xi32>,
        %swap3A_604 = vector.shape_cast %swap3A_603 : vector<1x1x16xi32> to vector<16xi32>
        %swap3A_605 = vector.shape_cast %select_n3A_597 : vector<16xi32> to vector<1x1x16xi32>
        tpu.vector_store %arg5[%swap3A_600, %swap3A_601, %swap3A_602], %swap3A_605 {strides = array<i32>} : memref<2x2x128xi32, #tpu.memory_space<vmem>>, vector<1x1x16xi32>,
        %get3A_606 = arith.constant 0 : i32
        %get3A_607 = arith.constant 1 : i32
        %get3A_608 = arith.index_cast %get3A_606 : i32 to index
        %get3A_609 = arith.index_cast %get3A_607 : i32 to index
        %get3A_610 = arith.constant 96 : index
        %get3A_611 = tpu.vector_load %arg5[%get3A_608, %get3A_609, %get3A_610] {strides = array<i32>} : memref<2x2x128xi32, #tpu.memory_space<vmem>>, vector<1x1x16xi32>,
        %get3A_612 = vector.shape_cast %get3A_611 : vector<1x1x16xi32> to vector<16xi32>
        %sub3A_613 = vector.broadcast %mul3A_0 : i32 to vector<16xi32>
        %sub3A_614 = arith.subi %get3A_612, %sub3A_613 : vector<16xi32>
        %ge3A_615 = arith.constant 0 : i32
        %ge3A_616 = vector.broadcast %ge3A_615 : i32 to vector<16xi32>
        %ge3A_617 = arith.cmpi sge, %sub3A_614, %ge3A_616 : vector<16xi32>
        %lt3A_618 = arith.constant 5000 : i32
        %lt3A_619 = vector.broadcast %lt3A_618 : i32 to vector<16xi32>
        %lt3A_620 = arith.cmpi slt, %sub3A_614, %lt3A_619 : vector<16xi32>
        %and3A_621 = arith.andi %ge3A_617, %lt3A_620 : vector<16xi1>
        %select_n3A_622 = arith.select %and3A_621, %sub3A_614, %add3A_87 : vector<16xi1>, vector<16xi32>
        %swap3A_623 = arith.constant 0 : i32
        %swap3A_624 = arith.constant 1 : i32
        %swap3A_625 = arith.index_cast %swap3A_623 : i32 to index
        %swap3A_626 = arith.index_cast %swap3A_624 : i32 to index
        %swap3A_627 = arith.constant 96 : index
        %swap3A_628 = tpu.vector_load %arg5[%swap3A_625, %swap3A_626, %swap3A_627] {strides = array<i32>} : memref<2x2x128xi32, #tpu.memory_space<vmem>>, vector<1x1x16xi32>,
        %swap3A_629 = vector.shape_cast %swap3A_628 : vector<1x1x16xi32> to vector<16xi32>
        %swap3A_630 = vector.shape_cast %select_n3A_622 : vector<16xi32> to vector<1x1x16xi32>
        tpu.vector_store %arg5[%swap3A_625, %swap3A_626, %swap3A_627], %swap3A_630 {strides = array<i32>} : memref<2x2x128xi32, #tpu.memory_space<vmem>>, vector<1x1x16xi32>,
        %get3A_631 = arith.constant 0 : i32
        %get3A_632 = arith.constant 1 : i32
        %get3A_633 = arith.index_cast %get3A_631 : i32 to index
        %get3A_634 = arith.index_cast %get3A_632 : i32 to index
        %get3A_635 = arith.constant 112 : index
        %get3A_636 = tpu.vector_load %arg5[%get3A_633, %get3A_634, %get3A_635] {strides = array<i32>} : memref<2x2x128xi32, #tpu.memory_space<vmem>>, vector<1x1x16xi32>,
        %get3A_637 = vector.shape_cast %get3A_636 : vector<1x1x16xi32> to vector<16xi32>
        %sub3A_638 = vector.broadcast %mul3A_0 : i32 to vector<16xi32>
        %sub3A_639 = arith.subi %get3A_637, %sub3A_638 : vector<16xi32>
        %ge3A_640 = arith.constant 0 : i32
        %ge3A_641 = vector.broadcast %ge3A_640 : i32 to vector<16xi32>
        %ge3A_642 = arith.cmpi sge, %sub3A_639, %ge3A_641 : vector<16xi32>
        %lt3A_643 = arith.constant 5000 : i32
        %lt3A_644 = vector.broadcast %lt3A_643 : i32 to vector<16xi32>
        %lt3A_645 = arith.cmpi slt, %sub3A_639, %lt3A_644 : vector<16xi32>
        %and3A_646 = arith.andi %ge3A_642, %lt3A_645 : vector<16xi1>
        %select_n3A_647 = arith.select %and3A_646, %sub3A_639, %add3A_87 : vector<16xi1>, vector<16xi32>
        %swap3A_648 = arith.constant 0 : i32
        %swap3A_649 = arith.constant 1 : i32
        %swap3A_650 = arith.index_cast %swap3A_648 : i32 to index
        %swap3A_651 = arith.index_cast %swap3A_649 : i32 to index
        %swap3A_652 = arith.constant 112 : index
        %swap3A_653 = tpu.vector_load %arg5[%swap3A_650, %swap3A_651, %swap3A_652] {strides = array<i32>} : memref<2x2x128xi32, #tpu.memory_space<vmem>>, vector<1x1x16xi32>,
        %swap3A_654 = vector.shape_cast %swap3A_653 : vector<1x1x16xi32> to vector<16xi32>
        %swap3A_655 = vector.shape_cast %select_n3A_647 : vector<16xi32> to vector<1x1x16xi32>
        tpu.vector_store %arg5[%swap3A_650, %swap3A_651, %swap3A_652], %swap3A_655 {strides = array<i32>} : memref<2x2x128xi32, #tpu.memory_space<vmem>>, vector<1x1x16xi32>,
        %dma_start3A_656 = arith.constant 0 : i32
        %dma_start3A_657 = arith.constant 0 : i32
        %dma_start3A_658 = arith.constant 0 : i32
        %dma_start3A_659 = arith.constant 0 : i32
        %dma_start3A_660 = arith.constant 0 : i32
        %dma_start3A_661 = tpu.memref_slice %arg6[%dma_start3A_656, %dma_start3A_659, %dma_start3A_660] : memref<2x256x128xf32, #tpu.memory_space<vmem>> -> memref<1x256x128xf32, #tpu.memory_space<vmem>>
        %dma_start3A_662 = tpu.memref_squeeze %dma_start3A_661 : memref<1x256x128xf32, #tpu.memory_space<vmem>> -> memref<256x128xf32, #tpu.memory_space<vmem>>
        %dma_start3A_663 = arith.constant 0 : i32
        %dma_start3A_664 = arith.constant 0 : i32
        %dma_start3A_665 = tpu.memref_slice %dma_start3A_662[%dma_start3A_663, %dma_start3A_664] : memref<256x128xf32, #tpu.memory_space<vmem>> -> memref<128x128xf32, #tpu.memory_space<vmem>>
        %dma_start3A_666 = arith.constant 0 : i32
        %dma_start3A_667 = arith.constant 0 : i32
        %dma_start3A_668 = tpu.memref_slice %arg5[%dma_start3A_657, %dma_start3A_666, %dma_start3A_667] : memref<2x2x128xi32, #tpu.memory_space<vmem>> -> memref<1x2x128xi32, #tpu.memory_space<vmem>>
        %dma_start3A_669 = tpu.memref_squeeze %dma_start3A_668 : memref<1x2x128xi32, #tpu.memory_space<vmem>> -> memref<2x128xi32, #tpu.memory_space<vmem>>
        %dma_start3A_670 = arith.constant 0 : i32
        %dma_start3A_671 = tpu.memref_slice %dma_start3A_669[%dma_start3A_658, %dma_start3A_670] : memref<2x128xi32, #tpu.memory_space<vmem>> -> memref<1x128xi32, #tpu.memory_space<vmem>>
        %dma_start3A_672 = tpu.memref_squeeze %dma_start3A_671 : memref<1x128xi32, #tpu.memory_space<vmem>> -> memref<128xi32, #tpu.memory_space<vmem>>
        %dma_start3A_673 = arith.constant 0 : i32
        %dma_start3A_674 = arith.constant 0 : i32
        %dma_start3A_675 = tpu.memref_slice %arg7[%dma_start3A_673, %dma_start3A_674] : memref<5016x128xf32, #tpu.memory_space<vmem_shared>> -> memref<5016x128xf32, #tpu.memory_space<vmem_shared>>
        tpu.enqueue_indirect_dma source(%dma_start3A_665 : memref<128x128xf32, #tpu.memory_space<vmem>>) target(%dma_start3A_675 : memref<5016x128xf32, #tpu.memory_space<vmem_shared>>) offsets(%dma_start3A_672 : memref<128xi32, #tpu.memory_space<vmem>>) semaphore(%arg11 : memref<!tpu.dma_semaphore, #tpu.memory_space<semaphore_mem>>) {add = true}
        %dma_start3A_676 = arith.constant 0 : i32
        %dma_start3A_677 = arith.constant 0 : i32
        %dma_start3A_678 = arith.constant 1 : i32
        %dma_start3A_679 = arith.constant 0 : i32
        %dma_start3A_680 = arith.constant 0 : i32
        %dma_start3A_681 = tpu.memref_slice %arg6[%dma_start3A_676, %dma_start3A_679, %dma_start3A_680] : memref<2x256x128xf32, #tpu.memory_space<vmem>> -> memref<1x256x128xf32, #tpu.memory_space<vmem>>
        %dma_start3A_682 = tpu.memref_squeeze %dma_start3A_681 : memref<1x256x128xf32, #tpu.memory_space<vmem>> -> memref<256x128xf32, #tpu.memory_space<vmem>>
        %dma_start3A_683 = arith.constant 128 : i32
        %dma_start3A_684 = arith.constant 0 : i32
        %dma_start3A_685 = tpu.memref_slice %dma_start3A_682[%dma_start3A_683, %dma_start3A_684] : memref<256x128xf32, #tpu.memory_space<vmem>> -> memref<128x128xf32, #tpu.memory_space<vmem>>
        %dma_start3A_686 = arith.constant 0 : i32
        %dma_start3A_687 = arith.constant 0 : i32
        %dma_start3A_688 = tpu.memref_slice %arg5[%dma_start3A_677, %dma_start3A_686, %dma_start3A_687] : memref<2x2x128xi32, #tpu.memory_space<vmem>> -> memref<1x2x128xi32, #tpu.memory_space<vmem>>
        %dma_start3A_689 = tpu.memref_squeeze %dma_start3A_688 : memref<1x2x128xi32, #tpu.memory_space<vmem>> -> memref<2x128xi32, #tpu.memory_space<vmem>>
        %dma_start3A_690 = arith.constant 0 : i32
        %dma_start3A_691 = tpu.memref_slice %dma_start3A_689[%dma_start3A_678, %dma_start3A_690] : memref<2x128xi32, #tpu.memory_space<vmem>> -> memref<1x128xi32, #tpu.memory_space<vmem>>
        %dma_start3A_692 = tpu.memref_squeeze %dma_start3A_691 : memref<1x128xi32, #tpu.memory_space<vmem>> -> memref<128xi32, #tpu.memory_space<vmem>>
        %dma_start3A_693 = arith.constant 0 : i32
        %dma_start3A_694 = arith.constant 0 : i32
        %dma_start3A_695 = tpu.memref_slice %arg7[%dma_start3A_693, %dma_start3A_694] : memref<5016x128xf32, #tpu.memory_space<vmem_shared>> -> memref<5016x128xf32, #tpu.memory_space<vmem_shared>>
        tpu.enqueue_indirect_dma source(%dma_start3A_685 : memref<128x128xf32, #tpu.memory_space<vmem>>) target(%dma_start3A_695 : memref<5016x128xf32, #tpu.memory_space<vmem_shared>>) offsets(%dma_start3A_692 : memref<128xi32, #tpu.memory_space<vmem>>) semaphore(%arg11 : memref<!tpu.dma_semaphore, #tpu.memory_space<semaphore_mem>>) {add = true}
      } else {
      }
      %add3A_194 = arith.constant 2 : i32
      %add3A_195 = arith.addi %add3A_189, %add3A_194 : i32
      %lt3A_196 = arith.cmpi slt, %add3A_195, %select_n3A : i32
      %convert_element_type3A_197 = arith.extui %lt3A_196 : i1 to i32
      %cond3A_198 = arith.constant 0 : i32
      %cond3A_199 = arith.cmpi ne, %convert_element_type3A_197, %cond3A_198 : i32
      scf.if %cond3A_199 {
        %dma_wait3A_226 = arith.constant 0 : i32
        %dma_wait3A_227 = arith.constant 0 : i32
        %dma_wait3A_228 = arith.constant 0 : i32
        %dma_wait3A_229 = arith.constant 0 : i32
        %dma_wait3A_230 = arith.constant 0 : i32
        %dma_wait3A_231 = tpu.memref_slice %arg6[%dma_wait3A_226, %dma_wait3A_229, %dma_wait3A_230] : memref<2x256x128xf32, #tpu.memory_space<vmem>> -> memref<1x256x128xf32, #tpu.memory_space<vmem>>
        %dma_wait3A_232 = tpu.memref_squeeze %dma_wait3A_231 : memref<1x256x128xf32, #tpu.memory_space<vmem>> -> memref<256x128xf32, #tpu.memory_space<vmem>>
        %dma_wait3A_233 = arith.constant 0 : i32
        %dma_wait3A_234 = arith.constant 0 : i32
        %dma_wait3A_235 = tpu.memref_slice %dma_wait3A_232[%dma_wait3A_233, %dma_wait3A_234] : memref<256x128xf32, #tpu.memory_space<vmem>> -> memref<128x128xf32, #tpu.memory_space<vmem>>
        %dma_wait3A_236 = arith.constant 0 : i32
        %dma_wait3A_237 = arith.constant 0 : i32
        %dma_wait3A_238 = tpu.memref_slice %arg5[%dma_wait3A_227, %dma_wait3A_236, %dma_wait3A_237] : memref<2x2x128xi32, #tpu.memory_space<vmem>> -> memref<1x2x128xi32, #tpu.memory_space<vmem>>
        %dma_wait3A_239 = tpu.memref_squeeze %dma_wait3A_238 : memref<1x2x128xi32, #tpu.memory_space<vmem>> -> memref<2x128xi32, #tpu.memory_space<vmem>>
        %dma_wait3A_240 = arith.constant 0 : i32
        %dma_wait3A_241 = tpu.memref_slice %dma_wait3A_239[%dma_wait3A_228, %dma_wait3A_240] : memref<2x128xi32, #tpu.memory_space<vmem>> -> memref<1x128xi32, #tpu.memory_space<vmem>>
        %dma_wait3A_242 = tpu.memref_squeeze %dma_wait3A_241 : memref<1x128xi32, #tpu.memory_space<vmem>> -> memref<128xi32, #tpu.memory_space<vmem>>
        %dma_wait3A_243 = arith.constant 0 : i32
        %dma_wait3A_244 = arith.constant 0 : i32
        %dma_wait3A_245 = tpu.memref_slice %arg7[%dma_wait3A_243, %dma_wait3A_244] : memref<5016x128xf32, #tpu.memory_space<vmem_shared>> -> memref<5016x128xf32, #tpu.memory_space<vmem_shared>>
        tpu.wait_indirect_dma semaphore(%arg11 : memref<!tpu.dma_semaphore, #tpu.memory_space<semaphore_mem>>) src(%dma_wait3A_235 : memref<128x128xf32, #tpu.memory_space<vmem>>) dst(%dma_wait3A_245 : memref<5016x128xf32, #tpu.memory_space<vmem_shared>>)
        %dma_wait3A_246 = arith.constant 0 : i32
        %dma_wait3A_247 = arith.constant 0 : i32
        %dma_wait3A_248 = arith.constant 1 : i32
        %dma_wait3A_249 = arith.constant 0 : i32
        %dma_wait3A_250 = arith.constant 0 : i32
        %dma_wait3A_251 = tpu.memref_slice %arg6[%dma_wait3A_246, %dma_wait3A_249, %dma_wait3A_250] : memref<2x256x128xf32, #tpu.memory_space<vmem>> -> memref<1x256x128xf32, #tpu.memory_space<vmem>>
        %dma_wait3A_252 = tpu.memref_squeeze %dma_wait3A_251 : memref<1x256x128xf32, #tpu.memory_space<vmem>> -> memref<256x128xf32, #tpu.memory_space<vmem>>
        %dma_wait3A_253 = arith.constant 128 : i32
        %dma_wait3A_254 = arith.constant 0 : i32
        %dma_wait3A_255 = tpu.memref_slice %dma_wait3A_252[%dma_wait3A_253, %dma_wait3A_254] : memref<256x128xf32, #tpu.memory_space<vmem>> -> memref<128x128xf32, #tpu.memory_space<vmem>>
        %dma_wait3A_256 = arith.constant 0 : i32
        %dma_wait3A_257 = arith.constant 0 : i32
        %dma_wait3A_258 = tpu.memref_slice %arg5[%dma_wait3A_247, %dma_wait3A_256, %dma_wait3A_257] : memref<2x2x128xi32, #tpu.memory_space<vmem>> -> memref<1x2x128xi32, #tpu.memory_space<vmem>>
        %dma_wait3A_259 = tpu.memref_squeeze %dma_wait3A_258 : memref<1x2x128xi32, #tpu.memory_space<vmem>> -> memref<2x128xi32, #tpu.memory_space<vmem>>
        %dma_wait3A_260 = arith.constant 0 : i32
        %dma_wait3A_261 = tpu.memref_slice %dma_wait3A_259[%dma_wait3A_248, %dma_wait3A_260] : memref<2x128xi32, #tpu.memory_space<vmem>> -> memref<1x128xi32, #tpu.memory_space<vmem>>
        %dma_wait3A_262 = tpu.memref_squeeze %dma_wait3A_261 : memref<1x128xi32, #tpu.memory_space<vmem>> -> memref<128xi32, #tpu.memory_space<vmem>>
        %dma_wait3A_263 = arith.constant 0 : i32
        %dma_wait3A_264 = arith.constant 0 : i32
        %dma_wait3A_265 = tpu.memref_slice %arg7[%dma_wait3A_263, %dma_wait3A_264] : memref<5016x128xf32, #tpu.memory_space<vmem_shared>> -> memref<5016x128xf32, #tpu.memory_space<vmem_shared>>
        tpu.wait_indirect_dma semaphore(%arg11 : memref<!tpu.dma_semaphore, #tpu.memory_space<semaphore_mem>>) src(%dma_wait3A_255 : memref<128x128xf32, #tpu.memory_space<vmem>>) dst(%dma_wait3A_265 : memref<5016x128xf32, #tpu.memory_space<vmem_shared>>)
      } else {
      }
      %add3A_200 = arith.constant 2 : i32
      %add3A_201 = arith.addi %add3A_189, %add3A_200 : i32
      %lt3A_202 = arith.cmpi slt, %add3A_201, %select_n3A : i32
      %convert_element_type3A_203 = arith.extui %lt3A_202 : i1 to i32
      %cond3A_204 = arith.constant 0 : i32
      %cond3A_205 = arith.cmpi ne, %convert_element_type3A_203, %cond3A_204 : i32
      scf.if %cond3A_205 {
        %add3A_226 = arith.constant 2 : i32
        %add3A_227 = arith.addi %add3A_189, %add3A_226 : i32
        %mul3A_228 = arith.constant 16 : i32
        %mul3A_229 = arith.muli %add3A_227, %mul3A_228 : i32
        %add3A_230 = arith.addi %mul3A_229, %arg1 : i32
        %dma_start3A_231 = arith.constant 0 : i32
        %dma_start3A_232 = arith.constant 0 : i32
        %dma_start3A_233 = arith.constant 0 : i32
        %dma_start3A_234 = tpu.memref_slice %arg5[%dma_start3A_231, %dma_start3A_232, %dma_start3A_233] : memref<2x2x128xi32, #tpu.memory_space<vmem>> -> memref<1x2x128xi32, #tpu.memory_space<vmem>>
        %dma_start3A_235 = tpu.memref_squeeze %dma_start3A_234 : memref<1x2x128xi32, #tpu.memory_space<vmem>> -> memref<2x128xi32, #tpu.memory_space<vmem>>
        %dma_start3A_236 = arith.constant 0 : i32
        %dma_start3A_237 = arith.constant 0 : i32
        %dma_start3A_238 = tpu.memref_slice %arg3[%add3A_230, %dma_start3A_236, %dma_start3A_237] : memref<625x2x128xi32, #tpu.memory_space<hbm>> -> memref<1x2x128xi32, #tpu.memory_space<hbm>>
        %dma_start3A_239 = tpu.memref_squeeze %dma_start3A_238 : memref<1x2x128xi32, #tpu.memory_space<hbm>> -> memref<2x128xi32, #tpu.memory_space<hbm>>
        %dma_start3A_240 = arith.constant 0 : i32
        %dma_start3A_241 = arith.constant 0 : i32
        %dma_start3A_242 = tpu.memref_slice %arg5[%dma_start3A_231, %dma_start3A_240, %dma_start3A_241] : memref<2x2x128xi32, #tpu.memory_space<vmem>> -> memref<1x2x128xi32, #tpu.memory_space<vmem>>
        %dma_start3A_243 = tpu.memref_squeeze %dma_start3A_242 : memref<1x2x128xi32, #tpu.memory_space<vmem>> -> memref<2x128xi32, #tpu.memory_space<vmem>>
        %dma_start3A_244 = arith.constant 0 : i32
        %dma_start3A_245 = arith.constant 0 : i32
        %dma_start3A_246 = tpu.memref_slice %arg3[%add3A_230, %dma_start3A_244, %dma_start3A_245] : memref<625x2x128xi32, #tpu.memory_space<hbm>> -> memref<1x2x128xi32, #tpu.memory_space<hbm>>
        %dma_start3A_247 = tpu.memref_squeeze %dma_start3A_246 : memref<1x2x128xi32, #tpu.memory_space<hbm>> -> memref<2x128xi32, #tpu.memory_space<hbm>>
        tpu.enqueue_dma source(%dma_start3A_247 : memref<2x128xi32, #tpu.memory_space<hbm>>) target(%dma_start3A_243 : memref<2x128xi32, #tpu.memory_space<vmem>>) target_semaphore(%arg8 : memref<!tpu.dma_semaphore, #tpu.memory_space<semaphore_mem>>)
        %mul3A_248 = arith.constant 256 : i32
        %mul3A_249 = arith.muli %add3A_230, %mul3A_248 : i32
        %dma_start3A_250 = arith.constant 0 : i32
        %dma_start3A_251 = arith.constant 0 : i32
        %dma_start3A_252 = arith.constant 0 : i32
        %dma_start3A_253 = tpu.memref_slice %arg6[%dma_start3A_250, %dma_start3A_251, %dma_start3A_252] : memref<2x256x128xf32, #tpu.memory_space<vmem>> -> memref<1x256x128xf32, #tpu.memory_space<vmem>>
        %dma_start3A_254 = tpu.memref_squeeze %dma_start3A_253 : memref<1x256x128xf32, #tpu.memory_space<vmem>> -> memref<256x128xf32, #tpu.memory_space<vmem>>
        %dma_start3A_255 = arith.constant 0 : i32
        %dma_start3A_256 = tpu.memref_slice %arg2[%mul3A_249, %dma_start3A_255] : memref<160000x128xf32, #tpu.memory_space<hbm>> -> memref<256x128xf32, #tpu.memory_space<hbm>>
        %dma_start3A_257 = arith.constant 0 : i32
        %dma_start3A_258 = arith.constant 0 : i32
        %dma_start3A_259 = tpu.memref_slice %arg6[%dma_start3A_250, %dma_start3A_257, %dma_start3A_258] : memref<2x256x128xf32, #tpu.memory_space<vmem>> -> memref<1x256x128xf32, #tpu.memory_space<vmem>>
        %dma_start3A_260 = tpu.memref_squeeze %dma_start3A_259 : memref<1x256x128xf32, #tpu.memory_space<vmem>> -> memref<256x128xf32, #tpu.memory_space<vmem>>
        %dma_start3A_261 = arith.constant 0 : i32
        %dma_start3A_262 = tpu.memref_slice %arg2[%mul3A_249, %dma_start3A_261] : memref<160000x128xf32, #tpu.memory_space<hbm>> -> memref<256x128xf32, #tpu.memory_space<hbm>>
        tpu.enqueue_dma source(%dma_start3A_262 : memref<256x128xf32, #tpu.memory_space<hbm>>) target(%dma_start3A_260 : memref<256x128xf32, #tpu.memory_space<vmem>>) target_semaphore(%arg8 : memref<!tpu.dma_semaphore, #tpu.memory_space<semaphore_mem>>)
      } else {
      }
      %mul3A_206 = arith.constant 2 : i32
      %mul3A_207 = arith.muli %scan3A_185, %mul3A_206 : i32
      %add3A_208 = arith.constant 1 : i32
      %add3A_209 = arith.addi %mul3A_207, %add3A_208 : i32
      %lt3A_210 = arith.cmpi slt, %add3A_209, %select_n3A : i32
      %convert_element_type3A_211 = arith.extui %lt3A_210 : i1 to i32
      %cond3A_212 = arith.constant 0 : i32
      %cond3A_213 = arith.cmpi ne, %convert_element_type3A_211, %cond3A_212 : i32
      scf.if %cond3A_213 {
        %mul3A_226 = arith.constant 16 : i32
        %mul3A_227 = arith.muli %add3A_209, %mul3A_226 : i32
        %add3A_228 = arith.addi %mul3A_227, %arg1 : i32
        %dma_wait3A_229 = arith.constant 1 : i32
        %dma_wait3A_230 = arith.constant 0 : i32
        %dma_wait3A_231 = arith.constant 0 : i32
        %dma_wait3A_232 = tpu.memref_slice %arg5[%dma_wait3A_229, %dma_wait3A_230, %dma_wait3A_231] : memref<2x2x128xi32, #tpu.memory_space<vmem>> -> memref<1x2x128xi32, #tpu.memory_space<vmem>>
        %dma_wait3A_233 = tpu.memref_squeeze %dma_wait3A_232 : memref<1x2x128xi32, #tpu.memory_space<vmem>> -> memref<2x128xi32, #tpu.memory_space<vmem>>
        %dma_wait3A_234 = arith.constant 0 : i32
        %dma_wait3A_235 = arith.constant 0 : i32
        %dma_wait3A_236 = tpu.memref_slice %arg3[%add3A_228, %dma_wait3A_234, %dma_wait3A_235] : memref<625x2x128xi32, #tpu.memory_space<hbm>> -> memref<1x2x128xi32, #tpu.memory_space<hbm>>
        %dma_wait3A_237 = tpu.memref_squeeze %dma_wait3A_236 : memref<1x2x128xi32, #tpu.memory_space<hbm>> -> memref<2x128xi32, #tpu.memory_space<hbm>>
        %dma_wait3A_238 = arith.constant 0 : i32
        %dma_wait3A_239 = arith.constant 0 : i32
        %dma_wait3A_240 = tpu.memref_slice %arg5[%dma_wait3A_229, %dma_wait3A_238, %dma_wait3A_239] : memref<2x2x128xi32, #tpu.memory_space<vmem>> -> memref<1x2x128xi32, #tpu.memory_space<vmem>>
        %dma_wait3A_241 = tpu.memref_squeeze %dma_wait3A_240 : memref<1x2x128xi32, #tpu.memory_space<vmem>> -> memref<2x128xi32, #tpu.memory_space<vmem>>
        %dma_wait3A_242 = arith.constant 0 : i32
        %dma_wait3A_243 = arith.constant 0 : i32
        %dma_wait3A_244 = tpu.memref_slice %arg3[%add3A_228, %dma_wait3A_242, %dma_wait3A_243] : memref<625x2x128xi32, #tpu.memory_space<hbm>> -> memref<1x2x128xi32, #tpu.memory_space<hbm>>
        %dma_wait3A_245 = tpu.memref_squeeze %dma_wait3A_244 : memref<1x2x128xi32, #tpu.memory_space<hbm>> -> memref<2x128xi32, #tpu.memory_space<hbm>>
        tpu.wait_dma2 semaphore(%arg9 : memref<!tpu.dma_semaphore, #tpu.memory_space<semaphore_mem>>) src(%dma_wait3A_245 : memref<2x128xi32, #tpu.memory_space<hbm>>) dst(%dma_wait3A_241 : memref<2x128xi32, #tpu.memory_space<vmem>>)
        %mul3A_246 = arith.constant 256 : i32
        %mul3A_247 = arith.muli %add3A_228, %mul3A_246 : i32
        %dma_wait3A_248 = arith.constant 1 : i32
        %dma_wait3A_249 = arith.constant 0 : i32
        %dma_wait3A_250 = arith.constant 0 : i32
        %dma_wait3A_251 = tpu.memref_slice %arg6[%dma_wait3A_248, %dma_wait3A_249, %dma_wait3A_250] : memref<2x256x128xf32, #tpu.memory_space<vmem>> -> memref<1x256x128xf32, #tpu.memory_space<vmem>>
        %dma_wait3A_252 = tpu.memref_squeeze %dma_wait3A_251 : memref<1x256x128xf32, #tpu.memory_space<vmem>> -> memref<256x128xf32, #tpu.memory_space<vmem>>
        %dma_wait3A_253 = arith.constant 0 : i32
        %dma_wait3A_254 = tpu.memref_slice %arg2[%mul3A_247, %dma_wait3A_253] : memref<160000x128xf32, #tpu.memory_space<hbm>> -> memref<256x128xf32, #tpu.memory_space<hbm>>
        %dma_wait3A_255 = arith.constant 0 : i32
        %dma_wait3A_256 = arith.constant 0 : i32
        %dma_wait3A_257 = tpu.memref_slice %arg6[%dma_wait3A_248, %dma_wait3A_255, %dma_wait3A_256] : memref<2x256x128xf32, #tpu.memory_space<vmem>> -> memref<1x256x128xf32, #tpu.memory_space<vmem>>
        %dma_wait3A_258 = tpu.memref_squeeze %dma_wait3A_257 : memref<1x256x128xf32, #tpu.memory_space<vmem>> -> memref<256x128xf32, #tpu.memory_space<vmem>>
        %dma_wait3A_259 = arith.constant 0 : i32
        %dma_wait3A_260 = tpu.memref_slice %arg2[%mul3A_247, %dma_wait3A_259] : memref<160000x128xf32, #tpu.memory_space<hbm>> -> memref<256x128xf32, #tpu.memory_space<hbm>>
        tpu.wait_dma2 semaphore(%arg9 : memref<!tpu.dma_semaphore, #tpu.memory_space<semaphore_mem>>) src(%dma_wait3A_260 : memref<256x128xf32, #tpu.memory_space<hbm>>) dst(%dma_wait3A_258 : memref<256x128xf32, #tpu.memory_space<vmem>>)
        %get3A = arith.constant 1 : i32
        %get3A_261 = arith.constant 0 : i32
        %get3A_262 = arith.index_cast %get3A : i32 to index
        %get3A_263 = arith.index_cast %get3A_261 : i32 to index
        %get3A_264 = arith.constant 0 : index
        %get3A_265 = tpu.vector_load %arg5[%get3A_262, %get3A_263, %get3A_264] {strides = array<i32>} : memref<2x2x128xi32, #tpu.memory_space<vmem>>, vector<1x1x16xi32>,
        %get3A_266 = vector.shape_cast %get3A_265 : vector<1x1x16xi32> to vector<16xi32>
        %sub3A = vector.broadcast %mul3A_0 : i32 to vector<16xi32>
        %sub3A_267 = arith.subi %get3A_266, %sub3A : vector<16xi32>
        %ge3A = arith.constant 0 : i32
        %ge3A_268 = vector.broadcast %ge3A : i32 to vector<16xi32>
        %ge3A_269 = arith.cmpi sge, %sub3A_267, %ge3A_268 : vector<16xi32>
        %lt3A_270 = arith.constant 5000 : i32
        %lt3A_271 = vector.broadcast %lt3A_270 : i32 to vector<16xi32>
        %lt3A_272 = arith.cmpi slt, %sub3A_267, %lt3A_271 : vector<16xi32>
        %and3A = arith.andi %ge3A_269, %lt3A_272 : vector<16xi1>
        %select_n3A_273 = arith.select %and3A, %sub3A_267, %add3A_87 : vector<16xi1>, vector<16xi32>
        %swap3A = arith.constant 1 : i32
        %swap3A_274 = arith.constant 0 : i32
        %swap3A_275 = arith.index_cast %swap3A : i32 to index
        %swap3A_276 = arith.index_cast %swap3A_274 : i32 to index
        %swap3A_277 = arith.constant 0 : index
        %swap3A_278 = tpu.vector_load %arg5[%swap3A_275, %swap3A_276, %swap3A_277] {strides = array<i32>} : memref<2x2x128xi32, #tpu.memory_space<vmem>>, vector<1x1x16xi32>,
        %swap3A_279 = vector.shape_cast %swap3A_278 : vector<1x1x16xi32> to vector<16xi32>
        %swap3A_280 = vector.shape_cast %select_n3A_273 : vector<16xi32> to vector<1x1x16xi32>
        tpu.vector_store %arg5[%swap3A_275, %swap3A_276, %swap3A_277], %swap3A_280 {strides = array<i32>} : memref<2x2x128xi32, #tpu.memory_space<vmem>>, vector<1x1x16xi32>,
        %get3A_281 = arith.constant 1 : i32
        %get3A_282 = arith.constant 0 : i32
        %get3A_283 = arith.index_cast %get3A_281 : i32 to index
        %get3A_284 = arith.index_cast %get3A_282 : i32 to index
        %get3A_285 = arith.constant 16 : index
        %get3A_286 = tpu.vector_load %arg5[%get3A_283, %get3A_284, %get3A_285] {strides = array<i32>} : memref<2x2x128xi32, #tpu.memory_space<vmem>>, vector<1x1x16xi32>,
        %get3A_287 = vector.shape_cast %get3A_286 : vector<1x1x16xi32> to vector<16xi32>
        %sub3A_288 = vector.broadcast %mul3A_0 : i32 to vector<16xi32>
        %sub3A_289 = arith.subi %get3A_287, %sub3A_288 : vector<16xi32>
        %ge3A_290 = arith.constant 0 : i32
        %ge3A_291 = vector.broadcast %ge3A_290 : i32 to vector<16xi32>
        %ge3A_292 = arith.cmpi sge, %sub3A_289, %ge3A_291 : vector<16xi32>
        %lt3A_293 = arith.constant 5000 : i32
        %lt3A_294 = vector.broadcast %lt3A_293 : i32 to vector<16xi32>
        %lt3A_295 = arith.cmpi slt, %sub3A_289, %lt3A_294 : vector<16xi32>
        %and3A_296 = arith.andi %ge3A_292, %lt3A_295 : vector<16xi1>
        %select_n3A_297 = arith.select %and3A_296, %sub3A_289, %add3A_87 : vector<16xi1>, vector<16xi32>
        %swap3A_298 = arith.constant 1 : i32
        %swap3A_299 = arith.constant 0 : i32
        %swap3A_300 = arith.index_cast %swap3A_298 : i32 to index
        %swap3A_301 = arith.index_cast %swap3A_299 : i32 to index
        %swap3A_302 = arith.constant 16 : index
        %swap3A_303 = tpu.vector_load %arg5[%swap3A_300, %swap3A_301, %swap3A_302] {strides = array<i32>} : memref<2x2x128xi32, #tpu.memory_space<vmem>>, vector<1x1x16xi32>,
        %swap3A_304 = vector.shape_cast %swap3A_303 : vector<1x1x16xi32> to vector<16xi32>
        %swap3A_305 = vector.shape_cast %select_n3A_297 : vector<16xi32> to vector<1x1x16xi32>
        tpu.vector_store %arg5[%swap3A_300, %swap3A_301, %swap3A_302], %swap3A_305 {strides = array<i32>} : memref<2x2x128xi32, #tpu.memory_space<vmem>>, vector<1x1x16xi32>,
        %get3A_306 = arith.constant 1 : i32
        %get3A_307 = arith.constant 0 : i32
        %get3A_308 = arith.index_cast %get3A_306 : i32 to index
        %get3A_309 = arith.index_cast %get3A_307 : i32 to index
        %get3A_310 = arith.constant 32 : index
        %get3A_311 = tpu.vector_load %arg5[%get3A_308, %get3A_309, %get3A_310] {strides = array<i32>} : memref<2x2x128xi32, #tpu.memory_space<vmem>>, vector<1x1x16xi32>,
        %get3A_312 = vector.shape_cast %get3A_311 : vector<1x1x16xi32> to vector<16xi32>
        %sub3A_313 = vector.broadcast %mul3A_0 : i32 to vector<16xi32>
        %sub3A_314 = arith.subi %get3A_312, %sub3A_313 : vector<16xi32>
        %ge3A_315 = arith.constant 0 : i32
        %ge3A_316 = vector.broadcast %ge3A_315 : i32 to vector<16xi32>
        %ge3A_317 = arith.cmpi sge, %sub3A_314, %ge3A_316 : vector<16xi32>
        %lt3A_318 = arith.constant 5000 : i32
        %lt3A_319 = vector.broadcast %lt3A_318 : i32 to vector<16xi32>
        %lt3A_320 = arith.cmpi slt, %sub3A_314, %lt3A_319 : vector<16xi32>
        %and3A_321 = arith.andi %ge3A_317, %lt3A_320 : vector<16xi1>
        %select_n3A_322 = arith.select %and3A_321, %sub3A_314, %add3A_87 : vector<16xi1>, vector<16xi32>
        %swap3A_323 = arith.constant 1 : i32
        %swap3A_324 = arith.constant 0 : i32
        %swap3A_325 = arith.index_cast %swap3A_323 : i32 to index
        %swap3A_326 = arith.index_cast %swap3A_324 : i32 to index
        %swap3A_327 = arith.constant 32 : index
        %swap3A_328 = tpu.vector_load %arg5[%swap3A_325, %swap3A_326, %swap3A_327] {strides = array<i32>} : memref<2x2x128xi32, #tpu.memory_space<vmem>>, vector<1x1x16xi32>,
        %swap3A_329 = vector.shape_cast %swap3A_328 : vector<1x1x16xi32> to vector<16xi32>
        %swap3A_330 = vector.shape_cast %select_n3A_322 : vector<16xi32> to vector<1x1x16xi32>
        tpu.vector_store %arg5[%swap3A_325, %swap3A_326, %swap3A_327], %swap3A_330 {strides = array<i32>} : memref<2x2x128xi32, #tpu.memory_space<vmem>>, vector<1x1x16xi32>,
        %get3A_331 = arith.constant 1 : i32
        %get3A_332 = arith.constant 0 : i32
        %get3A_333 = arith.index_cast %get3A_331 : i32 to index
        %get3A_334 = arith.index_cast %get3A_332 : i32 to index
        %get3A_335 = arith.constant 48 : index
        %get3A_336 = tpu.vector_load %arg5[%get3A_333, %get3A_334, %get3A_335] {strides = array<i32>} : memref<2x2x128xi32, #tpu.memory_space<vmem>>, vector<1x1x16xi32>,
        %get3A_337 = vector.shape_cast %get3A_336 : vector<1x1x16xi32> to vector<16xi32>
        %sub3A_338 = vector.broadcast %mul3A_0 : i32 to vector<16xi32>
        %sub3A_339 = arith.subi %get3A_337, %sub3A_338 : vector<16xi32>
        %ge3A_340 = arith.constant 0 : i32
        %ge3A_341 = vector.broadcast %ge3A_340 : i32 to vector<16xi32>
        %ge3A_342 = arith.cmpi sge, %sub3A_339, %ge3A_341 : vector<16xi32>
        %lt3A_343 = arith.constant 5000 : i32
        %lt3A_344 = vector.broadcast %lt3A_343 : i32 to vector<16xi32>
        %lt3A_345 = arith.cmpi slt, %sub3A_339, %lt3A_344 : vector<16xi32>
        %and3A_346 = arith.andi %ge3A_342, %lt3A_345 : vector<16xi1>
        %select_n3A_347 = arith.select %and3A_346, %sub3A_339, %add3A_87 : vector<16xi1>, vector<16xi32>
        %swap3A_348 = arith.constant 1 : i32
        %swap3A_349 = arith.constant 0 : i32
        %swap3A_350 = arith.index_cast %swap3A_348 : i32 to index
        %swap3A_351 = arith.index_cast %swap3A_349 : i32 to index
        %swap3A_352 = arith.constant 48 : index
        %swap3A_353 = tpu.vector_load %arg5[%swap3A_350, %swap3A_351, %swap3A_352] {strides = array<i32>} : memref<2x2x128xi32, #tpu.memory_space<vmem>>, vector<1x1x16xi32>,
        %swap3A_354 = vector.shape_cast %swap3A_353 : vector<1x1x16xi32> to vector<16xi32>
        %swap3A_355 = vector.shape_cast %select_n3A_347 : vector<16xi32> to vector<1x1x16xi32>
        tpu.vector_store %arg5[%swap3A_350, %swap3A_351, %swap3A_352], %swap3A_355 {strides = array<i32>} : memref<2x2x128xi32, #tpu.memory_space<vmem>>, vector<1x1x16xi32>,
        %get3A_356 = arith.constant 1 : i32
        %get3A_357 = arith.constant 0 : i32
        %get3A_358 = arith.index_cast %get3A_356 : i32 to index
        %get3A_359 = arith.index_cast %get3A_357 : i32 to index
        %get3A_360 = arith.constant 64 : index
        %get3A_361 = tpu.vector_load %arg5[%get3A_358, %get3A_359, %get3A_360] {strides = array<i32>} : memref<2x2x128xi32, #tpu.memory_space<vmem>>, vector<1x1x16xi32>,
        %get3A_362 = vector.shape_cast %get3A_361 : vector<1x1x16xi32> to vector<16xi32>
        %sub3A_363 = vector.broadcast %mul3A_0 : i32 to vector<16xi32>
        %sub3A_364 = arith.subi %get3A_362, %sub3A_363 : vector<16xi32>
        %ge3A_365 = arith.constant 0 : i32
        %ge3A_366 = vector.broadcast %ge3A_365 : i32 to vector<16xi32>
        %ge3A_367 = arith.cmpi sge, %sub3A_364, %ge3A_366 : vector<16xi32>
        %lt3A_368 = arith.constant 5000 : i32
        %lt3A_369 = vector.broadcast %lt3A_368 : i32 to vector<16xi32>
        %lt3A_370 = arith.cmpi slt, %sub3A_364, %lt3A_369 : vector<16xi32>
        %and3A_371 = arith.andi %ge3A_367, %lt3A_370 : vector<16xi1>
        %select_n3A_372 = arith.select %and3A_371, %sub3A_364, %add3A_87 : vector<16xi1>, vector<16xi32>
        %swap3A_373 = arith.constant 1 : i32
        %swap3A_374 = arith.constant 0 : i32
        %swap3A_375 = arith.index_cast %swap3A_373 : i32 to index
        %swap3A_376 = arith.index_cast %swap3A_374 : i32 to index
        %swap3A_377 = arith.constant 64 : index
        %swap3A_378 = tpu.vector_load %arg5[%swap3A_375, %swap3A_376, %swap3A_377] {strides = array<i32>} : memref<2x2x128xi32, #tpu.memory_space<vmem>>, vector<1x1x16xi32>,
        %swap3A_379 = vector.shape_cast %swap3A_378 : vector<1x1x16xi32> to vector<16xi32>
        %swap3A_380 = vector.shape_cast %select_n3A_372 : vector<16xi32> to vector<1x1x16xi32>
        tpu.vector_store %arg5[%swap3A_375, %swap3A_376, %swap3A_377], %swap3A_380 {strides = array<i32>} : memref<2x2x128xi32, #tpu.memory_space<vmem>>, vector<1x1x16xi32>,
        %get3A_381 = arith.constant 1 : i32
        %get3A_382 = arith.constant 0 : i32
        %get3A_383 = arith.index_cast %get3A_381 : i32 to index
        %get3A_384 = arith.index_cast %get3A_382 : i32 to index
        %get3A_385 = arith.constant 80 : index
        %get3A_386 = tpu.vector_load %arg5[%get3A_383, %get3A_384, %get3A_385] {strides = array<i32>} : memref<2x2x128xi32, #tpu.memory_space<vmem>>, vector<1x1x16xi32>,
        %get3A_387 = vector.shape_cast %get3A_386 : vector<1x1x16xi32> to vector<16xi32>
        %sub3A_388 = vector.broadcast %mul3A_0 : i32 to vector<16xi32>
        %sub3A_389 = arith.subi %get3A_387, %sub3A_388 : vector<16xi32>
        %ge3A_390 = arith.constant 0 : i32
        %ge3A_391 = vector.broadcast %ge3A_390 : i32 to vector<16xi32>
        %ge3A_392 = arith.cmpi sge, %sub3A_389, %ge3A_391 : vector<16xi32>
        %lt3A_393 = arith.constant 5000 : i32
        %lt3A_394 = vector.broadcast %lt3A_393 : i32 to vector<16xi32>
        %lt3A_395 = arith.cmpi slt, %sub3A_389, %lt3A_394 : vector<16xi32>
        %and3A_396 = arith.andi %ge3A_392, %lt3A_395 : vector<16xi1>
        %select_n3A_397 = arith.select %and3A_396, %sub3A_389, %add3A_87 : vector<16xi1>, vector<16xi32>
        %swap3A_398 = arith.constant 1 : i32
        %swap3A_399 = arith.constant 0 : i32
        %swap3A_400 = arith.index_cast %swap3A_398 : i32 to index
        %swap3A_401 = arith.index_cast %swap3A_399 : i32 to index
        %swap3A_402 = arith.constant 80 : index
        %swap3A_403 = tpu.vector_load %arg5[%swap3A_400, %swap3A_401, %swap3A_402] {strides = array<i32>} : memref<2x2x128xi32, #tpu.memory_space<vmem>>, vector<1x1x16xi32>,
        %swap3A_404 = vector.shape_cast %swap3A_403 : vector<1x1x16xi32> to vector<16xi32>
        %swap3A_405 = vector.shape_cast %select_n3A_397 : vector<16xi32> to vector<1x1x16xi32>
        tpu.vector_store %arg5[%swap3A_400, %swap3A_401, %swap3A_402], %swap3A_405 {strides = array<i32>} : memref<2x2x128xi32, #tpu.memory_space<vmem>>, vector<1x1x16xi32>,
        %get3A_406 = arith.constant 1 : i32
        %get3A_407 = arith.constant 0 : i32
        %get3A_408 = arith.index_cast %get3A_406 : i32 to index
        %get3A_409 = arith.index_cast %get3A_407 : i32 to index
        %get3A_410 = arith.constant 96 : index
        %get3A_411 = tpu.vector_load %arg5[%get3A_408, %get3A_409, %get3A_410] {strides = array<i32>} : memref<2x2x128xi32, #tpu.memory_space<vmem>>, vector<1x1x16xi32>,
        %get3A_412 = vector.shape_cast %get3A_411 : vector<1x1x16xi32> to vector<16xi32>
        %sub3A_413 = vector.broadcast %mul3A_0 : i32 to vector<16xi32>
        %sub3A_414 = arith.subi %get3A_412, %sub3A_413 : vector<16xi32>
        %ge3A_415 = arith.constant 0 : i32
        %ge3A_416 = vector.broadcast %ge3A_415 : i32 to vector<16xi32>
        %ge3A_417 = arith.cmpi sge, %sub3A_414, %ge3A_416 : vector<16xi32>
        %lt3A_418 = arith.constant 5000 : i32
        %lt3A_419 = vector.broadcast %lt3A_418 : i32 to vector<16xi32>
        %lt3A_420 = arith.cmpi slt, %sub3A_414, %lt3A_419 : vector<16xi32>
        %and3A_421 = arith.andi %ge3A_417, %lt3A_420 : vector<16xi1>
        %select_n3A_422 = arith.select %and3A_421, %sub3A_414, %add3A_87 : vector<16xi1>, vector<16xi32>
        %swap3A_423 = arith.constant 1 : i32
        %swap3A_424 = arith.constant 0 : i32
        %swap3A_425 = arith.index_cast %swap3A_423 : i32 to index
        %swap3A_426 = arith.index_cast %swap3A_424 : i32 to index
        %swap3A_427 = arith.constant 96 : index
        %swap3A_428 = tpu.vector_load %arg5[%swap3A_425, %swap3A_426, %swap3A_427] {strides = array<i32>} : memref<2x2x128xi32, #tpu.memory_space<vmem>>, vector<1x1x16xi32>,
        %swap3A_429 = vector.shape_cast %swap3A_428 : vector<1x1x16xi32> to vector<16xi32>
        %swap3A_430 = vector.shape_cast %select_n3A_422 : vector<16xi32> to vector<1x1x16xi32>
        tpu.vector_store %arg5[%swap3A_425, %swap3A_426, %swap3A_427], %swap3A_430 {strides = array<i32>} : memref<2x2x128xi32, #tpu.memory_space<vmem>>, vector<1x1x16xi32>,
        %get3A_431 = arith.constant 1 : i32
        %get3A_432 = arith.constant 0 : i32
        %get3A_433 = arith.index_cast %get3A_431 : i32 to index
        %get3A_434 = arith.index_cast %get3A_432 : i32 to index
        %get3A_435 = arith.constant 112 : index
        %get3A_436 = tpu.vector_load %arg5[%get3A_433, %get3A_434, %get3A_435] {strides = array<i32>} : memref<2x2x128xi32, #tpu.memory_space<vmem>>, vector<1x1x16xi32>,
        %get3A_437 = vector.shape_cast %get3A_436 : vector<1x1x16xi32> to vector<16xi32>
        %sub3A_438 = vector.broadcast %mul3A_0 : i32 to vector<16xi32>
        %sub3A_439 = arith.subi %get3A_437, %sub3A_438 : vector<16xi32>
        %ge3A_440 = arith.constant 0 : i32
        %ge3A_441 = vector.broadcast %ge3A_440 : i32 to vector<16xi32>
        %ge3A_442 = arith.cmpi sge, %sub3A_439, %ge3A_441 : vector<16xi32>
        %lt3A_443 = arith.constant 5000 : i32
        %lt3A_444 = vector.broadcast %lt3A_443 : i32 to vector<16xi32>
        %lt3A_445 = arith.cmpi slt, %sub3A_439, %lt3A_444 : vector<16xi32>
        %and3A_446 = arith.andi %ge3A_442, %lt3A_445 : vector<16xi1>
        %select_n3A_447 = arith.select %and3A_446, %sub3A_439, %add3A_87 : vector<16xi1>, vector<16xi32>
        %swap3A_448 = arith.constant 1 : i32
        %swap3A_449 = arith.constant 0 : i32
        %swap3A_450 = arith.index_cast %swap3A_448 : i32 to index
        %swap3A_451 = arith.index_cast %swap3A_449 : i32 to index
        %swap3A_452 = arith.constant 112 : index
        %swap3A_453 = tpu.vector_load %arg5[%swap3A_450, %swap3A_451, %swap3A_452] {strides = array<i32>} : memref<2x2x128xi32, #tpu.memory_space<vmem>>, vector<1x1x16xi32>,
        %swap3A_454 = vector.shape_cast %swap3A_453 : vector<1x1x16xi32> to vector<16xi32>
        %swap3A_455 = vector.shape_cast %select_n3A_447 : vector<16xi32> to vector<1x1x16xi32>
        tpu.vector_store %arg5[%swap3A_450, %swap3A_451, %swap3A_452], %swap3A_455 {strides = array<i32>} : memref<2x2x128xi32, #tpu.memory_space<vmem>>, vector<1x1x16xi32>,
        %get3A_456 = arith.constant 1 : i32
        %get3A_457 = arith.constant 1 : i32
        %get3A_458 = arith.index_cast %get3A_456 : i32 to index
        %get3A_459 = arith.index_cast %get3A_457 : i32 to index
        %get3A_460 = arith.constant 0 : index
        %get3A_461 = tpu.vector_load %arg5[%get3A_458, %get3A_459, %get3A_460] {strides = array<i32>} : memref<2x2x128xi32, #tpu.memory_space<vmem>>, vector<1x1x16xi32>,
        %get3A_462 = vector.shape_cast %get3A_461 : vector<1x1x16xi32> to vector<16xi32>
        %sub3A_463 = vector.broadcast %mul3A_0 : i32 to vector<16xi32>
        %sub3A_464 = arith.subi %get3A_462, %sub3A_463 : vector<16xi32>
        %ge3A_465 = arith.constant 0 : i32
        %ge3A_466 = vector.broadcast %ge3A_465 : i32 to vector<16xi32>
        %ge3A_467 = arith.cmpi sge, %sub3A_464, %ge3A_466 : vector<16xi32>
        %lt3A_468 = arith.constant 5000 : i32
        %lt3A_469 = vector.broadcast %lt3A_468 : i32 to vector<16xi32>
        %lt3A_470 = arith.cmpi slt, %sub3A_464, %lt3A_469 : vector<16xi32>
        %and3A_471 = arith.andi %ge3A_467, %lt3A_470 : vector<16xi1>
        %select_n3A_472 = arith.select %and3A_471, %sub3A_464, %add3A_87 : vector<16xi1>, vector<16xi32>
        %swap3A_473 = arith.constant 1 : i32
        %swap3A_474 = arith.constant 1 : i32
        %swap3A_475 = arith.index_cast %swap3A_473 : i32 to index
        %swap3A_476 = arith.index_cast %swap3A_474 : i32 to index
        %swap3A_477 = arith.constant 0 : index
        %swap3A_478 = tpu.vector_load %arg5[%swap3A_475, %swap3A_476, %swap3A_477] {strides = array<i32>} : memref<2x2x128xi32, #tpu.memory_space<vmem>>, vector<1x1x16xi32>,
        %swap3A_479 = vector.shape_cast %swap3A_478 : vector<1x1x16xi32> to vector<16xi32>
        %swap3A_480 = vector.shape_cast %select_n3A_472 : vector<16xi32> to vector<1x1x16xi32>
        tpu.vector_store %arg5[%swap3A_475, %swap3A_476, %swap3A_477], %swap3A_480 {strides = array<i32>} : memref<2x2x128xi32, #tpu.memory_space<vmem>>, vector<1x1x16xi32>,
        %get3A_481 = arith.constant 1 : i32
        %get3A_482 = arith.constant 1 : i32
        %get3A_483 = arith.index_cast %get3A_481 : i32 to index
        %get3A_484 = arith.index_cast %get3A_482 : i32 to index
        %get3A_485 = arith.constant 16 : index
        %get3A_486 = tpu.vector_load %arg5[%get3A_483, %get3A_484, %get3A_485] {strides = array<i32>} : memref<2x2x128xi32, #tpu.memory_space<vmem>>, vector<1x1x16xi32>,
        %get3A_487 = vector.shape_cast %get3A_486 : vector<1x1x16xi32> to vector<16xi32>
        %sub3A_488 = vector.broadcast %mul3A_0 : i32 to vector<16xi32>
        %sub3A_489 = arith.subi %get3A_487, %sub3A_488 : vector<16xi32>
        %ge3A_490 = arith.constant 0 : i32
        %ge3A_491 = vector.broadcast %ge3A_490 : i32 to vector<16xi32>
        %ge3A_492 = arith.cmpi sge, %sub3A_489, %ge3A_491 : vector<16xi32>
        %lt3A_493 = arith.constant 5000 : i32
        %lt3A_494 = vector.broadcast %lt3A_493 : i32 to vector<16xi32>
        %lt3A_495 = arith.cmpi slt, %sub3A_489, %lt3A_494 : vector<16xi32>
        %and3A_496 = arith.andi %ge3A_492, %lt3A_495 : vector<16xi1>
        %select_n3A_497 = arith.select %and3A_496, %sub3A_489, %add3A_87 : vector<16xi1>, vector<16xi32>
        %swap3A_498 = arith.constant 1 : i32
        %swap3A_499 = arith.constant 1 : i32
        %swap3A_500 = arith.index_cast %swap3A_498 : i32 to index
        %swap3A_501 = arith.index_cast %swap3A_499 : i32 to index
        %swap3A_502 = arith.constant 16 : index
        %swap3A_503 = tpu.vector_load %arg5[%swap3A_500, %swap3A_501, %swap3A_502] {strides = array<i32>} : memref<2x2x128xi32, #tpu.memory_space<vmem>>, vector<1x1x16xi32>,
        %swap3A_504 = vector.shape_cast %swap3A_503 : vector<1x1x16xi32> to vector<16xi32>
        %swap3A_505 = vector.shape_cast %select_n3A_497 : vector<16xi32> to vector<1x1x16xi32>
        tpu.vector_store %arg5[%swap3A_500, %swap3A_501, %swap3A_502], %swap3A_505 {strides = array<i32>} : memref<2x2x128xi32, #tpu.memory_space<vmem>>, vector<1x1x16xi32>,
        %get3A_506 = arith.constant 1 : i32
        %get3A_507 = arith.constant 1 : i32
        %get3A_508 = arith.index_cast %get3A_506 : i32 to index
        %get3A_509 = arith.index_cast %get3A_507 : i32 to index
        %get3A_510 = arith.constant 32 : index
        %get3A_511 = tpu.vector_load %arg5[%get3A_508, %get3A_509, %get3A_510] {strides = array<i32>} : memref<2x2x128xi32, #tpu.memory_space<vmem>>, vector<1x1x16xi32>,
        %get3A_512 = vector.shape_cast %get3A_511 : vector<1x1x16xi32> to vector<16xi32>
        %sub3A_513 = vector.broadcast %mul3A_0 : i32 to vector<16xi32>
        %sub3A_514 = arith.subi %get3A_512, %sub3A_513 : vector<16xi32>
        %ge3A_515 = arith.constant 0 : i32
        %ge3A_516 = vector.broadcast %ge3A_515 : i32 to vector<16xi32>
        %ge3A_517 = arith.cmpi sge, %sub3A_514, %ge3A_516 : vector<16xi32>
        %lt3A_518 = arith.constant 5000 : i32
        %lt3A_519 = vector.broadcast %lt3A_518 : i32 to vector<16xi32>
        %lt3A_520 = arith.cmpi slt, %sub3A_514, %lt3A_519 : vector<16xi32>
        %and3A_521 = arith.andi %ge3A_517, %lt3A_520 : vector<16xi1>
        %select_n3A_522 = arith.select %and3A_521, %sub3A_514, %add3A_87 : vector<16xi1>, vector<16xi32>
        %swap3A_523 = arith.constant 1 : i32
        %swap3A_524 = arith.constant 1 : i32
        %swap3A_525 = arith.index_cast %swap3A_523 : i32 to index
        %swap3A_526 = arith.index_cast %swap3A_524 : i32 to index
        %swap3A_527 = arith.constant 32 : index
        %swap3A_528 = tpu.vector_load %arg5[%swap3A_525, %swap3A_526, %swap3A_527] {strides = array<i32>} : memref<2x2x128xi32, #tpu.memory_space<vmem>>, vector<1x1x16xi32>,
        %swap3A_529 = vector.shape_cast %swap3A_528 : vector<1x1x16xi32> to vector<16xi32>
        %swap3A_530 = vector.shape_cast %select_n3A_522 : vector<16xi32> to vector<1x1x16xi32>
        tpu.vector_store %arg5[%swap3A_525, %swap3A_526, %swap3A_527], %swap3A_530 {strides = array<i32>} : memref<2x2x128xi32, #tpu.memory_space<vmem>>, vector<1x1x16xi32>,
        %get3A_531 = arith.constant 1 : i32
        %get3A_532 = arith.constant 1 : i32
        %get3A_533 = arith.index_cast %get3A_531 : i32 to index
        %get3A_534 = arith.index_cast %get3A_532 : i32 to index
        %get3A_535 = arith.constant 48 : index
        %get3A_536 = tpu.vector_load %arg5[%get3A_533, %get3A_534, %get3A_535] {strides = array<i32>} : memref<2x2x128xi32, #tpu.memory_space<vmem>>, vector<1x1x16xi32>,
        %get3A_537 = vector.shape_cast %get3A_536 : vector<1x1x16xi32> to vector<16xi32>
        %sub3A_538 = vector.broadcast %mul3A_0 : i32 to vector<16xi32>
        %sub3A_539 = arith.subi %get3A_537, %sub3A_538 : vector<16xi32>
        %ge3A_540 = arith.constant 0 : i32
        %ge3A_541 = vector.broadcast %ge3A_540 : i32 to vector<16xi32>
        %ge3A_542 = arith.cmpi sge, %sub3A_539, %ge3A_541 : vector<16xi32>
        %lt3A_543 = arith.constant 5000 : i32
        %lt3A_544 = vector.broadcast %lt3A_543 : i32 to vector<16xi32>
        %lt3A_545 = arith.cmpi slt, %sub3A_539, %lt3A_544 : vector<16xi32>
        %and3A_546 = arith.andi %ge3A_542, %lt3A_545 : vector<16xi1>
        %select_n3A_547 = arith.select %and3A_546, %sub3A_539, %add3A_87 : vector<16xi1>, vector<16xi32>
        %swap3A_548 = arith.constant 1 : i32
        %swap3A_549 = arith.constant 1 : i32
        %swap3A_550 = arith.index_cast %swap3A_548 : i32 to index
        %swap3A_551 = arith.index_cast %swap3A_549 : i32 to index
        %swap3A_552 = arith.constant 48 : index
        %swap3A_553 = tpu.vector_load %arg5[%swap3A_550, %swap3A_551, %swap3A_552] {strides = array<i32>} : memref<2x2x128xi32, #tpu.memory_space<vmem>>, vector<1x1x16xi32>,
        %swap3A_554 = vector.shape_cast %swap3A_553 : vector<1x1x16xi32> to vector<16xi32>
        %swap3A_555 = vector.shape_cast %select_n3A_547 : vector<16xi32> to vector<1x1x16xi32>
        tpu.vector_store %arg5[%swap3A_550, %swap3A_551, %swap3A_552], %swap3A_555 {strides = array<i32>} : memref<2x2x128xi32, #tpu.memory_space<vmem>>, vector<1x1x16xi32>,
        %get3A_556 = arith.constant 1 : i32
        %get3A_557 = arith.constant 1 : i32
        %get3A_558 = arith.index_cast %get3A_556 : i32 to index
        %get3A_559 = arith.index_cast %get3A_557 : i32 to index
        %get3A_560 = arith.constant 64 : index
        %get3A_561 = tpu.vector_load %arg5[%get3A_558, %get3A_559, %get3A_560] {strides = array<i32>} : memref<2x2x128xi32, #tpu.memory_space<vmem>>, vector<1x1x16xi32>,
        %get3A_562 = vector.shape_cast %get3A_561 : vector<1x1x16xi32> to vector<16xi32>
        %sub3A_563 = vector.broadcast %mul3A_0 : i32 to vector<16xi32>
        %sub3A_564 = arith.subi %get3A_562, %sub3A_563 : vector<16xi32>
        %ge3A_565 = arith.constant 0 : i32
        %ge3A_566 = vector.broadcast %ge3A_565 : i32 to vector<16xi32>
        %ge3A_567 = arith.cmpi sge, %sub3A_564, %ge3A_566 : vector<16xi32>
        %lt3A_568 = arith.constant 5000 : i32
        %lt3A_569 = vector.broadcast %lt3A_568 : i32 to vector<16xi32>
        %lt3A_570 = arith.cmpi slt, %sub3A_564, %lt3A_569 : vector<16xi32>
        %and3A_571 = arith.andi %ge3A_567, %lt3A_570 : vector<16xi1>
        %select_n3A_572 = arith.select %and3A_571, %sub3A_564, %add3A_87 : vector<16xi1>, vector<16xi32>
        %swap3A_573 = arith.constant 1 : i32
        %swap3A_574 = arith.constant 1 : i32
        %swap3A_575 = arith.index_cast %swap3A_573 : i32 to index
        %swap3A_576 = arith.index_cast %swap3A_574 : i32 to index
        %swap3A_577 = arith.constant 64 : index
        %swap3A_578 = tpu.vector_load %arg5[%swap3A_575, %swap3A_576, %swap3A_577] {strides = array<i32>} : memref<2x2x128xi32, #tpu.memory_space<vmem>>, vector<1x1x16xi32>,
        %swap3A_579 = vector.shape_cast %swap3A_578 : vector<1x1x16xi32> to vector<16xi32>
        %swap3A_580 = vector.shape_cast %select_n3A_572 : vector<16xi32> to vector<1x1x16xi32>
        tpu.vector_store %arg5[%swap3A_575, %swap3A_576, %swap3A_577], %swap3A_580 {strides = array<i32>} : memref<2x2x128xi32, #tpu.memory_space<vmem>>, vector<1x1x16xi32>,
        %get3A_581 = arith.constant 1 : i32
        %get3A_582 = arith.constant 1 : i32
        %get3A_583 = arith.index_cast %get3A_581 : i32 to index
        %get3A_584 = arith.index_cast %get3A_582 : i32 to index
        %get3A_585 = arith.constant 80 : index
        %get3A_586 = tpu.vector_load %arg5[%get3A_583, %get3A_584, %get3A_585] {strides = array<i32>} : memref<2x2x128xi32, #tpu.memory_space<vmem>>, vector<1x1x16xi32>,
        %get3A_587 = vector.shape_cast %get3A_586 : vector<1x1x16xi32> to vector<16xi32>
        %sub3A_588 = vector.broadcast %mul3A_0 : i32 to vector<16xi32>
        %sub3A_589 = arith.subi %get3A_587, %sub3A_588 : vector<16xi32>
        %ge3A_590 = arith.constant 0 : i32
        %ge3A_591 = vector.broadcast %ge3A_590 : i32 to vector<16xi32>
        %ge3A_592 = arith.cmpi sge, %sub3A_589, %ge3A_591 : vector<16xi32>
        %lt3A_593 = arith.constant 5000 : i32
        %lt3A_594 = vector.broadcast %lt3A_593 : i32 to vector<16xi32>
        %lt3A_595 = arith.cmpi slt, %sub3A_589, %lt3A_594 : vector<16xi32>
        %and3A_596 = arith.andi %ge3A_592, %lt3A_595 : vector<16xi1>
        %select_n3A_597 = arith.select %and3A_596, %sub3A_589, %add3A_87 : vector<16xi1>, vector<16xi32>
        %swap3A_598 = arith.constant 1 : i32
        %swap3A_599 = arith.constant 1 : i32
        %swap3A_600 = arith.index_cast %swap3A_598 : i32 to index
        %swap3A_601 = arith.index_cast %swap3A_599 : i32 to index
        %swap3A_602 = arith.constant 80 : index
        %swap3A_603 = tpu.vector_load %arg5[%swap3A_600, %swap3A_601, %swap3A_602] {strides = array<i32>} : memref<2x2x128xi32, #tpu.memory_space<vmem>>, vector<1x1x16xi32>,
        %swap3A_604 = vector.shape_cast %swap3A_603 : vector<1x1x16xi32> to vector<16xi32>
        %swap3A_605 = vector.shape_cast %select_n3A_597 : vector<16xi32> to vector<1x1x16xi32>
        tpu.vector_store %arg5[%swap3A_600, %swap3A_601, %swap3A_602], %swap3A_605 {strides = array<i32>} : memref<2x2x128xi32, #tpu.memory_space<vmem>>, vector<1x1x16xi32>,
        %get3A_606 = arith.constant 1 : i32
        %get3A_607 = arith.constant 1 : i32
        %get3A_608 = arith.index_cast %get3A_606 : i32 to index
        %get3A_609 = arith.index_cast %get3A_607 : i32 to index
        %get3A_610 = arith.constant 96 : index
        %get3A_611 = tpu.vector_load %arg5[%get3A_608, %get3A_609, %get3A_610] {strides = array<i32>} : memref<2x2x128xi32, #tpu.memory_space<vmem>>, vector<1x1x16xi32>,
        %get3A_612 = vector.shape_cast %get3A_611 : vector<1x1x16xi32> to vector<16xi32>
        %sub3A_613 = vector.broadcast %mul3A_0 : i32 to vector<16xi32>
        %sub3A_614 = arith.subi %get3A_612, %sub3A_613 : vector<16xi32>
        %ge3A_615 = arith.constant 0 : i32
        %ge3A_616 = vector.broadcast %ge3A_615 : i32 to vector<16xi32>
        %ge3A_617 = arith.cmpi sge, %sub3A_614, %ge3A_616 : vector<16xi32>
        %lt3A_618 = arith.constant 5000 : i32
        %lt3A_619 = vector.broadcast %lt3A_618 : i32 to vector<16xi32>
        %lt3A_620 = arith.cmpi slt, %sub3A_614, %lt3A_619 : vector<16xi32>
        %and3A_621 = arith.andi %ge3A_617, %lt3A_620 : vector<16xi1>
        %select_n3A_622 = arith.select %and3A_621, %sub3A_614, %add3A_87 : vector<16xi1>, vector<16xi32>
        %swap3A_623 = arith.constant 1 : i32
        %swap3A_624 = arith.constant 1 : i32
        %swap3A_625 = arith.index_cast %swap3A_623 : i32 to index
        %swap3A_626 = arith.index_cast %swap3A_624 : i32 to index
        %swap3A_627 = arith.constant 96 : index
        %swap3A_628 = tpu.vector_load %arg5[%swap3A_625, %swap3A_626, %swap3A_627] {strides = array<i32>} : memref<2x2x128xi32, #tpu.memory_space<vmem>>, vector<1x1x16xi32>,
        %swap3A_629 = vector.shape_cast %swap3A_628 : vector<1x1x16xi32> to vector<16xi32>
        %swap3A_630 = vector.shape_cast %select_n3A_622 : vector<16xi32> to vector<1x1x16xi32>
        tpu.vector_store %arg5[%swap3A_625, %swap3A_626, %swap3A_627], %swap3A_630 {strides = array<i32>} : memref<2x2x128xi32, #tpu.memory_space<vmem>>, vector<1x1x16xi32>,
        %get3A_631 = arith.constant 1 : i32
        %get3A_632 = arith.constant 1 : i32
        %get3A_633 = arith.index_cast %get3A_631 : i32 to index
        %get3A_634 = arith.index_cast %get3A_632 : i32 to index
        %get3A_635 = arith.constant 112 : index
        %get3A_636 = tpu.vector_load %arg5[%get3A_633, %get3A_634, %get3A_635] {strides = array<i32>} : memref<2x2x128xi32, #tpu.memory_space<vmem>>, vector<1x1x16xi32>,
        %get3A_637 = vector.shape_cast %get3A_636 : vector<1x1x16xi32> to vector<16xi32>
        %sub3A_638 = vector.broadcast %mul3A_0 : i32 to vector<16xi32>
        %sub3A_639 = arith.subi %get3A_637, %sub3A_638 : vector<16xi32>
        %ge3A_640 = arith.constant 0 : i32
        %ge3A_641 = vector.broadcast %ge3A_640 : i32 to vector<16xi32>
        %ge3A_642 = arith.cmpi sge, %sub3A_639, %ge3A_641 : vector<16xi32>
        %lt3A_643 = arith.constant 5000 : i32
        %lt3A_644 = vector.broadcast %lt3A_643 : i32 to vector<16xi32>
        %lt3A_645 = arith.cmpi slt, %sub3A_639, %lt3A_644 : vector<16xi32>
        %and3A_646 = arith.andi %ge3A_642, %lt3A_645 : vector<16xi1>
        %select_n3A_647 = arith.select %and3A_646, %sub3A_639, %add3A_87 : vector<16xi1>, vector<16xi32>
        %swap3A_648 = arith.constant 1 : i32
        %swap3A_649 = arith.constant 1 : i32
        %swap3A_650 = arith.index_cast %swap3A_648 : i32 to index
        %swap3A_651 = arith.index_cast %swap3A_649 : i32 to index
        %swap3A_652 = arith.constant 112 : index
        %swap3A_653 = tpu.vector_load %arg5[%swap3A_650, %swap3A_651, %swap3A_652] {strides = array<i32>} : memref<2x2x128xi32, #tpu.memory_space<vmem>>, vector<1x1x16xi32>,
        %swap3A_654 = vector.shape_cast %swap3A_653 : vector<1x1x16xi32> to vector<16xi32>
        %swap3A_655 = vector.shape_cast %select_n3A_647 : vector<16xi32> to vector<1x1x16xi32>
        tpu.vector_store %arg5[%swap3A_650, %swap3A_651, %swap3A_652], %swap3A_655 {strides = array<i32>} : memref<2x2x128xi32, #tpu.memory_space<vmem>>, vector<1x1x16xi32>,
        %dma_start3A_656 = arith.constant 1 : i32
        %dma_start3A_657 = arith.constant 1 : i32
        %dma_start3A_658 = arith.constant 0 : i32
        %dma_start3A_659 = arith.constant 0 : i32
        %dma_start3A_660 = arith.constant 0 : i32
        %dma_start3A_661 = tpu.memref_slice %arg6[%dma_start3A_656, %dma_start3A_659, %dma_start3A_660] : memref<2x256x128xf32, #tpu.memory_space<vmem>> -> memref<1x256x128xf32, #tpu.memory_space<vmem>>
        %dma_start3A_662 = tpu.memref_squeeze %dma_start3A_661 : memref<1x256x128xf32, #tpu.memory_space<vmem>> -> memref<256x128xf32, #tpu.memory_space<vmem>>
        %dma_start3A_663 = arith.constant 0 : i32
        %dma_start3A_664 = arith.constant 0 : i32
        %dma_start3A_665 = tpu.memref_slice %dma_start3A_662[%dma_start3A_663, %dma_start3A_664] : memref<256x128xf32, #tpu.memory_space<vmem>> -> memref<128x128xf32, #tpu.memory_space<vmem>>
        %dma_start3A_666 = arith.constant 0 : i32
        %dma_start3A_667 = arith.constant 0 : i32
        %dma_start3A_668 = tpu.memref_slice %arg5[%dma_start3A_657, %dma_start3A_666, %dma_start3A_667] : memref<2x2x128xi32, #tpu.memory_space<vmem>> -> memref<1x2x128xi32, #tpu.memory_space<vmem>>
        %dma_start3A_669 = tpu.memref_squeeze %dma_start3A_668 : memref<1x2x128xi32, #tpu.memory_space<vmem>> -> memref<2x128xi32, #tpu.memory_space<vmem>>
        %dma_start3A_670 = arith.constant 0 : i32
        %dma_start3A_671 = tpu.memref_slice %dma_start3A_669[%dma_start3A_658, %dma_start3A_670] : memref<2x128xi32, #tpu.memory_space<vmem>> -> memref<1x128xi32, #tpu.memory_space<vmem>>
        %dma_start3A_672 = tpu.memref_squeeze %dma_start3A_671 : memref<1x128xi32, #tpu.memory_space<vmem>> -> memref<128xi32, #tpu.memory_space<vmem>>
        %dma_start3A_673 = arith.constant 0 : i32
        %dma_start3A_674 = arith.constant 0 : i32
        %dma_start3A_675 = tpu.memref_slice %arg7[%dma_start3A_673, %dma_start3A_674] : memref<5016x128xf32, #tpu.memory_space<vmem_shared>> -> memref<5016x128xf32, #tpu.memory_space<vmem_shared>>
        tpu.enqueue_indirect_dma source(%dma_start3A_665 : memref<128x128xf32, #tpu.memory_space<vmem>>) target(%dma_start3A_675 : memref<5016x128xf32, #tpu.memory_space<vmem_shared>>) offsets(%dma_start3A_672 : memref<128xi32, #tpu.memory_space<vmem>>) semaphore(%arg12 : memref<!tpu.dma_semaphore, #tpu.memory_space<semaphore_mem>>) {add = true}
        %dma_start3A_676 = arith.constant 1 : i32
        %dma_start3A_677 = arith.constant 1 : i32
        %dma_start3A_678 = arith.constant 1 : i32
        %dma_start3A_679 = arith.constant 0 : i32
        %dma_start3A_680 = arith.constant 0 : i32
        %dma_start3A_681 = tpu.memref_slice %arg6[%dma_start3A_676, %dma_start3A_679, %dma_start3A_680] : memref<2x256x128xf32, #tpu.memory_space<vmem>> -> memref<1x256x128xf32, #tpu.memory_space<vmem>>
        %dma_start3A_682 = tpu.memref_squeeze %dma_start3A_681 : memref<1x256x128xf32, #tpu.memory_space<vmem>> -> memref<256x128xf32, #tpu.memory_space<vmem>>
        %dma_start3A_683 = arith.constant 128 : i32
        %dma_start3A_684 = arith.constant 0 : i32
        %dma_start3A_685 = tpu.memref_slice %dma_start3A_682[%dma_start3A_683, %dma_start3A_684] : memref<256x128xf32, #tpu.memory_space<vmem>> -> memref<128x128xf32, #tpu.memory_space<vmem>>
        %dma_start3A_686 = arith.constant 0 : i32
        %dma_start3A_687 = arith.constant 0 : i32
        %dma_start3A_688 = tpu.memref_slice %arg5[%dma_start3A_677, %dma_start3A_686, %dma_start3A_687] : memref<2x2x128xi32, #tpu.memory_space<vmem>> -> memref<1x2x128xi32, #tpu.memory_space<vmem>>
        %dma_start3A_689 = tpu.memref_squeeze %dma_start3A_688 : memref<1x2x128xi32, #tpu.memory_space<vmem>> -> memref<2x128xi32, #tpu.memory_space<vmem>>
        %dma_start3A_690 = arith.constant 0 : i32
        %dma_start3A_691 = tpu.memref_slice %dma_start3A_689[%dma_start3A_678, %dma_start3A_690] : memref<2x128xi32, #tpu.memory_space<vmem>> -> memref<1x128xi32, #tpu.memory_space<vmem>>
        %dma_start3A_692 = tpu.memref_squeeze %dma_start3A_691 : memref<1x128xi32, #tpu.memory_space<vmem>> -> memref<128xi32, #tpu.memory_space<vmem>>
        %dma_start3A_693 = arith.constant 0 : i32
        %dma_start3A_694 = arith.constant 0 : i32
        %dma_start3A_695 = tpu.memref_slice %arg7[%dma_start3A_693, %dma_start3A_694] : memref<5016x128xf32, #tpu.memory_space<vmem_shared>> -> memref<5016x128xf32, #tpu.memory_space<vmem_shared>>
        tpu.enqueue_indirect_dma source(%dma_start3A_685 : memref<128x128xf32, #tpu.memory_space<vmem>>) target(%dma_start3A_695 : memref<5016x128xf32, #tpu.memory_space<vmem_shared>>) offsets(%dma_start3A_692 : memref<128xi32, #tpu.memory_space<vmem>>) semaphore(%arg12 : memref<!tpu.dma_semaphore, #tpu.memory_space<semaphore_mem>>) {add = true}
      } else {
      }
      %add3A_214 = arith.constant 2 : i32
      %add3A_215 = arith.addi %add3A_209, %add3A_214 : i32
      %lt3A_216 = arith.cmpi slt, %add3A_215, %select_n3A : i32
      %convert_element_type3A_217 = arith.extui %lt3A_216 : i1 to i32
      %cond3A_218 = arith.constant 0 : i32
      %cond3A_219 = arith.cmpi ne, %convert_element_type3A_217, %cond3A_218 : i32
      scf.if %cond3A_219 {
        %dma_wait3A_226 = arith.constant 1 : i32
        %dma_wait3A_227 = arith.constant 1 : i32
        %dma_wait3A_228 = arith.constant 0 : i32
        %dma_wait3A_229 = arith.constant 0 : i32
        %dma_wait3A_230 = arith.constant 0 : i32
        %dma_wait3A_231 = tpu.memref_slice %arg6[%dma_wait3A_226, %dma_wait3A_229, %dma_wait3A_230] : memref<2x256x128xf32, #tpu.memory_space<vmem>> -> memref<1x256x128xf32, #tpu.memory_space<vmem>>
        %dma_wait3A_232 = tpu.memref_squeeze %dma_wait3A_231 : memref<1x256x128xf32, #tpu.memory_space<vmem>> -> memref<256x128xf32, #tpu.memory_space<vmem>>
        %dma_wait3A_233 = arith.constant 0 : i32
        %dma_wait3A_234 = arith.constant 0 : i32
        %dma_wait3A_235 = tpu.memref_slice %dma_wait3A_232[%dma_wait3A_233, %dma_wait3A_234] : memref<256x128xf32, #tpu.memory_space<vmem>> -> memref<128x128xf32, #tpu.memory_space<vmem>>
        %dma_wait3A_236 = arith.constant 0 : i32
        %dma_wait3A_237 = arith.constant 0 : i32
        %dma_wait3A_238 = tpu.memref_slice %arg5[%dma_wait3A_227, %dma_wait3A_236, %dma_wait3A_237] : memref<2x2x128xi32, #tpu.memory_space<vmem>> -> memref<1x2x128xi32, #tpu.memory_space<vmem>>
        %dma_wait3A_239 = tpu.memref_squeeze %dma_wait3A_238 : memref<1x2x128xi32, #tpu.memory_space<vmem>> -> memref<2x128xi32, #tpu.memory_space<vmem>>
        %dma_wait3A_240 = arith.constant 0 : i32
        %dma_wait3A_241 = tpu.memref_slice %dma_wait3A_239[%dma_wait3A_228, %dma_wait3A_240] : memref<2x128xi32, #tpu.memory_space<vmem>> -> memref<1x128xi32, #tpu.memory_space<vmem>>
        %dma_wait3A_242 = tpu.memref_squeeze %dma_wait3A_241 : memref<1x128xi32, #tpu.memory_space<vmem>> -> memref<128xi32, #tpu.memory_space<vmem>>
        %dma_wait3A_243 = arith.constant 0 : i32
        %dma_wait3A_244 = arith.constant 0 : i32
        %dma_wait3A_245 = tpu.memref_slice %arg7[%dma_wait3A_243, %dma_wait3A_244] : memref<5016x128xf32, #tpu.memory_space<vmem_shared>> -> memref<5016x128xf32, #tpu.memory_space<vmem_shared>>
        tpu.wait_indirect_dma semaphore(%arg12 : memref<!tpu.dma_semaphore, #tpu.memory_space<semaphore_mem>>) src(%dma_wait3A_235 : memref<128x128xf32, #tpu.memory_space<vmem>>) dst(%dma_wait3A_245 : memref<5016x128xf32, #tpu.memory_space<vmem_shared>>)
        %dma_wait3A_246 = arith.constant 1 : i32
        %dma_wait3A_247 = arith.constant 1 : i32
        %dma_wait3A_248 = arith.constant 1 : i32
        %dma_wait3A_249 = arith.constant 0 : i32
        %dma_wait3A_250 = arith.constant 0 : i32
        %dma_wait3A_251 = tpu.memref_slice %arg6[%dma_wait3A_246, %dma_wait3A_249, %dma_wait3A_250] : memref<2x256x128xf32, #tpu.memory_space<vmem>> -> memref<1x256x128xf32, #tpu.memory_space<vmem>>
        %dma_wait3A_252 = tpu.memref_squeeze %dma_wait3A_251 : memref<1x256x128xf32, #tpu.memory_space<vmem>> -> memref<256x128xf32, #tpu.memory_space<vmem>>
        %dma_wait3A_253 = arith.constant 128 : i32
        %dma_wait3A_254 = arith.constant 0 : i32
        %dma_wait3A_255 = tpu.memref_slice %dma_wait3A_252[%dma_wait3A_253, %dma_wait3A_254] : memref<256x128xf32, #tpu.memory_space<vmem>> -> memref<128x128xf32, #tpu.memory_space<vmem>>
        %dma_wait3A_256 = arith.constant 0 : i32
        %dma_wait3A_257 = arith.constant 0 : i32
        %dma_wait3A_258 = tpu.memref_slice %arg5[%dma_wait3A_247, %dma_wait3A_256, %dma_wait3A_257] : memref<2x2x128xi32, #tpu.memory_space<vmem>> -> memref<1x2x128xi32, #tpu.memory_space<vmem>>
        %dma_wait3A_259 = tpu.memref_squeeze %dma_wait3A_258 : memref<1x2x128xi32, #tpu.memory_space<vmem>> -> memref<2x128xi32, #tpu.memory_space<vmem>>
        %dma_wait3A_260 = arith.constant 0 : i32
        %dma_wait3A_261 = tpu.memref_slice %dma_wait3A_259[%dma_wait3A_248, %dma_wait3A_260] : memref<2x128xi32, #tpu.memory_space<vmem>> -> memref<1x128xi32, #tpu.memory_space<vmem>>
        %dma_wait3A_262 = tpu.memref_squeeze %dma_wait3A_261 : memref<1x128xi32, #tpu.memory_space<vmem>> -> memref<128xi32, #tpu.memory_space<vmem>>
        %dma_wait3A_263 = arith.constant 0 : i32
        %dma_wait3A_264 = arith.constant 0 : i32
        %dma_wait3A_265 = tpu.memref_slice %arg7[%dma_wait3A_263, %dma_wait3A_264] : memref<5016x128xf32, #tpu.memory_space<vmem_shared>> -> memref<5016x128xf32, #tpu.memory_space<vmem_shared>>
        tpu.wait_indirect_dma semaphore(%arg12 : memref<!tpu.dma_semaphore, #tpu.memory_space<semaphore_mem>>) src(%dma_wait3A_255 : memref<128x128xf32, #tpu.memory_space<vmem>>) dst(%dma_wait3A_265 : memref<5016x128xf32, #tpu.memory_space<vmem_shared>>)
      } else {
      }
      %add3A_220 = arith.constant 2 : i32
      %add3A_221 = arith.addi %add3A_209, %add3A_220 : i32
      %lt3A_222 = arith.cmpi slt, %add3A_221, %select_n3A : i32
      %convert_element_type3A_223 = arith.extui %lt3A_222 : i1 to i32
      %cond3A_224 = arith.constant 0 : i32
      %cond3A_225 = arith.cmpi ne, %convert_element_type3A_223, %cond3A_224 : i32
      scf.if %cond3A_225 {
        %add3A_226 = arith.constant 2 : i32
        %add3A_227 = arith.addi %add3A_209, %add3A_226 : i32
        %mul3A_228 = arith.constant 16 : i32
        %mul3A_229 = arith.muli %add3A_227, %mul3A_228 : i32
        %add3A_230 = arith.addi %mul3A_229, %arg1 : i32
        %dma_start3A_231 = arith.constant 1 : i32
        %dma_start3A_232 = arith.constant 0 : i32
        %dma_start3A_233 = arith.constant 0 : i32
        %dma_start3A_234 = tpu.memref_slice %arg5[%dma_start3A_231, %dma_start3A_232, %dma_start3A_233] : memref<2x2x128xi32, #tpu.memory_space<vmem>> -> memref<1x2x128xi32, #tpu.memory_space<vmem>>
        %dma_start3A_235 = tpu.memref_squeeze %dma_start3A_234 : memref<1x2x128xi32, #tpu.memory_space<vmem>> -> memref<2x128xi32, #tpu.memory_space<vmem>>
        %dma_start3A_236 = arith.constant 0 : i32
        %dma_start3A_237 = arith.constant 0 : i32
        %dma_start3A_238 = tpu.memref_slice %arg3[%add3A_230, %dma_start3A_236, %dma_start3A_237] : memref<625x2x128xi32, #tpu.memory_space<hbm>> -> memref<1x2x128xi32, #tpu.memory_space<hbm>>
        %dma_start3A_239 = tpu.memref_squeeze %dma_start3A_238 : memref<1x2x128xi32, #tpu.memory_space<hbm>> -> memref<2x128xi32, #tpu.memory_space<hbm>>
        %dma_start3A_240 = arith.constant 0 : i32
        %dma_start3A_241 = arith.constant 0 : i32
        %dma_start3A_242 = tpu.memref_slice %arg5[%dma_start3A_231, %dma_start3A_240, %dma_start3A_241] : memref<2x2x128xi32, #tpu.memory_space<vmem>> -> memref<1x2x128xi32, #tpu.memory_space<vmem>>
        %dma_start3A_243 = tpu.memref_squeeze %dma_start3A_242 : memref<1x2x128xi32, #tpu.memory_space<vmem>> -> memref<2x128xi32, #tpu.memory_space<vmem>>
        %dma_start3A_244 = arith.constant 0 : i32
        %dma_start3A_245 = arith.constant 0 : i32
        %dma_start3A_246 = tpu.memref_slice %arg3[%add3A_230, %dma_start3A_244, %dma_start3A_245] : memref<625x2x128xi32, #tpu.memory_space<hbm>> -> memref<1x2x128xi32, #tpu.memory_space<hbm>>
        %dma_start3A_247 = tpu.memref_squeeze %dma_start3A_246 : memref<1x2x128xi32, #tpu.memory_space<hbm>> -> memref<2x128xi32, #tpu.memory_space<hbm>>
        tpu.enqueue_dma source(%dma_start3A_247 : memref<2x128xi32, #tpu.memory_space<hbm>>) target(%dma_start3A_243 : memref<2x128xi32, #tpu.memory_space<vmem>>) target_semaphore(%arg9 : memref<!tpu.dma_semaphore, #tpu.memory_space<semaphore_mem>>)
        %mul3A_248 = arith.constant 256 : i32
        %mul3A_249 = arith.muli %add3A_230, %mul3A_248 : i32
        %dma_start3A_250 = arith.constant 1 : i32
        %dma_start3A_251 = arith.constant 0 : i32
        %dma_start3A_252 = arith.constant 0 : i32
        %dma_start3A_253 = tpu.memref_slice %arg6[%dma_start3A_250, %dma_start3A_251, %dma_start3A_252] : memref<2x256x128xf32, #tpu.memory_space<vmem>> -> memref<1x256x128xf32, #tpu.memory_space<vmem>>
        %dma_start3A_254 = tpu.memref_squeeze %dma_start3A_253 : memref<1x256x128xf32, #tpu.memory_space<vmem>> -> memref<256x128xf32, #tpu.memory_space<vmem>>
        %dma_start3A_255 = arith.constant 0 : i32
        %dma_start3A_256 = tpu.memref_slice %arg2[%mul3A_249, %dma_start3A_255] : memref<160000x128xf32, #tpu.memory_space<hbm>> -> memref<256x128xf32, #tpu.memory_space<hbm>>
        %dma_start3A_257 = arith.constant 0 : i32
        %dma_start3A_258 = arith.constant 0 : i32
        %dma_start3A_259 = tpu.memref_slice %arg6[%dma_start3A_250, %dma_start3A_257, %dma_start3A_258] : memref<2x256x128xf32, #tpu.memory_space<vmem>> -> memref<1x256x128xf32, #tpu.memory_space<vmem>>
        %dma_start3A_260 = tpu.memref_squeeze %dma_start3A_259 : memref<1x256x128xf32, #tpu.memory_space<vmem>> -> memref<256x128xf32, #tpu.memory_space<vmem>>
        %dma_start3A_261 = arith.constant 0 : i32
        %dma_start3A_262 = tpu.memref_slice %arg2[%mul3A_249, %dma_start3A_261] : memref<160000x128xf32, #tpu.memory_space<hbm>> -> memref<256x128xf32, #tpu.memory_space<hbm>>
        tpu.enqueue_dma source(%dma_start3A_262 : memref<256x128xf32, #tpu.memory_space<hbm>>) target(%dma_start3A_260 : memref<256x128xf32, #tpu.memory_space<vmem>>) target_semaphore(%arg9 : memref<!tpu.dma_semaphore, #tpu.memory_space<semaphore_mem>>)
      } else {
      }
    }
    %scan3A_93 = arith.constant 20 : i32
    %dma_wait3A = arith.constant 0 : i32
    %dma_wait3A_94 = arith.constant 0 : i32
    %dma_wait3A_95 = arith.constant 0 : i32
    %dma_wait3A_96 = arith.constant 0 : i32
    %dma_wait3A_97 = arith.constant 0 : i32
    %dma_wait3A_98 = tpu.memref_slice %arg6[%dma_wait3A, %dma_wait3A_96, %dma_wait3A_97] : memref<2x256x128xf32, #tpu.memory_space<vmem>> -> memref<1x256x128xf32, #tpu.memory_space<vmem>>
    %dma_wait3A_99 = tpu.memref_squeeze %dma_wait3A_98 : memref<1x256x128xf32, #tpu.memory_space<vmem>> -> memref<256x128xf32, #tpu.memory_space<vmem>>
    %dma_wait3A_100 = arith.constant 0 : i32
    %dma_wait3A_101 = arith.constant 0 : i32
    %dma_wait3A_102 = tpu.memref_slice %dma_wait3A_99[%dma_wait3A_100, %dma_wait3A_101] : memref<256x128xf32, #tpu.memory_space<vmem>> -> memref<128x128xf32, #tpu.memory_space<vmem>>
    %dma_wait3A_103 = arith.constant 0 : i32
    %dma_wait3A_104 = arith.constant 0 : i32
    %dma_wait3A_105 = tpu.memref_slice %arg5[%dma_wait3A_94, %dma_wait3A_103, %dma_wait3A_104] : memref<2x2x128xi32, #tpu.memory_space<vmem>> -> memref<1x2x128xi32, #tpu.memory_space<vmem>>
    %dma_wait3A_106 = tpu.memref_squeeze %dma_wait3A_105 : memref<1x2x128xi32, #tpu.memory_space<vmem>> -> memref<2x128xi32, #tpu.memory_space<vmem>>
    %dma_wait3A_107 = arith.constant 0 : i32
    %dma_wait3A_108 = tpu.memref_slice %dma_wait3A_106[%dma_wait3A_95, %dma_wait3A_107] : memref<2x128xi32, #tpu.memory_space<vmem>> -> memref<1x128xi32, #tpu.memory_space<vmem>>
    %dma_wait3A_109 = tpu.memref_squeeze %dma_wait3A_108 : memref<1x128xi32, #tpu.memory_space<vmem>> -> memref<128xi32, #tpu.memory_space<vmem>>
    %dma_wait3A_110 = arith.constant 0 : i32
    %dma_wait3A_111 = arith.constant 0 : i32
    %dma_wait3A_112 = tpu.memref_slice %arg7[%dma_wait3A_110, %dma_wait3A_111] : memref<5016x128xf32, #tpu.memory_space<vmem_shared>> -> memref<5016x128xf32, #tpu.memory_space<vmem_shared>>
    tpu.wait_indirect_dma semaphore(%arg11 : memref<!tpu.dma_semaphore, #tpu.memory_space<semaphore_mem>>) src(%dma_wait3A_102 : memref<128x128xf32, #tpu.memory_space<vmem>>) dst(%dma_wait3A_112 : memref<5016x128xf32, #tpu.memory_space<vmem_shared>>)
    %dma_wait3A_113 = arith.constant 0 : i32
    %dma_wait3A_114 = arith.constant 0 : i32
    %dma_wait3A_115 = arith.constant 1 : i32
    %dma_wait3A_116 = arith.constant 0 : i32
    %dma_wait3A_117 = arith.constant 0 : i32
    %dma_wait3A_118 = tpu.memref_slice %arg6[%dma_wait3A_113, %dma_wait3A_116, %dma_wait3A_117] : memref<2x256x128xf32, #tpu.memory_space<vmem>> -> memref<1x256x128xf32, #tpu.memory_space<vmem>>
    %dma_wait3A_119 = tpu.memref_squeeze %dma_wait3A_118 : memref<1x256x128xf32, #tpu.memory_space<vmem>> -> memref<256x128xf32, #tpu.memory_space<vmem>>
    %dma_wait3A_120 = arith.constant 128 : i32
    %dma_wait3A_121 = arith.constant 0 : i32
    %dma_wait3A_122 = tpu.memref_slice %dma_wait3A_119[%dma_wait3A_120, %dma_wait3A_121] : memref<256x128xf32, #tpu.memory_space<vmem>> -> memref<128x128xf32, #tpu.memory_space<vmem>>
    %dma_wait3A_123 = arith.constant 0 : i32
    %dma_wait3A_124 = arith.constant 0 : i32
    %dma_wait3A_125 = tpu.memref_slice %arg5[%dma_wait3A_114, %dma_wait3A_123, %dma_wait3A_124] : memref<2x2x128xi32, #tpu.memory_space<vmem>> -> memref<1x2x128xi32, #tpu.memory_space<vmem>>
    %dma_wait3A_126 = tpu.memref_squeeze %dma_wait3A_125 : memref<1x2x128xi32, #tpu.memory_space<vmem>> -> memref<2x128xi32, #tpu.memory_space<vmem>>
    %dma_wait3A_127 = arith.constant 0 : i32
    %dma_wait3A_128 = tpu.memref_slice %dma_wait3A_126[%dma_wait3A_115, %dma_wait3A_127] : memref<2x128xi32, #tpu.memory_space<vmem>> -> memref<1x128xi32, #tpu.memory_space<vmem>>
    %dma_wait3A_129 = tpu.memref_squeeze %dma_wait3A_128 : memref<1x128xi32, #tpu.memory_space<vmem>> -> memref<128xi32, #tpu.memory_space<vmem>>
    %dma_wait3A_130 = arith.constant 0 : i32
    %dma_wait3A_131 = arith.constant 0 : i32
    %dma_wait3A_132 = tpu.memref_slice %arg7[%dma_wait3A_130, %dma_wait3A_131] : memref<5016x128xf32, #tpu.memory_space<vmem_shared>> -> memref<5016x128xf32, #tpu.memory_space<vmem_shared>>
    tpu.wait_indirect_dma semaphore(%arg11 : memref<!tpu.dma_semaphore, #tpu.memory_space<semaphore_mem>>) src(%dma_wait3A_122 : memref<128x128xf32, #tpu.memory_space<vmem>>) dst(%dma_wait3A_132 : memref<5016x128xf32, #tpu.memory_space<vmem_shared>>)
    %dma_wait3A_133 = arith.constant 1 : i32
    %dma_wait3A_134 = arith.constant 1 : i32
    %dma_wait3A_135 = arith.constant 0 : i32
    %dma_wait3A_136 = arith.constant 0 : i32
    %dma_wait3A_137 = arith.constant 0 : i32
    %dma_wait3A_138 = tpu.memref_slice %arg6[%dma_wait3A_133, %dma_wait3A_136, %dma_wait3A_137] : memref<2x256x128xf32, #tpu.memory_space<vmem>> -> memref<1x256x128xf32, #tpu.memory_space<vmem>>
    %dma_wait3A_139 = tpu.memref_squeeze %dma_wait3A_138 : memref<1x256x128xf32, #tpu.memory_space<vmem>> -> memref<256x128xf32, #tpu.memory_space<vmem>>
    %dma_wait3A_140 = arith.constant 0 : i32
    %dma_wait3A_141 = arith.constant 0 : i32
    %dma_wait3A_142 = tpu.memref_slice %dma_wait3A_139[%dma_wait3A_140, %dma_wait3A_141] : memref<256x128xf32, #tpu.memory_space<vmem>> -> memref<128x128xf32, #tpu.memory_space<vmem>>
    %dma_wait3A_143 = arith.constant 0 : i32
    %dma_wait3A_144 = arith.constant 0 : i32
    %dma_wait3A_145 = tpu.memref_slice %arg5[%dma_wait3A_134, %dma_wait3A_143, %dma_wait3A_144] : memref<2x2x128xi32, #tpu.memory_space<vmem>> -> memref<1x2x128xi32, #tpu.memory_space<vmem>>
    %dma_wait3A_146 = tpu.memref_squeeze %dma_wait3A_145 : memref<1x2x128xi32, #tpu.memory_space<vmem>> -> memref<2x128xi32, #tpu.memory_space<vmem>>
    %dma_wait3A_147 = arith.constant 0 : i32
    %dma_wait3A_148 = tpu.memref_slice %dma_wait3A_146[%dma_wait3A_135, %dma_wait3A_147] : memref<2x128xi32, #tpu.memory_space<vmem>> -> memref<1x128xi32, #tpu.memory_space<vmem>>
    %dma_wait3A_149 = tpu.memref_squeeze %dma_wait3A_148 : memref<1x128xi32, #tpu.memory_space<vmem>> -> memref<128xi32, #tpu.memory_space<vmem>>
    %dma_wait3A_150 = arith.constant 0 : i32
    %dma_wait3A_151 = arith.constant 0 : i32
    %dma_wait3A_152 = tpu.memref_slice %arg7[%dma_wait3A_150, %dma_wait3A_151] : memref<5016x128xf32, #tpu.memory_space<vmem_shared>> -> memref<5016x128xf32, #tpu.memory_space<vmem_shared>>
    tpu.wait_indirect_dma semaphore(%arg12 : memref<!tpu.dma_semaphore, #tpu.memory_space<semaphore_mem>>) src(%dma_wait3A_142 : memref<128x128xf32, #tpu.memory_space<vmem>>) dst(%dma_wait3A_152 : memref<5016x128xf32, #tpu.memory_space<vmem_shared>>)
    %dma_wait3A_153 = arith.constant 1 : i32
    %dma_wait3A_154 = arith.constant 1 : i32
    %dma_wait3A_155 = arith.constant 1 : i32
    %dma_wait3A_156 = arith.constant 0 : i32
    %dma_wait3A_157 = arith.constant 0 : i32
    %dma_wait3A_158 = tpu.memref_slice %arg6[%dma_wait3A_153, %dma_wait3A_156, %dma_wait3A_157] : memref<2x256x128xf32, #tpu.memory_space<vmem>> -> memref<1x256x128xf32, #tpu.memory_space<vmem>>
    %dma_wait3A_159 = tpu.memref_squeeze %dma_wait3A_158 : memref<1x256x128xf32, #tpu.memory_space<vmem>> -> memref<256x128xf32, #tpu.memory_space<vmem>>
    %dma_wait3A_160 = arith.constant 128 : i32
    %dma_wait3A_161 = arith.constant 0 : i32
    %dma_wait3A_162 = tpu.memref_slice %dma_wait3A_159[%dma_wait3A_160, %dma_wait3A_161] : memref<256x128xf32, #tpu.memory_space<vmem>> -> memref<128x128xf32, #tpu.memory_space<vmem>>
    %dma_wait3A_163 = arith.constant 0 : i32
    %dma_wait3A_164 = arith.constant 0 : i32
    %dma_wait3A_165 = tpu.memref_slice %arg5[%dma_wait3A_154, %dma_wait3A_163, %dma_wait3A_164] : memref<2x2x128xi32, #tpu.memory_space<vmem>> -> memref<1x2x128xi32, #tpu.memory_space<vmem>>
    %dma_wait3A_166 = tpu.memref_squeeze %dma_wait3A_165 : memref<1x2x128xi32, #tpu.memory_space<vmem>> -> memref<2x128xi32, #tpu.memory_space<vmem>>
    %dma_wait3A_167 = arith.constant 0 : i32
    %dma_wait3A_168 = tpu.memref_slice %dma_wait3A_166[%dma_wait3A_155, %dma_wait3A_167] : memref<2x128xi32, #tpu.memory_space<vmem>> -> memref<1x128xi32, #tpu.memory_space<vmem>>
    %dma_wait3A_169 = tpu.memref_squeeze %dma_wait3A_168 : memref<1x128xi32, #tpu.memory_space<vmem>> -> memref<128xi32, #tpu.memory_space<vmem>>
    %dma_wait3A_170 = arith.constant 0 : i32
    %dma_wait3A_171 = arith.constant 0 : i32
    %dma_wait3A_172 = tpu.memref_slice %arg7[%dma_wait3A_170, %dma_wait3A_171] : memref<5016x128xf32, #tpu.memory_space<vmem_shared>> -> memref<5016x128xf32, #tpu.memory_space<vmem_shared>>
    tpu.wait_indirect_dma semaphore(%arg12 : memref<!tpu.dma_semaphore, #tpu.memory_space<semaphore_mem>>) src(%dma_wait3A_162 : memref<128x128xf32, #tpu.memory_space<vmem>>) dst(%dma_wait3A_172 : memref<5016x128xf32, #tpu.memory_space<vmem_shared>>)
    %barrier3A_173 = arith.constant 0 : index
    tpu.barrier barrier_id(%barrier3A_173)
    %scan3A_174 = arith.constant 0 : i32
    %scan3A_175 = arith.constant 0 : i32
    %scan3A_176 = arith.constant 3 : i32
    %scan3A_177 = arith.addi %scan3A_175, %scan3A_176 : i32
    %scan3A_178 = arith.constant 1 : i32
    scf.for %scan3A_185 = %scan3A_175 to %scan3A_177 step %scan3A_178  : i32 {
      %mul3A_186 = arith.constant 16 : i32
      %mul3A_187 = arith.muli %scan3A_185, %mul3A_186 : i32
      %add3A_188 = arith.addi %mul3A_187, %arg1 : i32
      %lt3A_189 = arith.constant 39 : i32
      %lt3A_190 = arith.cmpi slt, %add3A_188, %lt3A_189 : i32
      %convert_element_type3A_191 = arith.extui %lt3A_190 : i1 to i32
      %cond3A_192 = arith.constant 0 : i32
      %cond3A_193 = arith.cmpi ne, %convert_element_type3A_191, %cond3A_192 : i32
      scf.if %cond3A_193 {
        %mul3A_194 = arith.constant 128 : i32
        %mul3A_195 = arith.muli %add3A_188, %mul3A_194 : i32
        %mul3A_196 = arith.constant 128 : i32
        %mul3A_197 = arith.muli %add3A_188, %mul3A_196 : i32
        %add3A_198 = arith.addi %mul3A_0, %mul3A_197 : i32
        "tpu.region"() ({
          %run_scoped3A = tpu.sem_alloc : memref<!tpu.dma_semaphore, #tpu.memory_space<semaphore_mem>>
          %dma_start3A_199 = arith.constant 0 : i32
          %dma_start3A_200 = tpu.memref_slice %arg4[%add3A_198, %dma_start3A_199] : memref<10000x128xf32, #tpu.memory_space<hbm>> -> memref<128x128xf32, #tpu.memory_space<hbm>>
          %dma_start3A_201 = arith.constant 0 : i32
          %dma_start3A_202 = tpu.memref_slice %arg7[%mul3A_195, %dma_start3A_201] : memref<5016x128xf32, #tpu.memory_space<vmem_shared>> -> memref<128x128xf32, #tpu.memory_space<vmem_shared>>
          tpu.enqueue_dma source(%dma_start3A_202 : memref<128x128xf32, #tpu.memory_space<vmem_shared>>) target(%dma_start3A_200 : memref<128x128xf32, #tpu.memory_space<hbm>>) target_semaphore(%run_scoped3A : memref<!tpu.dma_semaphore, #tpu.memory_space<semaphore_mem>>)
          %dma_wait3A_203 = arith.constant 0 : i32
          %dma_wait3A_204 = tpu.memref_slice %arg4[%add3A_198, %dma_wait3A_203] : memref<10000x128xf32, #tpu.memory_space<hbm>> -> memref<128x128xf32, #tpu.memory_space<hbm>>
          %dma_wait3A_205 = arith.constant 0 : i32
          %dma_wait3A_206 = tpu.memref_slice %arg7[%mul3A_195, %dma_wait3A_205] : memref<5016x128xf32, #tpu.memory_space<vmem_shared>> -> memref<128x128xf32, #tpu.memory_space<vmem_shared>>
          tpu.wait_dma2 semaphore(%run_scoped3A : memref<!tpu.dma_semaphore, #tpu.memory_space<semaphore_mem>>) src(%dma_wait3A_206 : memref<128x128xf32, #tpu.memory_space<vmem_shared>>) dst(%dma_wait3A_204 : memref<128x128xf32, #tpu.memory_space<hbm>>)
          tpu.yield
        }) : () -> ()
      } else {
      }
    }
    %scan3A_179 = arith.constant 3 : i32
    %eq3A_180 = arith.constant 0 : i32
    %eq3A_181 = arith.cmpi eq, %arg1, %eq3A_180 : i32
    %convert_element_type3A_182 = arith.extui %eq3A_181 : i1 to i32
    %cond3A_183 = arith.constant 0 : i32
    %cond3A_184 = arith.cmpi ne, %convert_element_type3A_182, %cond3A_183 : i32
    scf.if %cond3A_184 {
      %add3A_185 = arith.constant 4992 : i32
      %add3A_186 = arith.addi %mul3A_0, %add3A_185 : i32
      "tpu.region"() ({
        %run_scoped3A = tpu.sem_alloc : memref<!tpu.dma_semaphore, #tpu.memory_space<semaphore_mem>>
        %dma_start3A_187 = arith.constant 0 : i32
        %dma_start3A_188 = tpu.memref_slice %arg4[%add3A_186, %dma_start3A_187] : memref<10000x128xf32, #tpu.memory_space<hbm>> -> memref<8x128xf32, #tpu.memory_space<hbm>>
        %dma_start3A_189 = arith.constant 4992 : i32
        %dma_start3A_190 = arith.constant 0 : i32
        %dma_start3A_191 = tpu.memref_slice %arg7[%dma_start3A_189, %dma_start3A_190] : memref<5016x128xf32, #tpu.memory_space<vmem_shared>> -> memref<8x128xf32, #tpu.memory_space<vmem_shared>>
        tpu.enqueue_dma source(%dma_start3A_191 : memref<8x128xf32, #tpu.memory_space<vmem_shared>>) target(%dma_start3A_188 : memref<8x128xf32, #tpu.memory_space<hbm>>) target_semaphore(%run_scoped3A : memref<!tpu.dma_semaphore, #tpu.memory_space<semaphore_mem>>)
        %dma_wait3A_192 = arith.constant 0 : i32
        %dma_wait3A_193 = tpu.memref_slice %arg4[%add3A_186, %dma_wait3A_192] : memref<10000x128xf32, #tpu.memory_space<hbm>> -> memref<8x128xf32, #tpu.memory_space<hbm>>
        %dma_wait3A_194 = arith.constant 4992 : i32
        %dma_wait3A_195 = arith.constant 0 : i32
        %dma_wait3A_196 = tpu.memref_slice %arg7[%dma_wait3A_194, %dma_wait3A_195] : memref<5016x128xf32, #tpu.memory_space<vmem_shared>> -> memref<8x128xf32, #tpu.memory_space<vmem_shared>>
        tpu.wait_dma2 semaphore(%run_scoped3A : memref<!tpu.dma_semaphore, #tpu.memory_space<semaphore_mem>>) src(%dma_wait3A_196 : memref<8x128xf32, #tpu.memory_space<vmem_shared>>) dst(%dma_wait3A_193 : memref<8x128xf32, #tpu.memory_space<hbm>>)
        tpu.yield
      }) : () -> ()
    } else {
    }
    return
  }
}

#map = affine_map<(d0, d1) -> (0, 0)>
#map1 = affine_map<(d0, d1) -> (0, 0, 0)>
module attributes {stable_mosaic.version = 14 : i64} {
  func.func @scatter_kernel(%arg0: i32, %arg1: i32, %arg2: memref<160000x128xf32, #tpu.memory_space<hbm>>, %arg3: memref<625x2x128xi32, #tpu.memory_space<hbm>>, %arg4: memref<10000x128xf32, #tpu.memory_space<hbm>>, %arg5: memref<2x2x128xi32, #tpu.memory_space<vmem>>, %arg6: memref<2x256x128xf32, #tpu.memory_space<vmem>>, %arg7: memref<5016x128xf32, #tpu.memory_space<vmem_shared>>, %arg8: memref<!tpu.dma_semaphore, #tpu.memory_space<semaphore_mem>>, %arg9: memref<!tpu.dma_semaphore, #tpu.memory_space<semaphore_mem>>, %arg10: memref<!tpu.dma_semaphore, #tpu.memory_space<semaphore_mem>>, %arg11: memref<!tpu.dma_semaphore, #tpu.memory_space<semaphore_mem>>, %arg12: memref<!tpu.dma_semaphore, #tpu.memory_space<semaphore_mem>>, %arg13: memref<!tpu.dma_semaphore, #tpu.memory_space<semaphore_mem>>) attributes {dimension_semantics = [#tpu.dimension_semantics<core_parallel>, #tpu.dimension_semantics<subcore_parallel>], iteration_bounds = array<i64: 2, 16>, scalar_prefetch = 0 : i64, scratch_operands = 9 : i64, tpu.core_type = #tpu.core_type<sc_vector_subcore>, window_params = [{transform_indices = #map}, {transform_indices = #map1}, {transform_indices = #map}]} {
    %mul3A = arith.constant 5000 : i32
    %mul3A_0 = arith.muli %arg0, %mul3A : i32
    %broadcast_in_dim3A = arith.constant 0.000000e+00 : f32
    %broadcast_in_dim3A_1 = vector.broadcast %broadcast_in_dim3A : f32 to vector<16xf32>
    %scan3A = arith.constant 0 : i32
    %scan3A_2 = arith.constant 0 : i32
    %scan3A_3 = arith.constant 128 : i32
    %scan3A_4 = arith.addi %scan3A_2, %scan3A_3 : i32
    %scan3A_5 = arith.constant 1 : i32
    scf.for %scan3A_185 = %scan3A_2 to %scan3A_4 step %scan3A_5  : i32 {
      %swap3A = arith.constant 0 : i32
      %swap3A_186 = arith.index_cast %swap3A : i32 to index
      %swap3A_187 = arith.index_cast %scan3A_185 : i32 to index
      %swap3A_188 = arith.constant 0 : index
      %swap3A_189 = tpu.vector_load %arg6[%swap3A_186, %swap3A_187, %swap3A_188] {strides = array<i32>} : memref<2x256x128xf32, #tpu.memory_space<vmem>>, vector<1x1x16xf32>,
      %swap3A_190 = vector.shape_cast %swap3A_189 : vector<1x1x16xf32> to vector<16xf32>
      %swap3A_191 = vector.shape_cast %broadcast_in_dim3A_1 : vector<16xf32> to vector<1x1x16xf32>
      tpu.vector_store %arg6[%swap3A_186, %swap3A_187, %swap3A_188], %swap3A_191 {strides = array<i32>} : memref<2x256x128xf32, #tpu.memory_space<vmem>>, vector<1x1x16xf32>,
      %swap3A_192 = arith.constant 0 : i32
      %swap3A_193 = arith.index_cast %swap3A_192 : i32 to index
      %swap3A_194 = arith.index_cast %scan3A_185 : i32 to index
      %swap3A_195 = arith.constant 16 : index
      %swap3A_196 = tpu.vector_load %arg6[%swap3A_193, %swap3A_194, %swap3A_195] {strides = array<i32>} : memref<2x256x128xf32, #tpu.memory_space<vmem>>, vector<1x1x16xf32>,
      %swap3A_197 = vector.shape_cast %swap3A_196 : vector<1x1x16xf32> to vector<16xf32>
      %swap3A_198 = vector.shape_cast %broadcast_in_dim3A_1 : vector<16xf32> to vector<1x1x16xf32>
      tpu.vector_store %arg6[%swap3A_193, %swap3A_194, %swap3A_195], %swap3A_198 {strides = array<i32>} : memref<2x256x128xf32, #tpu.memory_space<vmem>>, vector<1x1x16xf32>,
      %swap3A_199 = arith.constant 0 : i32
      %swap3A_200 = arith.index_cast %swap3A_199 : i32 to index
      %swap3A_201 = arith.index_cast %scan3A_185 : i32 to index
      %swap3A_202 = arith.constant 32 : index
      %swap3A_203 = tpu.vector_load %arg6[%swap3A_200, %swap3A_201, %swap3A_202] {strides = array<i32>} : memref<2x256x128xf32, #tpu.memory_space<vmem>>, vector<1x1x16xf32>,
      %swap3A_204 = vector.shape_cast %swap3A_203 : vector<1x1x16xf32> to vector<16xf32>
      %swap3A_205 = vector.shape_cast %broadcast_in_dim3A_1 : vector<16xf32> to vector<1x1x16xf32>
      tpu.vector_store %arg6[%swap3A_200, %swap3A_201, %swap3A_202], %swap3A_205 {strides = array<i32>} : memref<2x256x128xf32, #tpu.memory_space<vmem>>, vector<1x1x16xf32>,
      %swap3A_206 = arith.constant 0 : i32
      %swap3A_207 = arith.index_cast %swap3A_206 : i32 to index
      %swap3A_208 = arith.index_cast %scan3A_185 : i32 to index
      %swap3A_209 = arith.constant 48 : index
      %swap3A_210 = tpu.vector_load %arg6[%swap3A_207, %swap3A_208, %swap3A_209] {strides = array<i32>} : memref<2x256x128xf32, #tpu.memory_space<vmem>>, vector<1x1x16xf32>,
      %swap3A_211 = vector.shape_cast %swap3A_210 : vector<1x1x16xf32> to vector<16xf32>
      %swap3A_212 = vector.shape_cast %broadcast_in_dim3A_1 : vector<16xf32> to vector<1x1x16xf32>
      tpu.vector_store %arg6[%swap3A_207, %swap3A_208, %swap3A_209], %swap3A_212 {strides = array<i32>} : memref<2x256x128xf32, #tpu.memory_space<vmem>>, vector<1x1x16xf32>,
      %swap3A_213 = arith.constant 0 : i32
      %swap3A_214 = arith.index_cast %swap3A_213 : i32 to index
      %swap3A_215 = arith.index_cast %scan3A_185 : i32 to index
      %swap3A_216 = arith.constant 64 : index
      %swap3A_217 = tpu.vector_load %arg6[%swap3A_214, %swap3A_215, %swap3A_216] {strides = array<i32>} : memref<2x256x128xf32, #tpu.memory_space<vmem>>, vector<1x1x16xf32>,
      %swap3A_218 = vector.shape_cast %swap3A_217 : vector<1x1x16xf32> to vector<16xf32>
      %swap3A_219 = vector.shape_cast %broadcast_in_dim3A_1 : vector<16xf32> to vector<1x1x16xf32>
      tpu.vector_store %arg6[%swap3A_214, %swap3A_215, %swap3A_216], %swap3A_219 {strides = array<i32>} : memref<2x256x128xf32, #tpu.memory_space<vmem>>, vector<1x1x16xf32>,
      %swap3A_220 = arith.constant 0 : i32
      %swap3A_221 = arith.index_cast %swap3A_220 : i32 to index
      %swap3A_222 = arith.index_cast %scan3A_185 : i32 to index
      %swap3A_223 = arith.constant 80 : index
      %swap3A_224 = tpu.vector_load %arg6[%swap3A_221, %swap3A_222, %swap3A_223] {strides = array<i32>} : memref<2x256x128xf32, #tpu.memory_space<vmem>>, vector<1x1x16xf32>,
      %swap3A_225 = vector.shape_cast %swap3A_224 : vector<1x1x16xf32> to vector<16xf32>
      %swap3A_226 = vector.shape_cast %broadcast_in_dim3A_1 : vector<16xf32> to vector<1x1x16xf32>
      tpu.vector_store %arg6[%swap3A_221, %swap3A_222, %swap3A_223], %swap3A_226 {strides = array<i32>} : memref<2x256x128xf32, #tpu.memory_space<vmem>>, vector<1x1x16xf32>,
      %swap3A_227 = arith.constant 0 : i32
      %swap3A_228 = arith.index_cast %swap3A_227 : i32 to index
      %swap3A_229 = arith.index_cast %scan3A_185 : i32 to index
      %swap3A_230 = arith.constant 96 : index
      %swap3A_231 = tpu.vector_load %arg6[%swap3A_228, %swap3A_229, %swap3A_230] {strides = array<i32>} : memref<2x256x128xf32, #tpu.memory_space<vmem>>, vector<1x1x16xf32>,
      %swap3A_232 = vector.shape_cast %swap3A_231 : vector<1x1x16xf32> to vector<16xf32>
      %swap3A_233 = vector.shape_cast %broadcast_in_dim3A_1 : vector<16xf32> to vector<1x1x16xf32>
      tpu.vector_store %arg6[%swap3A_228, %swap3A_229, %swap3A_230], %swap3A_233 {strides = array<i32>} : memref<2x256x128xf32, #tpu.memory_space<vmem>>, vector<1x1x16xf32>,
      %swap3A_234 = arith.constant 0 : i32
      %swap3A_235 = arith.index_cast %swap3A_234 : i32 to index
      %swap3A_236 = arith.index_cast %scan3A_185 : i32 to index
      %swap3A_237 = arith.constant 112 : index
      %swap3A_238 = tpu.vector_load %arg6[%swap3A_235, %swap3A_236, %swap3A_237] {strides = array<i32>} : memref<2x256x128xf32, #tpu.memory_space<vmem>>, vector<1x1x16xf32>,
      %swap3A_239 = vector.shape_cast %swap3A_238 : vector<1x1x16xf32> to vector<16xf32>
      %swap3A_240 = vector.shape_cast %broadcast_in_dim3A_1 : vector<16xf32> to vector<1x1x16xf32>
      tpu.vector_store %arg6[%swap3A_235, %swap3A_236, %swap3A_237], %swap3A_240 {strides = array<i32>} : memref<2x256x128xf32, #tpu.memory_space<vmem>>, vector<1x1x16xf32>,
    }
    %scan3A_6 = arith.constant 128 : i32
    %scan3A_7 = arith.constant 0 : i32
    %scan3A_8 = arith.constant 0 : i32
    %scan3A_9 = arith.constant 0 : i32
    %scan3A_10 = arith.constant 3 : i32
    %scan3A_11 = arith.addi %scan3A_9, %scan3A_10 : i32
    %scan3A_12 = arith.constant 1 : i32
    scf.for %scan3A_185 = %scan3A_9 to %scan3A_11 step %scan3A_12  : i32 {
      %mul3A_186 = arith.constant 16 : i32
      %mul3A_187 = arith.muli %scan3A_185, %mul3A_186 : i32
      %add3A_188 = arith.addi %mul3A_187, %arg1 : i32
      %lt3A_189 = arith.constant 39 : i32
      %lt3A_190 = arith.cmpi slt, %add3A_188, %lt3A_189 : i32
      %convert_element_type3A_191 = arith.extui %lt3A_190 : i1 to i32
      %cond3A_192 = arith.constant 0 : i32
      %cond3A_193 = arith.cmpi ne, %convert_element_type3A_191, %cond3A_192 : i32
      scf.if %cond3A_193 {
        %mul3A_194 = arith.constant 128 : i32
        %mul3A_195 = arith.muli %add3A_188, %mul3A_194 : i32
        "tpu.region"() ({
          %run_scoped3A = tpu.sem_alloc : memref<!tpu.dma_semaphore, #tpu.memory_space<semaphore_mem>>
          %dma_start3A_196 = arith.constant 0 : i32
          %dma_start3A_197 = arith.constant 0 : i32
          %dma_start3A_198 = tpu.memref_slice %arg6[%scan3A_8, %dma_start3A_196, %dma_start3A_197] : memref<2x256x128xf32, #tpu.memory_space<vmem>> -> memref<1x256x128xf32, #tpu.memory_space<vmem>>
          %dma_start3A_199 = tpu.memref_squeeze %dma_start3A_198 : memref<1x256x128xf32, #tpu.memory_space<vmem>> -> memref<256x128xf32, #tpu.memory_space<vmem>>
          %dma_start3A_200 = arith.constant 0 : i32
          %dma_start3A_201 = arith.constant 0 : i32
          %dma_start3A_202 = tpu.memref_slice %dma_start3A_199[%dma_start3A_200, %dma_start3A_201] : memref<256x128xf32, #tpu.memory_space<vmem>> -> memref<128x128xf32, #tpu.memory_space<vmem>>
          %dma_start3A_203 = arith.constant 0 : i32
          %dma_start3A_204 = tpu.memref_slice %arg7[%mul3A_195, %dma_start3A_203] : memref<5016x128xf32, #tpu.memory_space<vmem_shared>> -> memref<128x128xf32, #tpu.memory_space<vmem_shared>>
          %dma_start3A_205 = arith.constant 0 : i32
          %dma_start3A_206 = tpu.memref_slice %arg7[%mul3A_195, %dma_start3A_205] : memref<5016x128xf32, #tpu.memory_space<vmem_shared>> -> memref<128x128xf32, #tpu.memory_space<vmem_shared>>
          %dma_start3A_207 = arith.constant 0 : i32
          %dma_start3A_208 = arith.constant 0 : i32
          %dma_start3A_209 = tpu.memref_slice %arg6[%scan3A_8, %dma_start3A_207, %dma_start3A_208] : memref<2x256x128xf32, #tpu.memory_space<vmem>> -> memref<1x256x128xf32, #tpu.memory_space<vmem>>
          %dma_start3A_210 = tpu.memref_squeeze %dma_start3A_209 : memref<1x256x128xf32, #tpu.memory_space<vmem>> -> memref<256x128xf32, #tpu.memory_space<vmem>>
          %dma_start3A_211 = arith.constant 0 : i32
          %dma_start3A_212 = arith.constant 0 : i32
          %dma_start3A_213 = tpu.memref_slice %dma_start3A_210[%dma_start3A_211, %dma_start3A_212] : memref<256x128xf32, #tpu.memory_space<vmem>> -> memref<128x128xf32, #tpu.memory_space<vmem>>
          tpu.enqueue_dma source(%dma_start3A_213 : memref<128x128xf32, #tpu.memory_space<vmem>>) target(%dma_start3A_206 : memref<128x128xf32, #tpu.memory_space<vmem_shared>>) target_semaphore(%run_scoped3A : memref<!tpu.dma_semaphore, #tpu.memory_space<semaphore_mem>>)
          %dma_wait3A_214 = arith.constant 0 : i32
          %dma_wait3A_215 = arith.constant 0 : i32
          %dma_wait3A_216 = tpu.memref_slice %arg6[%scan3A_8, %dma_wait3A_214, %dma_wait3A_215] : memref<2x256x128xf32, #tpu.memory_space<vmem>> -> memref<1x256x128xf32, #tpu.memory_space<vmem>>
          %dma_wait3A_217 = tpu.memref_squeeze %dma_wait3A_216 : memref<1x256x128xf32, #tpu.memory_space<vmem>> -> memref<256x128xf32, #tpu.memory_space<vmem>>
          %dma_wait3A_218 = arith.constant 0 : i32
          %dma_wait3A_219 = arith.constant 0 : i32
          %dma_wait3A_220 = tpu.memref_slice %dma_wait3A_217[%dma_wait3A_218, %dma_wait3A_219] : memref<256x128xf32, #tpu.memory_space<vmem>> -> memref<128x128xf32, #tpu.memory_space<vmem>>
          %dma_wait3A_221 = arith.constant 0 : i32
          %dma_wait3A_222 = tpu.memref_slice %arg7[%mul3A_195, %dma_wait3A_221] : memref<5016x128xf32, #tpu.memory_space<vmem_shared>> -> memref<128x128xf32, #tpu.memory_space<vmem_shared>>
          %dma_wait3A_223 = arith.constant 0 : i32
          %dma_wait3A_224 = tpu.memref_slice %arg7[%mul3A_195, %dma_wait3A_223] : memref<5016x128xf32, #tpu.memory_space<vmem_shared>> -> memref<128x128xf32, #tpu.memory_space<vmem_shared>>
          %dma_wait3A_225 = arith.constant 0 : i32
          %dma_wait3A_226 = arith.constant 0 : i32
          %dma_wait3A_227 = tpu.memref_slice %arg6[%scan3A_8, %dma_wait3A_225, %dma_wait3A_226] : memref<2x256x128xf32, #tpu.memory_space<vmem>> -> memref<1x256x128xf32, #tpu.memory_space<vmem>>
          %dma_wait3A_228 = tpu.memref_squeeze %dma_wait3A_227 : memref<1x256x128xf32, #tpu.memory_space<vmem>> -> memref<256x128xf32, #tpu.memory_space<vmem>>
          %dma_wait3A_229 = arith.constant 0 : i32
          %dma_wait3A_230 = arith.constant 0 : i32
          %dma_wait3A_231 = tpu.memref_slice %dma_wait3A_228[%dma_wait3A_229, %dma_wait3A_230] : memref<256x128xf32, #tpu.memory_space<vmem>> -> memref<128x128xf32, #tpu.memory_space<vmem>>
          tpu.wait_dma2 semaphore(%run_scoped3A : memref<!tpu.dma_semaphore, #tpu.memory_space<semaphore_mem>>) src(%dma_wait3A_231 : memref<128x128xf32, #tpu.memory_space<vmem>>) dst(%dma_wait3A_224 : memref<128x128xf32, #tpu.memory_space<vmem_shared>>)
          tpu.yield
        }) : () -> ()
      } else {
      }
    }
    %scan3A_13 = arith.constant 3 : i32
    %eq3A = arith.constant 0 : i32
    %eq3A_14 = arith.cmpi eq, %arg1, %eq3A : i32
    %convert_element_type3A = arith.extui %eq3A_14 : i1 to i32
    %cond3A = arith.constant 0 : i32
    %cond3A_15 = arith.constant 0 : i32
    %cond3A_16 = arith.cmpi ne, %convert_element_type3A, %cond3A_15 : i32
    scf.if %cond3A_16 {
      "tpu.region"() ({
        %run_scoped3A = tpu.sem_alloc : memref<!tpu.dma_semaphore, #tpu.memory_space<semaphore_mem>>
        %dma_start3A_185 = arith.constant 0 : i32
        %dma_start3A_186 = arith.constant 0 : i32
        %dma_start3A_187 = tpu.memref_slice %arg6[%cond3A, %dma_start3A_185, %dma_start3A_186] : memref<2x256x128xf32, #tpu.memory_space<vmem>> -> memref<1x256x128xf32, #tpu.memory_space<vmem>>
        %dma_start3A_188 = tpu.memref_squeeze %dma_start3A_187 : memref<1x256x128xf32, #tpu.memory_space<vmem>> -> memref<256x128xf32, #tpu.memory_space<vmem>>
        %dma_start3A_189 = arith.constant 0 : i32
        %dma_start3A_190 = arith.constant 0 : i32
        %dma_start3A_191 = tpu.memref_slice %dma_start3A_188[%dma_start3A_189, %dma_start3A_190] : memref<256x128xf32, #tpu.memory_space<vmem>> -> memref<128x128xf32, #tpu.memory_space<vmem>>
        %dma_start3A_192 = arith.constant 0 : i32
        %dma_start3A_193 = arith.constant 0 : i32
        %dma_start3A_194 = tpu.memref_slice %dma_start3A_191[%dma_start3A_192, %dma_start3A_193] : memref<128x128xf32, #tpu.memory_space<vmem>> -> memref<8x128xf32, #tpu.memory_space<vmem>>
        %dma_start3A_195 = arith.constant 4992 : i32
        %dma_start3A_196 = arith.constant 0 : i32
        %dma_start3A_197 = tpu.memref_slice %arg7[%dma_start3A_195, %dma_start3A_196] : memref<5016x128xf32, #tpu.memory_space<vmem_shared>> -> memref<8x128xf32, #tpu.memory_space<vmem_shared>>
        %dma_start3A_198 = arith.constant 4992 : i32
        %dma_start3A_199 = arith.constant 0 : i32
        %dma_start3A_200 = tpu.memref_slice %arg7[%dma_start3A_198, %dma_start3A_199] : memref<5016x128xf32, #tpu.memory_space<vmem_shared>> -> memref<8x128xf32, #tpu.memory_space<vmem_shared>>
        %dma_start3A_201 = arith.constant 0 : i32
        %dma_start3A_202 = arith.constant 0 : i32
        %dma_start3A_203 = tpu.memref_slice %arg6[%cond3A, %dma_start3A_201, %dma_start3A_202] : memref<2x256x128xf32, #tpu.memory_space<vmem>> -> memref<1x256x128xf32, #tpu.memory_space<vmem>>
        %dma_start3A_204 = tpu.memref_squeeze %dma_start3A_203 : memref<1x256x128xf32, #tpu.memory_space<vmem>> -> memref<256x128xf32, #tpu.memory_space<vmem>>
        %dma_start3A_205 = arith.constant 0 : i32
        %dma_start3A_206 = arith.constant 0 : i32
        %dma_start3A_207 = tpu.memref_slice %dma_start3A_204[%dma_start3A_205, %dma_start3A_206] : memref<256x128xf32, #tpu.memory_space<vmem>> -> memref<128x128xf32, #tpu.memory_space<vmem>>
        %dma_start3A_208 = arith.constant 0 : i32
        %dma_start3A_209 = arith.constant 0 : i32
        %dma_start3A_210 = tpu.memref_slice %dma_start3A_207[%dma_start3A_208, %dma_start3A_209] : memref<128x128xf32, #tpu.memory_space<vmem>> -> memref<8x128xf32, #tpu.memory_space<vmem>>
        tpu.enqueue_dma source(%dma_start3A_210 : memref<8x128xf32, #tpu.memory_space<vmem>>) target(%dma_start3A_200 : memref<8x128xf32, #tpu.memory_space<vmem_shared>>) target_semaphore(%run_scoped3A : memref<!tpu.dma_semaphore, #tpu.memory_space<semaphore_mem>>)
        %dma_wait3A_211 = arith.constant 0 : i32
        %dma_wait3A_212 = arith.constant 0 : i32
        %dma_wait3A_213 = tpu.memref_slice %arg6[%cond3A, %dma_wait3A_211, %dma_wait3A_212] : memref<2x256x128xf32, #tpu.memory_space<vmem>> -> memref<1x256x128xf32, #tpu.memory_space<vmem>>
        %dma_wait3A_214 = tpu.memref_squeeze %dma_wait3A_213 : memref<1x256x128xf32, #tpu.memory_space<vmem>> -> memref<256x128xf32, #tpu.memory_space<vmem>>
        %dma_wait3A_215 = arith.constant 0 : i32
        %dma_wait3A_216 = arith.constant 0 : i32
        %dma_wait3A_217 = tpu.memref_slice %dma_wait3A_214[%dma_wait3A_215, %dma_wait3A_216] : memref<256x128xf32, #tpu.memory_space<vmem>> -> memref<128x128xf32, #tpu.memory_space<vmem>>
        %dma_wait3A_218 = arith.constant 0 : i32
        %dma_wait3A_219 = arith.constant 0 : i32
        %dma_wait3A_220 = tpu.memref_slice %dma_wait3A_217[%dma_wait3A_218, %dma_wait3A_219] : memref<128x128xf32, #tpu.memory_space<vmem>> -> memref<8x128xf32, #tpu.memory_space<vmem>>
        %dma_wait3A_221 = arith.constant 4992 : i32
        %dma_wait3A_222 = arith.constant 0 : i32
        %dma_wait3A_223 = tpu.memref_slice %arg7[%dma_wait3A_221, %dma_wait3A_222] : memref<5016x128xf32, #tpu.memory_space<vmem_shared>> -> memref<8x128xf32, #tpu.memory_space<vmem_shared>>
        %dma_wait3A_224 = arith.constant 4992 : i32
        %dma_wait3A_225 = arith.constant 0 : i32
        %dma_wait3A_226 = tpu.memref_slice %arg7[%dma_wait3A_224, %dma_wait3A_225] : memref<5016x128xf32, #tpu.memory_space<vmem_shared>> -> memref<8x128xf32, #tpu.memory_space<vmem_shared>>
        %dma_wait3A_227 = arith.constant 0 : i32
        %dma_wait3A_228 = arith.constant 0 : i32
        %dma_wait3A_229 = tpu.memref_slice %arg6[%cond3A, %dma_wait3A_227, %dma_wait3A_228] : memref<2x256x128xf32, #tpu.memory_space<vmem>> -> memref<1x256x128xf32, #tpu.memory_space<vmem>>
        %dma_wait3A_230 = tpu.memref_squeeze %dma_wait3A_229 : memref<1x256x128xf32, #tpu.memory_space<vmem>> -> memref<256x128xf32, #tpu.memory_space<vmem>>
        %dma_wait3A_231 = arith.constant 0 : i32
        %dma_wait3A_232 = arith.constant 0 : i32
        %dma_wait3A_233 = tpu.memref_slice %dma_wait3A_230[%dma_wait3A_231, %dma_wait3A_232] : memref<256x128xf32, #tpu.memory_space<vmem>> -> memref<128x128xf32, #tpu.memory_space<vmem>>
        %dma_wait3A_234 = arith.constant 0 : i32
        %dma_wait3A_235 = arith.constant 0 : i32
        %dma_wait3A_236 = tpu.memref_slice %dma_wait3A_233[%dma_wait3A_234, %dma_wait3A_235] : memref<128x128xf32, #tpu.memory_space<vmem>> -> memref<8x128xf32, #tpu.memory_space<vmem>>
        tpu.wait_dma2 semaphore(%run_scoped3A : memref<!tpu.dma_semaphore, #tpu.memory_space<semaphore_mem>>) src(%dma_wait3A_236 : memref<8x128xf32, #tpu.memory_space<vmem>>) dst(%dma_wait3A_226 : memref<8x128xf32, #tpu.memory_space<vmem_shared>>)
        tpu.yield
      }) : () -> ()
    } else {
    }
    %lt3A = arith.constant 1 : i32
    %lt3A_17 = arith.cmpi slt, %arg1, %lt3A : i32
    %jit3A = arith.constant 40 : i32
    %jit3A_18 = arith.constant 39 : i32
    %select_n3A = arith.select %lt3A_17, %jit3A, %jit3A_18 : i32
    %add3A = arith.constant 0 : i32
    %add3A_19 = arith.addi %add3A, %arg1 : i32
    %dma_start3A = arith.constant 0 : i32
    %dma_start3A_20 = arith.constant 0 : i32
    %dma_start3A_21 = arith.constant 0 : i32
    %dma_start3A_22 = tpu.memref_slice %arg5[%dma_start3A, %dma_start3A_20, %dma_start3A_21] : memref<2x2x128xi32, #tpu.memory_space<vmem>> -> memref<1x2x128xi32, #tpu.memory_space<vmem>>
    %dma_start3A_23 = tpu.memref_squeeze %dma_start3A_22 : memref<1x2x128xi32, #tpu.memory_space<vmem>> -> memref<2x128xi32, #tpu.memory_space<vmem>>
    %dma_start3A_24 = arith.constant 0 : i32
    %dma_start3A_25 = arith.constant 0 : i32
    %dma_start3A_26 = tpu.memref_slice %arg3[%add3A_19, %dma_start3A_24, %dma_start3A_25] : memref<625x2x128xi32, #tpu.memory_space<hbm>> -> memref<1x2x128xi32, #tpu.memory_space<hbm>>
    %dma_start3A_27 = tpu.memref_squeeze %dma_start3A_26 : memref<1x2x128xi32, #tpu.memory_space<hbm>> -> memref<2x128xi32, #tpu.memory_space<hbm>>
    %dma_start3A_28 = arith.constant 0 : i32
    %dma_start3A_29 = arith.constant 0 : i32
    %dma_start3A_30 = tpu.memref_slice %arg5[%dma_start3A, %dma_start3A_28, %dma_start3A_29] : memref<2x2x128xi32, #tpu.memory_space<vmem>> -> memref<1x2x128xi32, #tpu.memory_space<vmem>>
    %dma_start3A_31 = tpu.memref_squeeze %dma_start3A_30 : memref<1x2x128xi32, #tpu.memory_space<vmem>> -> memref<2x128xi32, #tpu.memory_space<vmem>>
    %dma_start3A_32 = arith.constant 0 : i32
    %dma_start3A_33 = arith.constant 0 : i32
    %dma_start3A_34 = tpu.memref_slice %arg3[%add3A_19, %dma_start3A_32, %dma_start3A_33] : memref<625x2x128xi32, #tpu.memory_space<hbm>> -> memref<1x2x128xi32, #tpu.memory_space<hbm>>
    %dma_start3A_35 = tpu.memref_squeeze %dma_start3A_34 : memref<1x2x128xi32, #tpu.memory_space<hbm>> -> memref<2x128xi32, #tpu.memory_space<hbm>>
    tpu.enqueue_dma source(%dma_start3A_35 : memref<2x128xi32, #tpu.memory_space<hbm>>) target(%dma_start3A_31 : memref<2x128xi32, #tpu.memory_space<vmem>>) target_semaphore(%arg8 : memref<!tpu.dma_semaphore, #tpu.memory_space<semaphore_mem>>)
    %mul3A_36 = arith.constant 256 : i32
    %mul3A_37 = arith.muli %add3A_19, %mul3A_36 : i32
    %dma_start3A_38 = arith.constant 0 : i32
    %dma_start3A_39 = arith.constant 0 : i32
    %dma_start3A_40 = arith.constant 0 : i32
    %dma_start3A_41 = tpu.memref_slice %arg6[%dma_start3A_38, %dma_start3A_39, %dma_start3A_40] : memref<2x256x128xf32, #tpu.memory_space<vmem>> -> memref<1x256x128xf32, #tpu.memory_space<vmem>>
    %dma_start3A_42 = tpu.memref_squeeze %dma_start3A_41 : memref<1x256x128xf32, #tpu.memory_space<vmem>> -> memref<256x128xf32, #tpu.memory_space<vmem>>
    %dma_start3A_43 = arith.constant 0 : i32
    %dma_start3A_44 = tpu.memref_slice %arg2[%mul3A_37, %dma_start3A_43] : memref<160000x128xf32, #tpu.memory_space<hbm>> -> memref<256x128xf32, #tpu.memory_space<hbm>>
    %dma_start3A_45 = arith.constant 0 : i32
    %dma_start3A_46 = arith.constant 0 : i32
    %dma_start3A_47 = tpu.memref_slice %arg6[%dma_start3A_38, %dma_start3A_45, %dma_start3A_46] : memref<2x256x128xf32, #tpu.memory_space<vmem>> -> memref<1x256x128xf32, #tpu.memory_space<vmem>>
    %dma_start3A_48 = tpu.memref_squeeze %dma_start3A_47 : memref<1x256x128xf32, #tpu.memory_space<vmem>> -> memref<256x128xf32, #tpu.memory_space<vmem>>
    %dma_start3A_49 = arith.constant 0 : i32
    %dma_start3A_50 = tpu.memref_slice %arg2[%mul3A_37, %dma_start3A_49] : memref<160000x128xf32, #tpu.memory_space<hbm>> -> memref<256x128xf32, #tpu.memory_space<hbm>>
    tpu.enqueue_dma source(%dma_start3A_50 : memref<256x128xf32, #tpu.memory_space<hbm>>) target(%dma_start3A_48 : memref<256x128xf32, #tpu.memory_space<vmem>>) target_semaphore(%arg8 : memref<!tpu.dma_semaphore, #tpu.memory_space<semaphore_mem>>)
    %add3A_51 = arith.constant 16 : i32
    %add3A_52 = arith.addi %add3A_51, %arg1 : i32
    %dma_start3A_53 = arith.constant 1 : i32
    %dma_start3A_54 = arith.constant 0 : i32
    %dma_start3A_55 = arith.constant 0 : i32
    %dma_start3A_56 = tpu.memref_slice %arg5[%dma_start3A_53, %dma_start3A_54, %dma_start3A_55] : memref<2x2x128xi32, #tpu.memory_space<vmem>> -> memref<1x2x128xi32, #tpu.memory_space<vmem>>
    %dma_start3A_57 = tpu.memref_squeeze %dma_start3A_56 : memref<1x2x128xi32, #tpu.memory_space<vmem>> -> memref<2x128xi32, #tpu.memory_space<vmem>>
    %dma_start3A_58 = arith.constant 0 : i32
    %dma_start3A_59 = arith.constant 0 : i32
    %dma_start3A_60 = tpu.memref_slice %arg3[%add3A_52, %dma_start3A_58, %dma_start3A_59] : memref<625x2x128xi32, #tpu.memory_space<hbm>> -> memref<1x2x128xi32, #tpu.memory_space<hbm>>
    %dma_start3A_61 = tpu.memref_squeeze %dma_start3A_60 : memref<1x2x128xi32, #tpu.memory_space<hbm>> -> memref<2x128xi32, #tpu.memory_space<hbm>>
    %dma_start3A_62 = arith.constant 0 : i32
    %dma_start3A_63 = arith.constant 0 : i32
    %dma_start3A_64 = tpu.memref_slice %arg5[%dma_start3A_53, %dma_start3A_62, %dma_start3A_63] : memref<2x2x128xi32, #tpu.memory_space<vmem>> -> memref<1x2x128xi32, #tpu.memory_space<vmem>>
    %dma_start3A_65 = tpu.memref_squeeze %dma_start3A_64 : memref<1x2x128xi32, #tpu.memory_space<vmem>> -> memref<2x128xi32, #tpu.memory_space<vmem>>
    %dma_start3A_66 = arith.constant 0 : i32
    %dma_start3A_67 = arith.constant 0 : i32
    %dma_start3A_68 = tpu.memref_slice %arg3[%add3A_52, %dma_start3A_66, %dma_start3A_67] : memref<625x2x128xi32, #tpu.memory_space<hbm>> -> memref<1x2x128xi32, #tpu.memory_space<hbm>>
    %dma_start3A_69 = tpu.memref_squeeze %dma_start3A_68 : memref<1x2x128xi32, #tpu.memory_space<hbm>> -> memref<2x128xi32, #tpu.memory_space<hbm>>
    tpu.enqueue_dma source(%dma_start3A_69 : memref<2x128xi32, #tpu.memory_space<hbm>>) target(%dma_start3A_65 : memref<2x128xi32, #tpu.memory_space<vmem>>) target_semaphore(%arg9 : memref<!tpu.dma_semaphore, #tpu.memory_space<semaphore_mem>>)
    %mul3A_70 = arith.constant 256 : i32
    %mul3A_71 = arith.muli %add3A_52, %mul3A_70 : i32
    %dma_start3A_72 = arith.constant 1 : i32
    %dma_start3A_73 = arith.constant 0 : i32
    %dma_start3A_74 = arith.constant 0 : i32
    %dma_start3A_75 = tpu.memref_slice %arg6[%dma_start3A_72, %dma_start3A_73, %dma_start3A_74] : memref<2x256x128xf32, #tpu.memory_space<vmem>> -> memref<1x256x128xf32, #tpu.memory_space<vmem>>
    %dma_start3A_76 = tpu.memref_squeeze %dma_start3A_75 : memref<1x256x128xf32, #tpu.memory_space<vmem>> -> memref<256x128xf32, #tpu.memory_space<vmem>>
    %dma_start3A_77 = arith.constant 0 : i32
    %dma_start3A_78 = tpu.memref_slice %arg2[%mul3A_71, %dma_start3A_77] : memref<160000x128xf32, #tpu.memory_space<hbm>> -> memref<256x128xf32, #tpu.memory_space<hbm>>
    %dma_start3A_79 = arith.constant 0 : i32
    %dma_start3A_80 = arith.constant 0 : i32
    %dma_start3A_81 = tpu.memref_slice %arg6[%dma_start3A_72, %dma_start3A_79, %dma_start3A_80] : memref<2x256x128xf32, #tpu.memory_space<vmem>> -> memref<1x256x128xf32, #tpu.memory_space<vmem>>
    %dma_start3A_82 = tpu.memref_squeeze %dma_start3A_81 : memref<1x256x128xf32, #tpu.memory_space<vmem>> -> memref<256x128xf32, #tpu.memory_space<vmem>>
    %dma_start3A_83 = arith.constant 0 : i32
    %dma_start3A_84 = tpu.memref_slice %arg2[%mul3A_71, %dma_start3A_83] : memref<160000x128xf32, #tpu.memory_space<hbm>> -> memref<256x128xf32, #tpu.memory_space<hbm>>
    tpu.enqueue_dma source(%dma_start3A_84 : memref<256x128xf32, #tpu.memory_space<hbm>>) target(%dma_start3A_82 : memref<256x128xf32, #tpu.memory_space<vmem>>) target_semaphore(%arg9 : memref<!tpu.dma_semaphore, #tpu.memory_space<semaphore_mem>>)
    %barrier3A = arith.constant 0 : index
    tpu.barrier barrier_id(%barrier3A)
    %iota3A = tpu.iota {dimensions = array<i32: 0>} : vector<16xi32>
    %add3A_85 = arith.constant 5000 : i32
    %add3A_86 = vector.broadcast %add3A_85 : i32 to vector<16xi32>
    %add3A_87 = arith.addi %add3A_86, %iota3A : vector<16xi32>
    %scan3A_88 = arith.constant 0 : i32
    %scan3A_89 = arith.constant 0 : i32
    %scan3A_90 = arith.constant 20 : i32
    %scan3A_91 = arith.addi %scan3A_89, %scan3A_90 : i32
    %scan3A_92 = arith.constant 1 : i32
    scf.for %scan3A_185 = %scan3A_89 to %scan3A_91 step %scan3A_92  : i32 {
      %mul3A_186 = arith.constant 2 : i32
      %mul3A_187 = arith.muli %scan3A_185, %mul3A_186 : i32
      %add3A_188 = arith.constant 0 : i32
      %add3A_189 = arith.addi %mul3A_187, %add3A_188 : i32
      %lt3A_190 = arith.cmpi slt, %add3A_189, %select_n3A : i32
      %convert_element_type3A_191 = arith.extui %lt3A_190 : i1 to i32
      %cond3A_192 = arith.constant 0 : i32
      %cond3A_193 = arith.cmpi ne, %convert_element_type3A_191, %cond3A_192 : i32
      scf.if %cond3A_193 {
        %mul3A_226 = arith.constant 16 : i32
        %mul3A_227 = arith.muli %add3A_189, %mul3A_226 : i32
        %add3A_228 = arith.addi %mul3A_227, %arg1 : i32
        %dma_wait3A_229 = arith.constant 0 : i32
        %dma_wait3A_230 = arith.constant 0 : i32
        %dma_wait3A_231 = arith.constant 0 : i32
        %dma_wait3A_232 = tpu.memref_slice %arg5[%dma_wait3A_229, %dma_wait3A_230, %dma_wait3A_231] : memref<2x2x128xi32, #tpu.memory_space<vmem>> -> memref<1x2x128xi32, #tpu.memory_space<vmem>>
        %dma_wait3A_233 = tpu.memref_squeeze %dma_wait3A_232 : memref<1x2x128xi32, #tpu.memory_space<vmem>> -> memref<2x128xi32, #tpu.memory_space<vmem>>
        %dma_wait3A_234 = arith.constant 0 : i32
        %dma_wait3A_235 = arith.constant 0 : i32
        %dma_wait3A_236 = tpu.memref_slice %arg3[%add3A_228, %dma_wait3A_234, %dma_wait3A_235] : memref<625x2x128xi32, #tpu.memory_space<hbm>> -> memref<1x2x128xi32, #tpu.memory_space<hbm>>
        %dma_wait3A_237 = tpu.memref_squeeze %dma_wait3A_236 : memref<1x2x128xi32, #tpu.memory_space<hbm>> -> memref<2x128xi32, #tpu.memory_space<hbm>>
        %dma_wait3A_238 = arith.constant 0 : i32
        %dma_wait3A_239 = arith.constant 0 : i32
        %dma_wait3A_240 = tpu.memref_slice %arg5[%dma_wait3A_229, %dma_wait3A_238, %dma_wait3A_239] : memref<2x2x128xi32, #tpu.memory_space<vmem>> -> memref<1x2x128xi32, #tpu.memory_space<vmem>>
        %dma_wait3A_241 = tpu.memref_squeeze %dma_wait3A_240 : memref<1x2x128xi32, #tpu.memory_space<vmem>> -> memref<2x128xi32, #tpu.memory_space<vmem>>
        %dma_wait3A_242 = arith.constant 0 : i32
        %dma_wait3A_243 = arith.constant 0 : i32
        %dma_wait3A_244 = tpu.memref_slice %arg3[%add3A_228, %dma_wait3A_242, %dma_wait3A_243] : memref<625x2x128xi32, #tpu.memory_space<hbm>> -> memref<1x2x128xi32, #tpu.memory_space<hbm>>
        %dma_wait3A_245 = tpu.memref_squeeze %dma_wait3A_244 : memref<1x2x128xi32, #tpu.memory_space<hbm>> -> memref<2x128xi32, #tpu.memory_space<hbm>>
        tpu.wait_dma2 semaphore(%arg8 : memref<!tpu.dma_semaphore, #tpu.memory_space<semaphore_mem>>) src(%dma_wait3A_245 : memref<2x128xi32, #tpu.memory_space<hbm>>) dst(%dma_wait3A_241 : memref<2x128xi32, #tpu.memory_space<vmem>>)
        %mul3A_246 = arith.constant 256 : i32
        %mul3A_247 = arith.muli %add3A_228, %mul3A_246 : i32
        %dma_wait3A_248 = arith.constant 0 : i32
        %dma_wait3A_249 = arith.constant 0 : i32
        %dma_wait3A_250 = arith.constant 0 : i32
        %dma_wait3A_251 = tpu.memref_slice %arg6[%dma_wait3A_248, %dma_wait3A_249, %dma_wait3A_250] : memref<2x256x128xf32, #tpu.memory_space<vmem>> -> memref<1x256x128xf32, #tpu.memory_space<vmem>>
        %dma_wait3A_252 = tpu.memref_squeeze %dma_wait3A_251 : memref<1x256x128xf32, #tpu.memory_space<vmem>> -> memref<256x128xf32, #tpu.memory_space<vmem>>
        %dma_wait3A_253 = arith.constant 0 : i32
        %dma_wait3A_254 = tpu.memref_slice %arg2[%mul3A_247, %dma_wait3A_253] : memref<160000x128xf32, #tpu.memory_space<hbm>> -> memref<256x128xf32, #tpu.memory_space<hbm>>
        %dma_wait3A_255 = arith.constant 0 : i32
        %dma_wait3A_256 = arith.constant 0 : i32
        %dma_wait3A_257 = tpu.memref_slice %arg6[%dma_wait3A_248, %dma_wait3A_255, %dma_wait3A_256] : memref<2x256x128xf32, #tpu.memory_space<vmem>> -> memref<1x256x128xf32, #tpu.memory_space<vmem>>
        %dma_wait3A_258 = tpu.memref_squeeze %dma_wait3A_257 : memref<1x256x128xf32, #tpu.memory_space<vmem>> -> memref<256x128xf32, #tpu.memory_space<vmem>>
        %dma_wait3A_259 = arith.constant 0 : i32
        %dma_wait3A_260 = tpu.memref_slice %arg2[%mul3A_247, %dma_wait3A_259] : memref<160000x128xf32, #tpu.memory_space<hbm>> -> memref<256x128xf32, #tpu.memory_space<hbm>>
        tpu.wait_dma2 semaphore(%arg8 : memref<!tpu.dma_semaphore, #tpu.memory_space<semaphore_mem>>) src(%dma_wait3A_260 : memref<256x128xf32, #tpu.memory_space<hbm>>) dst(%dma_wait3A_258 : memref<256x128xf32, #tpu.memory_space<vmem>>)
        %get3A = arith.constant 0 : i32
        %get3A_261 = arith.constant 0 : i32
        %get3A_262 = arith.index_cast %get3A : i32 to index
        %get3A_263 = arith.index_cast %get3A_261 : i32 to index
        %get3A_264 = arith.constant 0 : index
        %get3A_265 = tpu.vector_load %arg5[%get3A_262, %get3A_263, %get3A_264] {strides = array<i32>} : memref<2x2x128xi32, #tpu.memory_space<vmem>>, vector<1x1x16xi32>,
        %get3A_266 = vector.shape_cast %get3A_265 : vector<1x1x16xi32> to vector<16xi32>
        %sub3A = vector.broadcast %mul3A_0 : i32 to vector<16xi32>
        %sub3A_267 = arith.subi %get3A_266, %sub3A : vector<16xi32>
        %ge3A = arith.constant 0 : i32
        %ge3A_268 = vector.broadcast %ge3A : i32 to vector<16xi32>
        %ge3A_269 = arith.cmpi sge, %sub3A_267, %ge3A_268 : vector<16xi32>
        %lt3A_270 = arith.constant 5000 : i32
        %lt3A_271 = vector.broadcast %lt3A_270 : i32 to vector<16xi32>
        %lt3A_272 = arith.cmpi slt, %sub3A_267, %lt3A_271 : vector<16xi32>
        %and3A = arith.andi %ge3A_269, %lt3A_272 : vector<16xi1>
        %select_n3A_273 = arith.select %and3A, %sub3A_267, %add3A_87 : vector<16xi1>, vector<16xi32>
        %swap3A = arith.constant 0 : i32
        %swap3A_274 = arith.constant 0 : i32
        %swap3A_275 = arith.index_cast %swap3A : i32 to index
        %swap3A_276 = arith.index_cast %swap3A_274 : i32 to index
        %swap3A_277 = arith.constant 0 : index
        %swap3A_278 = tpu.vector_load %arg5[%swap3A_275, %swap3A_276, %swap3A_277] {strides = array<i32>} : memref<2x2x128xi32, #tpu.memory_space<vmem>>, vector<1x1x16xi32>,
        %swap3A_279 = vector.shape_cast %swap3A_278 : vector<1x1x16xi32> to vector<16xi32>
        %swap3A_280 = vector.shape_cast %select_n3A_273 : vector<16xi32> to vector<1x1x16xi32>
        tpu.vector_store %arg5[%swap3A_275, %swap3A_276, %swap3A_277], %swap3A_280 {strides = array<i32>} : memref<2x2x128xi32, #tpu.memory_space<vmem>>, vector<1x1x16xi32>,
        %get3A_281 = arith.constant 0 : i32
        %get3A_282 = arith.constant 0 : i32
        %get3A_283 = arith.index_cast %get3A_281 : i32 to index
        %get3A_284 = arith.index_cast %get3A_282 : i32 to index
        %get3A_285 = arith.constant 16 : index
        %get3A_286 = tpu.vector_load %arg5[%get3A_283, %get3A_284, %get3A_285] {strides = array<i32>} : memref<2x2x128xi32, #tpu.memory_space<vmem>>, vector<1x1x16xi32>,
        %get3A_287 = vector.shape_cast %get3A_286 : vector<1x1x16xi32> to vector<16xi32>
        %sub3A_288 = vector.broadcast %mul3A_0 : i32 to vector<16xi32>
        %sub3A_289 = arith.subi %get3A_287, %sub3A_288 : vector<16xi32>
        %ge3A_290 = arith.constant 0 : i32
        %ge3A_291 = vector.broadcast %ge3A_290 : i32 to vector<16xi32>
        %ge3A_292 = arith.cmpi sge, %sub3A_289, %ge3A_291 : vector<16xi32>
        %lt3A_293 = arith.constant 5000 : i32
        %lt3A_294 = vector.broadcast %lt3A_293 : i32 to vector<16xi32>
        %lt3A_295 = arith.cmpi slt, %sub3A_289, %lt3A_294 : vector<16xi32>
        %and3A_296 = arith.andi %ge3A_292, %lt3A_295 : vector<16xi1>
        %select_n3A_297 = arith.select %and3A_296, %sub3A_289, %add3A_87 : vector<16xi1>, vector<16xi32>
        %swap3A_298 = arith.constant 0 : i32
        %swap3A_299 = arith.constant 0 : i32
        %swap3A_300 = arith.index_cast %swap3A_298 : i32 to index
        %swap3A_301 = arith.index_cast %swap3A_299 : i32 to index
        %swap3A_302 = arith.constant 16 : index
        %swap3A_303 = tpu.vector_load %arg5[%swap3A_300, %swap3A_301, %swap3A_302] {strides = array<i32>} : memref<2x2x128xi32, #tpu.memory_space<vmem>>, vector<1x1x16xi32>,
        %swap3A_304 = vector.shape_cast %swap3A_303 : vector<1x1x16xi32> to vector<16xi32>
        %swap3A_305 = vector.shape_cast %select_n3A_297 : vector<16xi32> to vector<1x1x16xi32>
        tpu.vector_store %arg5[%swap3A_300, %swap3A_301, %swap3A_302], %swap3A_305 {strides = array<i32>} : memref<2x2x128xi32, #tpu.memory_space<vmem>>, vector<1x1x16xi32>,
        %get3A_306 = arith.constant 0 : i32
        %get3A_307 = arith.constant 0 : i32
        %get3A_308 = arith.index_cast %get3A_306 : i32 to index
        %get3A_309 = arith.index_cast %get3A_307 : i32 to index
        %get3A_310 = arith.constant 32 : index
        %get3A_311 = tpu.vector_load %arg5[%get3A_308, %get3A_309, %get3A_310] {strides = array<i32>} : memref<2x2x128xi32, #tpu.memory_space<vmem>>, vector<1x1x16xi32>,
        %get3A_312 = vector.shape_cast %get3A_311 : vector<1x1x16xi32> to vector<16xi32>
        %sub3A_313 = vector.broadcast %mul3A_0 : i32 to vector<16xi32>
        %sub3A_314 = arith.subi %get3A_312, %sub3A_313 : vector<16xi32>
        %ge3A_315 = arith.constant 0 : i32
        %ge3A_316 = vector.broadcast %ge3A_315 : i32 to vector<16xi32>
        %ge3A_317 = arith.cmpi sge, %sub3A_314, %ge3A_316 : vector<16xi32>
        %lt3A_318 = arith.constant 5000 : i32
        %lt3A_319 = vector.broadcast %lt3A_318 : i32 to vector<16xi32>
        %lt3A_320 = arith.cmpi slt, %sub3A_314, %lt3A_319 : vector<16xi32>
        %and3A_321 = arith.andi %ge3A_317, %lt3A_320 : vector<16xi1>
        %select_n3A_322 = arith.select %and3A_321, %sub3A_314, %add3A_87 : vector<16xi1>, vector<16xi32>
        %swap3A_323 = arith.constant 0 : i32
        %swap3A_324 = arith.constant 0 : i32
        %swap3A_325 = arith.index_cast %swap3A_323 : i32 to index
        %swap3A_326 = arith.index_cast %swap3A_324 : i32 to index
        %swap3A_327 = arith.constant 32 : index
        %swap3A_328 = tpu.vector_load %arg5[%swap3A_325, %swap3A_326, %swap3A_327] {strides = array<i32>} : memref<2x2x128xi32, #tpu.memory_space<vmem>>, vector<1x1x16xi32>,
        %swap3A_329 = vector.shape_cast %swap3A_328 : vector<1x1x16xi32> to vector<16xi32>
        %swap3A_330 = vector.shape_cast %select_n3A_322 : vector<16xi32> to vector<1x1x16xi32>
        tpu.vector_store %arg5[%swap3A_325, %swap3A_326, %swap3A_327], %swap3A_330 {strides = array<i32>} : memref<2x2x128xi32, #tpu.memory_space<vmem>>, vector<1x1x16xi32>,
        %get3A_331 = arith.constant 0 : i32
        %get3A_332 = arith.constant 0 : i32
        %get3A_333 = arith.index_cast %get3A_331 : i32 to index
        %get3A_334 = arith.index_cast %get3A_332 : i32 to index
        %get3A_335 = arith.constant 48 : index
        %get3A_336 = tpu.vector_load %arg5[%get3A_333, %get3A_334, %get3A_335] {strides = array<i32>} : memref<2x2x128xi32, #tpu.memory_space<vmem>>, vector<1x1x16xi32>,
        %get3A_337 = vector.shape_cast %get3A_336 : vector<1x1x16xi32> to vector<16xi32>
        %sub3A_338 = vector.broadcast %mul3A_0 : i32 to vector<16xi32>
        %sub3A_339 = arith.subi %get3A_337, %sub3A_338 : vector<16xi32>
        %ge3A_340 = arith.constant 0 : i32
        %ge3A_341 = vector.broadcast %ge3A_340 : i32 to vector<16xi32>
        %ge3A_342 = arith.cmpi sge, %sub3A_339, %ge3A_341 : vector<16xi32>
        %lt3A_343 = arith.constant 5000 : i32
        %lt3A_344 = vector.broadcast %lt3A_343 : i32 to vector<16xi32>
        %lt3A_345 = arith.cmpi slt, %sub3A_339, %lt3A_344 : vector<16xi32>
        %and3A_346 = arith.andi %ge3A_342, %lt3A_345 : vector<16xi1>
        %select_n3A_347 = arith.select %and3A_346, %sub3A_339, %add3A_87 : vector<16xi1>, vector<16xi32>
        %swap3A_348 = arith.constant 0 : i32
        %swap3A_349 = arith.constant 0 : i32
        %swap3A_350 = arith.index_cast %swap3A_348 : i32 to index
        %swap3A_351 = arith.index_cast %swap3A_349 : i32 to index
        %swap3A_352 = arith.constant 48 : index
        %swap3A_353 = tpu.vector_load %arg5[%swap3A_350, %swap3A_351, %swap3A_352] {strides = array<i32>} : memref<2x2x128xi32, #tpu.memory_space<vmem>>, vector<1x1x16xi32>,
        %swap3A_354 = vector.shape_cast %swap3A_353 : vector<1x1x16xi32> to vector<16xi32>
        %swap3A_355 = vector.shape_cast %select_n3A_347 : vector<16xi32> to vector<1x1x16xi32>
        tpu.vector_store %arg5[%swap3A_350, %swap3A_351, %swap3A_352], %swap3A_355 {strides = array<i32>} : memref<2x2x128xi32, #tpu.memory_space<vmem>>, vector<1x1x16xi32>,
        %get3A_356 = arith.constant 0 : i32
        %get3A_357 = arith.constant 0 : i32
        %get3A_358 = arith.index_cast %get3A_356 : i32 to index
        %get3A_359 = arith.index_cast %get3A_357 : i32 to index
        %get3A_360 = arith.constant 64 : index
        %get3A_361 = tpu.vector_load %arg5[%get3A_358, %get3A_359, %get3A_360] {strides = array<i32>} : memref<2x2x128xi32, #tpu.memory_space<vmem>>, vector<1x1x16xi32>,
        %get3A_362 = vector.shape_cast %get3A_361 : vector<1x1x16xi32> to vector<16xi32>
        %sub3A_363 = vector.broadcast %mul3A_0 : i32 to vector<16xi32>
        %sub3A_364 = arith.subi %get3A_362, %sub3A_363 : vector<16xi32>
        %ge3A_365 = arith.constant 0 : i32
        %ge3A_366 = vector.broadcast %ge3A_365 : i32 to vector<16xi32>
        %ge3A_367 = arith.cmpi sge, %sub3A_364, %ge3A_366 : vector<16xi32>
        %lt3A_368 = arith.constant 5000 : i32
        %lt3A_369 = vector.broadcast %lt3A_368 : i32 to vector<16xi32>
        %lt3A_370 = arith.cmpi slt, %sub3A_364, %lt3A_369 : vector<16xi32>
        %and3A_371 = arith.andi %ge3A_367, %lt3A_370 : vector<16xi1>
        %select_n3A_372 = arith.select %and3A_371, %sub3A_364, %add3A_87 : vector<16xi1>, vector<16xi32>
        %swap3A_373 = arith.constant 0 : i32
        %swap3A_374 = arith.constant 0 : i32
        %swap3A_375 = arith.index_cast %swap3A_373 : i32 to index
        %swap3A_376 = arith.index_cast %swap3A_374 : i32 to index
        %swap3A_377 = arith.constant 64 : index
        %swap3A_378 = tpu.vector_load %arg5[%swap3A_375, %swap3A_376, %swap3A_377] {strides = array<i32>} : memref<2x2x128xi32, #tpu.memory_space<vmem>>, vector<1x1x16xi32>,
        %swap3A_379 = vector.shape_cast %swap3A_378 : vector<1x1x16xi32> to vector<16xi32>
        %swap3A_380 = vector.shape_cast %select_n3A_372 : vector<16xi32> to vector<1x1x16xi32>
        tpu.vector_store %arg5[%swap3A_375, %swap3A_376, %swap3A_377], %swap3A_380 {strides = array<i32>} : memref<2x2x128xi32, #tpu.memory_space<vmem>>, vector<1x1x16xi32>,
        %get3A_381 = arith.constant 0 : i32
        %get3A_382 = arith.constant 0 : i32
        %get3A_383 = arith.index_cast %get3A_381 : i32 to index
        %get3A_384 = arith.index_cast %get3A_382 : i32 to index
        %get3A_385 = arith.constant 80 : index
        %get3A_386 = tpu.vector_load %arg5[%get3A_383, %get3A_384, %get3A_385] {strides = array<i32>} : memref<2x2x128xi32, #tpu.memory_space<vmem>>, vector<1x1x16xi32>,
        %get3A_387 = vector.shape_cast %get3A_386 : vector<1x1x16xi32> to vector<16xi32>
        %sub3A_388 = vector.broadcast %mul3A_0 : i32 to vector<16xi32>
        %sub3A_389 = arith.subi %get3A_387, %sub3A_388 : vector<16xi32>
        %ge3A_390 = arith.constant 0 : i32
        %ge3A_391 = vector.broadcast %ge3A_390 : i32 to vector<16xi32>
        %ge3A_392 = arith.cmpi sge, %sub3A_389, %ge3A_391 : vector<16xi32>
        %lt3A_393 = arith.constant 5000 : i32
        %lt3A_394 = vector.broadcast %lt3A_393 : i32 to vector<16xi32>
        %lt3A_395 = arith.cmpi slt, %sub3A_389, %lt3A_394 : vector<16xi32>
        %and3A_396 = arith.andi %ge3A_392, %lt3A_395 : vector<16xi1>
        %select_n3A_397 = arith.select %and3A_396, %sub3A_389, %add3A_87 : vector<16xi1>, vector<16xi32>
        %swap3A_398 = arith.constant 0 : i32
        %swap3A_399 = arith.constant 0 : i32
        %swap3A_400 = arith.index_cast %swap3A_398 : i32 to index
        %swap3A_401 = arith.index_cast %swap3A_399 : i32 to index
        %swap3A_402 = arith.constant 80 : index
        %swap3A_403 = tpu.vector_load %arg5[%swap3A_400, %swap3A_401, %swap3A_402] {strides = array<i32>} : memref<2x2x128xi32, #tpu.memory_space<vmem>>, vector<1x1x16xi32>,
        %swap3A_404 = vector.shape_cast %swap3A_403 : vector<1x1x16xi32> to vector<16xi32>
        %swap3A_405 = vector.shape_cast %select_n3A_397 : vector<16xi32> to vector<1x1x16xi32>
        tpu.vector_store %arg5[%swap3A_400, %swap3A_401, %swap3A_402], %swap3A_405 {strides = array<i32>} : memref<2x2x128xi32, #tpu.memory_space<vmem>>, vector<1x1x16xi32>,
        %get3A_406 = arith.constant 0 : i32
        %get3A_407 = arith.constant 0 : i32
        %get3A_408 = arith.index_cast %get3A_406 : i32 to index
        %get3A_409 = arith.index_cast %get3A_407 : i32 to index
        %get3A_410 = arith.constant 96 : index
        %get3A_411 = tpu.vector_load %arg5[%get3A_408, %get3A_409, %get3A_410] {strides = array<i32>} : memref<2x2x128xi32, #tpu.memory_space<vmem>>, vector<1x1x16xi32>,
        %get3A_412 = vector.shape_cast %get3A_411 : vector<1x1x16xi32> to vector<16xi32>
        %sub3A_413 = vector.broadcast %mul3A_0 : i32 to vector<16xi32>
        %sub3A_414 = arith.subi %get3A_412, %sub3A_413 : vector<16xi32>
        %ge3A_415 = arith.constant 0 : i32
        %ge3A_416 = vector.broadcast %ge3A_415 : i32 to vector<16xi32>
        %ge3A_417 = arith.cmpi sge, %sub3A_414, %ge3A_416 : vector<16xi32>
        %lt3A_418 = arith.constant 5000 : i32
        %lt3A_419 = vector.broadcast %lt3A_418 : i32 to vector<16xi32>
        %lt3A_420 = arith.cmpi slt, %sub3A_414, %lt3A_419 : vector<16xi32>
        %and3A_421 = arith.andi %ge3A_417, %lt3A_420 : vector<16xi1>
        %select_n3A_422 = arith.select %and3A_421, %sub3A_414, %add3A_87 : vector<16xi1>, vector<16xi32>
        %swap3A_423 = arith.constant 0 : i32
        %swap3A_424 = arith.constant 0 : i32
        %swap3A_425 = arith.index_cast %swap3A_423 : i32 to index
        %swap3A_426 = arith.index_cast %swap3A_424 : i32 to index
        %swap3A_427 = arith.constant 96 : index
        %swap3A_428 = tpu.vector_load %arg5[%swap3A_425, %swap3A_426, %swap3A_427] {strides = array<i32>} : memref<2x2x128xi32, #tpu.memory_space<vmem>>, vector<1x1x16xi32>,
        %swap3A_429 = vector.shape_cast %swap3A_428 : vector<1x1x16xi32> to vector<16xi32>
        %swap3A_430 = vector.shape_cast %select_n3A_422 : vector<16xi32> to vector<1x1x16xi32>
        tpu.vector_store %arg5[%swap3A_425, %swap3A_426, %swap3A_427], %swap3A_430 {strides = array<i32>} : memref<2x2x128xi32, #tpu.memory_space<vmem>>, vector<1x1x16xi32>,
        %get3A_431 = arith.constant 0 : i32
        %get3A_432 = arith.constant 0 : i32
        %get3A_433 = arith.index_cast %get3A_431 : i32 to index
        %get3A_434 = arith.index_cast %get3A_432 : i32 to index
        %get3A_435 = arith.constant 112 : index
        %get3A_436 = tpu.vector_load %arg5[%get3A_433, %get3A_434, %get3A_435] {strides = array<i32>} : memref<2x2x128xi32, #tpu.memory_space<vmem>>, vector<1x1x16xi32>,
        %get3A_437 = vector.shape_cast %get3A_436 : vector<1x1x16xi32> to vector<16xi32>
        %sub3A_438 = vector.broadcast %mul3A_0 : i32 to vector<16xi32>
        %sub3A_439 = arith.subi %get3A_437, %sub3A_438 : vector<16xi32>
        %ge3A_440 = arith.constant 0 : i32
        %ge3A_441 = vector.broadcast %ge3A_440 : i32 to vector<16xi32>
        %ge3A_442 = arith.cmpi sge, %sub3A_439, %ge3A_441 : vector<16xi32>
        %lt3A_443 = arith.constant 5000 : i32
        %lt3A_444 = vector.broadcast %lt3A_443 : i32 to vector<16xi32>
        %lt3A_445 = arith.cmpi slt, %sub3A_439, %lt3A_444 : vector<16xi32>
        %and3A_446 = arith.andi %ge3A_442, %lt3A_445 : vector<16xi1>
        %select_n3A_447 = arith.select %and3A_446, %sub3A_439, %add3A_87 : vector<16xi1>, vector<16xi32>
        %swap3A_448 = arith.constant 0 : i32
        %swap3A_449 = arith.constant 0 : i32
        %swap3A_450 = arith.index_cast %swap3A_448 : i32 to index
        %swap3A_451 = arith.index_cast %swap3A_449 : i32 to index
        %swap3A_452 = arith.constant 112 : index
        %swap3A_453 = tpu.vector_load %arg5[%swap3A_450, %swap3A_451, %swap3A_452] {strides = array<i32>} : memref<2x2x128xi32, #tpu.memory_space<vmem>>, vector<1x1x16xi32>,
        %swap3A_454 = vector.shape_cast %swap3A_453 : vector<1x1x16xi32> to vector<16xi32>
        %swap3A_455 = vector.shape_cast %select_n3A_447 : vector<16xi32> to vector<1x1x16xi32>
        tpu.vector_store %arg5[%swap3A_450, %swap3A_451, %swap3A_452], %swap3A_455 {strides = array<i32>} : memref<2x2x128xi32, #tpu.memory_space<vmem>>, vector<1x1x16xi32>,
        %get3A_456 = arith.constant 0 : i32
        %get3A_457 = arith.constant 1 : i32
        %get3A_458 = arith.index_cast %get3A_456 : i32 to index
        %get3A_459 = arith.index_cast %get3A_457 : i32 to index
        %get3A_460 = arith.constant 0 : index
        %get3A_461 = tpu.vector_load %arg5[%get3A_458, %get3A_459, %get3A_460] {strides = array<i32>} : memref<2x2x128xi32, #tpu.memory_space<vmem>>, vector<1x1x16xi32>,
        %get3A_462 = vector.shape_cast %get3A_461 : vector<1x1x16xi32> to vector<16xi32>
        %sub3A_463 = vector.broadcast %mul3A_0 : i32 to vector<16xi32>
        %sub3A_464 = arith.subi %get3A_462, %sub3A_463 : vector<16xi32>
        %ge3A_465 = arith.constant 0 : i32
        %ge3A_466 = vector.broadcast %ge3A_465 : i32 to vector<16xi32>
        %ge3A_467 = arith.cmpi sge, %sub3A_464, %ge3A_466 : vector<16xi32>
        %lt3A_468 = arith.constant 5000 : i32
        %lt3A_469 = vector.broadcast %lt3A_468 : i32 to vector<16xi32>
        %lt3A_470 = arith.cmpi slt, %sub3A_464, %lt3A_469 : vector<16xi32>
        %and3A_471 = arith.andi %ge3A_467, %lt3A_470 : vector<16xi1>
        %select_n3A_472 = arith.select %and3A_471, %sub3A_464, %add3A_87 : vector<16xi1>, vector<16xi32>
        %swap3A_473 = arith.constant 0 : i32
        %swap3A_474 = arith.constant 1 : i32
        %swap3A_475 = arith.index_cast %swap3A_473 : i32 to index
        %swap3A_476 = arith.index_cast %swap3A_474 : i32 to index
        %swap3A_477 = arith.constant 0 : index
        %swap3A_478 = tpu.vector_load %arg5[%swap3A_475, %swap3A_476, %swap3A_477] {strides = array<i32>} : memref<2x2x128xi32, #tpu.memory_space<vmem>>, vector<1x1x16xi32>,
        %swap3A_479 = vector.shape_cast %swap3A_478 : vector<1x1x16xi32> to vector<16xi32>
        %swap3A_480 = vector.shape_cast %select_n3A_472 : vector<16xi32> to vector<1x1x16xi32>
        tpu.vector_store %arg5[%swap3A_475, %swap3A_476, %swap3A_477], %swap3A_480 {strides = array<i32>} : memref<2x2x128xi32, #tpu.memory_space<vmem>>, vector<1x1x16xi32>,
        %get3A_481 = arith.constant 0 : i32
        %get3A_482 = arith.constant 1 : i32
        %get3A_483 = arith.index_cast %get3A_481 : i32 to index
        %get3A_484 = arith.index_cast %get3A_482 : i32 to index
        %get3A_485 = arith.constant 16 : index
        %get3A_486 = tpu.vector_load %arg5[%get3A_483, %get3A_484, %get3A_485] {strides = array<i32>} : memref<2x2x128xi32, #tpu.memory_space<vmem>>, vector<1x1x16xi32>,
        %get3A_487 = vector.shape_cast %get3A_486 : vector<1x1x16xi32> to vector<16xi32>
        %sub3A_488 = vector.broadcast %mul3A_0 : i32 to vector<16xi32>
        %sub3A_489 = arith.subi %get3A_487, %sub3A_488 : vector<16xi32>
        %ge3A_490 = arith.constant 0 : i32
        %ge3A_491 = vector.broadcast %ge3A_490 : i32 to vector<16xi32>
        %ge3A_492 = arith.cmpi sge, %sub3A_489, %ge3A_491 : vector<16xi32>
        %lt3A_493 = arith.constant 5000 : i32
        %lt3A_494 = vector.broadcast %lt3A_493 : i32 to vector<16xi32>
        %lt3A_495 = arith.cmpi slt, %sub3A_489, %lt3A_494 : vector<16xi32>
        %and3A_496 = arith.andi %ge3A_492, %lt3A_495 : vector<16xi1>
        %select_n3A_497 = arith.select %and3A_496, %sub3A_489, %add3A_87 : vector<16xi1>, vector<16xi32>
        %swap3A_498 = arith.constant 0 : i32
        %swap3A_499 = arith.constant 1 : i32
        %swap3A_500 = arith.index_cast %swap3A_498 : i32 to index
        %swap3A_501 = arith.index_cast %swap3A_499 : i32 to index
        %swap3A_502 = arith.constant 16 : index
        %swap3A_503 = tpu.vector_load %arg5[%swap3A_500, %swap3A_501, %swap3A_502] {strides = array<i32>} : memref<2x2x128xi32, #tpu.memory_space<vmem>>, vector<1x1x16xi32>,
        %swap3A_504 = vector.shape_cast %swap3A_503 : vector<1x1x16xi32> to vector<16xi32>
        %swap3A_505 = vector.shape_cast %select_n3A_497 : vector<16xi32> to vector<1x1x16xi32>
        tpu.vector_store %arg5[%swap3A_500, %swap3A_501, %swap3A_502], %swap3A_505 {strides = array<i32>} : memref<2x2x128xi32, #tpu.memory_space<vmem>>, vector<1x1x16xi32>,
        %get3A_506 = arith.constant 0 : i32
        %get3A_507 = arith.constant 1 : i32
        %get3A_508 = arith.index_cast %get3A_506 : i32 to index
        %get3A_509 = arith.index_cast %get3A_507 : i32 to index
        %get3A_510 = arith.constant 32 : index
        %get3A_511 = tpu.vector_load %arg5[%get3A_508, %get3A_509, %get3A_510] {strides = array<i32>} : memref<2x2x128xi32, #tpu.memory_space<vmem>>, vector<1x1x16xi32>,
        %get3A_512 = vector.shape_cast %get3A_511 : vector<1x1x16xi32> to vector<16xi32>
        %sub3A_513 = vector.broadcast %mul3A_0 : i32 to vector<16xi32>
        %sub3A_514 = arith.subi %get3A_512, %sub3A_513 : vector<16xi32>
        %ge3A_515 = arith.constant 0 : i32
        %ge3A_516 = vector.broadcast %ge3A_515 : i32 to vector<16xi32>
        %ge3A_517 = arith.cmpi sge, %sub3A_514, %ge3A_516 : vector<16xi32>
        %lt3A_518 = arith.constant 5000 : i32
        %lt3A_519 = vector.broadcast %lt3A_518 : i32 to vector<16xi32>
        %lt3A_520 = arith.cmpi slt, %sub3A_514, %lt3A_519 : vector<16xi32>
        %and3A_521 = arith.andi %ge3A_517, %lt3A_520 : vector<16xi1>
        %select_n3A_522 = arith.select %and3A_521, %sub3A_514, %add3A_87 : vector<16xi1>, vector<16xi32>
        %swap3A_523 = arith.constant 0 : i32
        %swap3A_524 = arith.constant 1 : i32
        %swap3A_525 = arith.index_cast %swap3A_523 : i32 to index
        %swap3A_526 = arith.index_cast %swap3A_524 : i32 to index
        %swap3A_527 = arith.constant 32 : index
        %swap3A_528 = tpu.vector_load %arg5[%swap3A_525, %swap3A_526, %swap3A_527] {strides = array<i32>} : memref<2x2x128xi32, #tpu.memory_space<vmem>>, vector<1x1x16xi32>,
        %swap3A_529 = vector.shape_cast %swap3A_528 : vector<1x1x16xi32> to vector<16xi32>
        %swap3A_530 = vector.shape_cast %select_n3A_522 : vector<16xi32> to vector<1x1x16xi32>
        tpu.vector_store %arg5[%swap3A_525, %swap3A_526, %swap3A_527], %swap3A_530 {strides = array<i32>} : memref<2x2x128xi32, #tpu.memory_space<vmem>>, vector<1x1x16xi32>,
        %get3A_531 = arith.constant 0 : i32
        %get3A_532 = arith.constant 1 : i32
        %get3A_533 = arith.index_cast %get3A_531 : i32 to index
        %get3A_534 = arith.index_cast %get3A_532 : i32 to index
        %get3A_535 = arith.constant 48 : index
        %get3A_536 = tpu.vector_load %arg5[%get3A_533, %get3A_534, %get3A_535] {strides = array<i32>} : memref<2x2x128xi32, #tpu.memory_space<vmem>>, vector<1x1x16xi32>,
        %get3A_537 = vector.shape_cast %get3A_536 : vector<1x1x16xi32> to vector<16xi32>
        %sub3A_538 = vector.broadcast %mul3A_0 : i32 to vector<16xi32>
        %sub3A_539 = arith.subi %get3A_537, %sub3A_538 : vector<16xi32>
        %ge3A_540 = arith.constant 0 : i32
        %ge3A_541 = vector.broadcast %ge3A_540 : i32 to vector<16xi32>
        %ge3A_542 = arith.cmpi sge, %sub3A_539, %ge3A_541 : vector<16xi32>
        %lt3A_543 = arith.constant 5000 : i32
        %lt3A_544 = vector.broadcast %lt3A_543 : i32 to vector<16xi32>
        %lt3A_545 = arith.cmpi slt, %sub3A_539, %lt3A_544 : vector<16xi32>
        %and3A_546 = arith.andi %ge3A_542, %lt3A_545 : vector<16xi1>
        %select_n3A_547 = arith.select %and3A_546, %sub3A_539, %add3A_87 : vector<16xi1>, vector<16xi32>
        %swap3A_548 = arith.constant 0 : i32
        %swap3A_549 = arith.constant 1 : i32
        %swap3A_550 = arith.index_cast %swap3A_548 : i32 to index
        %swap3A_551 = arith.index_cast %swap3A_549 : i32 to index
        %swap3A_552 = arith.constant 48 : index
        %swap3A_553 = tpu.vector_load %arg5[%swap3A_550, %swap3A_551, %swap3A_552] {strides = array<i32>} : memref<2x2x128xi32, #tpu.memory_space<vmem>>, vector<1x1x16xi32>,
        %swap3A_554 = vector.shape_cast %swap3A_553 : vector<1x1x16xi32> to vector<16xi32>
        %swap3A_555 = vector.shape_cast %select_n3A_547 : vector<16xi32> to vector<1x1x16xi32>
        tpu.vector_store %arg5[%swap3A_550, %swap3A_551, %swap3A_552], %swap3A_555 {strides = array<i32>} : memref<2x2x128xi32, #tpu.memory_space<vmem>>, vector<1x1x16xi32>,
        %get3A_556 = arith.constant 0 : i32
        %get3A_557 = arith.constant 1 : i32
        %get3A_558 = arith.index_cast %get3A_556 : i32 to index
        %get3A_559 = arith.index_cast %get3A_557 : i32 to index
        %get3A_560 = arith.constant 64 : index
        %get3A_561 = tpu.vector_load %arg5[%get3A_558, %get3A_559, %get3A_560] {strides = array<i32>} : memref<2x2x128xi32, #tpu.memory_space<vmem>>, vector<1x1x16xi32>,
        %get3A_562 = vector.shape_cast %get3A_561 : vector<1x1x16xi32> to vector<16xi32>
        %sub3A_563 = vector.broadcast %mul3A_0 : i32 to vector<16xi32>
        %sub3A_564 = arith.subi %get3A_562, %sub3A_563 : vector<16xi32>
        %ge3A_565 = arith.constant 0 : i32
        %ge3A_566 = vector.broadcast %ge3A_565 : i32 to vector<16xi32>
        %ge3A_567 = arith.cmpi sge, %sub3A_564, %ge3A_566 : vector<16xi32>
        %lt3A_568 = arith.constant 5000 : i32
        %lt3A_569 = vector.broadcast %lt3A_568 : i32 to vector<16xi32>
        %lt3A_570 = arith.cmpi slt, %sub3A_564, %lt3A_569 : vector<16xi32>
        %and3A_571 = arith.andi %ge3A_567, %lt3A_570 : vector<16xi1>
        %select_n3A_572 = arith.select %and3A_571, %sub3A_564, %add3A_87 : vector<16xi1>, vector<16xi32>
        %swap3A_573 = arith.constant 0 : i32
        %swap3A_574 = arith.constant 1 : i32
        %swap3A_575 = arith.index_cast %swap3A_573 : i32 to index
        %swap3A_576 = arith.index_cast %swap3A_574 : i32 to index
        %swap3A_577 = arith.constant 64 : index
        %swap3A_578 = tpu.vector_load %arg5[%swap3A_575, %swap3A_576, %swap3A_577] {strides = array<i32>} : memref<2x2x128xi32, #tpu.memory_space<vmem>>, vector<1x1x16xi32>,
        %swap3A_579 = vector.shape_cast %swap3A_578 : vector<1x1x16xi32> to vector<16xi32>
        %swap3A_580 = vector.shape_cast %select_n3A_572 : vector<16xi32> to vector<1x1x16xi32>
        tpu.vector_store %arg5[%swap3A_575, %swap3A_576, %swap3A_577], %swap3A_580 {strides = array<i32>} : memref<2x2x128xi32, #tpu.memory_space<vmem>>, vector<1x1x16xi32>,
        %get3A_581 = arith.constant 0 : i32
        %get3A_582 = arith.constant 1 : i32
        %get3A_583 = arith.index_cast %get3A_581 : i32 to index
        %get3A_584 = arith.index_cast %get3A_582 : i32 to index
        %get3A_585 = arith.constant 80 : index
        %get3A_586 = tpu.vector_load %arg5[%get3A_583, %get3A_584, %get3A_585] {strides = array<i32>} : memref<2x2x128xi32, #tpu.memory_space<vmem>>, vector<1x1x16xi32>,
        %get3A_587 = vector.shape_cast %get3A_586 : vector<1x1x16xi32> to vector<16xi32>
        %sub3A_588 = vector.broadcast %mul3A_0 : i32 to vector<16xi32>
        %sub3A_589 = arith.subi %get3A_587, %sub3A_588 : vector<16xi32>
        %ge3A_590 = arith.constant 0 : i32
        %ge3A_591 = vector.broadcast %ge3A_590 : i32 to vector<16xi32>
        %ge3A_592 = arith.cmpi sge, %sub3A_589, %ge3A_591 : vector<16xi32>
        %lt3A_593 = arith.constant 5000 : i32
        %lt3A_594 = vector.broadcast %lt3A_593 : i32 to vector<16xi32>
        %lt3A_595 = arith.cmpi slt, %sub3A_589, %lt3A_594 : vector<16xi32>
        %and3A_596 = arith.andi %ge3A_592, %lt3A_595 : vector<16xi1>
        %select_n3A_597 = arith.select %and3A_596, %sub3A_589, %add3A_87 : vector<16xi1>, vector<16xi32>
        %swap3A_598 = arith.constant 0 : i32
        %swap3A_599 = arith.constant 1 : i32
        %swap3A_600 = arith.index_cast %swap3A_598 : i32 to index
        %swap3A_601 = arith.index_cast %swap3A_599 : i32 to index
        %swap3A_602 = arith.constant 80 : index
        %swap3A_603 = tpu.vector_load %arg5[%swap3A_600, %swap3A_601, %swap3A_602] {strides = array<i32>} : memref<2x2x128xi32, #tpu.memory_space<vmem>>, vector<1x1x16xi32>,
        %swap3A_604 = vector.shape_cast %swap3A_603 : vector<1x1x16xi32> to vector<16xi32>
        %swap3A_605 = vector.shape_cast %select_n3A_597 : vector<16xi32> to vector<1x1x16xi32>
        tpu.vector_store %arg5[%swap3A_600, %swap3A_601, %swap3A_602], %swap3A_605 {strides = array<i32>} : memref<2x2x128xi32, #tpu.memory_space<vmem>>, vector<1x1x16xi32>,
        %get3A_606 = arith.constant 0 : i32
        %get3A_607 = arith.constant 1 : i32
        %get3A_608 = arith.index_cast %get3A_606 : i32 to index
        %get3A_609 = arith.index_cast %get3A_607 : i32 to index
        %get3A_610 = arith.constant 96 : index
        %get3A_611 = tpu.vector_load %arg5[%get3A_608, %get3A_609, %get3A_610] {strides = array<i32>} : memref<2x2x128xi32, #tpu.memory_space<vmem>>, vector<1x1x16xi32>,
        %get3A_612 = vector.shape_cast %get3A_611 : vector<1x1x16xi32> to vector<16xi32>
        %sub3A_613 = vector.broadcast %mul3A_0 : i32 to vector<16xi32>
        %sub3A_614 = arith.subi %get3A_612, %sub3A_613 : vector<16xi32>
        %ge3A_615 = arith.constant 0 : i32
        %ge3A_616 = vector.broadcast %ge3A_615 : i32 to vector<16xi32>
        %ge3A_617 = arith.cmpi sge, %sub3A_614, %ge3A_616 : vector<16xi32>
        %lt3A_618 = arith.constant 5000 : i32
        %lt3A_619 = vector.broadcast %lt3A_618 : i32 to vector<16xi32>
        %lt3A_620 = arith.cmpi slt, %sub3A_614, %lt3A_619 : vector<16xi32>
        %and3A_621 = arith.andi %ge3A_617, %lt3A_620 : vector<16xi1>
        %select_n3A_622 = arith.select %and3A_621, %sub3A_614, %add3A_87 : vector<16xi1>, vector<16xi32>
        %swap3A_623 = arith.constant 0 : i32
        %swap3A_624 = arith.constant 1 : i32
        %swap3A_625 = arith.index_cast %swap3A_623 : i32 to index
        %swap3A_626 = arith.index_cast %swap3A_624 : i32 to index
        %swap3A_627 = arith.constant 96 : index
        %swap3A_628 = tpu.vector_load %arg5[%swap3A_625, %swap3A_626, %swap3A_627] {strides = array<i32>} : memref<2x2x128xi32, #tpu.memory_space<vmem>>, vector<1x1x16xi32>,
        %swap3A_629 = vector.shape_cast %swap3A_628 : vector<1x1x16xi32> to vector<16xi32>
        %swap3A_630 = vector.shape_cast %select_n3A_622 : vector<16xi32> to vector<1x1x16xi32>
        tpu.vector_store %arg5[%swap3A_625, %swap3A_626, %swap3A_627], %swap3A_630 {strides = array<i32>} : memref<2x2x128xi32, #tpu.memory_space<vmem>>, vector<1x1x16xi32>,
        %get3A_631 = arith.constant 0 : i32
        %get3A_632 = arith.constant 1 : i32
        %get3A_633 = arith.index_cast %get3A_631 : i32 to index
        %get3A_634 = arith.index_cast %get3A_632 : i32 to index
        %get3A_635 = arith.constant 112 : index
        %get3A_636 = tpu.vector_load %arg5[%get3A_633, %get3A_634, %get3A_635] {strides = array<i32>} : memref<2x2x128xi32, #tpu.memory_space<vmem>>, vector<1x1x16xi32>,
        %get3A_637 = vector.shape_cast %get3A_636 : vector<1x1x16xi32> to vector<16xi32>
        %sub3A_638 = vector.broadcast %mul3A_0 : i32 to vector<16xi32>
        %sub3A_639 = arith.subi %get3A_637, %sub3A_638 : vector<16xi32>
        %ge3A_640 = arith.constant 0 : i32
        %ge3A_641 = vector.broadcast %ge3A_640 : i32 to vector<16xi32>
        %ge3A_642 = arith.cmpi sge, %sub3A_639, %ge3A_641 : vector<16xi32>
        %lt3A_643 = arith.constant 5000 : i32
        %lt3A_644 = vector.broadcast %lt3A_643 : i32 to vector<16xi32>
        %lt3A_645 = arith.cmpi slt, %sub3A_639, %lt3A_644 : vector<16xi32>
        %and3A_646 = arith.andi %ge3A_642, %lt3A_645 : vector<16xi1>
        %select_n3A_647 = arith.select %and3A_646, %sub3A_639, %add3A_87 : vector<16xi1>, vector<16xi32>
        %swap3A_648 = arith.constant 0 : i32
        %swap3A_649 = arith.constant 1 : i32
        %swap3A_650 = arith.index_cast %swap3A_648 : i32 to index
        %swap3A_651 = arith.index_cast %swap3A_649 : i32 to index
        %swap3A_652 = arith.constant 112 : index
        %swap3A_653 = tpu.vector_load %arg5[%swap3A_650, %swap3A_651, %swap3A_652] {strides = array<i32>} : memref<2x2x128xi32, #tpu.memory_space<vmem>>, vector<1x1x16xi32>,
        %swap3A_654 = vector.shape_cast %swap3A_653 : vector<1x1x16xi32> to vector<16xi32>
        %swap3A_655 = vector.shape_cast %select_n3A_647 : vector<16xi32> to vector<1x1x16xi32>
        tpu.vector_store %arg5[%swap3A_650, %swap3A_651, %swap3A_652], %swap3A_655 {strides = array<i32>} : memref<2x2x128xi32, #tpu.memory_space<vmem>>, vector<1x1x16xi32>,
        %dma_start3A_656 = arith.constant 0 : i32
        %dma_start3A_657 = arith.constant 0 : i32
        %dma_start3A_658 = arith.constant 0 : i32
        %dma_start3A_659 = arith.constant 0 : i32
        %dma_start3A_660 = arith.constant 0 : i32
        %dma_start3A_661 = tpu.memref_slice %arg6[%dma_start3A_656, %dma_start3A_659, %dma_start3A_660] : memref<2x256x128xf32, #tpu.memory_space<vmem>> -> memref<1x256x128xf32, #tpu.memory_space<vmem>>
        %dma_start3A_662 = tpu.memref_squeeze %dma_start3A_661 : memref<1x256x128xf32, #tpu.memory_space<vmem>> -> memref<256x128xf32, #tpu.memory_space<vmem>>
        %dma_start3A_663 = arith.constant 0 : i32
        %dma_start3A_664 = arith.constant 0 : i32
        %dma_start3A_665 = tpu.memref_slice %dma_start3A_662[%dma_start3A_663, %dma_start3A_664] : memref<256x128xf32, #tpu.memory_space<vmem>> -> memref<128x128xf32, #tpu.memory_space<vmem>>
        %dma_start3A_666 = arith.constant 0 : i32
        %dma_start3A_667 = arith.constant 0 : i32
        %dma_start3A_668 = tpu.memref_slice %arg5[%dma_start3A_657, %dma_start3A_666, %dma_start3A_667] : memref<2x2x128xi32, #tpu.memory_space<vmem>> -> memref<1x2x128xi32, #tpu.memory_space<vmem>>
        %dma_start3A_669 = tpu.memref_squeeze %dma_start3A_668 : memref<1x2x128xi32, #tpu.memory_space<vmem>> -> memref<2x128xi32, #tpu.memory_space<vmem>>
        %dma_start3A_670 = arith.constant 0 : i32
        %dma_start3A_671 = tpu.memref_slice %dma_start3A_669[%dma_start3A_658, %dma_start3A_670] : memref<2x128xi32, #tpu.memory_space<vmem>> -> memref<1x128xi32, #tpu.memory_space<vmem>>
        %dma_start3A_672 = tpu.memref_squeeze %dma_start3A_671 : memref<1x128xi32, #tpu.memory_space<vmem>> -> memref<128xi32, #tpu.memory_space<vmem>>
        %dma_start3A_673 = arith.constant 0 : i32
        %dma_start3A_674 = arith.constant 0 : i32
        %dma_start3A_675 = tpu.memref_slice %arg7[%dma_start3A_673, %dma_start3A_674] : memref<5016x128xf32, #tpu.memory_space<vmem_shared>> -> memref<5016x128xf32, #tpu.memory_space<vmem_shared>>
        tpu.enqueue_indirect_dma source(%dma_start3A_665 : memref<128x128xf32, #tpu.memory_space<vmem>>) target(%dma_start3A_675 : memref<5016x128xf32, #tpu.memory_space<vmem_shared>>) offsets(%dma_start3A_672 : memref<128xi32, #tpu.memory_space<vmem>>) semaphore(%arg11 : memref<!tpu.dma_semaphore, #tpu.memory_space<semaphore_mem>>) {add = true}
        %dma_start3A_676 = arith.constant 0 : i32
        %dma_start3A_677 = arith.constant 0 : i32
        %dma_start3A_678 = arith.constant 1 : i32
        %dma_start3A_679 = arith.constant 0 : i32
        %dma_start3A_680 = arith.constant 0 : i32
        %dma_start3A_681 = tpu.memref_slice %arg6[%dma_start3A_676, %dma_start3A_679, %dma_start3A_680] : memref<2x256x128xf32, #tpu.memory_space<vmem>> -> memref<1x256x128xf32, #tpu.memory_space<vmem>>
        %dma_start3A_682 = tpu.memref_squeeze %dma_start3A_681 : memref<1x256x128xf32, #tpu.memory_space<vmem>> -> memref<256x128xf32, #tpu.memory_space<vmem>>
        %dma_start3A_683 = arith.constant 128 : i32
        %dma_start3A_684 = arith.constant 0 : i32
        %dma_start3A_685 = tpu.memref_slice %dma_start3A_682[%dma_start3A_683, %dma_start3A_684] : memref<256x128xf32, #tpu.memory_space<vmem>> -> memref<128x128xf32, #tpu.memory_space<vmem>>
        %dma_start3A_686 = arith.constant 0 : i32
        %dma_start3A_687 = arith.constant 0 : i32
        %dma_start3A_688 = tpu.memref_slice %arg5[%dma_start3A_677, %dma_start3A_686, %dma_start3A_687] : memref<2x2x128xi32, #tpu.memory_space<vmem>> -> memref<1x2x128xi32, #tpu.memory_space<vmem>>
        %dma_start3A_689 = tpu.memref_squeeze %dma_start3A_688 : memref<1x2x128xi32, #tpu.memory_space<vmem>> -> memref<2x128xi32, #tpu.memory_space<vmem>>
        %dma_start3A_690 = arith.constant 0 : i32
        %dma_start3A_691 = tpu.memref_slice %dma_start3A_689[%dma_start3A_678, %dma_start3A_690] : memref<2x128xi32, #tpu.memory_space<vmem>> -> memref<1x128xi32, #tpu.memory_space<vmem>>
        %dma_start3A_692 = tpu.memref_squeeze %dma_start3A_691 : memref<1x128xi32, #tpu.memory_space<vmem>> -> memref<128xi32, #tpu.memory_space<vmem>>
        %dma_start3A_693 = arith.constant 0 : i32
        %dma_start3A_694 = arith.constant 0 : i32
        %dma_start3A_695 = tpu.memref_slice %arg7[%dma_start3A_693, %dma_start3A_694] : memref<5016x128xf32, #tpu.memory_space<vmem_shared>> -> memref<5016x128xf32, #tpu.memory_space<vmem_shared>>
        tpu.enqueue_indirect_dma source(%dma_start3A_685 : memref<128x128xf32, #tpu.memory_space<vmem>>) target(%dma_start3A_695 : memref<5016x128xf32, #tpu.memory_space<vmem_shared>>) offsets(%dma_start3A_692 : memref<128xi32, #tpu.memory_space<vmem>>) semaphore(%arg11 : memref<!tpu.dma_semaphore, #tpu.memory_space<semaphore_mem>>) {add = true}
      } else {
      }
      %add3A_194 = arith.constant 2 : i32
      %add3A_195 = arith.addi %add3A_189, %add3A_194 : i32
      %lt3A_196 = arith.cmpi slt, %add3A_195, %select_n3A : i32
      %convert_element_type3A_197 = arith.extui %lt3A_196 : i1 to i32
      %cond3A_198 = arith.constant 0 : i32
      %cond3A_199 = arith.cmpi ne, %convert_element_type3A_197, %cond3A_198 : i32
      scf.if %cond3A_199 {
        %dma_wait3A_226 = arith.constant 0 : i32
        %dma_wait3A_227 = arith.constant 0 : i32
        %dma_wait3A_228 = arith.constant 0 : i32
        %dma_wait3A_229 = arith.constant 0 : i32
        %dma_wait3A_230 = arith.constant 0 : i32
        %dma_wait3A_231 = tpu.memref_slice %arg6[%dma_wait3A_226, %dma_wait3A_229, %dma_wait3A_230] : memref<2x256x128xf32, #tpu.memory_space<vmem>> -> memref<1x256x128xf32, #tpu.memory_space<vmem>>
        %dma_wait3A_232 = tpu.memref_squeeze %dma_wait3A_231 : memref<1x256x128xf32, #tpu.memory_space<vmem>> -> memref<256x128xf32, #tpu.memory_space<vmem>>
        %dma_wait3A_233 = arith.constant 0 : i32
        %dma_wait3A_234 = arith.constant 0 : i32
        %dma_wait3A_235 = tpu.memref_slice %dma_wait3A_232[%dma_wait3A_233, %dma_wait3A_234] : memref<256x128xf32, #tpu.memory_space<vmem>> -> memref<128x128xf32, #tpu.memory_space<vmem>>
        %dma_wait3A_236 = arith.constant 0 : i32
        %dma_wait3A_237 = arith.constant 0 : i32
        %dma_wait3A_238 = tpu.memref_slice %arg5[%dma_wait3A_227, %dma_wait3A_236, %dma_wait3A_237] : memref<2x2x128xi32, #tpu.memory_space<vmem>> -> memref<1x2x128xi32, #tpu.memory_space<vmem>>
        %dma_wait3A_239 = tpu.memref_squeeze %dma_wait3A_238 : memref<1x2x128xi32, #tpu.memory_space<vmem>> -> memref<2x128xi32, #tpu.memory_space<vmem>>
        %dma_wait3A_240 = arith.constant 0 : i32
        %dma_wait3A_241 = tpu.memref_slice %dma_wait3A_239[%dma_wait3A_228, %dma_wait3A_240] : memref<2x128xi32, #tpu.memory_space<vmem>> -> memref<1x128xi32, #tpu.memory_space<vmem>>
        %dma_wait3A_242 = tpu.memref_squeeze %dma_wait3A_241 : memref<1x128xi32, #tpu.memory_space<vmem>> -> memref<128xi32, #tpu.memory_space<vmem>>
        %dma_wait3A_243 = arith.constant 0 : i32
        %dma_wait3A_244 = arith.constant 0 : i32
        %dma_wait3A_245 = tpu.memref_slice %arg7[%dma_wait3A_243, %dma_wait3A_244] : memref<5016x128xf32, #tpu.memory_space<vmem_shared>> -> memref<5016x128xf32, #tpu.memory_space<vmem_shared>>
        tpu.wait_indirect_dma semaphore(%arg11 : memref<!tpu.dma_semaphore, #tpu.memory_space<semaphore_mem>>) src(%dma_wait3A_235 : memref<128x128xf32, #tpu.memory_space<vmem>>) dst(%dma_wait3A_245 : memref<5016x128xf32, #tpu.memory_space<vmem_shared>>)
        %dma_wait3A_246 = arith.constant 0 : i32
        %dma_wait3A_247 = arith.constant 0 : i32
        %dma_wait3A_248 = arith.constant 1 : i32
        %dma_wait3A_249 = arith.constant 0 : i32
        %dma_wait3A_250 = arith.constant 0 : i32
        %dma_wait3A_251 = tpu.memref_slice %arg6[%dma_wait3A_246, %dma_wait3A_249, %dma_wait3A_250] : memref<2x256x128xf32, #tpu.memory_space<vmem>> -> memref<1x256x128xf32, #tpu.memory_space<vmem>>
        %dma_wait3A_252 = tpu.memref_squeeze %dma_wait3A_251 : memref<1x256x128xf32, #tpu.memory_space<vmem>> -> memref<256x128xf32, #tpu.memory_space<vmem>>
        %dma_wait3A_253 = arith.constant 128 : i32
        %dma_wait3A_254 = arith.constant 0 : i32
        %dma_wait3A_255 = tpu.memref_slice %dma_wait3A_252[%dma_wait3A_253, %dma_wait3A_254] : memref<256x128xf32, #tpu.memory_space<vmem>> -> memref<128x128xf32, #tpu.memory_space<vmem>>
        %dma_wait3A_256 = arith.constant 0 : i32
        %dma_wait3A_257 = arith.constant 0 : i32
        %dma_wait3A_258 = tpu.memref_slice %arg5[%dma_wait3A_247, %dma_wait3A_256, %dma_wait3A_257] : memref<2x2x128xi32, #tpu.memory_space<vmem>> -> memref<1x2x128xi32, #tpu.memory_space<vmem>>
        %dma_wait3A_259 = tpu.memref_squeeze %dma_wait3A_258 : memref<1x2x128xi32, #tpu.memory_space<vmem>> -> memref<2x128xi32, #tpu.memory_space<vmem>>
        %dma_wait3A_260 = arith.constant 0 : i32
        %dma_wait3A_261 = tpu.memref_slice %dma_wait3A_259[%dma_wait3A_248, %dma_wait3A_260] : memref<2x128xi32, #tpu.memory_space<vmem>> -> memref<1x128xi32, #tpu.memory_space<vmem>>
        %dma_wait3A_262 = tpu.memref_squeeze %dma_wait3A_261 : memref<1x128xi32, #tpu.memory_space<vmem>> -> memref<128xi32, #tpu.memory_space<vmem>>
        %dma_wait3A_263 = arith.constant 0 : i32
        %dma_wait3A_264 = arith.constant 0 : i32
        %dma_wait3A_265 = tpu.memref_slice %arg7[%dma_wait3A_263, %dma_wait3A_264] : memref<5016x128xf32, #tpu.memory_space<vmem_shared>> -> memref<5016x128xf32, #tpu.memory_space<vmem_shared>>
        tpu.wait_indirect_dma semaphore(%arg11 : memref<!tpu.dma_semaphore, #tpu.memory_space<semaphore_mem>>) src(%dma_wait3A_255 : memref<128x128xf32, #tpu.memory_space<vmem>>) dst(%dma_wait3A_265 : memref<5016x128xf32, #tpu.memory_space<vmem_shared>>)
      } else {
      }
      %add3A_200 = arith.constant 2 : i32
      %add3A_201 = arith.addi %add3A_189, %add3A_200 : i32
      %lt3A_202 = arith.cmpi slt, %add3A_201, %select_n3A : i32
      %convert_element_type3A_203 = arith.extui %lt3A_202 : i1 to i32
      %cond3A_204 = arith.constant 0 : i32
      %cond3A_205 = arith.cmpi ne, %convert_element_type3A_203, %cond3A_204 : i32
      scf.if %cond3A_205 {
        %add3A_226 = arith.constant 2 : i32
        %add3A_227 = arith.addi %add3A_189, %add3A_226 : i32
        %mul3A_228 = arith.constant 16 : i32
        %mul3A_229 = arith.muli %add3A_227, %mul3A_228 : i32
        %add3A_230 = arith.addi %mul3A_229, %arg1 : i32
        %dma_start3A_231 = arith.constant 0 : i32
        %dma_start3A_232 = arith.constant 0 : i32
        %dma_start3A_233 = arith.constant 0 : i32
        %dma_start3A_234 = tpu.memref_slice %arg5[%dma_start3A_231, %dma_start3A_232, %dma_start3A_233] : memref<2x2x128xi32, #tpu.memory_space<vmem>> -> memref<1x2x128xi32, #tpu.memory_space<vmem>>
        %dma_start3A_235 = tpu.memref_squeeze %dma_start3A_234 : memref<1x2x128xi32, #tpu.memory_space<vmem>> -> memref<2x128xi32, #tpu.memory_space<vmem>>
        %dma_start3A_236 = arith.constant 0 : i32
        %dma_start3A_237 = arith.constant 0 : i32
        %dma_start3A_238 = tpu.memref_slice %arg3[%add3A_230, %dma_start3A_236, %dma_start3A_237] : memref<625x2x128xi32, #tpu.memory_space<hbm>> -> memref<1x2x128xi32, #tpu.memory_space<hbm>>
        %dma_start3A_239 = tpu.memref_squeeze %dma_start3A_238 : memref<1x2x128xi32, #tpu.memory_space<hbm>> -> memref<2x128xi32, #tpu.memory_space<hbm>>
        %dma_start3A_240 = arith.constant 0 : i32
        %dma_start3A_241 = arith.constant 0 : i32
        %dma_start3A_242 = tpu.memref_slice %arg5[%dma_start3A_231, %dma_start3A_240, %dma_start3A_241] : memref<2x2x128xi32, #tpu.memory_space<vmem>> -> memref<1x2x128xi32, #tpu.memory_space<vmem>>
        %dma_start3A_243 = tpu.memref_squeeze %dma_start3A_242 : memref<1x2x128xi32, #tpu.memory_space<vmem>> -> memref<2x128xi32, #tpu.memory_space<vmem>>
        %dma_start3A_244 = arith.constant 0 : i32
        %dma_start3A_245 = arith.constant 0 : i32
        %dma_start3A_246 = tpu.memref_slice %arg3[%add3A_230, %dma_start3A_244, %dma_start3A_245] : memref<625x2x128xi32, #tpu.memory_space<hbm>> -> memref<1x2x128xi32, #tpu.memory_space<hbm>>
        %dma_start3A_247 = tpu.memref_squeeze %dma_start3A_246 : memref<1x2x128xi32, #tpu.memory_space<hbm>> -> memref<2x128xi32, #tpu.memory_space<hbm>>
        tpu.enqueue_dma source(%dma_start3A_247 : memref<2x128xi32, #tpu.memory_space<hbm>>) target(%dma_start3A_243 : memref<2x128xi32, #tpu.memory_space<vmem>>) target_semaphore(%arg8 : memref<!tpu.dma_semaphore, #tpu.memory_space<semaphore_mem>>)
        %mul3A_248 = arith.constant 256 : i32
        %mul3A_249 = arith.muli %add3A_230, %mul3A_248 : i32
        %dma_start3A_250 = arith.constant 0 : i32
        %dma_start3A_251 = arith.constant 0 : i32
        %dma_start3A_252 = arith.constant 0 : i32
        %dma_start3A_253 = tpu.memref_slice %arg6[%dma_start3A_250, %dma_start3A_251, %dma_start3A_252] : memref<2x256x128xf32, #tpu.memory_space<vmem>> -> memref<1x256x128xf32, #tpu.memory_space<vmem>>
        %dma_start3A_254 = tpu.memref_squeeze %dma_start3A_253 : memref<1x256x128xf32, #tpu.memory_space<vmem>> -> memref<256x128xf32, #tpu.memory_space<vmem>>
        %dma_start3A_255 = arith.constant 0 : i32
        %dma_start3A_256 = tpu.memref_slice %arg2[%mul3A_249, %dma_start3A_255] : memref<160000x128xf32, #tpu.memory_space<hbm>> -> memref<256x128xf32, #tpu.memory_space<hbm>>
        %dma_start3A_257 = arith.constant 0 : i32
        %dma_start3A_258 = arith.constant 0 : i32
        %dma_start3A_259 = tpu.memref_slice %arg6[%dma_start3A_250, %dma_start3A_257, %dma_start3A_258] : memref<2x256x128xf32, #tpu.memory_space<vmem>> -> memref<1x256x128xf32, #tpu.memory_space<vmem>>
        %dma_start3A_260 = tpu.memref_squeeze %dma_start3A_259 : memref<1x256x128xf32, #tpu.memory_space<vmem>> -> memref<256x128xf32, #tpu.memory_space<vmem>>
        %dma_start3A_261 = arith.constant 0 : i32
        %dma_start3A_262 = tpu.memref_slice %arg2[%mul3A_249, %dma_start3A_261] : memref<160000x128xf32, #tpu.memory_space<hbm>> -> memref<256x128xf32, #tpu.memory_space<hbm>>
        tpu.enqueue_dma source(%dma_start3A_262 : memref<256x128xf32, #tpu.memory_space<hbm>>) target(%dma_start3A_260 : memref<256x128xf32, #tpu.memory_space<vmem>>) target_semaphore(%arg8 : memref<!tpu.dma_semaphore, #tpu.memory_space<semaphore_mem>>)
      } else {
      }
      %mul3A_206 = arith.constant 2 : i32
      %mul3A_207 = arith.muli %scan3A_185, %mul3A_206 : i32
      %add3A_208 = arith.constant 1 : i32
      %add3A_209 = arith.addi %mul3A_207, %add3A_208 : i32
      %lt3A_210 = arith.cmpi slt, %add3A_209, %select_n3A : i32
      %convert_element_type3A_211 = arith.extui %lt3A_210 : i1 to i32
      %cond3A_212 = arith.constant 0 : i32
      %cond3A_213 = arith.cmpi ne, %convert_element_type3A_211, %cond3A_212 : i32
      scf.if %cond3A_213 {
        %mul3A_226 = arith.constant 16 : i32
        %mul3A_227 = arith.muli %add3A_209, %mul3A_226 : i32
        %add3A_228 = arith.addi %mul3A_227, %arg1 : i32
        %dma_wait3A_229 = arith.constant 1 : i32
        %dma_wait3A_230 = arith.constant 0 : i32
        %dma_wait3A_231 = arith.constant 0 : i32
        %dma_wait3A_232 = tpu.memref_slice %arg5[%dma_wait3A_229, %dma_wait3A_230, %dma_wait3A_231] : memref<2x2x128xi32, #tpu.memory_space<vmem>> -> memref<1x2x128xi32, #tpu.memory_space<vmem>>
        %dma_wait3A_233 = tpu.memref_squeeze %dma_wait3A_232 : memref<1x2x128xi32, #tpu.memory_space<vmem>> -> memref<2x128xi32, #tpu.memory_space<vmem>>
        %dma_wait3A_234 = arith.constant 0 : i32
        %dma_wait3A_235 = arith.constant 0 : i32
        %dma_wait3A_236 = tpu.memref_slice %arg3[%add3A_228, %dma_wait3A_234, %dma_wait3A_235] : memref<625x2x128xi32, #tpu.memory_space<hbm>> -> memref<1x2x128xi32, #tpu.memory_space<hbm>>
        %dma_wait3A_237 = tpu.memref_squeeze %dma_wait3A_236 : memref<1x2x128xi32, #tpu.memory_space<hbm>> -> memref<2x128xi32, #tpu.memory_space<hbm>>
        %dma_wait3A_238 = arith.constant 0 : i32
        %dma_wait3A_239 = arith.constant 0 : i32
        %dma_wait3A_240 = tpu.memref_slice %arg5[%dma_wait3A_229, %dma_wait3A_238, %dma_wait3A_239] : memref<2x2x128xi32, #tpu.memory_space<vmem>> -> memref<1x2x128xi32, #tpu.memory_space<vmem>>
        %dma_wait3A_241 = tpu.memref_squeeze %dma_wait3A_240 : memref<1x2x128xi32, #tpu.memory_space<vmem>> -> memref<2x128xi32, #tpu.memory_space<vmem>>
        %dma_wait3A_242 = arith.constant 0 : i32
        %dma_wait3A_243 = arith.constant 0 : i32
        %dma_wait3A_244 = tpu.memref_slice %arg3[%add3A_228, %dma_wait3A_242, %dma_wait3A_243] : memref<625x2x128xi32, #tpu.memory_space<hbm>> -> memref<1x2x128xi32, #tpu.memory_space<hbm>>
        %dma_wait3A_245 = tpu.memref_squeeze %dma_wait3A_244 : memref<1x2x128xi32, #tpu.memory_space<hbm>> -> memref<2x128xi32, #tpu.memory_space<hbm>>
        tpu.wait_dma2 semaphore(%arg9 : memref<!tpu.dma_semaphore, #tpu.memory_space<semaphore_mem>>) src(%dma_wait3A_245 : memref<2x128xi32, #tpu.memory_space<hbm>>) dst(%dma_wait3A_241 : memref<2x128xi32, #tpu.memory_space<vmem>>)
        %mul3A_246 = arith.constant 256 : i32
        %mul3A_247 = arith.muli %add3A_228, %mul3A_246 : i32
        %dma_wait3A_248 = arith.constant 1 : i32
        %dma_wait3A_249 = arith.constant 0 : i32
        %dma_wait3A_250 = arith.constant 0 : i32
        %dma_wait3A_251 = tpu.memref_slice %arg6[%dma_wait3A_248, %dma_wait3A_249, %dma_wait3A_250] : memref<2x256x128xf32, #tpu.memory_space<vmem>> -> memref<1x256x128xf32, #tpu.memory_space<vmem>>
        %dma_wait3A_252 = tpu.memref_squeeze %dma_wait3A_251 : memref<1x256x128xf32, #tpu.memory_space<vmem>> -> memref<256x128xf32, #tpu.memory_space<vmem>>
        %dma_wait3A_253 = arith.constant 0 : i32
        %dma_wait3A_254 = tpu.memref_slice %arg2[%mul3A_247, %dma_wait3A_253] : memref<160000x128xf32, #tpu.memory_space<hbm>> -> memref<256x128xf32, #tpu.memory_space<hbm>>
        %dma_wait3A_255 = arith.constant 0 : i32
        %dma_wait3A_256 = arith.constant 0 : i32
        %dma_wait3A_257 = tpu.memref_slice %arg6[%dma_wait3A_248, %dma_wait3A_255, %dma_wait3A_256] : memref<2x256x128xf32, #tpu.memory_space<vmem>> -> memref<1x256x128xf32, #tpu.memory_space<vmem>>
        %dma_wait3A_258 = tpu.memref_squeeze %dma_wait3A_257 : memref<1x256x128xf32, #tpu.memory_space<vmem>> -> memref<256x128xf32, #tpu.memory_space<vmem>>
        %dma_wait3A_259 = arith.constant 0 : i32
        %dma_wait3A_260 = tpu.memref_slice %arg2[%mul3A_247, %dma_wait3A_259] : memref<160000x128xf32, #tpu.memory_space<hbm>> -> memref<256x128xf32, #tpu.memory_space<hbm>>
        tpu.wait_dma2 semaphore(%arg9 : memref<!tpu.dma_semaphore, #tpu.memory_space<semaphore_mem>>) src(%dma_wait3A_260 : memref<256x128xf32, #tpu.memory_space<hbm>>) dst(%dma_wait3A_258 : memref<256x128xf32, #tpu.memory_space<vmem>>)
        %get3A = arith.constant 1 : i32
        %get3A_261 = arith.constant 0 : i32
        %get3A_262 = arith.index_cast %get3A : i32 to index
        %get3A_263 = arith.index_cast %get3A_261 : i32 to index
        %get3A_264 = arith.constant 0 : index
        %get3A_265 = tpu.vector_load %arg5[%get3A_262, %get3A_263, %get3A_264] {strides = array<i32>} : memref<2x2x128xi32, #tpu.memory_space<vmem>>, vector<1x1x16xi32>,
        %get3A_266 = vector.shape_cast %get3A_265 : vector<1x1x16xi32> to vector<16xi32>
        %sub3A = vector.broadcast %mul3A_0 : i32 to vector<16xi32>
        %sub3A_267 = arith.subi %get3A_266, %sub3A : vector<16xi32>
        %ge3A = arith.constant 0 : i32
        %ge3A_268 = vector.broadcast %ge3A : i32 to vector<16xi32>
        %ge3A_269 = arith.cmpi sge, %sub3A_267, %ge3A_268 : vector<16xi32>
        %lt3A_270 = arith.constant 5000 : i32
        %lt3A_271 = vector.broadcast %lt3A_270 : i32 to vector<16xi32>
        %lt3A_272 = arith.cmpi slt, %sub3A_267, %lt3A_271 : vector<16xi32>
        %and3A = arith.andi %ge3A_269, %lt3A_272 : vector<16xi1>
        %select_n3A_273 = arith.select %and3A, %sub3A_267, %add3A_87 : vector<16xi1>, vector<16xi32>
        %swap3A = arith.constant 1 : i32
        %swap3A_274 = arith.constant 0 : i32
        %swap3A_275 = arith.index_cast %swap3A : i32 to index
        %swap3A_276 = arith.index_cast %swap3A_274 : i32 to index
        %swap3A_277 = arith.constant 0 : index
        %swap3A_278 = tpu.vector_load %arg5[%swap3A_275, %swap3A_276, %swap3A_277] {strides = array<i32>} : memref<2x2x128xi32, #tpu.memory_space<vmem>>, vector<1x1x16xi32>,
        %swap3A_279 = vector.shape_cast %swap3A_278 : vector<1x1x16xi32> to vector<16xi32>
        %swap3A_280 = vector.shape_cast %select_n3A_273 : vector<16xi32> to vector<1x1x16xi32>
        tpu.vector_store %arg5[%swap3A_275, %swap3A_276, %swap3A_277], %swap3A_280 {strides = array<i32>} : memref<2x2x128xi32, #tpu.memory_space<vmem>>, vector<1x1x16xi32>,
        %get3A_281 = arith.constant 1 : i32
        %get3A_282 = arith.constant 0 : i32
        %get3A_283 = arith.index_cast %get3A_281 : i32 to index
        %get3A_284 = arith.index_cast %get3A_282 : i32 to index
        %get3A_285 = arith.constant 16 : index
        %get3A_286 = tpu.vector_load %arg5[%get3A_283, %get3A_284, %get3A_285] {strides = array<i32>} : memref<2x2x128xi32, #tpu.memory_space<vmem>>, vector<1x1x16xi32>,
        %get3A_287 = vector.shape_cast %get3A_286 : vector<1x1x16xi32> to vector<16xi32>
        %sub3A_288 = vector.broadcast %mul3A_0 : i32 to vector<16xi32>
        %sub3A_289 = arith.subi %get3A_287, %sub3A_288 : vector<16xi32>
        %ge3A_290 = arith.constant 0 : i32
        %ge3A_291 = vector.broadcast %ge3A_290 : i32 to vector<16xi32>
        %ge3A_292 = arith.cmpi sge, %sub3A_289, %ge3A_291 : vector<16xi32>
        %lt3A_293 = arith.constant 5000 : i32
        %lt3A_294 = vector.broadcast %lt3A_293 : i32 to vector<16xi32>
        %lt3A_295 = arith.cmpi slt, %sub3A_289, %lt3A_294 : vector<16xi32>
        %and3A_296 = arith.andi %ge3A_292, %lt3A_295 : vector<16xi1>
        %select_n3A_297 = arith.select %and3A_296, %sub3A_289, %add3A_87 : vector<16xi1>, vector<16xi32>
        %swap3A_298 = arith.constant 1 : i32
        %swap3A_299 = arith.constant 0 : i32
        %swap3A_300 = arith.index_cast %swap3A_298 : i32 to index
        %swap3A_301 = arith.index_cast %swap3A_299 : i32 to index
        %swap3A_302 = arith.constant 16 : index
        %swap3A_303 = tpu.vector_load %arg5[%swap3A_300, %swap3A_301, %swap3A_302] {strides = array<i32>} : memref<2x2x128xi32, #tpu.memory_space<vmem>>, vector<1x1x16xi32>,
        %swap3A_304 = vector.shape_cast %swap3A_303 : vector<1x1x16xi32> to vector<16xi32>
        %swap3A_305 = vector.shape_cast %select_n3A_297 : vector<16xi32> to vector<1x1x16xi32>
        tpu.vector_store %arg5[%swap3A_300, %swap3A_301, %swap3A_302], %swap3A_305 {strides = array<i32>} : memref<2x2x128xi32, #tpu.memory_space<vmem>>, vector<1x1x16xi32>,
        %get3A_306 = arith.constant 1 : i32
        %get3A_307 = arith.constant 0 : i32
        %get3A_308 = arith.index_cast %get3A_306 : i32 to index
        %get3A_309 = arith.index_cast %get3A_307 : i32 to index
        %get3A_310 = arith.constant 32 : index
        %get3A_311 = tpu.vector_load %arg5[%get3A_308, %get3A_309, %get3A_310] {strides = array<i32>} : memref<2x2x128xi32, #tpu.memory_space<vmem>>, vector<1x1x16xi32>,
        %get3A_312 = vector.shape_cast %get3A_311 : vector<1x1x16xi32> to vector<16xi32>
        %sub3A_313 = vector.broadcast %mul3A_0 : i32 to vector<16xi32>
        %sub3A_314 = arith.subi %get3A_312, %sub3A_313 : vector<16xi32>
        %ge3A_315 = arith.constant 0 : i32
        %ge3A_316 = vector.broadcast %ge3A_315 : i32 to vector<16xi32>
        %ge3A_317 = arith.cmpi sge, %sub3A_314, %ge3A_316 : vector<16xi32>
        %lt3A_318 = arith.constant 5000 : i32
        %lt3A_319 = vector.broadcast %lt3A_318 : i32 to vector<16xi32>
        %lt3A_320 = arith.cmpi slt, %sub3A_314, %lt3A_319 : vector<16xi32>
        %and3A_321 = arith.andi %ge3A_317, %lt3A_320 : vector<16xi1>
        %select_n3A_322 = arith.select %and3A_321, %sub3A_314, %add3A_87 : vector<16xi1>, vector<16xi32>
        %swap3A_323 = arith.constant 1 : i32
        %swap3A_324 = arith.constant 0 : i32
        %swap3A_325 = arith.index_cast %swap3A_323 : i32 to index
        %swap3A_326 = arith.index_cast %swap3A_324 : i32 to index
        %swap3A_327 = arith.constant 32 : index
        %swap3A_328 = tpu.vector_load %arg5[%swap3A_325, %swap3A_326, %swap3A_327] {strides = array<i32>} : memref<2x2x128xi32, #tpu.memory_space<vmem>>, vector<1x1x16xi32>,
        %swap3A_329 = vector.shape_cast %swap3A_328 : vector<1x1x16xi32> to vector<16xi32>
        %swap3A_330 = vector.shape_cast %select_n3A_322 : vector<16xi32> to vector<1x1x16xi32>
        tpu.vector_store %arg5[%swap3A_325, %swap3A_326, %swap3A_327], %swap3A_330 {strides = array<i32>} : memref<2x2x128xi32, #tpu.memory_space<vmem>>, vector<1x1x16xi32>,
        %get3A_331 = arith.constant 1 : i32
        %get3A_332 = arith.constant 0 : i32
        %get3A_333 = arith.index_cast %get3A_331 : i32 to index
        %get3A_334 = arith.index_cast %get3A_332 : i32 to index
        %get3A_335 = arith.constant 48 : index
        %get3A_336 = tpu.vector_load %arg5[%get3A_333, %get3A_334, %get3A_335] {strides = array<i32>} : memref<2x2x128xi32, #tpu.memory_space<vmem>>, vector<1x1x16xi32>,
        %get3A_337 = vector.shape_cast %get3A_336 : vector<1x1x16xi32> to vector<16xi32>
        %sub3A_338 = vector.broadcast %mul3A_0 : i32 to vector<16xi32>
        %sub3A_339 = arith.subi %get3A_337, %sub3A_338 : vector<16xi32>
        %ge3A_340 = arith.constant 0 : i32
        %ge3A_341 = vector.broadcast %ge3A_340 : i32 to vector<16xi32>
        %ge3A_342 = arith.cmpi sge, %sub3A_339, %ge3A_341 : vector<16xi32>
        %lt3A_343 = arith.constant 5000 : i32
        %lt3A_344 = vector.broadcast %lt3A_343 : i32 to vector<16xi32>
        %lt3A_345 = arith.cmpi slt, %sub3A_339, %lt3A_344 : vector<16xi32>
        %and3A_346 = arith.andi %ge3A_342, %lt3A_345 : vector<16xi1>
        %select_n3A_347 = arith.select %and3A_346, %sub3A_339, %add3A_87 : vector<16xi1>, vector<16xi32>
        %swap3A_348 = arith.constant 1 : i32
        %swap3A_349 = arith.constant 0 : i32
        %swap3A_350 = arith.index_cast %swap3A_348 : i32 to index
        %swap3A_351 = arith.index_cast %swap3A_349 : i32 to index
        %swap3A_352 = arith.constant 48 : index
        %swap3A_353 = tpu.vector_load %arg5[%swap3A_350, %swap3A_351, %swap3A_352] {strides = array<i32>} : memref<2x2x128xi32, #tpu.memory_space<vmem>>, vector<1x1x16xi32>,
        %swap3A_354 = vector.shape_cast %swap3A_353 : vector<1x1x16xi32> to vector<16xi32>
        %swap3A_355 = vector.shape_cast %select_n3A_347 : vector<16xi32> to vector<1x1x16xi32>
        tpu.vector_store %arg5[%swap3A_350, %swap3A_351, %swap3A_352], %swap3A_355 {strides = array<i32>} : memref<2x2x128xi32, #tpu.memory_space<vmem>>, vector<1x1x16xi32>,
        %get3A_356 = arith.constant 1 : i32
        %get3A_357 = arith.constant 0 : i32
        %get3A_358 = arith.index_cast %get3A_356 : i32 to index
        %get3A_359 = arith.index_cast %get3A_357 : i32 to index
        %get3A_360 = arith.constant 64 : index
        %get3A_361 = tpu.vector_load %arg5[%get3A_358, %get3A_359, %get3A_360] {strides = array<i32>} : memref<2x2x128xi32, #tpu.memory_space<vmem>>, vector<1x1x16xi32>,
        %get3A_362 = vector.shape_cast %get3A_361 : vector<1x1x16xi32> to vector<16xi32>
        %sub3A_363 = vector.broadcast %mul3A_0 : i32 to vector<16xi32>
        %sub3A_364 = arith.subi %get3A_362, %sub3A_363 : vector<16xi32>
        %ge3A_365 = arith.constant 0 : i32
        %ge3A_366 = vector.broadcast %ge3A_365 : i32 to vector<16xi32>
        %ge3A_367 = arith.cmpi sge, %sub3A_364, %ge3A_366 : vector<16xi32>
        %lt3A_368 = arith.constant 5000 : i32
        %lt3A_369 = vector.broadcast %lt3A_368 : i32 to vector<16xi32>
        %lt3A_370 = arith.cmpi slt, %sub3A_364, %lt3A_369 : vector<16xi32>
        %and3A_371 = arith.andi %ge3A_367, %lt3A_370 : vector<16xi1>
        %select_n3A_372 = arith.select %and3A_371, %sub3A_364, %add3A_87 : vector<16xi1>, vector<16xi32>
        %swap3A_373 = arith.constant 1 : i32
        %swap3A_374 = arith.constant 0 : i32
        %swap3A_375 = arith.index_cast %swap3A_373 : i32 to index
        %swap3A_376 = arith.index_cast %swap3A_374 : i32 to index
        %swap3A_377 = arith.constant 64 : index
        %swap3A_378 = tpu.vector_load %arg5[%swap3A_375, %swap3A_376, %swap3A_377] {strides = array<i32>} : memref<2x2x128xi32, #tpu.memory_space<vmem>>, vector<1x1x16xi32>,
        %swap3A_379 = vector.shape_cast %swap3A_378 : vector<1x1x16xi32> to vector<16xi32>
        %swap3A_380 = vector.shape_cast %select_n3A_372 : vector<16xi32> to vector<1x1x16xi32>
        tpu.vector_store %arg5[%swap3A_375, %swap3A_376, %swap3A_377], %swap3A_380 {strides = array<i32>} : memref<2x2x128xi32, #tpu.memory_space<vmem>>, vector<1x1x16xi32>,
        %get3A_381 = arith.constant 1 : i32
        %get3A_382 = arith.constant 0 : i32
        %get3A_383 = arith.index_cast %get3A_381 : i32 to index
        %get3A_384 = arith.index_cast %get3A_382 : i32 to index
        %get3A_385 = arith.constant 80 : index
        %get3A_386 = tpu.vector_load %arg5[%get3A_383, %get3A_384, %get3A_385] {strides = array<i32>} : memref<2x2x128xi32, #tpu.memory_space<vmem>>, vector<1x1x16xi32>,
        %get3A_387 = vector.shape_cast %get3A_386 : vector<1x1x16xi32> to vector<16xi32>
        %sub3A_388 = vector.broadcast %mul3A_0 : i32 to vector<16xi32>
        %sub3A_389 = arith.subi %get3A_387, %sub3A_388 : vector<16xi32>
        %ge3A_390 = arith.constant 0 : i32
        %ge3A_391 = vector.broadcast %ge3A_390 : i32 to vector<16xi32>
        %ge3A_392 = arith.cmpi sge, %sub3A_389, %ge3A_391 : vector<16xi32>
        %lt3A_393 = arith.constant 5000 : i32
        %lt3A_394 = vector.broadcast %lt3A_393 : i32 to vector<16xi32>
        %lt3A_395 = arith.cmpi slt, %sub3A_389, %lt3A_394 : vector<16xi32>
        %and3A_396 = arith.andi %ge3A_392, %lt3A_395 : vector<16xi1>
        %select_n3A_397 = arith.select %and3A_396, %sub3A_389, %add3A_87 : vector<16xi1>, vector<16xi32>
        %swap3A_398 = arith.constant 1 : i32
        %swap3A_399 = arith.constant 0 : i32
        %swap3A_400 = arith.index_cast %swap3A_398 : i32 to index
        %swap3A_401 = arith.index_cast %swap3A_399 : i32 to index
        %swap3A_402 = arith.constant 80 : index
        %swap3A_403 = tpu.vector_load %arg5[%swap3A_400, %swap3A_401, %swap3A_402] {strides = array<i32>} : memref<2x2x128xi32, #tpu.memory_space<vmem>>, vector<1x1x16xi32>,
        %swap3A_404 = vector.shape_cast %swap3A_403 : vector<1x1x16xi32> to vector<16xi32>
        %swap3A_405 = vector.shape_cast %select_n3A_397 : vector<16xi32> to vector<1x1x16xi32>
        tpu.vector_store %arg5[%swap3A_400, %swap3A_401, %swap3A_402], %swap3A_405 {strides = array<i32>} : memref<2x2x128xi32, #tpu.memory_space<vmem>>, vector<1x1x16xi32>,
        %get3A_406 = arith.constant 1 : i32
        %get3A_407 = arith.constant 0 : i32
        %get3A_408 = arith.index_cast %get3A_406 : i32 to index
        %get3A_409 = arith.index_cast %get3A_407 : i32 to index
        %get3A_410 = arith.constant 96 : index
        %get3A_411 = tpu.vector_load %arg5[%get3A_408, %get3A_409, %get3A_410] {strides = array<i32>} : memref<2x2x128xi32, #tpu.memory_space<vmem>>, vector<1x1x16xi32>,
        %get3A_412 = vector.shape_cast %get3A_411 : vector<1x1x16xi32> to vector<16xi32>
        %sub3A_413 = vector.broadcast %mul3A_0 : i32 to vector<16xi32>
        %sub3A_414 = arith.subi %get3A_412, %sub3A_413 : vector<16xi32>
        %ge3A_415 = arith.constant 0 : i32
        %ge3A_416 = vector.broadcast %ge3A_415 : i32 to vector<16xi32>
        %ge3A_417 = arith.cmpi sge, %sub3A_414, %ge3A_416 : vector<16xi32>
        %lt3A_418 = arith.constant 5000 : i32
        %lt3A_419 = vector.broadcast %lt3A_418 : i32 to vector<16xi32>
        %lt3A_420 = arith.cmpi slt, %sub3A_414, %lt3A_419 : vector<16xi32>
        %and3A_421 = arith.andi %ge3A_417, %lt3A_420 : vector<16xi1>
        %select_n3A_422 = arith.select %and3A_421, %sub3A_414, %add3A_87 : vector<16xi1>, vector<16xi32>
        %swap3A_423 = arith.constant 1 : i32
        %swap3A_424 = arith.constant 0 : i32
        %swap3A_425 = arith.index_cast %swap3A_423 : i32 to index
        %swap3A_426 = arith.index_cast %swap3A_424 : i32 to index
        %swap3A_427 = arith.constant 96 : index
        %swap3A_428 = tpu.vector_load %arg5[%swap3A_425, %swap3A_426, %swap3A_427] {strides = array<i32>} : memref<2x2x128xi32, #tpu.memory_space<vmem>>, vector<1x1x16xi32>,
        %swap3A_429 = vector.shape_cast %swap3A_428 : vector<1x1x16xi32> to vector<16xi32>
        %swap3A_430 = vector.shape_cast %select_n3A_422 : vector<16xi32> to vector<1x1x16xi32>
        tpu.vector_store %arg5[%swap3A_425, %swap3A_426, %swap3A_427], %swap3A_430 {strides = array<i32>} : memref<2x2x128xi32, #tpu.memory_space<vmem>>, vector<1x1x16xi32>,
        %get3A_431 = arith.constant 1 : i32
        %get3A_432 = arith.constant 0 : i32
        %get3A_433 = arith.index_cast %get3A_431 : i32 to index
        %get3A_434 = arith.index_cast %get3A_432 : i32 to index
        %get3A_435 = arith.constant 112 : index
        %get3A_436 = tpu.vector_load %arg5[%get3A_433, %get3A_434, %get3A_435] {strides = array<i32>} : memref<2x2x128xi32, #tpu.memory_space<vmem>>, vector<1x1x16xi32>,
        %get3A_437 = vector.shape_cast %get3A_436 : vector<1x1x16xi32> to vector<16xi32>
        %sub3A_438 = vector.broadcast %mul3A_0 : i32 to vector<16xi32>
        %sub3A_439 = arith.subi %get3A_437, %sub3A_438 : vector<16xi32>
        %ge3A_440 = arith.constant 0 : i32
        %ge3A_441 = vector.broadcast %ge3A_440 : i32 to vector<16xi32>
        %ge3A_442 = arith.cmpi sge, %sub3A_439, %ge3A_441 : vector<16xi32>
        %lt3A_443 = arith.constant 5000 : i32
        %lt3A_444 = vector.broadcast %lt3A_443 : i32 to vector<16xi32>
        %lt3A_445 = arith.cmpi slt, %sub3A_439, %lt3A_444 : vector<16xi32>
        %and3A_446 = arith.andi %ge3A_442, %lt3A_445 : vector<16xi1>
        %select_n3A_447 = arith.select %and3A_446, %sub3A_439, %add3A_87 : vector<16xi1>, vector<16xi32>
        %swap3A_448 = arith.constant 1 : i32
        %swap3A_449 = arith.constant 0 : i32
        %swap3A_450 = arith.index_cast %swap3A_448 : i32 to index
        %swap3A_451 = arith.index_cast %swap3A_449 : i32 to index
        %swap3A_452 = arith.constant 112 : index
        %swap3A_453 = tpu.vector_load %arg5[%swap3A_450, %swap3A_451, %swap3A_452] {strides = array<i32>} : memref<2x2x128xi32, #tpu.memory_space<vmem>>, vector<1x1x16xi32>,
        %swap3A_454 = vector.shape_cast %swap3A_453 : vector<1x1x16xi32> to vector<16xi32>
        %swap3A_455 = vector.shape_cast %select_n3A_447 : vector<16xi32> to vector<1x1x16xi32>
        tpu.vector_store %arg5[%swap3A_450, %swap3A_451, %swap3A_452], %swap3A_455 {strides = array<i32>} : memref<2x2x128xi32, #tpu.memory_space<vmem>>, vector<1x1x16xi32>,
        %get3A_456 = arith.constant 1 : i32
        %get3A_457 = arith.constant 1 : i32
        %get3A_458 = arith.index_cast %get3A_456 : i32 to index
        %get3A_459 = arith.index_cast %get3A_457 : i32 to index
        %get3A_460 = arith.constant 0 : index
        %get3A_461 = tpu.vector_load %arg5[%get3A_458, %get3A_459, %get3A_460] {strides = array<i32>} : memref<2x2x128xi32, #tpu.memory_space<vmem>>, vector<1x1x16xi32>,
        %get3A_462 = vector.shape_cast %get3A_461 : vector<1x1x16xi32> to vector<16xi32>
        %sub3A_463 = vector.broadcast %mul3A_0 : i32 to vector<16xi32>
        %sub3A_464 = arith.subi %get3A_462, %sub3A_463 : vector<16xi32>
        %ge3A_465 = arith.constant 0 : i32
        %ge3A_466 = vector.broadcast %ge3A_465 : i32 to vector<16xi32>
        %ge3A_467 = arith.cmpi sge, %sub3A_464, %ge3A_466 : vector<16xi32>
        %lt3A_468 = arith.constant 5000 : i32
        %lt3A_469 = vector.broadcast %lt3A_468 : i32 to vector<16xi32>
        %lt3A_470 = arith.cmpi slt, %sub3A_464, %lt3A_469 : vector<16xi32>
        %and3A_471 = arith.andi %ge3A_467, %lt3A_470 : vector<16xi1>
        %select_n3A_472 = arith.select %and3A_471, %sub3A_464, %add3A_87 : vector<16xi1>, vector<16xi32>
        %swap3A_473 = arith.constant 1 : i32
        %swap3A_474 = arith.constant 1 : i32
        %swap3A_475 = arith.index_cast %swap3A_473 : i32 to index
        %swap3A_476 = arith.index_cast %swap3A_474 : i32 to index
        %swap3A_477 = arith.constant 0 : index
        %swap3A_478 = tpu.vector_load %arg5[%swap3A_475, %swap3A_476, %swap3A_477] {strides = array<i32>} : memref<2x2x128xi32, #tpu.memory_space<vmem>>, vector<1x1x16xi32>,
        %swap3A_479 = vector.shape_cast %swap3A_478 : vector<1x1x16xi32> to vector<16xi32>
        %swap3A_480 = vector.shape_cast %select_n3A_472 : vector<16xi32> to vector<1x1x16xi32>
        tpu.vector_store %arg5[%swap3A_475, %swap3A_476, %swap3A_477], %swap3A_480 {strides = array<i32>} : memref<2x2x128xi32, #tpu.memory_space<vmem>>, vector<1x1x16xi32>,
        %get3A_481 = arith.constant 1 : i32
        %get3A_482 = arith.constant 1 : i32
        %get3A_483 = arith.index_cast %get3A_481 : i32 to index
        %get3A_484 = arith.index_cast %get3A_482 : i32 to index
        %get3A_485 = arith.constant 16 : index
        %get3A_486 = tpu.vector_load %arg5[%get3A_483, %get3A_484, %get3A_485] {strides = array<i32>} : memref<2x2x128xi32, #tpu.memory_space<vmem>>, vector<1x1x16xi32>,
        %get3A_487 = vector.shape_cast %get3A_486 : vector<1x1x16xi32> to vector<16xi32>
        %sub3A_488 = vector.broadcast %mul3A_0 : i32 to vector<16xi32>
        %sub3A_489 = arith.subi %get3A_487, %sub3A_488 : vector<16xi32>
        %ge3A_490 = arith.constant 0 : i32
        %ge3A_491 = vector.broadcast %ge3A_490 : i32 to vector<16xi32>
        %ge3A_492 = arith.cmpi sge, %sub3A_489, %ge3A_491 : vector<16xi32>
        %lt3A_493 = arith.constant 5000 : i32
        %lt3A_494 = vector.broadcast %lt3A_493 : i32 to vector<16xi32>
        %lt3A_495 = arith.cmpi slt, %sub3A_489, %lt3A_494 : vector<16xi32>
        %and3A_496 = arith.andi %ge3A_492, %lt3A_495 : vector<16xi1>
        %select_n3A_497 = arith.select %and3A_496, %sub3A_489, %add3A_87 : vector<16xi1>, vector<16xi32>
        %swap3A_498 = arith.constant 1 : i32
        %swap3A_499 = arith.constant 1 : i32
        %swap3A_500 = arith.index_cast %swap3A_498 : i32 to index
        %swap3A_501 = arith.index_cast %swap3A_499 : i32 to index
        %swap3A_502 = arith.constant 16 : index
        %swap3A_503 = tpu.vector_load %arg5[%swap3A_500, %swap3A_501, %swap3A_502] {strides = array<i32>} : memref<2x2x128xi32, #tpu.memory_space<vmem>>, vector<1x1x16xi32>,
        %swap3A_504 = vector.shape_cast %swap3A_503 : vector<1x1x16xi32> to vector<16xi32>
        %swap3A_505 = vector.shape_cast %select_n3A_497 : vector<16xi32> to vector<1x1x16xi32>
        tpu.vector_store %arg5[%swap3A_500, %swap3A_501, %swap3A_502], %swap3A_505 {strides = array<i32>} : memref<2x2x128xi32, #tpu.memory_space<vmem>>, vector<1x1x16xi32>,
        %get3A_506 = arith.constant 1 : i32
        %get3A_507 = arith.constant 1 : i32
        %get3A_508 = arith.index_cast %get3A_506 : i32 to index
        %get3A_509 = arith.index_cast %get3A_507 : i32 to index
        %get3A_510 = arith.constant 32 : index
        %get3A_511 = tpu.vector_load %arg5[%get3A_508, %get3A_509, %get3A_510] {strides = array<i32>} : memref<2x2x128xi32, #tpu.memory_space<vmem>>, vector<1x1x16xi32>,
        %get3A_512 = vector.shape_cast %get3A_511 : vector<1x1x16xi32> to vector<16xi32>
        %sub3A_513 = vector.broadcast %mul3A_0 : i32 to vector<16xi32>
        %sub3A_514 = arith.subi %get3A_512, %sub3A_513 : vector<16xi32>
        %ge3A_515 = arith.constant 0 : i32
        %ge3A_516 = vector.broadcast %ge3A_515 : i32 to vector<16xi32>
        %ge3A_517 = arith.cmpi sge, %sub3A_514, %ge3A_516 : vector<16xi32>
        %lt3A_518 = arith.constant 5000 : i32
        %lt3A_519 = vector.broadcast %lt3A_518 : i32 to vector<16xi32>
        %lt3A_520 = arith.cmpi slt, %sub3A_514, %lt3A_519 : vector<16xi32>
        %and3A_521 = arith.andi %ge3A_517, %lt3A_520 : vector<16xi1>
        %select_n3A_522 = arith.select %and3A_521, %sub3A_514, %add3A_87 : vector<16xi1>, vector<16xi32>
        %swap3A_523 = arith.constant 1 : i32
        %swap3A_524 = arith.constant 1 : i32
        %swap3A_525 = arith.index_cast %swap3A_523 : i32 to index
        %swap3A_526 = arith.index_cast %swap3A_524 : i32 to index
        %swap3A_527 = arith.constant 32 : index
        %swap3A_528 = tpu.vector_load %arg5[%swap3A_525, %swap3A_526, %swap3A_527] {strides = array<i32>} : memref<2x2x128xi32, #tpu.memory_space<vmem>>, vector<1x1x16xi32>,
        %swap3A_529 = vector.shape_cast %swap3A_528 : vector<1x1x16xi32> to vector<16xi32>
        %swap3A_530 = vector.shape_cast %select_n3A_522 : vector<16xi32> to vector<1x1x16xi32>
        tpu.vector_store %arg5[%swap3A_525, %swap3A_526, %swap3A_527], %swap3A_530 {strides = array<i32>} : memref<2x2x128xi32, #tpu.memory_space<vmem>>, vector<1x1x16xi32>,
        %get3A_531 = arith.constant 1 : i32
        %get3A_532 = arith.constant 1 : i32
        %get3A_533 = arith.index_cast %get3A_531 : i32 to index
        %get3A_534 = arith.index_cast %get3A_532 : i32 to index
        %get3A_535 = arith.constant 48 : index
        %get3A_536 = tpu.vector_load %arg5[%get3A_533, %get3A_534, %get3A_535] {strides = array<i32>} : memref<2x2x128xi32, #tpu.memory_space<vmem>>, vector<1x1x16xi32>,
        %get3A_537 = vector.shape_cast %get3A_536 : vector<1x1x16xi32> to vector<16xi32>
        %sub3A_538 = vector.broadcast %mul3A_0 : i32 to vector<16xi32>
        %sub3A_539 = arith.subi %get3A_537, %sub3A_538 : vector<16xi32>
        %ge3A_540 = arith.constant 0 : i32
        %ge3A_541 = vector.broadcast %ge3A_540 : i32 to vector<16xi32>
        %ge3A_542 = arith.cmpi sge, %sub3A_539, %ge3A_541 : vector<16xi32>
        %lt3A_543 = arith.constant 5000 : i32
        %lt3A_544 = vector.broadcast %lt3A_543 : i32 to vector<16xi32>
        %lt3A_545 = arith.cmpi slt, %sub3A_539, %lt3A_544 : vector<16xi32>
        %and3A_546 = arith.andi %ge3A_542, %lt3A_545 : vector<16xi1>
        %select_n3A_547 = arith.select %and3A_546, %sub3A_539, %add3A_87 : vector<16xi1>, vector<16xi32>
        %swap3A_548 = arith.constant 1 : i32
        %swap3A_549 = arith.constant 1 : i32
        %swap3A_550 = arith.index_cast %swap3A_548 : i32 to index
        %swap3A_551 = arith.index_cast %swap3A_549 : i32 to index
        %swap3A_552 = arith.constant 48 : index
        %swap3A_553 = tpu.vector_load %arg5[%swap3A_550, %swap3A_551, %swap3A_552] {strides = array<i32>} : memref<2x2x128xi32, #tpu.memory_space<vmem>>, vector<1x1x16xi32>,
        %swap3A_554 = vector.shape_cast %swap3A_553 : vector<1x1x16xi32> to vector<16xi32>
        %swap3A_555 = vector.shape_cast %select_n3A_547 : vector<16xi32> to vector<1x1x16xi32>
        tpu.vector_store %arg5[%swap3A_550, %swap3A_551, %swap3A_552], %swap3A_555 {strides = array<i32>} : memref<2x2x128xi32, #tpu.memory_space<vmem>>, vector<1x1x16xi32>,
        %get3A_556 = arith.constant 1 : i32
        %get3A_557 = arith.constant 1 : i32
        %get3A_558 = arith.index_cast %get3A_556 : i32 to index
        %get3A_559 = arith.index_cast %get3A_557 : i32 to index
        %get3A_560 = arith.constant 64 : index
        %get3A_561 = tpu.vector_load %arg5[%get3A_558, %get3A_559, %get3A_560] {strides = array<i32>} : memref<2x2x128xi32, #tpu.memory_space<vmem>>, vector<1x1x16xi32>,
        %get3A_562 = vector.shape_cast %get3A_561 : vector<1x1x16xi32> to vector<16xi32>
        %sub3A_563 = vector.broadcast %mul3A_0 : i32 to vector<16xi32>
        %sub3A_564 = arith.subi %get3A_562, %sub3A_563 : vector<16xi32>
        %ge3A_565 = arith.constant 0 : i32
        %ge3A_566 = vector.broadcast %ge3A_565 : i32 to vector<16xi32>
        %ge3A_567 = arith.cmpi sge, %sub3A_564, %ge3A_566 : vector<16xi32>
        %lt3A_568 = arith.constant 5000 : i32
        %lt3A_569 = vector.broadcast %lt3A_568 : i32 to vector<16xi32>
        %lt3A_570 = arith.cmpi slt, %sub3A_564, %lt3A_569 : vector<16xi32>
        %and3A_571 = arith.andi %ge3A_567, %lt3A_570 : vector<16xi1>
        %select_n3A_572 = arith.select %and3A_571, %sub3A_564, %add3A_87 : vector<16xi1>, vector<16xi32>
        %swap3A_573 = arith.constant 1 : i32
        %swap3A_574 = arith.constant 1 : i32
        %swap3A_575 = arith.index_cast %swap3A_573 : i32 to index
        %swap3A_576 = arith.index_cast %swap3A_574 : i32 to index
        %swap3A_577 = arith.constant 64 : index
        %swap3A_578 = tpu.vector_load %arg5[%swap3A_575, %swap3A_576, %swap3A_577] {strides = array<i32>} : memref<2x2x128xi32, #tpu.memory_space<vmem>>, vector<1x1x16xi32>,
        %swap3A_579 = vector.shape_cast %swap3A_578 : vector<1x1x16xi32> to vector<16xi32>
        %swap3A_580 = vector.shape_cast %select_n3A_572 : vector<16xi32> to vector<1x1x16xi32>
        tpu.vector_store %arg5[%swap3A_575, %swap3A_576, %swap3A_577], %swap3A_580 {strides = array<i32>} : memref<2x2x128xi32, #tpu.memory_space<vmem>>, vector<1x1x16xi32>,
        %get3A_581 = arith.constant 1 : i32
        %get3A_582 = arith.constant 1 : i32
        %get3A_583 = arith.index_cast %get3A_581 : i32 to index
        %get3A_584 = arith.index_cast %get3A_582 : i32 to index
        %get3A_585 = arith.constant 80 : index
        %get3A_586 = tpu.vector_load %arg5[%get3A_583, %get3A_584, %get3A_585] {strides = array<i32>} : memref<2x2x128xi32, #tpu.memory_space<vmem>>, vector<1x1x16xi32>,
        %get3A_587 = vector.shape_cast %get3A_586 : vector<1x1x16xi32> to vector<16xi32>
        %sub3A_588 = vector.broadcast %mul3A_0 : i32 to vector<16xi32>
        %sub3A_589 = arith.subi %get3A_587, %sub3A_588 : vector<16xi32>
        %ge3A_590 = arith.constant 0 : i32
        %ge3A_591 = vector.broadcast %ge3A_590 : i32 to vector<16xi32>
        %ge3A_592 = arith.cmpi sge, %sub3A_589, %ge3A_591 : vector<16xi32>
        %lt3A_593 = arith.constant 5000 : i32
        %lt3A_594 = vector.broadcast %lt3A_593 : i32 to vector<16xi32>
        %lt3A_595 = arith.cmpi slt, %sub3A_589, %lt3A_594 : vector<16xi32>
        %and3A_596 = arith.andi %ge3A_592, %lt3A_595 : vector<16xi1>
        %select_n3A_597 = arith.select %and3A_596, %sub3A_589, %add3A_87 : vector<16xi1>, vector<16xi32>
        %swap3A_598 = arith.constant 1 : i32
        %swap3A_599 = arith.constant 1 : i32
        %swap3A_600 = arith.index_cast %swap3A_598 : i32 to index
        %swap3A_601 = arith.index_cast %swap3A_599 : i32 to index
        %swap3A_602 = arith.constant 80 : index
        %swap3A_603 = tpu.vector_load %arg5[%swap3A_600, %swap3A_601, %swap3A_602] {strides = array<i32>} : memref<2x2x128xi32, #tpu.memory_space<vmem>>, vector<1x1x16xi32>,
        %swap3A_604 = vector.shape_cast %swap3A_603 : vector<1x1x16xi32> to vector<16xi32>
        %swap3A_605 = vector.shape_cast %select_n3A_597 : vector<16xi32> to vector<1x1x16xi32>
        tpu.vector_store %arg5[%swap3A_600, %swap3A_601, %swap3A_602], %swap3A_605 {strides = array<i32>} : memref<2x2x128xi32, #tpu.memory_space<vmem>>, vector<1x1x16xi32>,
        %get3A_606 = arith.constant 1 : i32
        %get3A_607 = arith.constant 1 : i32
        %get3A_608 = arith.index_cast %get3A_606 : i32 to index
        %get3A_609 = arith.index_cast %get3A_607 : i32 to index
        %get3A_610 = arith.constant 96 : index
        %get3A_611 = tpu.vector_load %arg5[%get3A_608, %get3A_609, %get3A_610] {strides = array<i32>} : memref<2x2x128xi32, #tpu.memory_space<vmem>>, vector<1x1x16xi32>,
        %get3A_612 = vector.shape_cast %get3A_611 : vector<1x1x16xi32> to vector<16xi32>
        %sub3A_613 = vector.broadcast %mul3A_0 : i32 to vector<16xi32>
        %sub3A_614 = arith.subi %get3A_612, %sub3A_613 : vector<16xi32>
        %ge3A_615 = arith.constant 0 : i32
        %ge3A_616 = vector.broadcast %ge3A_615 : i32 to vector<16xi32>
        %ge3A_617 = arith.cmpi sge, %sub3A_614, %ge3A_616 : vector<16xi32>
        %lt3A_618 = arith.constant 5000 : i32
        %lt3A_619 = vector.broadcast %lt3A_618 : i32 to vector<16xi32>
        %lt3A_620 = arith.cmpi slt, %sub3A_614, %lt3A_619 : vector<16xi32>
        %and3A_621 = arith.andi %ge3A_617, %lt3A_620 : vector<16xi1>
        %select_n3A_622 = arith.select %and3A_621, %sub3A_614, %add3A_87 : vector<16xi1>, vector<16xi32>
        %swap3A_623 = arith.constant 1 : i32
        %swap3A_624 = arith.constant 1 : i32
        %swap3A_625 = arith.index_cast %swap3A_623 : i32 to index
        %swap3A_626 = arith.index_cast %swap3A_624 : i32 to index
        %swap3A_627 = arith.constant 96 : index
        %swap3A_628 = tpu.vector_load %arg5[%swap3A_625, %swap3A_626, %swap3A_627] {strides = array<i32>} : memref<2x2x128xi32, #tpu.memory_space<vmem>>, vector<1x1x16xi32>,
        %swap3A_629 = vector.shape_cast %swap3A_628 : vector<1x1x16xi32> to vector<16xi32>
        %swap3A_630 = vector.shape_cast %select_n3A_622 : vector<16xi32> to vector<1x1x16xi32>
        tpu.vector_store %arg5[%swap3A_625, %swap3A_626, %swap3A_627], %swap3A_630 {strides = array<i32>} : memref<2x2x128xi32, #tpu.memory_space<vmem>>, vector<1x1x16xi32>,
        %get3A_631 = arith.constant 1 : i32
        %get3A_632 = arith.constant 1 : i32
        %get3A_633 = arith.index_cast %get3A_631 : i32 to index
        %get3A_634 = arith.index_cast %get3A_632 : i32 to index
        %get3A_635 = arith.constant 112 : index
        %get3A_636 = tpu.vector_load %arg5[%get3A_633, %get3A_634, %get3A_635] {strides = array<i32>} : memref<2x2x128xi32, #tpu.memory_space<vmem>>, vector<1x1x16xi32>,
        %get3A_637 = vector.shape_cast %get3A_636 : vector<1x1x16xi32> to vector<16xi32>
        %sub3A_638 = vector.broadcast %mul3A_0 : i32 to vector<16xi32>
        %sub3A_639 = arith.subi %get3A_637, %sub3A_638 : vector<16xi32>
        %ge3A_640 = arith.constant 0 : i32
        %ge3A_641 = vector.broadcast %ge3A_640 : i32 to vector<16xi32>
        %ge3A_642 = arith.cmpi sge, %sub3A_639, %ge3A_641 : vector<16xi32>
        %lt3A_643 = arith.constant 5000 : i32
        %lt3A_644 = vector.broadcast %lt3A_643 : i32 to vector<16xi32>
        %lt3A_645 = arith.cmpi slt, %sub3A_639, %lt3A_644 : vector<16xi32>
        %and3A_646 = arith.andi %ge3A_642, %lt3A_645 : vector<16xi1>
        %select_n3A_647 = arith.select %and3A_646, %sub3A_639, %add3A_87 : vector<16xi1>, vector<16xi32>
        %swap3A_648 = arith.constant 1 : i32
        %swap3A_649 = arith.constant 1 : i32
        %swap3A_650 = arith.index_cast %swap3A_648 : i32 to index
        %swap3A_651 = arith.index_cast %swap3A_649 : i32 to index
        %swap3A_652 = arith.constant 112 : index
        %swap3A_653 = tpu.vector_load %arg5[%swap3A_650, %swap3A_651, %swap3A_652] {strides = array<i32>} : memref<2x2x128xi32, #tpu.memory_space<vmem>>, vector<1x1x16xi32>,
        %swap3A_654 = vector.shape_cast %swap3A_653 : vector<1x1x16xi32> to vector<16xi32>
        %swap3A_655 = vector.shape_cast %select_n3A_647 : vector<16xi32> to vector<1x1x16xi32>
        tpu.vector_store %arg5[%swap3A_650, %swap3A_651, %swap3A_652], %swap3A_655 {strides = array<i32>} : memref<2x2x128xi32, #tpu.memory_space<vmem>>, vector<1x1x16xi32>,
        %dma_start3A_656 = arith.constant 1 : i32
        %dma_start3A_657 = arith.constant 1 : i32
        %dma_start3A_658 = arith.constant 0 : i32
        %dma_start3A_659 = arith.constant 0 : i32
        %dma_start3A_660 = arith.constant 0 : i32
        %dma_start3A_661 = tpu.memref_slice %arg6[%dma_start3A_656, %dma_start3A_659, %dma_start3A_660] : memref<2x256x128xf32, #tpu.memory_space<vmem>> -> memref<1x256x128xf32, #tpu.memory_space<vmem>>
        %dma_start3A_662 = tpu.memref_squeeze %dma_start3A_661 : memref<1x256x128xf32, #tpu.memory_space<vmem>> -> memref<256x128xf32, #tpu.memory_space<vmem>>
        %dma_start3A_663 = arith.constant 0 : i32
        %dma_start3A_664 = arith.constant 0 : i32
        %dma_start3A_665 = tpu.memref_slice %dma_start3A_662[%dma_start3A_663, %dma_start3A_664] : memref<256x128xf32, #tpu.memory_space<vmem>> -> memref<128x128xf32, #tpu.memory_space<vmem>>
        %dma_start3A_666 = arith.constant 0 : i32
        %dma_start3A_667 = arith.constant 0 : i32
        %dma_start3A_668 = tpu.memref_slice %arg5[%dma_start3A_657, %dma_start3A_666, %dma_start3A_667] : memref<2x2x128xi32, #tpu.memory_space<vmem>> -> memref<1x2x128xi32, #tpu.memory_space<vmem>>
        %dma_start3A_669 = tpu.memref_squeeze %dma_start3A_668 : memref<1x2x128xi32, #tpu.memory_space<vmem>> -> memref<2x128xi32, #tpu.memory_space<vmem>>
        %dma_start3A_670 = arith.constant 0 : i32
        %dma_start3A_671 = tpu.memref_slice %dma_start3A_669[%dma_start3A_658, %dma_start3A_670] : memref<2x128xi32, #tpu.memory_space<vmem>> -> memref<1x128xi32, #tpu.memory_space<vmem>>
        %dma_start3A_672 = tpu.memref_squeeze %dma_start3A_671 : memref<1x128xi32, #tpu.memory_space<vmem>> -> memref<128xi32, #tpu.memory_space<vmem>>
        %dma_start3A_673 = arith.constant 0 : i32
        %dma_start3A_674 = arith.constant 0 : i32
        %dma_start3A_675 = tpu.memref_slice %arg7[%dma_start3A_673, %dma_start3A_674] : memref<5016x128xf32, #tpu.memory_space<vmem_shared>> -> memref<5016x128xf32, #tpu.memory_space<vmem_shared>>
        tpu.enqueue_indirect_dma source(%dma_start3A_665 : memref<128x128xf32, #tpu.memory_space<vmem>>) target(%dma_start3A_675 : memref<5016x128xf32, #tpu.memory_space<vmem_shared>>) offsets(%dma_start3A_672 : memref<128xi32, #tpu.memory_space<vmem>>) semaphore(%arg12 : memref<!tpu.dma_semaphore, #tpu.memory_space<semaphore_mem>>) {add = true}
        %dma_start3A_676 = arith.constant 1 : i32
        %dma_start3A_677 = arith.constant 1 : i32
        %dma_start3A_678 = arith.constant 1 : i32
        %dma_start3A_679 = arith.constant 0 : i32
        %dma_start3A_680 = arith.constant 0 : i32
        %dma_start3A_681 = tpu.memref_slice %arg6[%dma_start3A_676, %dma_start3A_679, %dma_start3A_680] : memref<2x256x128xf32, #tpu.memory_space<vmem>> -> memref<1x256x128xf32, #tpu.memory_space<vmem>>
        %dma_start3A_682 = tpu.memref_squeeze %dma_start3A_681 : memref<1x256x128xf32, #tpu.memory_space<vmem>> -> memref<256x128xf32, #tpu.memory_space<vmem>>
        %dma_start3A_683 = arith.constant 128 : i32
        %dma_start3A_684 = arith.constant 0 : i32
        %dma_start3A_685 = tpu.memref_slice %dma_start3A_682[%dma_start3A_683, %dma_start3A_684] : memref<256x128xf32, #tpu.memory_space<vmem>> -> memref<128x128xf32, #tpu.memory_space<vmem>>
        %dma_start3A_686 = arith.constant 0 : i32
        %dma_start3A_687 = arith.constant 0 : i32
        %dma_start3A_688 = tpu.memref_slice %arg5[%dma_start3A_677, %dma_start3A_686, %dma_start3A_687] : memref<2x2x128xi32, #tpu.memory_space<vmem>> -> memref<1x2x128xi32, #tpu.memory_space<vmem>>
        %dma_start3A_689 = tpu.memref_squeeze %dma_start3A_688 : memref<1x2x128xi32, #tpu.memory_space<vmem>> -> memref<2x128xi32, #tpu.memory_space<vmem>>
        %dma_start3A_690 = arith.constant 0 : i32
        %dma_start3A_691 = tpu.memref_slice %dma_start3A_689[%dma_start3A_678, %dma_start3A_690] : memref<2x128xi32, #tpu.memory_space<vmem>> -> memref<1x128xi32, #tpu.memory_space<vmem>>
        %dma_start3A_692 = tpu.memref_squeeze %dma_start3A_691 : memref<1x128xi32, #tpu.memory_space<vmem>> -> memref<128xi32, #tpu.memory_space<vmem>>
        %dma_start3A_693 = arith.constant 0 : i32
        %dma_start3A_694 = arith.constant 0 : i32
        %dma_start3A_695 = tpu.memref_slice %arg7[%dma_start3A_693, %dma_start3A_694] : memref<5016x128xf32, #tpu.memory_space<vmem_shared>> -> memref<5016x128xf32, #tpu.memory_space<vmem_shared>>
        tpu.enqueue_indirect_dma source(%dma_start3A_685 : memref<128x128xf32, #tpu.memory_space<vmem>>) target(%dma_start3A_695 : memref<5016x128xf32, #tpu.memory_space<vmem_shared>>) offsets(%dma_start3A_692 : memref<128xi32, #tpu.memory_space<vmem>>) semaphore(%arg12 : memref<!tpu.dma_semaphore, #tpu.memory_space<semaphore_mem>>) {add = true}
      } else {
      }
      %add3A_214 = arith.constant 2 : i32
      %add3A_215 = arith.addi %add3A_209, %add3A_214 : i32
      %lt3A_216 = arith.cmpi slt, %add3A_215, %select_n3A : i32
      %convert_element_type3A_217 = arith.extui %lt3A_216 : i1 to i32
      %cond3A_218 = arith.constant 0 : i32
      %cond3A_219 = arith.cmpi ne, %convert_element_type3A_217, %cond3A_218 : i32
      scf.if %cond3A_219 {
        %dma_wait3A_226 = arith.constant 1 : i32
        %dma_wait3A_227 = arith.constant 1 : i32
        %dma_wait3A_228 = arith.constant 0 : i32
        %dma_wait3A_229 = arith.constant 0 : i32
        %dma_wait3A_230 = arith.constant 0 : i32
        %dma_wait3A_231 = tpu.memref_slice %arg6[%dma_wait3A_226, %dma_wait3A_229, %dma_wait3A_230] : memref<2x256x128xf32, #tpu.memory_space<vmem>> -> memref<1x256x128xf32, #tpu.memory_space<vmem>>
        %dma_wait3A_232 = tpu.memref_squeeze %dma_wait3A_231 : memref<1x256x128xf32, #tpu.memory_space<vmem>> -> memref<256x128xf32, #tpu.memory_space<vmem>>
        %dma_wait3A_233 = arith.constant 0 : i32
        %dma_wait3A_234 = arith.constant 0 : i32
        %dma_wait3A_235 = tpu.memref_slice %dma_wait3A_232[%dma_wait3A_233, %dma_wait3A_234] : memref<256x128xf32, #tpu.memory_space<vmem>> -> memref<128x128xf32, #tpu.memory_space<vmem>>
        %dma_wait3A_236 = arith.constant 0 : i32
        %dma_wait3A_237 = arith.constant 0 : i32
        %dma_wait3A_238 = tpu.memref_slice %arg5[%dma_wait3A_227, %dma_wait3A_236, %dma_wait3A_237] : memref<2x2x128xi32, #tpu.memory_space<vmem>> -> memref<1x2x128xi32, #tpu.memory_space<vmem>>
        %dma_wait3A_239 = tpu.memref_squeeze %dma_wait3A_238 : memref<1x2x128xi32, #tpu.memory_space<vmem>> -> memref<2x128xi32, #tpu.memory_space<vmem>>
        %dma_wait3A_240 = arith.constant 0 : i32
        %dma_wait3A_241 = tpu.memref_slice %dma_wait3A_239[%dma_wait3A_228, %dma_wait3A_240] : memref<2x128xi32, #tpu.memory_space<vmem>> -> memref<1x128xi32, #tpu.memory_space<vmem>>
        %dma_wait3A_242 = tpu.memref_squeeze %dma_wait3A_241 : memref<1x128xi32, #tpu.memory_space<vmem>> -> memref<128xi32, #tpu.memory_space<vmem>>
        %dma_wait3A_243 = arith.constant 0 : i32
        %dma_wait3A_244 = arith.constant 0 : i32
        %dma_wait3A_245 = tpu.memref_slice %arg7[%dma_wait3A_243, %dma_wait3A_244] : memref<5016x128xf32, #tpu.memory_space<vmem_shared>> -> memref<5016x128xf32, #tpu.memory_space<vmem_shared>>
        tpu.wait_indirect_dma semaphore(%arg12 : memref<!tpu.dma_semaphore, #tpu.memory_space<semaphore_mem>>) src(%dma_wait3A_235 : memref<128x128xf32, #tpu.memory_space<vmem>>) dst(%dma_wait3A_245 : memref<5016x128xf32, #tpu.memory_space<vmem_shared>>)
        %dma_wait3A_246 = arith.constant 1 : i32
        %dma_wait3A_247 = arith.constant 1 : i32
        %dma_wait3A_248 = arith.constant 1 : i32
        %dma_wait3A_249 = arith.constant 0 : i32
        %dma_wait3A_250 = arith.constant 0 : i32
        %dma_wait3A_251 = tpu.memref_slice %arg6[%dma_wait3A_246, %dma_wait3A_249, %dma_wait3A_250] : memref<2x256x128xf32, #tpu.memory_space<vmem>> -> memref<1x256x128xf32, #tpu.memory_space<vmem>>
        %dma_wait3A_252 = tpu.memref_squeeze %dma_wait3A_251 : memref<1x256x128xf32, #tpu.memory_space<vmem>> -> memref<256x128xf32, #tpu.memory_space<vmem>>
        %dma_wait3A_253 = arith.constant 128 : i32
        %dma_wait3A_254 = arith.constant 0 : i32
        %dma_wait3A_255 = tpu.memref_slice %dma_wait3A_252[%dma_wait3A_253, %dma_wait3A_254] : memref<256x128xf32, #tpu.memory_space<vmem>> -> memref<128x128xf32, #tpu.memory_space<vmem>>
        %dma_wait3A_256 = arith.constant 0 : i32
        %dma_wait3A_257 = arith.constant 0 : i32
        %dma_wait3A_258 = tpu.memref_slice %arg5[%dma_wait3A_247, %dma_wait3A_256, %dma_wait3A_257] : memref<2x2x128xi32, #tpu.memory_space<vmem>> -> memref<1x2x128xi32, #tpu.memory_space<vmem>>
        %dma_wait3A_259 = tpu.memref_squeeze %dma_wait3A_258 : memref<1x2x128xi32, #tpu.memory_space<vmem>> -> memref<2x128xi32, #tpu.memory_space<vmem>>
        %dma_wait3A_260 = arith.constant 0 : i32
        %dma_wait3A_261 = tpu.memref_slice %dma_wait3A_259[%dma_wait3A_248, %dma_wait3A_260] : memref<2x128xi32, #tpu.memory_space<vmem>> -> memref<1x128xi32, #tpu.memory_space<vmem>>
        %dma_wait3A_262 = tpu.memref_squeeze %dma_wait3A_261 : memref<1x128xi32, #tpu.memory_space<vmem>> -> memref<128xi32, #tpu.memory_space<vmem>>
        %dma_wait3A_263 = arith.constant 0 : i32
        %dma_wait3A_264 = arith.constant 0 : i32
        %dma_wait3A_265 = tpu.memref_slice %arg7[%dma_wait3A_263, %dma_wait3A_264] : memref<5016x128xf32, #tpu.memory_space<vmem_shared>> -> memref<5016x128xf32, #tpu.memory_space<vmem_shared>>
        tpu.wait_indirect_dma semaphore(%arg12 : memref<!tpu.dma_semaphore, #tpu.memory_space<semaphore_mem>>) src(%dma_wait3A_255 : memref<128x128xf32, #tpu.memory_space<vmem>>) dst(%dma_wait3A_265 : memref<5016x128xf32, #tpu.memory_space<vmem_shared>>)
      } else {
      }
      %add3A_220 = arith.constant 2 : i32
      %add3A_221 = arith.addi %add3A_209, %add3A_220 : i32
      %lt3A_222 = arith.cmpi slt, %add3A_221, %select_n3A : i32
      %convert_element_type3A_223 = arith.extui %lt3A_222 : i1 to i32
      %cond3A_224 = arith.constant 0 : i32
      %cond3A_225 = arith.cmpi ne, %convert_element_type3A_223, %cond3A_224 : i32
      scf.if %cond3A_225 {
        %add3A_226 = arith.constant 2 : i32
        %add3A_227 = arith.addi %add3A_209, %add3A_226 : i32
        %mul3A_228 = arith.constant 16 : i32
        %mul3A_229 = arith.muli %add3A_227, %mul3A_228 : i32
        %add3A_230 = arith.addi %mul3A_229, %arg1 : i32
        %dma_start3A_231 = arith.constant 1 : i32
        %dma_start3A_232 = arith.constant 0 : i32
        %dma_start3A_233 = arith.constant 0 : i32
        %dma_start3A_234 = tpu.memref_slice %arg5[%dma_start3A_231, %dma_start3A_232, %dma_start3A_233] : memref<2x2x128xi32, #tpu.memory_space<vmem>> -> memref<1x2x128xi32, #tpu.memory_space<vmem>>
        %dma_start3A_235 = tpu.memref_squeeze %dma_start3A_234 : memref<1x2x128xi32, #tpu.memory_space<vmem>> -> memref<2x128xi32, #tpu.memory_space<vmem>>
        %dma_start3A_236 = arith.constant 0 : i32
        %dma_start3A_237 = arith.constant 0 : i32
        %dma_start3A_238 = tpu.memref_slice %arg3[%add3A_230, %dma_start3A_236, %dma_start3A_237] : memref<625x2x128xi32, #tpu.memory_space<hbm>> -> memref<1x2x128xi32, #tpu.memory_space<hbm>>
        %dma_start3A_239 = tpu.memref_squeeze %dma_start3A_238 : memref<1x2x128xi32, #tpu.memory_space<hbm>> -> memref<2x128xi32, #tpu.memory_space<hbm>>
        %dma_start3A_240 = arith.constant 0 : i32
        %dma_start3A_241 = arith.constant 0 : i32
        %dma_start3A_242 = tpu.memref_slice %arg5[%dma_start3A_231, %dma_start3A_240, %dma_start3A_241] : memref<2x2x128xi32, #tpu.memory_space<vmem>> -> memref<1x2x128xi32, #tpu.memory_space<vmem>>
        %dma_start3A_243 = tpu.memref_squeeze %dma_start3A_242 : memref<1x2x128xi32, #tpu.memory_space<vmem>> -> memref<2x128xi32, #tpu.memory_space<vmem>>
        %dma_start3A_244 = arith.constant 0 : i32
        %dma_start3A_245 = arith.constant 0 : i32
        %dma_start3A_246 = tpu.memref_slice %arg3[%add3A_230, %dma_start3A_244, %dma_start3A_245] : memref<625x2x128xi32, #tpu.memory_space<hbm>> -> memref<1x2x128xi32, #tpu.memory_space<hbm>>
        %dma_start3A_247 = tpu.memref_squeeze %dma_start3A_246 : memref<1x2x128xi32, #tpu.memory_space<hbm>> -> memref<2x128xi32, #tpu.memory_space<hbm>>
        tpu.enqueue_dma source(%dma_start3A_247 : memref<2x128xi32, #tpu.memory_space<hbm>>) target(%dma_start3A_243 : memref<2x128xi32, #tpu.memory_space<vmem>>) target_semaphore(%arg9 : memref<!tpu.dma_semaphore, #tpu.memory_space<semaphore_mem>>)
        %mul3A_248 = arith.constant 256 : i32
        %mul3A_249 = arith.muli %add3A_230, %mul3A_248 : i32
        %dma_start3A_250 = arith.constant 1 : i32
        %dma_start3A_251 = arith.constant 0 : i32
        %dma_start3A_252 = arith.constant 0 : i32
        %dma_start3A_253 = tpu.memref_slice %arg6[%dma_start3A_250, %dma_start3A_251, %dma_start3A_252] : memref<2x256x128xf32, #tpu.memory_space<vmem>> -> memref<1x256x128xf32, #tpu.memory_space<vmem>>
        %dma_start3A_254 = tpu.memref_squeeze %dma_start3A_253 : memref<1x256x128xf32, #tpu.memory_space<vmem>> -> memref<256x128xf32, #tpu.memory_space<vmem>>
        %dma_start3A_255 = arith.constant 0 : i32
        %dma_start3A_256 = tpu.memref_slice %arg2[%mul3A_249, %dma_start3A_255] : memref<160000x128xf32, #tpu.memory_space<hbm>> -> memref<256x128xf32, #tpu.memory_space<hbm>>
        %dma_start3A_257 = arith.constant 0 : i32
        %dma_start3A_258 = arith.constant 0 : i32
        %dma_start3A_259 = tpu.memref_slice %arg6[%dma_start3A_250, %dma_start3A_257, %dma_start3A_258] : memref<2x256x128xf32, #tpu.memory_space<vmem>> -> memref<1x256x128xf32, #tpu.memory_space<vmem>>
        %dma_start3A_260 = tpu.memref_squeeze %dma_start3A_259 : memref<1x256x128xf32, #tpu.memory_space<vmem>> -> memref<256x128xf32, #tpu.memory_space<vmem>>
        %dma_start3A_261 = arith.constant 0 : i32
        %dma_start3A_262 = tpu.memref_slice %arg2[%mul3A_249, %dma_start3A_261] : memref<160000x128xf32, #tpu.memory_space<hbm>> -> memref<256x128xf32, #tpu.memory_space<hbm>>
        tpu.enqueue_dma source(%dma_start3A_262 : memref<256x128xf32, #tpu.memory_space<hbm>>) target(%dma_start3A_260 : memref<256x128xf32, #tpu.memory_space<vmem>>) target_semaphore(%arg9 : memref<!tpu.dma_semaphore, #tpu.memory_space<semaphore_mem>>)
      } else {
      }
    }
    %scan3A_93 = arith.constant 20 : i32
    %dma_wait3A = arith.constant 0 : i32
    %dma_wait3A_94 = arith.constant 0 : i32
    %dma_wait3A_95 = arith.constant 0 : i32
    %dma_wait3A_96 = arith.constant 0 : i32
    %dma_wait3A_97 = arith.constant 0 : i32
    %dma_wait3A_98 = tpu.memref_slice %arg6[%dma_wait3A, %dma_wait3A_96, %dma_wait3A_97] : memref<2x256x128xf32, #tpu.memory_space<vmem>> -> memref<1x256x128xf32, #tpu.memory_space<vmem>>
    %dma_wait3A_99 = tpu.memref_squeeze %dma_wait3A_98 : memref<1x256x128xf32, #tpu.memory_space<vmem>> -> memref<256x128xf32, #tpu.memory_space<vmem>>
    %dma_wait3A_100 = arith.constant 0 : i32
    %dma_wait3A_101 = arith.constant 0 : i32
    %dma_wait3A_102 = tpu.memref_slice %dma_wait3A_99[%dma_wait3A_100, %dma_wait3A_101] : memref<256x128xf32, #tpu.memory_space<vmem>> -> memref<128x128xf32, #tpu.memory_space<vmem>>
    %dma_wait3A_103 = arith.constant 0 : i32
    %dma_wait3A_104 = arith.constant 0 : i32
    %dma_wait3A_105 = tpu.memref_slice %arg5[%dma_wait3A_94, %dma_wait3A_103, %dma_wait3A_104] : memref<2x2x128xi32, #tpu.memory_space<vmem>> -> memref<1x2x128xi32, #tpu.memory_space<vmem>>
    %dma_wait3A_106 = tpu.memref_squeeze %dma_wait3A_105 : memref<1x2x128xi32, #tpu.memory_space<vmem>> -> memref<2x128xi32, #tpu.memory_space<vmem>>
    %dma_wait3A_107 = arith.constant 0 : i32
    %dma_wait3A_108 = tpu.memref_slice %dma_wait3A_106[%dma_wait3A_95, %dma_wait3A_107] : memref<2x128xi32, #tpu.memory_space<vmem>> -> memref<1x128xi32, #tpu.memory_space<vmem>>
    %dma_wait3A_109 = tpu.memref_squeeze %dma_wait3A_108 : memref<1x128xi32, #tpu.memory_space<vmem>> -> memref<128xi32, #tpu.memory_space<vmem>>
    %dma_wait3A_110 = arith.constant 0 : i32
    %dma_wait3A_111 = arith.constant 0 : i32
    %dma_wait3A_112 = tpu.memref_slice %arg7[%dma_wait3A_110, %dma_wait3A_111] : memref<5016x128xf32, #tpu.memory_space<vmem_shared>> -> memref<5016x128xf32, #tpu.memory_space<vmem_shared>>
    tpu.wait_indirect_dma semaphore(%arg11 : memref<!tpu.dma_semaphore, #tpu.memory_space<semaphore_mem>>) src(%dma_wait3A_102 : memref<128x128xf32, #tpu.memory_space<vmem>>) dst(%dma_wait3A_112 : memref<5016x128xf32, #tpu.memory_space<vmem_shared>>)
    %dma_wait3A_113 = arith.constant 0 : i32
    %dma_wait3A_114 = arith.constant 0 : i32
    %dma_wait3A_115 = arith.constant 1 : i32
    %dma_wait3A_116 = arith.constant 0 : i32
    %dma_wait3A_117 = arith.constant 0 : i32
    %dma_wait3A_118 = tpu.memref_slice %arg6[%dma_wait3A_113, %dma_wait3A_116, %dma_wait3A_117] : memref<2x256x128xf32, #tpu.memory_space<vmem>> -> memref<1x256x128xf32, #tpu.memory_space<vmem>>
    %dma_wait3A_119 = tpu.memref_squeeze %dma_wait3A_118 : memref<1x256x128xf32, #tpu.memory_space<vmem>> -> memref<256x128xf32, #tpu.memory_space<vmem>>
    %dma_wait3A_120 = arith.constant 128 : i32
    %dma_wait3A_121 = arith.constant 0 : i32
    %dma_wait3A_122 = tpu.memref_slice %dma_wait3A_119[%dma_wait3A_120, %dma_wait3A_121] : memref<256x128xf32, #tpu.memory_space<vmem>> -> memref<128x128xf32, #tpu.memory_space<vmem>>
    %dma_wait3A_123 = arith.constant 0 : i32
    %dma_wait3A_124 = arith.constant 0 : i32
    %dma_wait3A_125 = tpu.memref_slice %arg5[%dma_wait3A_114, %dma_wait3A_123, %dma_wait3A_124] : memref<2x2x128xi32, #tpu.memory_space<vmem>> -> memref<1x2x128xi32, #tpu.memory_space<vmem>>
    %dma_wait3A_126 = tpu.memref_squeeze %dma_wait3A_125 : memref<1x2x128xi32, #tpu.memory_space<vmem>> -> memref<2x128xi32, #tpu.memory_space<vmem>>
    %dma_wait3A_127 = arith.constant 0 : i32
    %dma_wait3A_128 = tpu.memref_slice %dma_wait3A_126[%dma_wait3A_115, %dma_wait3A_127] : memref<2x128xi32, #tpu.memory_space<vmem>> -> memref<1x128xi32, #tpu.memory_space<vmem>>
    %dma_wait3A_129 = tpu.memref_squeeze %dma_wait3A_128 : memref<1x128xi32, #tpu.memory_space<vmem>> -> memref<128xi32, #tpu.memory_space<vmem>>
    %dma_wait3A_130 = arith.constant 0 : i32
    %dma_wait3A_131 = arith.constant 0 : i32
    %dma_wait3A_132 = tpu.memref_slice %arg7[%dma_wait3A_130, %dma_wait3A_131] : memref<5016x128xf32, #tpu.memory_space<vmem_shared>> -> memref<5016x128xf32, #tpu.memory_space<vmem_shared>>
    tpu.wait_indirect_dma semaphore(%arg11 : memref<!tpu.dma_semaphore, #tpu.memory_space<semaphore_mem>>) src(%dma_wait3A_122 : memref<128x128xf32, #tpu.memory_space<vmem>>) dst(%dma_wait3A_132 : memref<5016x128xf32, #tpu.memory_space<vmem_shared>>)
    %dma_wait3A_133 = arith.constant 1 : i32
    %dma_wait3A_134 = arith.constant 1 : i32
    %dma_wait3A_135 = arith.constant 0 : i32
    %dma_wait3A_136 = arith.constant 0 : i32
    %dma_wait3A_137 = arith.constant 0 : i32
    %dma_wait3A_138 = tpu.memref_slice %arg6[%dma_wait3A_133, %dma_wait3A_136, %dma_wait3A_137] : memref<2x256x128xf32, #tpu.memory_space<vmem>> -> memref<1x256x128xf32, #tpu.memory_space<vmem>>
    %dma_wait3A_139 = tpu.memref_squeeze %dma_wait3A_138 : memref<1x256x128xf32, #tpu.memory_space<vmem>> -> memref<256x128xf32, #tpu.memory_space<vmem>>
    %dma_wait3A_140 = arith.constant 0 : i32
    %dma_wait3A_141 = arith.constant 0 : i32
    %dma_wait3A_142 = tpu.memref_slice %dma_wait3A_139[%dma_wait3A_140, %dma_wait3A_141] : memref<256x128xf32, #tpu.memory_space<vmem>> -> memref<128x128xf32, #tpu.memory_space<vmem>>
    %dma_wait3A_143 = arith.constant 0 : i32
    %dma_wait3A_144 = arith.constant 0 : i32
    %dma_wait3A_145 = tpu.memref_slice %arg5[%dma_wait3A_134, %dma_wait3A_143, %dma_wait3A_144] : memref<2x2x128xi32, #tpu.memory_space<vmem>> -> memref<1x2x128xi32, #tpu.memory_space<vmem>>
    %dma_wait3A_146 = tpu.memref_squeeze %dma_wait3A_145 : memref<1x2x128xi32, #tpu.memory_space<vmem>> -> memref<2x128xi32, #tpu.memory_space<vmem>>
    %dma_wait3A_147 = arith.constant 0 : i32
    %dma_wait3A_148 = tpu.memref_slice %dma_wait3A_146[%dma_wait3A_135, %dma_wait3A_147] : memref<2x128xi32, #tpu.memory_space<vmem>> -> memref<1x128xi32, #tpu.memory_space<vmem>>
    %dma_wait3A_149 = tpu.memref_squeeze %dma_wait3A_148 : memref<1x128xi32, #tpu.memory_space<vmem>> -> memref<128xi32, #tpu.memory_space<vmem>>
    %dma_wait3A_150 = arith.constant 0 : i32
    %dma_wait3A_151 = arith.constant 0 : i32
    %dma_wait3A_152 = tpu.memref_slice %arg7[%dma_wait3A_150, %dma_wait3A_151] : memref<5016x128xf32, #tpu.memory_space<vmem_shared>> -> memref<5016x128xf32, #tpu.memory_space<vmem_shared>>
    tpu.wait_indirect_dma semaphore(%arg12 : memref<!tpu.dma_semaphore, #tpu.memory_space<semaphore_mem>>) src(%dma_wait3A_142 : memref<128x128xf32, #tpu.memory_space<vmem>>) dst(%dma_wait3A_152 : memref<5016x128xf32, #tpu.memory_space<vmem_shared>>)
    %dma_wait3A_153 = arith.constant 1 : i32
    %dma_wait3A_154 = arith.constant 1 : i32
    %dma_wait3A_155 = arith.constant 1 : i32
    %dma_wait3A_156 = arith.constant 0 : i32
    %dma_wait3A_157 = arith.constant 0 : i32
    %dma_wait3A_158 = tpu.memref_slice %arg6[%dma_wait3A_153, %dma_wait3A_156, %dma_wait3A_157] : memref<2x256x128xf32, #tpu.memory_space<vmem>> -> memref<1x256x128xf32, #tpu.memory_space<vmem>>
    %dma_wait3A_159 = tpu.memref_squeeze %dma_wait3A_158 : memref<1x256x128xf32, #tpu.memory_space<vmem>> -> memref<256x128xf32, #tpu.memory_space<vmem>>
    %dma_wait3A_160 = arith.constant 128 : i32
    %dma_wait3A_161 = arith.constant 0 : i32
    %dma_wait3A_162 = tpu.memref_slice %dma_wait3A_159[%dma_wait3A_160, %dma_wait3A_161] : memref<256x128xf32, #tpu.memory_space<vmem>> -> memref<128x128xf32, #tpu.memory_space<vmem>>
    %dma_wait3A_163 = arith.constant 0 : i32
    %dma_wait3A_164 = arith.constant 0 : i32
    %dma_wait3A_165 = tpu.memref_slice %arg5[%dma_wait3A_154, %dma_wait3A_163, %dma_wait3A_164] : memref<2x2x128xi32, #tpu.memory_space<vmem>> -> memref<1x2x128xi32, #tpu.memory_space<vmem>>
    %dma_wait3A_166 = tpu.memref_squeeze %dma_wait3A_165 : memref<1x2x128xi32, #tpu.memory_space<vmem>> -> memref<2x128xi32, #tpu.memory_space<vmem>>
    %dma_wait3A_167 = arith.constant 0 : i32
    %dma_wait3A_168 = tpu.memref_slice %dma_wait3A_166[%dma_wait3A_155, %dma_wait3A_167] : memref<2x128xi32, #tpu.memory_space<vmem>> -> memref<1x128xi32, #tpu.memory_space<vmem>>
    %dma_wait3A_169 = tpu.memref_squeeze %dma_wait3A_168 : memref<1x128xi32, #tpu.memory_space<vmem>> -> memref<128xi32, #tpu.memory_space<vmem>>
    %dma_wait3A_170 = arith.constant 0 : i32
    %dma_wait3A_171 = arith.constant 0 : i32
    %dma_wait3A_172 = tpu.memref_slice %arg7[%dma_wait3A_170, %dma_wait3A_171] : memref<5016x128xf32, #tpu.memory_space<vmem_shared>> -> memref<5016x128xf32, #tpu.memory_space<vmem_shared>>
    tpu.wait_indirect_dma semaphore(%arg12 : memref<!tpu.dma_semaphore, #tpu.memory_space<semaphore_mem>>) src(%dma_wait3A_162 : memref<128x128xf32, #tpu.memory_space<vmem>>) dst(%dma_wait3A_172 : memref<5016x128xf32, #tpu.memory_space<vmem_shared>>)
    %barrier3A_173 = arith.constant 0 : index
    tpu.barrier barrier_id(%barrier3A_173)
    %scan3A_174 = arith.constant 0 : i32
    %scan3A_175 = arith.constant 0 : i32
    %scan3A_176 = arith.constant 3 : i32
    %scan3A_177 = arith.addi %scan3A_175, %scan3A_176 : i32
    %scan3A_178 = arith.constant 1 : i32
    scf.for %scan3A_185 = %scan3A_175 to %scan3A_177 step %scan3A_178  : i32 {
      %mul3A_186 = arith.constant 16 : i32
      %mul3A_187 = arith.muli %scan3A_185, %mul3A_186 : i32
      %add3A_188 = arith.addi %mul3A_187, %arg1 : i32
      %lt3A_189 = arith.constant 39 : i32
      %lt3A_190 = arith.cmpi slt, %add3A_188, %lt3A_189 : i32
      %convert_element_type3A_191 = arith.extui %lt3A_190 : i1 to i32
      %cond3A_192 = arith.constant 0 : i32
      %cond3A_193 = arith.cmpi ne, %convert_element_type3A_191, %cond3A_192 : i32
      scf.if %cond3A_193 {
        %mul3A_194 = arith.constant 128 : i32
        %mul3A_195 = arith.muli %add3A_188, %mul3A_194 : i32
        %mul3A_196 = arith.constant 128 : i32
        %mul3A_197 = arith.muli %add3A_188, %mul3A_196 : i32
        %add3A_198 = arith.addi %mul3A_0, %mul3A_197 : i32
        "tpu.region"() ({
          %run_scoped3A = tpu.sem_alloc : memref<!tpu.dma_semaphore, #tpu.memory_space<semaphore_mem>>
          %dma_start3A_199 = arith.constant 0 : i32
          %dma_start3A_200 = tpu.memref_slice %arg4[%add3A_198, %dma_start3A_199] : memref<10000x128xf32, #tpu.memory_space<hbm>> -> memref<128x128xf32, #tpu.memory_space<hbm>>
          %dma_start3A_201 = arith.constant 0 : i32
          %dma_start3A_202 = tpu.memref_slice %arg7[%mul3A_195, %dma_start3A_201] : memref<5016x128xf32, #tpu.memory_space<vmem_shared>> -> memref<128x128xf32, #tpu.memory_space<vmem_shared>>
          tpu.enqueue_dma source(%dma_start3A_202 : memref<128x128xf32, #tpu.memory_space<vmem_shared>>) target(%dma_start3A_200 : memref<128x128xf32, #tpu.memory_space<hbm>>) target_semaphore(%run_scoped3A : memref<!tpu.dma_semaphore, #tpu.memory_space<semaphore_mem>>)
          %dma_wait3A_203 = arith.constant 0 : i32
          %dma_wait3A_204 = tpu.memref_slice %arg4[%add3A_198, %dma_wait3A_203] : memref<10000x128xf32, #tpu.memory_space<hbm>> -> memref<128x128xf32, #tpu.memory_space<hbm>>
          %dma_wait3A_205 = arith.constant 0 : i32
          %dma_wait3A_206 = tpu.memref_slice %arg7[%mul3A_195, %dma_wait3A_205] : memref<5016x128xf32, #tpu.memory_space<vmem_shared>> -> memref<128x128xf32, #tpu.memory_space<vmem_shared>>
          tpu.wait_dma2 semaphore(%run_scoped3A : memref<!tpu.dma_semaphore, #tpu.memory_space<semaphore_mem>>) src(%dma_wait3A_206 : memref<128x128xf32, #tpu.memory_space<vmem_shared>>) dst(%dma_wait3A_204 : memref<128x128xf32, #tpu.memory_space<hbm>>)
          tpu.yield
        }) : () -> ()
      } else {
      }
    }
    %scan3A_179 = arith.constant 3 : i32
    %eq3A_180 = arith.constant 0 : i32
    %eq3A_181 = arith.cmpi eq, %arg1, %eq3A_180 : i32
    %convert_element_type3A_182 = arith.extui %eq3A_181 : i1 to i32
    %cond3A_183 = arith.constant 0 : i32
    %cond3A_184 = arith.cmpi ne, %convert_element_type3A_182, %cond3A_183 : i32
    scf.if %cond3A_184 {
      %add3A_185 = arith.constant 4992 : i32
      %add3A_186 = arith.addi %mul3A_0, %add3A_185 : i32
      "tpu.region"() ({
        %run_scoped3A = tpu.sem_alloc : memref<!tpu.dma_semaphore, #tpu.memory_space<semaphore_mem>>
        %dma_start3A_187 = arith.constant 0 : i32
        %dma_start3A_188 = tpu.memref_slice %arg4[%add3A_186, %dma_start3A_187] : memref<10000x128xf32, #tpu.memory_space<hbm>> -> memref<8x128xf32, #tpu.memory_space<hbm>>
        %dma_start3A_189 = arith.constant 4992 : i32
        %dma_start3A_190 = arith.constant 0 : i32
        %dma_start3A_191 = tpu.memref_slice %arg7[%dma_start3A_189, %dma_start3A_190] : memref<5016x128xf32, #tpu.memory_space<vmem_shared>> -> memref<8x128xf32, #tpu.memory_space<vmem_shared>>
        tpu.enqueue_dma source(%dma_start3A_191 : memref<8x128xf32, #tpu.memory_space<vmem_shared>>) target(%dma_start3A_188 : memref<8x128xf32, #tpu.memory_space<hbm>>) target_semaphore(%run_scoped3A : memref<!tpu.dma_semaphore, #tpu.memory_space<semaphore_mem>>)
        %dma_wait3A_192 = arith.constant 0 : i32
        %dma_wait3A_193 = tpu.memref_slice %arg4[%add3A_186, %dma_wait3A_192] : memref<10000x128xf32, #tpu.memory_space<hbm>> -> memref<8x128xf32, #tpu.memory_space<hbm>>
        %dma_wait3A_194 = arith.constant 4992 : i32
        %dma_wait3A_195 = arith.constant 0 : i32
        %dma_wait3A_196 = tpu.memref_slice %arg7[%dma_wait3A_194, %dma_wait3A_195] : memref<5016x128xf32, #tpu.memory_space<vmem_shared>> -> memref<8x128xf32, #tpu.memory_space<vmem_shared>>
        tpu.wait_dma2 semaphore(%run_scoped3A : memref<!tpu.dma_semaphore, #tpu.memory_space<semaphore_mem>>) src(%dma_wait3A_196 : memref<8x128xf32, #tpu.memory_space<vmem_shared>>) dst(%dma_wait3A_193 : memref<8x128xf32, #tpu.memory_space<hbm>>)
        tpu.yield
      }) : () -> ()
    } else {
    }
    return
  }
}

module attributes {stable_mosaic.version = 14 : i64} {
  func.func @body(%arg0: i32, %arg1: memref<6400x128xf32, #tpu.memory_space<vmem>>, %arg2: memref<4x6400xf32, #tpu.memory_space<vmem>>, %arg3: memref<4x128xf32, #tpu.memory_space<vmem>>, %arg4: memref<128x128xf32, #tpu.memory_space<vmem>>, %arg5: memref<1x128xf32, #tpu.memory_space<vmem>>, %arg6: memref<128x128xf32, #tpu.memory_space<vmem>>, %arg7: memref<1x128xf32, #tpu.memory_space<vmem>>, %arg8: memref<6400x128xf32, #tpu.memory_space<vmem>>) attributes {dimension_semantics = [#tpu.dimension_semantics<arbitrary>], iteration_bounds = array<i64: 25>, scalar_prefetch = 0 : i64, scratch_operands = 0 : i64, tpu.core_type = #tpu.core_type<tc>, window_params = [{transform_indices = @transform_0, window_bounds = array<i64: 6400, 128>}, {transform_indices = @transform_1, window_bounds = array<i64: 4, 6400>}, {pipeline_mode = #tpu.pipeline_mode<synchronous>, transform_indices = @transform_2, window_bounds = array<i64: 4, 128>}, {pipeline_mode = #tpu.pipeline_mode<synchronous>, transform_indices = @transform_3, window_bounds = array<i64: 128, 128>}, {pipeline_mode = #tpu.pipeline_mode<synchronous>, transform_indices = @transform_4, window_bounds = array<i64: 1, 128>}, {pipeline_mode = #tpu.pipeline_mode<synchronous>, transform_indices = @transform_5, window_bounds = array<i64: 128, 128>}, {pipeline_mode = #tpu.pipeline_mode<synchronous>, transform_indices = @transform_6, window_bounds = array<i64: 1, 128>}, {transform_indices = @transform_7, window_bounds = array<i64: 6400, 128>}]} {
    %get3A = arith.constant 0 : index
    %get3A_0 = arith.constant 0 : index
    %get3A_1 = vector.load %arg2[%get3A, %get3A_0] : memref<4x6400xf32, #tpu.memory_space<vmem>>, vector<4x6400xf32>
    %get3A_2 = arith.constant 0 : index
    %get3A_3 = arith.constant 0 : index
    %get3A_4 = vector.load %arg3[%get3A_2, %get3A_3] : memref<4x128xf32, #tpu.memory_space<vmem>>, vector<4x128xf32>
    %dot_general3A = arith.constant dense<0.000000e+00> : vector<6400x128xf32>
    %dot_general3A_5 = tpu.matmul %get3A_1, %get3A_4, %dot_general3A {dimension_numbers = #tpu.dot_dimension_numbers<[0], [0], [1], [1], [0, 1, 1, 1], [], []>, transpose_lhs_hint = false} : vector<4x6400xf32>, vector<4x128xf32>, vector<6400x128xf32> -> vector<6400x128xf32>
    %get3A_6 = arith.constant 0 : index
    %get3A_7 = arith.constant 0 : index
    %get3A_8 = vector.load %arg1[%get3A_6, %get3A_7] : memref<6400x128xf32, #tpu.memory_space<vmem>>, vector<6400x128xf32>
    %convert_element_type3A = arith.truncf %get3A_8 : vector<6400x128xf32> to vector<6400x128xbf16>
    %get3A_9 = arith.constant 0 : index
    %get3A_10 = arith.constant 0 : index
    %get3A_11 = vector.load %arg4[%get3A_9, %get3A_10] : memref<128x128xf32, #tpu.memory_space<vmem>>, vector<128x128xf32>
    %convert_element_type3A_12 = arith.truncf %get3A_11 : vector<128x128xf32> to vector<128x128xbf16>
    %dot_general3A_13 = arith.constant dense<0.000000e+00> : vector<6400x128xf32>
    %dot_general3A_14 = tpu.matmul %convert_element_type3A, %convert_element_type3A_12, %dot_general3A_13 {dimension_numbers = #tpu.dot_dimension_numbers<[1], [0], [0], [1], [0, 0, 1, 1], [], []>, transpose_lhs_hint = false} : vector<6400x128xbf16>, vector<128x128xbf16>, vector<6400x128xf32> -> vector<6400x128xf32>
    %add3A = arith.addf %dot_general3A_5, %dot_general3A_14 : vector<6400x128xf32>
    %get3A_15 = arith.constant 0 : index
    %get3A_16 = arith.constant 0 : index
    %get3A_17 = vector.load %arg5[%get3A_15, %get3A_16] : memref<1x128xf32, #tpu.memory_space<vmem>>, vector<1x128xf32>
    %add3A_18 = vector.broadcast %get3A_17 : vector<1x128xf32> to vector<6400x128xf32>
    %add3A_19 = arith.addf %add3A, %add3A_18 : vector<6400x128xf32>
    %max3A = arith.constant 0.000000e+00 : f32
    %max3A_20 = vector.broadcast %max3A : f32 to vector<6400x128xf32>
    %max3A_21 = arith.maximumf %add3A_19, %max3A_20 : vector<6400x128xf32>
    %convert_element_type3A_22 = arith.truncf %max3A_21 : vector<6400x128xf32> to vector<6400x128xbf16>
    %get3A_23 = arith.constant 0 : index
    %get3A_24 = arith.constant 0 : index
    %get3A_25 = vector.load %arg6[%get3A_23, %get3A_24] : memref<128x128xf32, #tpu.memory_space<vmem>>, vector<128x128xf32>
    %convert_element_type3A_26 = arith.truncf %get3A_25 : vector<128x128xf32> to vector<128x128xbf16>
    %dot_general3A_27 = arith.constant dense<0.000000e+00> : vector<6400x128xf32>
    %dot_general3A_28 = tpu.matmul %convert_element_type3A_22, %convert_element_type3A_26, %dot_general3A_27 {dimension_numbers = #tpu.dot_dimension_numbers<[1], [0], [0], [1], [0, 0, 1, 1], [], []>, transpose_lhs_hint = false} : vector<6400x128xbf16>, vector<128x128xbf16>, vector<6400x128xf32> -> vector<6400x128xf32>
    %get3A_29 = arith.constant 0 : index
    %get3A_30 = arith.constant 0 : index
    %get3A_31 = vector.load %arg7[%get3A_29, %get3A_30] : memref<1x128xf32, #tpu.memory_space<vmem>>, vector<1x128xf32>
    %add3A_32 = vector.broadcast %get3A_31 : vector<1x128xf32> to vector<6400x128xf32>
    %add3A_33 = arith.addf %dot_general3A_28, %add3A_32 : vector<6400x128xf32>
    %swap3A = arith.constant 0 : index
    %swap3A_34 = arith.constant 0 : index
    %swap3A_35 = vector.load %arg8[%swap3A, %swap3A_34] : memref<6400x128xf32, #tpu.memory_space<vmem>>, vector<6400x128xf32>
    tpu.vector_store %arg8[%swap3A, %swap3A_34], %add3A_33 {strides = array<i32>} : memref<6400x128xf32, #tpu.memory_space<vmem>>, vector<6400x128xf32>,
    return
  }
  func.func @transform_0(%arg0: i32) -> (i32, i32) {
    %add3A = arith.constant 25 : i32
    %add3A_0 = arith.addi %arg0, %add3A : i32
    %c0_i32 = arith.constant 0 : i32
    %c0_i32_1 = arith.constant 0 : i32
    return %add3A_0, %c0_i32 : i32, i32
  }
  func.func @transform_1(%arg0: i32) -> (i32, i32) {
    %add3A = arith.constant 25 : i32
    %add3A_0 = arith.addi %arg0, %add3A : i32
    %c0_i32 = arith.constant 0 : i32
    %c0_i32_1 = arith.constant 0 : i32
    return %c0_i32, %add3A_0 : i32, i32
  }
  func.func @transform_2(%arg0: i32) -> (i32, i32) {
    %c0_i32 = arith.constant 0 : i32
    %c0_i32_0 = arith.constant 0 : i32
    %c0_i32_1 = arith.constant 0 : i32
    return %c0_i32, %c0_i32_0 : i32, i32
  }
  func.func @transform_3(%arg0: i32) -> (i32, i32) {
    %c0_i32 = arith.constant 0 : i32
    %c0_i32_0 = arith.constant 0 : i32
    %c0_i32_1 = arith.constant 0 : i32
    return %c0_i32, %c0_i32_0 : i32, i32
  }
  func.func @transform_4(%arg0: i32) -> (i32, i32) {
    %c0_i32 = arith.constant 0 : i32
    %c0_i32_0 = arith.constant 0 : i32
    %c0_i32_1 = arith.constant 0 : i32
    return %c0_i32, %c0_i32_0 : i32, i32
  }
  func.func @transform_5(%arg0: i32) -> (i32, i32) {
    %c0_i32 = arith.constant 0 : i32
    %c0_i32_0 = arith.constant 0 : i32
    %c0_i32_1 = arith.constant 0 : i32
    return %c0_i32, %c0_i32_0 : i32, i32
  }
  func.func @transform_6(%arg0: i32) -> (i32, i32) {
    %c0_i32 = arith.constant 0 : i32
    %c0_i32_0 = arith.constant 0 : i32
    %c0_i32_1 = arith.constant 0 : i32
    return %c0_i32, %c0_i32_0 : i32, i32
  }
  func.func @transform_7(%arg0: i32) -> (i32, i32) {
    %c0_i32 = arith.constant 0 : i32
    %c0_i32_0 = arith.constant 0 : i32
    return %arg0, %c0_i32 : i32, i32
  }
}

module attributes {stable_mosaic.version = 14 : i64} {
  func.func @body(%arg0: i32, %arg1: memref<6400x128xf32, #tpu.memory_space<vmem>>, %arg2: memref<4x6400xf32, #tpu.memory_space<vmem>>, %arg3: memref<4x128xf32, #tpu.memory_space<vmem>>, %arg4: memref<128x128xf32, #tpu.memory_space<vmem>>, %arg5: memref<1x128xf32, #tpu.memory_space<vmem>>, %arg6: memref<128x128xf32, #tpu.memory_space<vmem>>, %arg7: memref<1x128xf32, #tpu.memory_space<vmem>>, %arg8: memref<6400x128xf32, #tpu.memory_space<vmem>>) attributes {dimension_semantics = [#tpu.dimension_semantics<arbitrary>], iteration_bounds = array<i64: 25>, scalar_prefetch = 0 : i64, scratch_operands = 0 : i64, tpu.core_type = #tpu.core_type<tc>, window_params = [{transform_indices = @transform_0, window_bounds = array<i64: 6400, 128>}, {transform_indices = @transform_1, window_bounds = array<i64: 4, 6400>}, {pipeline_mode = #tpu.pipeline_mode<synchronous>, transform_indices = @transform_2, window_bounds = array<i64: 4, 128>}, {pipeline_mode = #tpu.pipeline_mode<synchronous>, transform_indices = @transform_3, window_bounds = array<i64: 128, 128>}, {pipeline_mode = #tpu.pipeline_mode<synchronous>, transform_indices = @transform_4, window_bounds = array<i64: 1, 128>}, {pipeline_mode = #tpu.pipeline_mode<synchronous>, transform_indices = @transform_5, window_bounds = array<i64: 128, 128>}, {pipeline_mode = #tpu.pipeline_mode<synchronous>, transform_indices = @transform_6, window_bounds = array<i64: 1, 128>}, {transform_indices = @transform_7, window_bounds = array<i64: 6400, 128>}]} {
    %get3A = arith.constant 0 : index
    %get3A_0 = arith.constant 0 : index
    %get3A_1 = vector.load %arg2[%get3A, %get3A_0] : memref<4x6400xf32, #tpu.memory_space<vmem>>, vector<4x6400xf32>
    %get3A_2 = arith.constant 0 : index
    %get3A_3 = arith.constant 0 : index
    %get3A_4 = vector.load %arg3[%get3A_2, %get3A_3] : memref<4x128xf32, #tpu.memory_space<vmem>>, vector<4x128xf32>
    %dot_general3A = arith.constant dense<0.000000e+00> : vector<6400x128xf32>
    %dot_general3A_5 = tpu.matmul %get3A_1, %get3A_4, %dot_general3A {dimension_numbers = #tpu.dot_dimension_numbers<[0], [0], [1], [1], [0, 1, 1, 1], [], []>, transpose_lhs_hint = false} : vector<4x6400xf32>, vector<4x128xf32>, vector<6400x128xf32> -> vector<6400x128xf32>
    %get3A_6 = arith.constant 0 : index
    %get3A_7 = arith.constant 0 : index
    %get3A_8 = vector.load %arg1[%get3A_6, %get3A_7] : memref<6400x128xf32, #tpu.memory_space<vmem>>, vector<6400x128xf32>
    %convert_element_type3A = arith.truncf %get3A_8 : vector<6400x128xf32> to vector<6400x128xbf16>
    %get3A_9 = arith.constant 0 : index
    %get3A_10 = arith.constant 0 : index
    %get3A_11 = vector.load %arg4[%get3A_9, %get3A_10] : memref<128x128xf32, #tpu.memory_space<vmem>>, vector<128x128xf32>
    %convert_element_type3A_12 = arith.truncf %get3A_11 : vector<128x128xf32> to vector<128x128xbf16>
    %dot_general3A_13 = arith.constant dense<0.000000e+00> : vector<6400x128xf32>
    %dot_general3A_14 = tpu.matmul %convert_element_type3A, %convert_element_type3A_12, %dot_general3A_13 {dimension_numbers = #tpu.dot_dimension_numbers<[1], [0], [0], [1], [0, 0, 1, 1], [], []>, transpose_lhs_hint = false} : vector<6400x128xbf16>, vector<128x128xbf16>, vector<6400x128xf32> -> vector<6400x128xf32>
    %add3A = arith.addf %dot_general3A_5, %dot_general3A_14 : vector<6400x128xf32>
    %get3A_15 = arith.constant 0 : index
    %get3A_16 = arith.constant 0 : index
    %get3A_17 = vector.load %arg5[%get3A_15, %get3A_16] : memref<1x128xf32, #tpu.memory_space<vmem>>, vector<1x128xf32>
    %add3A_18 = vector.broadcast %get3A_17 : vector<1x128xf32> to vector<6400x128xf32>
    %add3A_19 = arith.addf %add3A, %add3A_18 : vector<6400x128xf32>
    %max3A = arith.constant 0.000000e+00 : f32
    %max3A_20 = vector.broadcast %max3A : f32 to vector<6400x128xf32>
    %max3A_21 = arith.maximumf %add3A_19, %max3A_20 : vector<6400x128xf32>
    %convert_element_type3A_22 = arith.truncf %max3A_21 : vector<6400x128xf32> to vector<6400x128xbf16>
    %get3A_23 = arith.constant 0 : index
    %get3A_24 = arith.constant 0 : index
    %get3A_25 = vector.load %arg6[%get3A_23, %get3A_24] : memref<128x128xf32, #tpu.memory_space<vmem>>, vector<128x128xf32>
    %convert_element_type3A_26 = arith.truncf %get3A_25 : vector<128x128xf32> to vector<128x128xbf16>
    %dot_general3A_27 = arith.constant dense<0.000000e+00> : vector<6400x128xf32>
    %dot_general3A_28 = tpu.matmul %convert_element_type3A_22, %convert_element_type3A_26, %dot_general3A_27 {dimension_numbers = #tpu.dot_dimension_numbers<[1], [0], [0], [1], [0, 0, 1, 1], [], []>, transpose_lhs_hint = false} : vector<6400x128xbf16>, vector<128x128xbf16>, vector<6400x128xf32> -> vector<6400x128xf32>
    %get3A_29 = arith.constant 0 : index
    %get3A_30 = arith.constant 0 : index
    %get3A_31 = vector.load %arg7[%get3A_29, %get3A_30] : memref<1x128xf32, #tpu.memory_space<vmem>>, vector<1x128xf32>
    %add3A_32 = vector.broadcast %get3A_31 : vector<1x128xf32> to vector<6400x128xf32>
    %add3A_33 = arith.addf %dot_general3A_28, %add3A_32 : vector<6400x128xf32>
    %swap3A = arith.constant 0 : index
    %swap3A_34 = arith.constant 0 : index
    %swap3A_35 = vector.load %arg8[%swap3A, %swap3A_34] : memref<6400x128xf32, #tpu.memory_space<vmem>>, vector<6400x128xf32>
    tpu.vector_store %arg8[%swap3A, %swap3A_34], %add3A_33 {strides = array<i32>} : memref<6400x128xf32, #tpu.memory_space<vmem>>, vector<6400x128xf32>,
    return
  }
  func.func @transform_0(%arg0: i32) -> (i32, i32) {
    %add3A = arith.constant 0 : i32
    %add3A_0 = arith.addi %arg0, %add3A : i32
    %c0_i32 = arith.constant 0 : i32
    %c0_i32_1 = arith.constant 0 : i32
    return %add3A_0, %c0_i32 : i32, i32
  }
  func.func @transform_1(%arg0: i32) -> (i32, i32) {
    %add3A = arith.constant 0 : i32
    %add3A_0 = arith.addi %arg0, %add3A : i32
    %c0_i32 = arith.constant 0 : i32
    %c0_i32_1 = arith.constant 0 : i32
    return %c0_i32, %add3A_0 : i32, i32
  }
  func.func @transform_2(%arg0: i32) -> (i32, i32) {
    %c0_i32 = arith.constant 0 : i32
    %c0_i32_0 = arith.constant 0 : i32
    %c0_i32_1 = arith.constant 0 : i32
    return %c0_i32, %c0_i32_0 : i32, i32
  }
  func.func @transform_3(%arg0: i32) -> (i32, i32) {
    %c0_i32 = arith.constant 0 : i32
    %c0_i32_0 = arith.constant 0 : i32
    %c0_i32_1 = arith.constant 0 : i32
    return %c0_i32, %c0_i32_0 : i32, i32
  }
  func.func @transform_4(%arg0: i32) -> (i32, i32) {
    %c0_i32 = arith.constant 0 : i32
    %c0_i32_0 = arith.constant 0 : i32
    %c0_i32_1 = arith.constant 0 : i32
    return %c0_i32, %c0_i32_0 : i32, i32
  }
  func.func @transform_5(%arg0: i32) -> (i32, i32) {
    %c0_i32 = arith.constant 0 : i32
    %c0_i32_0 = arith.constant 0 : i32
    %c0_i32_1 = arith.constant 0 : i32
    return %c0_i32, %c0_i32_0 : i32, i32
  }
  func.func @transform_6(%arg0: i32) -> (i32, i32) {
    %c0_i32 = arith.constant 0 : i32
    %c0_i32_0 = arith.constant 0 : i32
    %c0_i32_1 = arith.constant 0 : i32
    return %c0_i32, %c0_i32_0 : i32, i32
  }
  func.func @transform_7(%arg0: i32) -> (i32, i32) {
    %c0_i32 = arith.constant 0 : i32
    %c0_i32_0 = arith.constant 0 : i32
    return %arg0, %c0_i32 : i32, i32
  }
}

module attributes {stable_mosaic.version = 14 : i64} {
  func.func @body(%arg0: i32, %arg1: memref<2000x128xf32, #tpu.memory_space<vmem>>, %arg2: memref<2000x128xf32, #tpu.memory_space<vmem>>, %arg3: memref<128x128xf32, #tpu.memory_space<vmem>>, %arg4: memref<1x128xf32, #tpu.memory_space<vmem>>, %arg5: memref<128x128xf32, #tpu.memory_space<vmem>>, %arg6: memref<1x128xf32, #tpu.memory_space<vmem>>, %arg7: memref<2000x128xf32, #tpu.memory_space<vmem>>) attributes {dimension_semantics = [#tpu.dimension_semantics<arbitrary>], iteration_bounds = array<i64: 5>, scalar_prefetch = 0 : i64, scratch_operands = 0 : i64, tpu.core_type = #tpu.core_type<tc>, window_params = [{transform_indices = @transform_0, window_bounds = array<i64: 2000, 128>}, {transform_indices = @transform_1, window_bounds = array<i64: 2000, 128>}, {pipeline_mode = #tpu.pipeline_mode<synchronous>, transform_indices = @transform_2, window_bounds = array<i64: 128, 128>}, {pipeline_mode = #tpu.pipeline_mode<synchronous>, transform_indices = @transform_3, window_bounds = array<i64: 1, 128>}, {pipeline_mode = #tpu.pipeline_mode<synchronous>, transform_indices = @transform_4, window_bounds = array<i64: 128, 128>}, {pipeline_mode = #tpu.pipeline_mode<synchronous>, transform_indices = @transform_5, window_bounds = array<i64: 1, 128>}, {transform_indices = @transform_6, window_bounds = array<i64: 2000, 128>}]} {
    %get3A = arith.constant 0 : index
    %get3A_0 = arith.constant 0 : index
    %get3A_1 = vector.load %arg1[%get3A, %get3A_0] : memref<2000x128xf32, #tpu.memory_space<vmem>>, vector<2000x128xf32>
    %get3A_2 = arith.constant 0 : index
    %get3A_3 = arith.constant 0 : index
    %get3A_4 = vector.load %arg2[%get3A_2, %get3A_3] : memref<2000x128xf32, #tpu.memory_space<vmem>>, vector<2000x128xf32>
    %add3A = arith.addf %get3A_1, %get3A_4 : vector<2000x128xf32>
    %get3A_5 = arith.constant 0 : index
    %get3A_6 = arith.constant 0 : index
    %get3A_7 = vector.load %arg3[%get3A_5, %get3A_6] : memref<128x128xf32, #tpu.memory_space<vmem>>, vector<128x128xf32>
    %dot_general3A = arith.constant dense<0.000000e+00> : vector<2000x128xf32>
    %dot_general3A_8 = tpu.matmul %add3A, %get3A_7, %dot_general3A {dimension_numbers = #tpu.dot_dimension_numbers<[1], [0], [0], [1], [0, 0, 1, 1], [], []>, transpose_lhs_hint = false} : vector<2000x128xf32>, vector<128x128xf32>, vector<2000x128xf32> -> vector<2000x128xf32>
    %get3A_9 = arith.constant 0 : index
    %get3A_10 = arith.constant 0 : index
    %get3A_11 = vector.load %arg4[%get3A_9, %get3A_10] : memref<1x128xf32, #tpu.memory_space<vmem>>, vector<1x128xf32>
    %add3A_12 = vector.broadcast %get3A_11 : vector<1x128xf32> to vector<2000x128xf32>
    %add3A_13 = arith.addf %dot_general3A_8, %add3A_12 : vector<2000x128xf32>
    %max3A = arith.constant 0.000000e+00 : f32
    %max3A_14 = vector.broadcast %max3A : f32 to vector<2000x128xf32>
    %max3A_15 = arith.maximumf %add3A_13, %max3A_14 : vector<2000x128xf32>
    %get3A_16 = arith.constant 0 : index
    %get3A_17 = arith.constant 0 : index
    %get3A_18 = vector.load %arg5[%get3A_16, %get3A_17] : memref<128x128xf32, #tpu.memory_space<vmem>>, vector<128x128xf32>
    %dot_general3A_19 = arith.constant dense<0.000000e+00> : vector<2000x128xf32>
    %dot_general3A_20 = tpu.matmul %max3A_15, %get3A_18, %dot_general3A_19 {dimension_numbers = #tpu.dot_dimension_numbers<[1], [0], [0], [1], [0, 0, 1, 1], [], []>, transpose_lhs_hint = false} : vector<2000x128xf32>, vector<128x128xf32>, vector<2000x128xf32> -> vector<2000x128xf32>
    %get3A_21 = arith.constant 0 : index
    %get3A_22 = arith.constant 0 : index
    %get3A_23 = vector.load %arg6[%get3A_21, %get3A_22] : memref<1x128xf32, #tpu.memory_space<vmem>>, vector<1x128xf32>
    %add3A_24 = vector.broadcast %get3A_23 : vector<1x128xf32> to vector<2000x128xf32>
    %add3A_25 = arith.addf %dot_general3A_20, %add3A_24 : vector<2000x128xf32>
    %swap3A = arith.constant 0 : index
    %swap3A_26 = arith.constant 0 : index
    %swap3A_27 = vector.load %arg7[%swap3A, %swap3A_26] : memref<2000x128xf32, #tpu.memory_space<vmem>>, vector<2000x128xf32>
    tpu.vector_store %arg7[%swap3A, %swap3A_26], %add3A_25 {strides = array<i32>} : memref<2000x128xf32, #tpu.memory_space<vmem>>, vector<2000x128xf32>,
    return
  }
  func.func @transform_0(%arg0: i32) -> (i32, i32) {
    %c0_i32 = arith.constant 0 : i32
    %c0_i32_0 = arith.constant 0 : i32
    return %arg0, %c0_i32 : i32, i32
  }
  func.func @transform_1(%arg0: i32) -> (i32, i32) {
    %c0_i32 = arith.constant 0 : i32
    %c0_i32_0 = arith.constant 0 : i32
    return %arg0, %c0_i32 : i32, i32
  }
  func.func @transform_2(%arg0: i32) -> (i32, i32) {
    %c0_i32 = arith.constant 0 : i32
    %c0_i32_0 = arith.constant 0 : i32
    %c0_i32_1 = arith.constant 0 : i32
    return %c0_i32, %c0_i32_0 : i32, i32
  }
  func.func @transform_3(%arg0: i32) -> (i32, i32) {
    %c0_i32 = arith.constant 0 : i32
    %c0_i32_0 = arith.constant 0 : i32
    %c0_i32_1 = arith.constant 0 : i32
    return %c0_i32, %c0_i32_0 : i32, i32
  }
  func.func @transform_4(%arg0: i32) -> (i32, i32) {
    %c0_i32 = arith.constant 0 : i32
    %c0_i32_0 = arith.constant 0 : i32
    %c0_i32_1 = arith.constant 0 : i32
    return %c0_i32, %c0_i32_0 : i32, i32
  }
  func.func @transform_5(%arg0: i32) -> (i32, i32) {
    %c0_i32 = arith.constant 0 : i32
    %c0_i32_0 = arith.constant 0 : i32
    %c0_i32_1 = arith.constant 0 : i32
    return %c0_i32, %c0_i32_0 : i32, i32
  }
  func.func @transform_6(%arg0: i32) -> (i32, i32) {
    %c0_i32 = arith.constant 0 : i32
    %c0_i32_0 = arith.constant 0 : i32
    return %arg0, %c0_i32 : i32, i32
  }
}

</mosaic_0001>

<sc_bundles>
// kernel: kernel.10.cloned.1.call-start
scs
__scs_entry_jumppad:
0x0: {  	(pc) =	sbr.rel $0x88, $3  }
0x1: {  	(tag) =	ssettag $0x0;
	lr =	simm.s32 $0x1  }
0x2: {  	[smem:$0x3F96] =	sst lr;
	_ =	strace $0xD0000000  }
0x3: {  	_ = 	snop  }
0x4: {  	_ = 	snop  }
0x5: {  	_ = 	snop  }
0x6: {  	_ = 	snop  }
0x7: {  	_ = 	snop  }
__scs_overlays_trampoline_lowered:
0x8: {  	[smem:$0x3FA5] =	sst s0  }
0x9: {  	[smem:$0x3FA6] =	sst s1  }
0xa: {  	[smem:$0x3FA7] =	sst s2  }
0xb: {  	[smem:$0x3FA8] =	sst s3  }
0xc: {  	[smem:$0x3FA9] =	sst s4  }
0xd: {  	[smem:$0x3FAA] =	sst s5  }
0xe: {  	[smem:$0x3FAB] =	sst s6  }
0xf: {  	[smem:$0x3FAC] =	sst s7  }
0x10: {  	[smem:$0x3FAD] =	sst s8  }
0x11: {  	[smem:$0x3FAE] =	sst s9;
	s0 =	simm.s32 @!p0 $0x0  }
0x12: {  	s1 =	sld [smem:$0x3F94];
	s0 =	simm.s32 @p0 $0x1  }
0x13: {  	[smem:$0x3FAF] =	sst s0;
	s0 =	simm.s32 @!p1 $0x0  }
0x14: {  	s2 =	sld [smem:$0x3F93];
	s0 =	simm.s32 @p1 $0x1  }
0x15: {  	[smem:$0x3FB0] =	sst s0;
	s0 =	simm.s32 @!p2 $0x0  }
0x16: {  	s3 =	sld [smem:$0x3FDB];
	s0 =	simm.s32 @p2 $0x1  }
0x17: {  	s4 =	simm.s32 $0x1BF5;
	[smem:$0x3FB2] =	sst s0  }
0x18: {  	s0 =	sld [smem:$0x3F95];
	_ =	swait.ge [sflag:s4], $0x0  }
0x19: {  	s7 =	sld [smem:$0x3F96]  }
0x1a: {  	s8 =	sadd.s32 $0xFFFFE003, lr  }
0x1b: {  	s9 =	sadd.s32 $0xFFFFFEF7, lr;
	s5 =	simm.s32 $0xFFFFFFFF;
	p2 =	slt.u32 s8, $0xFFFFF086  }
0x1c: {  	p1 =	slt.u32 s9, $0xF7A;
	s5 =	simm.s32 @!p2 $0x0  }
0x1d: {  	s5 =	simm.s32 @p1 $0x1;
	p0 =	seq.s32 s7, s2  }
0x1e: {  	s7 =	smul.u32 @!p0 $0xF7A, s2;
	p2 =	seq.s32 @!p0 s5, $0x0  }
0x1f: {  	s9 =	smul.u32 $0xF7A, s1;
	s8 =	simm.s32 @!p0 $0x1BF5;
	p2 =	por !p2, p0  }
0x20: {  	[sflag:s8] =	ssyncset.s32 @!p0 $0xFFFFF086;
	s6 =	sadd.s32 @!p0 s3, s7;
	s7 =	simm.s32 @!p0 $0x108  }
0x21: {  	s3 =	sadd.s32 s3, s9;
	s6 =	sadd.s32 @!p0 $0x88, s6;
	s7 =	simm.s32 @p2 $0x1082  }
0x22: {  	[simem:s7], [sflag:s8] =	dma.local @!p0 [hbm:s6], $0xF7A  }
0x23: {  	s9 =	sor.u32 $0xD0000000, s2;
	s6 =	simm.s32 $0x108;
	_ =	swait.ge @!p0 [sflag:s8], $0x0  }
0x24: {  	s3 =	sadd.s32 $0x88, s3;
	s6 =	simm.s32 @!p1 $0x1082;
	[sflag:s4] =	ssyncset.s32 $0xFFFFF086  }
0x25: {  	[simem:s6], [sflag:s4] =	dma.local [hbm:s3], $0xF7A  }
0x26: {  	[smem:$0x3F96] =	sst s1;
	(tag) =	ssettag s2;
	_ =	strace s9  }
0x27: {  	s1 =	sld [smem:$0x3FA6]  }
0x28: {  	s2 =	sld [smem:$0x3FA7]  }
0x29: {  	s4 =	sld [smem:$0x3FA9]  }
0x2a: {  	p0 =	seq.s32 s5, $0x0;
	s5 =	sld [smem:$0x3FAA]  }
0x2b: {  	s6 =	sld [smem:$0x3FAB]  }
0x2c: {  	s7 =	sld [smem:$0x3FAC]  }
0x2d: {  	s3 =	simm.s32 $0x108;
	s8 =	sld [smem:$0x3FAD]  }
0x2e: {  	s3 =	simm.s32 @!p0 $0x1082;
	s9 =	sld [smem:$0x3FAE]  }
0x2f: {  	lr =	sadd.s32 s0, s3;
	s0 =	sld [smem:$0x3FA5]  }
0x30: {  	s3 =	sld [smem:$0x3FA8]  }
0x31: {  	[smem:$0x3FB1] =	sst s10  }
0x32: {  	s10 =	sld [smem:$0x3FAF];
	_ =	sdelay $0x3  }
0x33: {  	p0 =	seq.s32 s10, $0x1;
	s10 =	sld [smem:$0x3FB1];
	_ =	sdelay $0x3  }
0x34: {  	[smem:$0x3FB1] =	sst s10  }
0x35: {  	s10 =	sld [smem:$0x3FB0];
	_ =	sdelay $0x3  }
0x36: {  	p1 =	seq.s32 s10, $0x1;
	s10 =	sld [smem:$0x3FB1];
	_ =	sdelay $0x3  }
0x37: {  	[smem:$0x3FB1] =	sst s10  }
0x38: {  	s10 =	sld [smem:$0x3FB2]  }
0x39: {  	_ = 	snop;
	(pc) =	sbr.ind lr, $3  }
0x3a: {  	_ = 	snop  }
0x3b: {  	_ = 	snop  }
0x3c: {  	p2 =	seq.s32 s10, $0x1;
	s10 =	sld [smem:$0x3FB1]  }
0x3d: {  	_ =	shalt  }
0x3e: {  	_ =	shalt  }
0x3f: {  	_ =	shalt  }
0x40: {  	_ =	shalt  }
0x41: {  	_ =	shalt  }
0x42: {  	_ =	shalt  }
0x43: {  	_ =	shalt  }
0x44: {  	_ =	shalt  }
0x45: {  	_ =	shalt  }
0x46: {  	_ =	shalt  }
0x47: {  	_ =	shalt  }
0x48: {  	_ =	shalt  }
0x49: {  	_ =	shalt  }
0x4a: {  	_ =	shalt  }
0x4b: {  	_ =	shalt  }
0x4c: {  	_ =	shalt  }
0x4d: {  	_ =	shalt  }
0x4e: {  	_ =	shalt  }
0x4f: {  	_ =	shalt  }
0x50: {  	_ =	shalt  }
0x51: {  	_ =	shalt  }
0x52: {  	_ =	shalt  }
0x53: {  	_ =	shalt  }
0x54: {  	_ =	shalt  }
0x55: {  	_ =	shalt  }
0x56: {  	_ =	shalt  }
0x57: {  	_ =	shalt  }
0x58: {  	_ =	shalt  }
0x59: {  	_ =	shalt  }
0x5a: {  	_ =	shalt  }
0x5b: {  	_ =	shalt  }
0x5c: {  	_ =	shalt  }
0x5d: {  	_ =	shalt  }
0x5e: {  	_ =	shalt  }
0x5f: {  	_ =	shalt  }
0x60: {  	_ =	shalt  }
0x61: {  	_ =	shalt  }
0x62: {  	_ =	shalt  }
0x63: {  	_ =	shalt  }
0x64: {  	_ =	shalt  }
0x65: {  	_ =	shalt  }
0x66: {  	_ =	shalt  }
0x67: {  	_ =	shalt  }
0x68: {  	_ =	shalt  }
0x69: {  	_ =	shalt  }
0x6a: {  	_ =	shalt  }
0x6b: {  	_ =	shalt  }
0x6c: {  	_ =	shalt  }
0x6d: {  	_ =	shalt  }
0x6e: {  	_ =	shalt  }
0x6f: {  	_ =	shalt  }
0x70: {  	_ =	shalt  }
0x71: {  	_ =	shalt  }
0x72: {  	_ =	shalt  }
0x73: {  	_ =	shalt  }
0x74: {  	_ =	shalt  }
0x75: {  	_ =	shalt  }
0x76: {  	_ =	shalt  }
0x77: {  	_ =	shalt  }
0x78: {  	_ =	shalt  }
0x79: {  	_ =	shalt  }
0x7a: {  	_ =	shalt  }
0x7b: {  	_ =	shalt  }
0x7c: {  	_ =	shalt  }
0x7d: {  	_ =	shalt  }
0x7e: {  	_ =	shalt  }
0x7f: {  	_ =	shalt  }
0x80: {  	_ =	shalt  }
0x81: {  	_ =	shalt  }
0x82: {  	_ =	shalt  }
0x83: {  	_ =	shalt  }
0x84: {  	_ =	shalt  }
0x85: {  	_ =	shalt  }
0x86: {  	_ =	shalt  }
0x87: {  	_ =	shalt  }
.Lfunc_end0:
.L_simem_size_0:
called_computation.1_lowered:
.L_overlay_start_0:
0x88: {  	s2 =	sld [smem:$0x3FD9]  }
0x89: {  	s3 =	sld [smem:$0x3FFE];
	_ =	sdelay $0x1  }
0x8a: {  	s1 =	srdreg.scid  }
0x8b: {  	s0 =	sand.u32 $0x1, s1  }
0x8c: {  	s16 =	sshll.u32 s0, $0xA;
	s2 =	sadd.s32 s3, s2  }
0x8d: {  	s2 =	sadd.s32 s2, s16  }
0x8e: {  	[smem:$0x3FBD] =	sst s2  }
0x8f: {  	_ = 	snop  }
0x90: {  	(tm) =	ssettm $0x1  }
0x91: {  	s17 =	sld [smem:$0x3FFB];
	_ =	sdelay $0x3  }
0x92: {  	_ =	strace s17  }
0x93: {  	s2 =	sld [smem:$0x3FFC];
	_ =	sdelay $0x3  }
0x94: {  	_ =	strace s2  }
0x95: {  	s2 =	sld [smem:$0x3FFD];
	_ =	sdelay $0x3  }
0x96: {  	_ =	strace s2  }
0x97: {  	_ =	strace $0x8FFFFFFF  }
0x98: {  	s18 =	sld [smem:$0x3FDB];
	_ =	sdelay $0x1  }
0x99: {  	s19 =	simm.s32 $_scs_section_size  }
0x9a: {  	s4 =	simm.s32 $_size__tile_overlayer_lowered;
	s5 =	simm.s32 $_tile_overlayer_lowered  }
0x9b: {  	s22 =	simm.s32 $0x1BFF;
	s21 =	sshll.u32 s5, $0x1;
	s2 =	sadd.s32 s19, s18  }
0x9c: {  	s6 =	simm.s32 $0x0;
	s20 =	sshll.u32 s4, $0x1;
	s4 =	sadd.s32 s21, s2  }
0x9d: {  	[timem:s6], [sflag:s22] =	dma.local [hbm:s4], s20  }
0x9e: {  	_ =	swait.ge [sflag:s22], s20  }
0x9f: {  	s3 =	ssub.s32 $0x0, s20;
	[sflag:s22] =	ssyncset.done $0x0  }
0xa0: {  	[sflag:s22] =	ssyncadd.s32 s3;
	_ =	sdelay $0x1  }
0xa1: {  	s23 =	simm.s32 $0x1B8B  }
0xa2: {  	_ =	swait.ge [sflag:s23], $0x1  }
0xa3: {  	[sflag:s23] =	ssyncset.done $0x0  }
0xa4: {  	s25 =	simm.s32 $0x1B8E;
	s24 =	sld [smem:$0x3FFE];
	[sflag:s23] =	ssyncadd.s32 $0xFFFFFFFF  }
0xa5: {  	s26 =	simm.s32 $execute0_lowered;
	[smem:$0x3FD2] =	sst s25  }
0xa6: {  	s4 =	sshll.u32 s26, $0x1;
	_ =	strace $0x80000046;
	[dreg:$0x1] =	wrdreg $0xFFFFFFFF  }
0xa7: {  	s28 =	simm.s32 $_size_execute0_lowered;
	s2 =	sadd.s32 s2, s4;
	[dreg:$0x0] =	wrdreg $0x0  }
0xa8: {  	s4 =	sshll.u32 s28, $0x1;
	[dreg:$0x2] =	wrdreg s2  }
0xa9: {  	[dreg:$0x3] =	wrdreg s4  }
0xaa: {  	[dreg:$0x4] =	wrdreg $0xC0  }
0xab: {  	_ =	task [dreg:s6], $0x5FFFF  }
0xac: {  	[dreg:$0x1] =	wrdreg $0xFFFFFFFF  }
0xad: {  	[dreg:$0x0] =	wrdreg $0x60  }
0xae: {  	[dreg:$0x2] =	wrdreg s24  }
0xaf: {  	[dreg:$0x3] =	wrdreg $0x102000  }
0xb0: {  	[dreg:$0x4] =	wrdreg $0xA  }
0xb1: {  	_ =	task.clear_ibuf [dreg:s6], $0x5FFFF;
	_ =	strace $0x90000046  }
0xb2: {  	s29 =	simm.s32 $0xA;
	_ =	strace $0x80000048  }
0xb3: {  	_ =	swait.ge [sflag:s29], $0x1  }
0xb4: {  	[sflag:s29] =	ssyncadd.s32 $0xFFFFFFFF  }
0xb5: {  	_ =	strace $0x90000048  }
0xb6: {  	_ =	sfence  }
0xb7: {  	s30 =	sld [smem:$0x0];
	_ =	sdelay $0x2  }
0xb8: {  	s31 =	sshll.u32 s1, $0xD;
	s1 =	sshrl.u32 s1, $0x2  }
0xb9: {  	s3 =	sand.u32 $0x4000, s31;
	s1 =	sadd.s32 s1, s30  }
0xba: {  	s0 =	sor.u32 s3, s0;
	s1 =	sshll.u32 s1, $0x11  }
0xbb: {  	s0 =	sor.u32 s1, s0  }
0xbc: {  	s0 =	sadd.s32 $0x8F2B, s0  }
0xbd: {  	[sflag:s0] =	ssyncadd.remote.s32 $0x1  }
0xbe: {  	_ =	sfence.sel $0xFFFF  }
0xbf: {  	[dreg:$0x0] =	wrdreg $0xFFFFFFFF;
	(pc) =	sbr.abs _section_cstart, $3  }
0xc0: {  	[dreg:$0x1] =	wrdreg $0xFFFFFFFF  }
0xc1: {  	_ =	task.clear_ibuf [dreg:s6], $0x2FFFF;
	_ =	strace $0x9FFFFFFF  }
0xc2: {  	(tm) =	ssettm $0x7FFFFFFF  }
0xc3: {  	_ =	shalt  }
tec
execute0_lowered:
.L_overlay_start_1:
0x0: {  	(tag) =	ssettag $0x1  }
0x1: {  	s0 =	rddreg [dreg:$0x0]  }
0x2: {  	s1 =	rddreg [dreg:$0x1];
	s2 =	simm.s32 $0x0;
	s3 =	srdreg.scid  }
0x3: {  	s14 =	stileid.u32;
	s28 =	simm.s32 $0x180;
	s29 =	simm.s32 $0xC200  }
0x4: {  	s30 =	simm.s32 $0x3;
	s31 =	simm.s32 $0x4;
	[smem:$0x7FF] =	sst s2  }
0x5: {  	s3 =	sand.u32 $0x1, s3;
	s5 =	sadd.s32 $0x6C00, s0;
	s7 =	sadd.s32 $0x1C00, s0  }
0x6: {  	s0 =	sadd.s32 $0x277C00, s0;
	s18 =	sshll.u32 s14, $0x5;
	s19 =	sshll.u32 s14, $0xC  }
0x7: {  	s9 =	sshll.u32 s14, $0x8;
	s22 =	sshll.u32 s14, $0xE;
	s23 =	sor.u32 $0x20, s14  }
0x8: {  	_ =	strace $0x80000047;
	s4 =	ssub.s32 $0x2, s3;
	s10 =	smul.u32 $0x1388, s3  }
0x9: {  	s3 =	smul.u32 $0x9C400, s3;
	s17 =	sadd.s32 s7, s18;
	s9 =	sor.u32 $0x1000, s9  }
0xa: {  	s24 =	sor.u32 $0x40000, s22;
	s25 =	sshll.u32 s23, $0xE;
	p0 =	sgt.u32 s23, $0x26  }
0xb: {  	s23 =	simm.s32 $0x1;
	s6 =	sshrl.u32 s4, $0x1;
	s12 =	sshrl.u32 s9, $0x3  }
0xc: {  	s9 =	sshll.u32 s9, $0x4;
	s13 =	sadd.s32 s25, s1;
	s15 =	smov.u32 s17  }
0xd: {  	p2 =	sne.s32 @!p0 s14, $0x0;
	s8 =	ssub.s32 s4, s6;
	s4 =	sadd.s32 $0x9C000, s1  }
0xe: {  	s6 =	sadd.s32 s5, s19;
	s11 =	sshrl.u32 s3, $0x3;
	s7 =	sadd.s32 s7, s12  }
0xf: {  	s5 =	sadd.s32 s5, s9;
	s12 =	sadd.s32 s24, s1;
	s19 =	simm.s32 $0x200  }
0x10: {  	p1 =	por p2, p0;
	p2 =	por !p2, p0;
	[dreg:$0x3] =	wrdreg s7  }
0x11: {  	s11 =	sadd.s32 s0, s11;
	[dreg:$0x4] =	wrdreg s5;
	s21 =	smax.u32 s8, $0x1  }
0x12: {  	s5 =	sadd.s32 s3, s22;
	s8 =	sadd.s32 s3, s24;
	s3 =	sadd.s32 s3, s25  }
0x13: {  	s16 =	smov.u32 s6;
	s9 =	sadd.s32 $0x20000, s6;
	s24 =	simm.s32 $0x80  }
0x14: {  	s25 =	simm.s32 $0x4200;
	s20 =	sadd.s32 $0x13800, s11;
	[dreg:$0x6] =	wrdreg s21  }
0x15: {  	s11 =	sadd.s32 s22, s1;
	s5 =	sshrl.u32 s5, $0x3;
	s26 =	sshrl.u32 s8, $0x3  }
.Ltmp0:
0x16: {  	s3 =	sshrl.u32 s3, $0x3;
	s8 =	sadd.s32 $0x400, s17;
	(pc) =	sbr.rel .LBB2_1-.Ltmp0, $4  }
0x17: {  	s21 =	simm.s32 $0x100;
	[dreg:$0x5] =	wrdreg s20;
	s5 =	sadd.s32 s0, s5  }
0x18: {  	s22 =	simm.s32 $0x8200;
	[dreg:$0x7] =	wrdreg s5;
	s5 =	sadd.s32 s0, s26  }
0x19: {  	v2 =	vlaneseq.u32;
	s20 =	simm.s32 $0x5;
	s0 =	sadd.s32 s0, s3;
	[dreg:$0x8] =	wrdreg s5  }
0x1a: {  	v1 =	vimm.f32 $0.0e+00;
	v2 =	vadd.s32 $0x1388, v2;
	v0 =	vmov s10;
	s26 =	simm.s32 $0x2;
	[dreg:$0x9] =	wrdreg s0;
	s0 =	simm.s32 $0x0  }
.LBB2_7:
0x1b: {  	_ =	swait.ge [sflag:s30], $0x4000  }
0x1c: {  	[sflag:s30] =	ssyncset.done $0x0  }
0x1d: {  	[sflag:s30] =	ssyncadd.s32 $0xFFFFC000  }
0x1e: {  	_ =	swait.ge [sflag:s30], $0x4000  }
0x1f: {  	[sflag:s30] =	ssyncset.done $0x0  }
0x20: {  	[sflag:s30] =	ssyncadd.s32 $0xFFFFC000  }
0x21: {  	_ =	swait.ge [sflag:s31], $0x4000  }
0x22: {  	[sflag:s31] =	ssyncset.done $0x0  }
0x23: {  	[sflag:s31] =	ssyncadd.s32 $0xFFFFC000  }
0x24: {  	_ =	swait.ge [sflag:s31], $0x4000  }
0x25: {  	[sflag:s31] =	ssyncset.done $0x0  }
0x26: {  	s3 =	stileid.u32;
	[sflag:s31] =	ssyncadd.s32 $0xFFFFC000  }
0x27: {  	s3 =	sshll.u32 s3, $0x6;
	[bflag:$0x0] =	sbarrier.arrive $0xFFFF  }
0x28: {  	s5 =	sshrl.u32 s11, $0x3;
	s3 =	sor.u32 $0x1C05, s3;
	s6 =	rddreg [dreg:$0x7]  }
0x29: {  	[hbm:s6], [sflag:s3] =	dma.local [spmem:s5], $0x800  }
0x2a: {  	_ =	swait.ge [sflag:s20], $0x800  }
0x2b: {  	[sflag:s20] =	ssyncset.done $0x0  }
0x2c: {  	s14 =	sshrl.u32 s12, $0x3;
	s17 =	rddreg [dreg:$0x8];
	[sflag:s20] =	ssyncadd.s32 $0xFFFFF800  }
0x2d: {  	[hbm:s17], [sflag:s3] =	dma.local [spmem:s14], $0x800  }
0x2e: {  	_ =	swait.ge [sflag:s20], $0x800  }
0x2f: {  	[sflag:s20] =	ssyncset.done $0x0  }
0x30: {  	s5 =	sshrl.u32 @!p0 s13, $0x3;
	s6 =	rddreg [dreg:$0x9];
	[sflag:s20] =	ssyncadd.s32 $0xFFFFF800  }
0x31: {  	[hbm:s6], [sflag:s3] =	dma.local @!p0 [spmem:s5], $0x800  }
0x32: {  	s3 =	simm.s32 @!p0 $0x5  }
0x33: {  	_ =	swait.ge @!p0 [sflag:s3], $0x800  }
0x34: {  	s5 =	simm.s32 @!p1 $0x1C05;
	[sflag:s3] =	ssyncset.done @!p0 $0x0  }
0x35: {  	s6 =	rddreg [dreg:$0x5];
	[sflag:s3] =	ssyncadd.s32 @!p0 $0xFFFFF800;
	s3 =	sshrl.u32 @!p1 s4, $0x3  }
0x36: {  	[hbm:s6], [sflag:s5] =	dma.local @!p1 [spmem:s3], $0x80  }
0x37: {  	s3 =	simm.s32 @!p1 $0x5  }
0x38: {  	_ =	swait.ge @!p1 [sflag:s3], $0x80  }
0x39: {  	s0 =	sadd.s32 $0x1, s0;
	s18 =	rddreg [dreg:$0x6]  }
0x3a: {  	p3 =	sne.s32 s0, s18  }
.Ltmp1:
0x3b: {  	_ = 	snop;
	(pc) =	sbr.rel @!p3 .LBB2_8-.Ltmp1, $3  }
0x3c: {  	_ =	sdelay $0x1  }
0x3d: {  	[sflag:s3] =	ssyncset.done @!p1 $0x0  }
0x3e: {  	[sflag:s3] =	ssyncadd.s32 @!p1 $0xFFFFFF80  }
.LBB2_1:
0x3f: {  	s3 =	simm.s32 $0x0;
	s5 =	simm.s32 $0x200  }
.LBB2_2:
0x40: {  	p3 =	sne.s32 s5, $0xFE00;
	[tilespmem:s3+$0x270] =	vst v1  }
0x41: {  	[tilespmem:s3+$0x200] =	vst v1  }
0x42: {  	[tilespmem:s3+$0x210] =	vst v1  }
.Ltmp2:
0x43: {  	[tilespmem:s3+$0x220] =	vst v1;
	(pc) =	sbr.rel @p3 .LBB2_2-.Ltmp2, $4  }
0x44: {  	[tilespmem:s3+$0x230] =	vst v1  }
0x45: {  	[tilespmem:s3+$0x240] =	vst v1  }
0x46: {  	[tilespmem:s3+$0x250] =	vst v1  }
0x47: {  	[tilespmem:s3+$0x260] =	vst v1;
	s3 =	sshra.s32 s5, $0x2;
	s5 =	sadd.s32 $0x200, s5  }
0x48: {  	[tilespmem:s3+$0x270] =	vst v1  }
0x49: {  	[tilespmem:s3+$0x200] =	vst v1  }
0x4a: {  	[tilespmem:s3+$0x210] =	vst v1  }
0x4b: {  	[tilespmem:s3+$0x220] =	vst v1  }
0x4c: {  	[tilespmem:s3+$0x230] =	vst v1  }
0x4d: {  	[tilespmem:s3+$0x240] =	vst v1  }
0x4e: {  	[tilespmem:s3+$0x250] =	vst v1  }
0x4f: {  	[tilespmem:s3+$0x260] =	vst v1  }
0x50: {  	[spmem:s11] =	stream.linear.scatter [tilespmem:s19], [sflag:$0x5], $0x4000, $0x38;
	[tilespmem:$0x19EC0] =	vst v63  }
0x51: {  	_ =	swait.ge [sflag:s20], $0x4000  }
0x52: {  	[sflag:s20] =	ssyncset.done $0x0  }
0x53: {  	[sflag:s20] =	ssyncadd.s32 $0xFFFFC000  }
0x54: {  	[spmem:s12] =	stream.linear.scatter [tilespmem:s19], [sflag:$0x5], $0x4000, $0x38;
	[tilespmem:$0x19EC0] =	vst v63  }
0x55: {  	_ =	swait.ge [sflag:s20], $0x4000  }
0x56: {  	[sflag:s20] =	ssyncset.done $0x0  }
0x57: {  	s3 =	simm.s32 @!p0 $0x200;
	[sflag:s20] =	ssyncadd.s32 $0xFFFFC000  }
0x58: {  	[spmem:s13] =	stream.linear.scatter @!p0 [tilespmem:s3], [sflag:$0x5], $0x4000, $0x38;
	[tilespmem:$0x19EC0] =	vst v63  }
0x59: {  	s3 =	simm.s32 @!p0 $0x5  }
0x5a: {  	_ =	swait.ge @!p0 [sflag:s3], $0x4000  }
0x5b: {  	[sflag:s3] =	ssyncset.done @!p0 $0x0  }
0x5c: {  	[sflag:s3] =	ssyncadd.s32 @!p0 $0xFFFFC000;
	s3 =	simm.s32 @!p1 $0x200  }
0x5d: {  	[spmem:s4] =	stream.linear.scatter @!p1 [tilespmem:s3], [sflag:$0x5], $0x400, $0x38;
	[tilespmem:$0x19EC0] =	vst v63  }
0x5e: {  	s3 =	simm.s32 @!p1 $0x5  }
0x5f: {  	_ =	swait.ge @!p1 [sflag:s3], $0x400  }
0x60: {  	[sflag:s3] =	ssyncset.done @!p1 $0x0  }
0x61: {  	s10 =	simm.s32 $0x0;
	[sflag:s3] =	ssyncadd.s32 @!p1 $0xFFFFFC00  }
0x62: {  	[tilespmem:s10], [sflag:$0x1] =	stream.linear.gather [hbm4b:s15+s10], $0x100, $0x38;
	[tilespmem:$0x19EC0] =	vst v63  }
0x63: {  	_ = 	snop  }
0x64: {  	[tilespmem:s19], [sflag:$0x1] =	stream.linear.gather [hbm4b:s16+s10], $0x8000, $0x38;
	[tilespmem:$0x19EC0] =	vst v63  }
0x65: {  	s5 =	rddreg [dreg:$0x3]  }
0x66: {  	[tilespmem:s21], [sflag:$0x2] =	stream.linear.gather [hbm4b:s5+s10], $0x100, $0x38;
	[tilespmem:$0x19EC0] =	vst v63  }
.Ltmp3:
0x67: {  	s3 =	simm.s32 @!p0 $0x27;
	(pc) =	sbr.rel .LBB2_4-.Ltmp3, $4  }
0x68: {  	s18 =	rddreg [dreg:$0x4];
	s3 =	simm.s32 @p2 $0x28  }
0x69: {  	[tilespmem:s22], [sflag:$0x2] =	stream.linear.gather [hbm4b:s18+s10], $0x8000, $0x38;
	[tilespmem:$0x19EC0] =	vst v63  }
0x6a: {  	s3 =	simm.s32 @p0 $0x27;
	[bflag:$0x0] =	sbarrier.arrive $0xFFFF  }
0x6b: {  	s17 =	smov.u32 s9;
	s7 =	sadd.s32 $0xFFFFFFFF, s3;
	s18 =	smov.u32 s8  }
.LBB2_6:
0x6c: {  	s6 =	sadd.s32 $0x3, s10  }
0x6d: {  	p3 =	sge.u32 s6, s3  }
0x6e: {  	s6 =	simm.s32 @!p3 $0x4  }
0x6f: {  	_ =	swait.ge @!p3 [sflag:s6], $0x4000  }
0x70: {  	[sflag:s6] =	ssyncset.done @!p3 $0x0  }
0x71: {  	[sflag:s6] =	ssyncadd.s32 @!p3 $0xFFFFC000  }
0x72: {  	_ =	swait.ge @!p3 [sflag:s6], $0x4000  }
0x73: {  	s10 =	simm.s32 @!p3 $0x0;
	[sflag:s6] =	ssyncset.done @!p3 $0x0  }
0x74: {  	s14 =	simm.s32 @!p3 $0x100;
	[sflag:s6] =	ssyncadd.s32 @!p3 $0xFFFFC000;
	s6 =	sadd.s32 @!p3 $0x200, s18  }
0x75: {  	[tilespmem:s14], [sflag:$0x2] =	stream.linear.gather @!p3 [hbm4b:s6+s10], $0x100, $0x38;
	[tilespmem:$0x19EC0] =	vst v63  }
0x76: {  	s6 =	sadd.s32 @!p3 $0x10000, s17;
	s14 =	simm.s32 @!p3 $0x8200  }
0x77: {  	[tilespmem:s14], [sflag:$0x2] =	stream.linear.gather @!p3 [hbm4b:s6+s10], $0x8000, $0x38;
	[tilespmem:$0x19EC0] =	vst v63  }
0x78: {  	p3 =	sne.s32 s5, $0x28  }
.Ltmp4:
0x79: {  	_ = 	snop;
	(pc) =	sbr.rel @!p3 .LBB2_7-.Ltmp4, $2  }
0x7a: {  	_ =	sdelay $0x2  }
0x7b: {  	s18 =	sadd.s32 $0x400, s18;
	s17 =	sadd.s32 $0x20000, s17;
	s10 =	smov.u32 s5  }
.LBB2_4:
0x7c: {  	_ =	swait.ge [sflag:s23], $0x100  }
0x7d: {  	[sflag:s23] =	ssyncset.done $0x0  }
0x7e: {  	[sflag:s23] =	ssyncadd.s32 $0xFFFFFF00  }
0x7f: {  	_ =	swait.ge [sflag:s23], $0x8000  }
0x80: {  	[sflag:s23] =	ssyncset.done $0x0  }
0x81: {  	[sflag:s23] =	ssyncadd.s32 $0xFFFF8000  }
0x82: {  	v3 =	vld [tilespmem:$0x0]  }
0x83: {  	v4 =	vld [tilespmem:$0x10]  }
0x84: {  	v5 =	vld [tilespmem:$0x20]  }
0x85: {  	v6 =	vld [tilespmem:$0x30]  }
0x86: {  	v7 =	vld [tilespmem:$0x40]  }
0x87: {  	v8 =	vld [tilespmem:$0x50];
	v3 =	vsub.s32 v3, v0  }
0x88: {  	v9 =	vld [tilespmem:$0x60];
	v4 =	vsub.s32 v4, v0;
	vm0 =	vlt.u32 v3, $0x1388  }
0x89: {  	v10 =	vld [tilespmem:$0x70];
	v5 =	vsub.s32 v5, v0;
	vm13 =	vlt.u32 v4, $0x1388;
	v3 =	vsel vm0, v3, v2  }
0x8a: {  	v44 =	vld [tilespmem:$0x80];
	v43 =	vsub.s32 v6, v0;
	vm14 =	vlt.u32 v5, $0x1388;
	[tilespmem:$0x0] =	vst v3;
	v3 =	vsel vm13, v4, v2  }
0x8b: {  	v46 =	vld [tilespmem:$0x90];
	v45 =	vsub.s32 v7, v0;
	vm15 =	vlt.u32 v43, $0x1388;
	[tilespmem:$0x10] =	vst v3;
	v3 =	vsel vm14, v5, v2  }
0x8c: {  	v48 =	vld [tilespmem:$0xA0];
	v47 =	vsub.s32 v8, v0;
	vm4 =	vlt.u32 v45, $0x1388;
	[tilespmem:$0x20] =	vst v3;
	v3 =	vsel vm15, v43, v2  }
0x8d: {  	v50 =	vld [tilespmem:$0xB0];
	v49 =	vsub.s32 v9, v0;
	vm5 =	vlt.u32 v47, $0x1388;
	[tilespmem:$0x30] =	vst v3;
	v3 =	vsel vm4, v45, v2  }
0x8e: {  	v52 =	vld [tilespmem:$0xC0];
	v51 =	vsub.s32 v10, v0;
	vm6 =	vlt.u32 v49, $0x1388;
	[tilespmem:$0x40] =	vst v3;
	v3 =	vsel vm5, v47, v2  }
0x8f: {  	v54 =	vld [tilespmem:$0xD0];
	v53 =	vsub.s32 v44, v0;
	vm7 =	vlt.u32 v51, $0x1388;
	[tilespmem:$0x50] =	vst v3;
	v3 =	vsel vm6, v49, v2  }
0x90: {  	v56 =	vld [tilespmem:$0xE0];
	v55 =	vsub.s32 v46, v0;
	vm8 =	vlt.u32 v53, $0x1388;
	[tilespmem:$0x60] =	vst v3;
	v3 =	vsel vm7, v51, v2  }
0x91: {  	v58 =	vld [tilespmem:$0xF0];
	v57 =	vsub.s32 v48, v0;
	vm9 =	vlt.u32 v55, $0x1388;
	[tilespmem:$0x70] =	vst v3;
	v3 =	vsel vm8, v53, v2  }
0x92: {  	v59 =	vsub.s32 v50, v0;
	vm10 =	vlt.u32 v57, $0x1388;
	[tilespmem:$0x80] =	vst v3;
	v3 =	vsel vm9, v55, v2  }
0x93: {  	v60 =	vsub.s32 v52, v0;
	vm11 =	vlt.u32 v59, $0x1388;
	[tilespmem:$0x90] =	vst v3;
	v3 =	vsel vm10, v57, v2  }
0x94: {  	v61 =	vsub.s32 v54, v0;
	vm12 =	vlt.u32 v60, $0x1388;
	[tilespmem:$0xA0] =	vst v3;
	v3 =	vsel vm11, v59, v2  }
0x95: {  	v62 =	vsub.s32 v56, v0;
	vm13 =	vlt.u32 v61, $0x1388;
	[tilespmem:$0xB0] =	vst v3;
	v3 =	vsel vm12, v60, v2  }
0x96: {  	v63 =	vsub.s32 v58, v0;
	vm14 =	vlt.u32 v62, $0x1388;
	[tilespmem:$0xC0] =	vst v3;
	v3 =	vsel vm13, v61, v2  }
0x97: {  	vm15 =	vlt.u32 v63, $0x1388;
	[tilespmem:$0xD0] =	vst v3;
	v3 =	vsel vm14, v62, v2  }
0x98: {  	s5 =	sadd.s32 $0x2, s10;
	[tilespmem:$0xE0] =	vst v3;
	v3 =	vsel vm15, v63, v2  }
0x99: {  	p3 =	sge.u32 s5, s3;
	[tilespmem:$0xF0] =	vst v3  }
0x9a: {  	[spmem:s1] =	stream.indirect.scatter.add.f32 [tilespmem:s19], [sflag:$0x3], $0x80, s2, s24, $0xb8;
	[tilespmem:$0x19EC0] =	vst v63  }
0x9b: {  	s6 =	simm.s32 @!p3 $0x3  }
0x9c: {  	[spmem:s1] =	stream.indirect.scatter.add.f32 [tilespmem:s25], [sflag:$0x3], $0x80, s24, s24, $0xb8;
	[tilespmem:$0x19EC0] =	vst v63  }
0x9d: {  	_ =	swait.ge @!p3 [sflag:s6], $0x4000  }
0x9e: {  	[sflag:s6] =	ssyncset.done @!p3 $0x0  }
0x9f: {  	[sflag:s6] =	ssyncadd.s32 @!p3 $0xFFFFC000  }
0xa0: {  	_ =	swait.ge @!p3 [sflag:s6], $0x4000  }
0xa1: {  	[sflag:s6] =	ssyncset.done @!p3 $0x0  }
0xa2: {  	[sflag:s6] =	ssyncadd.s32 @!p3 $0xFFFFC000;
	s6 =	simm.s32 @!p3 $0x0  }
0xa3: {  	[tilespmem:s6], [sflag:$0x1] =	stream.linear.gather @!p3 [hbm4b:s18+s6], $0x100, $0x38;
	[tilespmem:$0x19EC0] =	vst v63  }
0xa4: {  	s14 =	simm.s32 @!p3 $0x200  }
0xa5: {  	[tilespmem:s14], [sflag:$0x1] =	stream.linear.gather @!p3 [hbm4b:s17+s6], $0x8000, $0x38;
	[tilespmem:$0x19EC0] =	vst v63  }
0xa6: {  	p3 =	sge.u32 s10, s7  }
.Ltmp5:
0xa7: {  	_ = 	snop;
	(pc) =	sbr.rel @p3 .LBB2_6-.Ltmp5, $1  }
0xa8: {  	_ =	sdelay $0x3  }
0xa9: {  	_ =	swait.ge [sflag:s26], $0x100  }
0xaa: {  	[sflag:s26] =	ssyncset.done $0x0  }
0xab: {  	[sflag:s26] =	ssyncadd.s32 $0xFFFFFF00  }
0xac: {  	_ =	swait.ge [sflag:s26], $0x8000  }
0xad: {  	[sflag:s26] =	ssyncset.done $0x0  }
0xae: {  	[sflag:s26] =	ssyncadd.s32 $0xFFFF8000  }
0xaf: {  	v3 =	vld [tilespmem:$0x100]  }
0xb0: {  	v4 =	vld [tilespmem:$0x110]  }
0xb1: {  	v5 =	vld [tilespmem:$0x120]  }
0xb2: {  	v6 =	vld [tilespmem:$0x130]  }
0xb3: {  	v7 =	vld [tilespmem:$0x140]  }
0xb4: {  	v8 =	vld [tilespmem:$0x150];
	v3 =	vsub.s32 v3, v0  }
0xb5: {  	v9 =	vld [tilespmem:$0x160];
	v4 =	vsub.s32 v4, v0;
	vm0 =	vlt.u32 v3, $0x1388  }
0xb6: {  	v10 =	vld [tilespmem:$0x170];
	v5 =	vsub.s32 v5, v0;
	vm13 =	vlt.u32 v4, $0x1388;
	v3 =	vsel vm0, v3, v2  }
0xb7: {  	v44 =	vld [tilespmem:$0x180];
	v43 =	vsub.s32 v6, v0;
	vm14 =	vlt.u32 v5, $0x1388;
	[tilespmem:$0x100] =	vst v3;
	v3 =	vsel vm13, v4, v2  }
0xb8: {  	v46 =	vld [tilespmem:$0x190];
	v45 =	vsub.s32 v7, v0;
	vm15 =	vlt.u32 v43, $0x1388;
	[tilespmem:$0x110] =	vst v3;
	v3 =	vsel vm14, v5, v2  }
0xb9: {  	v48 =	vld [tilespmem:$0x1A0];
	v47 =	vsub.s32 v8, v0;
	vm4 =	vlt.u32 v45, $0x1388;
	[tilespmem:$0x120] =	vst v3;
	v3 =	vsel vm15, v43, v2  }
0xba: {  	v50 =	vld [tilespmem:$0x1B0];
	v49 =	vsub.s32 v9, v0;
	vm5 =	vlt.u32 v47, $0x1388;
	[tilespmem:$0x130] =	vst v3;
	v3 =	vsel vm4, v45, v2  }
0xbb: {  	v52 =	vld [tilespmem:$0x1C0];
	v51 =	vsub.s32 v10, v0;
	vm6 =	vlt.u32 v49, $0x1388;
	[tilespmem:$0x140] =	vst v3;
	v3 =	vsel vm5, v47, v2  }
0xbc: {  	v54 =	vld [tilespmem:$0x1D0];
	v53 =	vsub.s32 v44, v0;
	vm7 =	vlt.u32 v51, $0x1388;
	[tilespmem:$0x150] =	vst v3;
	v3 =	vsel vm6, v49, v2  }
0xbd: {  	v56 =	vld [tilespmem:$0x1E0];
	v55 =	vsub.s32 v46, v0;
	vm8 =	vlt.u32 v53, $0x1388;
	[tilespmem:$0x160] =	vst v3;
	v3 =	vsel vm7, v51, v2  }
0xbe: {  	v58 =	vld [tilespmem:$0x1F0];
	v57 =	vsub.s32 v48, v0;
	vm9 =	vlt.u32 v55, $0x1388;
	[tilespmem:$0x170] =	vst v3;
	v3 =	vsel vm8, v53, v2  }
0xbf: {  	v59 =	vsub.s32 v50, v0;
	vm10 =	vlt.u32 v57, $0x1388;
	[tilespmem:$0x180] =	vst v3;
	v3 =	vsel vm9, v55, v2  }
0xc0: {  	v60 =	vsub.s32 v52, v0;
	vm11 =	vlt.u32 v59, $0x1388;
	[tilespmem:$0x190] =	vst v3;
	v3 =	vsel vm10, v57, v2  }
0xc1: {  	v61 =	vsub.s32 v54, v0;
	vm12 =	vlt.u32 v60, $0x1388;
	[tilespmem:$0x1A0] =	vst v3;
	v3 =	vsel vm11, v59, v2  }
0xc2: {  	v62 =	vsub.s32 v56, v0;
	vm13 =	vlt.u32 v61, $0x1388;
	[tilespmem:$0x1B0] =	vst v3;
	v3 =	vsel vm12, v60, v2  }
0xc3: {  	v63 =	vsub.s32 v58, v0;
	vm14 =	vlt.u32 v62, $0x1388;
	[tilespmem:$0x1C0] =	vst v3;
	v3 =	vsel vm13, v61, v2  }
0xc4: {  	vm15 =	vlt.u32 v63, $0x1388;
	[tilespmem:$0x1D0] =	vst v3;
	v3 =	vsel vm14, v62, v2  }
.Ltmp6:
0xc5: {  	[tilespmem:$0x1E0] =	vst v3;
	v3 =	vsel vm15, v63, v2;
	(pc) =	sbr.rel .LBB2_6-.Ltmp6, $4  }
0xc6: {  	[tilespmem:$0x1F0] =	vst v3  }
0xc7: {  	[spmem:s1] =	stream.indirect.scatter.add.f32 [tilespmem:s22], [sflag:$0x4], $0x80, s21, s24, $0xb8;
	[tilespmem:$0x19EC0] =	vst v63  }
0xc8: {  	_ = 	snop  }
0xc9: {  	[spmem:s1] =	stream.indirect.scatter.add.f32 [tilespmem:s29], [sflag:$0x4], $0x80, s28, s24, $0xb8;
	[tilespmem:$0x19EC0] =	vst v63  }
.LBB2_8:
0xca: {  	_ =	sfence.sel $0x180000  }
0xcb: {  	[bflag:$0x0] =	sbarrier.arrive $0xFFFF  }
0xcc: {  	_ =	strace $0x90000047  }
0xcd: {  	s0 =	stileid.u32;
	[bflag:$0x2] =	sbarrier.arrive $0xFFFF  }
0xce: {  	p0 =	sne.s32 s0, $0x0;
	s0 =	rddreg [dreg:$0x2]  }
0xcf: {  	s0 =	sadd.s32 @!p0 $0x100000, s0  }
0xd0: {  	[sflag:s0] =	ssyncadd.tile.s32 @!p0 $0x1;
	_ =	shalt  }
.Lfunc_end2:
_tile_overlayer_lowered:
.L_overlay_start_2:
0xd1: {  	(tag) =	ssettag $0x2  }
0xd2: {  	s0 =	rddreg [dreg:$0x0];
	s2 =	stileid.u32  }
0xd3: {  	s1 =	rddreg [dreg:$0x1];
	p0 =	sne.s32 s2, $0x0  }
0xd4: {  	s3 =	rddreg [dreg:$0x2];
	[bflag:$0x3] =	sbarrier.arrive $0xFFFF;
	s2 =	simm.s32 @!p0 $0x1C05  }
0xd5: {  	[timem:s3], [sflag:s2] =	dma.local @!p0 [hbm:s0], s1  }
0xd6: {  	s0 =	simm.s32 @!p0 $0x5  }
0xd7: {  	_ =	swait.ge @!p0 [sflag:s0], s1  }
0xd8: {  	s1 =	ssub.s32 @!p0 $0x0, s1;
	[sflag:s0] =	ssyncset.done @!p0 $0x0  }
0xd9: {  	[sflag:s0] =	ssyncadd.s32 @!p0 s1  }
0xda: {  	[bflag:$0x3] =	sbarrier.arrive $0xFFFF  }
0xdb: {  	_ =	shalt  }

// kernel: kernel.7.cloned.1.call-start
scs
__scs_entry_jumppad:
0x0: {  	(pc) =	sbr.rel $0x88, $3  }
0x1: {  	(tag) =	ssettag $0x0;
	lr =	simm.s32 $0x1  }
0x2: {  	[smem:$0x3F96] =	sst lr;
	_ =	strace $0xD0000000  }
0x3: {  	_ = 	snop  }
0x4: {  	_ = 	snop  }
0x5: {  	_ = 	snop  }
0x6: {  	_ = 	snop  }
0x7: {  	_ = 	snop  }
__scs_overlays_trampoline_lowered:
0x8: {  	[smem:$0x3FA5] =	sst s0  }
0x9: {  	[smem:$0x3FA6] =	sst s1  }
0xa: {  	[smem:$0x3FA7] =	sst s2  }
0xb: {  	[smem:$0x3FA8] =	sst s3  }
0xc: {  	[smem:$0x3FA9] =	sst s4  }
0xd: {  	[smem:$0x3FAA] =	sst s5  }
0xe: {  	[smem:$0x3FAB] =	sst s6  }
0xf: {  	[smem:$0x3FAC] =	sst s7  }
0x10: {  	[smem:$0x3FAD] =	sst s8  }
0x11: {  	[smem:$0x3FAE] =	sst s9;
	s0 =	simm.s32 @!p0 $0x0  }
0x12: {  	s1 =	sld [smem:$0x3F94];
	s0 =	simm.s32 @p0 $0x1  }
0x13: {  	[smem:$0x3FAF] =	sst s0;
	s0 =	simm.s32 @!p1 $0x0  }
0x14: {  	s2 =	sld [smem:$0x3F93];
	s0 =	simm.s32 @p1 $0x1  }
0x15: {  	[smem:$0x3FB0] =	sst s0;
	s0 =	simm.s32 @!p2 $0x0  }
0x16: {  	s3 =	sld [smem:$0x3FDB];
	s0 =	simm.s32 @p2 $0x1  }
0x17: {  	s4 =	simm.s32 $0x1BF5;
	[smem:$0x3FB2] =	sst s0  }
0x18: {  	s0 =	sld [smem:$0x3F95];
	_ =	swait.ge [sflag:s4], $0x0  }
0x19: {  	s7 =	sld [smem:$0x3F96]  }
0x1a: {  	s8 =	sadd.s32 $0xFFFFE003, lr  }
0x1b: {  	s9 =	sadd.s32 $0xFFFFFEF7, lr;
	s5 =	simm.s32 $0xFFFFFFFF;
	p2 =	slt.u32 s8, $0xFFFFF086  }
0x1c: {  	p1 =	slt.u32 s9, $0xF7A;
	s5 =	simm.s32 @!p2 $0x0  }
0x1d: {  	s5 =	simm.s32 @p1 $0x1;
	p0 =	seq.s32 s7, s2  }
0x1e: {  	s7 =	smul.u32 @!p0 $0xF7A, s2;
	p2 =	seq.s32 @!p0 s5, $0x0  }
0x1f: {  	s9 =	smul.u32 $0xF7A, s1;
	s8 =	simm.s32 @!p0 $0x1BF5;
	p2 =	por !p2, p0  }
0x20: {  	[sflag:s8] =	ssyncset.s32 @!p0 $0xFFFFF086;
	s6 =	sadd.s32 @!p0 s3, s7;
	s7 =	simm.s32 @!p0 $0x108  }
0x21: {  	s3 =	sadd.s32 s3, s9;
	s6 =	sadd.s32 @!p0 $0x88, s6;
	s7 =	simm.s32 @p2 $0x1082  }
0x22: {  	[simem:s7], [sflag:s8] =	dma.local @!p0 [hbm:s6], $0xF7A  }
0x23: {  	s9 =	sor.u32 $0xD0000000, s2;
	s6 =	simm.s32 $0x108;
	_ =	swait.ge @!p0 [sflag:s8], $0x0  }
0x24: {  	s3 =	sadd.s32 $0x88, s3;
	s6 =	simm.s32 @!p1 $0x1082;
	[sflag:s4] =	ssyncset.s32 $0xFFFFF086  }
0x25: {  	[simem:s6], [sflag:s4] =	dma.local [hbm:s3], $0xF7A  }
0x26: {  	[smem:$0x3F96] =	sst s1;
	(tag) =	ssettag s2;
	_ =	strace s9  }
0x27: {  	s1 =	sld [smem:$0x3FA6]  }
0x28: {  	s2 =	sld [smem:$0x3FA7]  }
0x29: {  	s4 =	sld [smem:$0x3FA9]  }
0x2a: {  	p0 =	seq.s32 s5, $0x0;
	s5 =	sld [smem:$0x3FAA]  }
0x2b: {  	s6 =	sld [smem:$0x3FAB]  }
0x2c: {  	s7 =	sld [smem:$0x3FAC]  }
0x2d: {  	s3 =	simm.s32 $0x108;
	s8 =	sld [smem:$0x3FAD]  }
0x2e: {  	s3 =	simm.s32 @!p0 $0x1082;
	s9 =	sld [smem:$0x3FAE]  }
0x2f: {  	lr =	sadd.s32 s0, s3;
	s0 =	sld [smem:$0x3FA5]  }
0x30: {  	s3 =	sld [smem:$0x3FA8]  }
0x31: {  	[smem:$0x3FB1] =	sst s10  }
0x32: {  	s10 =	sld [smem:$0x3FAF];
	_ =	sdelay $0x3  }
0x33: {  	p0 =	seq.s32 s10, $0x1;
	s10 =	sld [smem:$0x3FB1];
	_ =	sdelay $0x3  }
0x34: {  	[smem:$0x3FB1] =	sst s10  }
0x35: {  	s10 =	sld [smem:$0x3FB0];
	_ =	sdelay $0x3  }
0x36: {  	p1 =	seq.s32 s10, $0x1;
	s10 =	sld [smem:$0x3FB1];
	_ =	sdelay $0x3  }
0x37: {  	[smem:$0x3FB1] =	sst s10  }
0x38: {  	s10 =	sld [smem:$0x3FB2]  }
0x39: {  	_ = 	snop;
	(pc) =	sbr.ind lr, $3  }
0x3a: {  	_ = 	snop  }
0x3b: {  	_ = 	snop  }
0x3c: {  	p2 =	seq.s32 s10, $0x1;
	s10 =	sld [smem:$0x3FB1]  }
0x3d: {  	_ =	shalt  }
0x3e: {  	_ =	shalt  }
0x3f: {  	_ =	shalt  }
0x40: {  	_ =	shalt  }
0x41: {  	_ =	shalt  }
0x42: {  	_ =	shalt  }
0x43: {  	_ =	shalt  }
0x44: {  	_ =	shalt  }
0x45: {  	_ =	shalt  }
0x46: {  	_ =	shalt  }
0x47: {  	_ =	shalt  }
0x48: {  	_ =	shalt  }
0x49: {  	_ =	shalt  }
0x4a: {  	_ =	shalt  }
0x4b: {  	_ =	shalt  }
0x4c: {  	_ =	shalt  }
0x4d: {  	_ =	shalt  }
0x4e: {  	_ =	shalt  }
0x4f: {  	_ =	shalt  }
0x50: {  	_ =	shalt  }
0x51: {  	_ =	shalt  }
0x52: {  	_ =	shalt  }
0x53: {  	_ =	shalt  }
0x54: {  	_ =	shalt  }
0x55: {  	_ =	shalt  }
0x56: {  	_ =	shalt  }
0x57: {  	_ =	shalt  }
0x58: {  	_ =	shalt  }
0x59: {  	_ =	shalt  }
0x5a: {  	_ =	shalt  }
0x5b: {  	_ =	shalt  }
0x5c: {  	_ =	shalt  }
0x5d: {  	_ =	shalt  }
0x5e: {  	_ =	shalt  }
0x5f: {  	_ =	shalt  }
0x60: {  	_ =	shalt  }
0x61: {  	_ =	shalt  }
0x62: {  	_ =	shalt  }
0x63: {  	_ =	shalt  }
0x64: {  	_ =	shalt  }
0x65: {  	_ =	shalt  }
0x66: {  	_ =	shalt  }
0x67: {  	_ =	shalt  }
0x68: {  	_ =	shalt  }
0x69: {  	_ =	shalt  }
0x6a: {  	_ =	shalt  }
0x6b: {  	_ =	shalt  }
0x6c: {  	_ =	shalt  }
0x6d: {  	_ =	shalt  }
0x6e: {  	_ =	shalt  }
0x6f: {  	_ =	shalt  }
0x70: {  	_ =	shalt  }
0x71: {  	_ =	shalt  }
0x72: {  	_ =	shalt  }
0x73: {  	_ =	shalt  }
0x74: {  	_ =	shalt  }
0x75: {  	_ =	shalt  }
0x76: {  	_ =	shalt  }
0x77: {  	_ =	shalt  }
0x78: {  	_ =	shalt  }
0x79: {  	_ =	shalt  }
0x7a: {  	_ =	shalt  }
0x7b: {  	_ =	shalt  }
0x7c: {  	_ =	shalt  }
0x7d: {  	_ =	shalt  }
0x7e: {  	_ =	shalt  }
0x7f: {  	_ =	shalt  }
0x80: {  	_ =	shalt  }
0x81: {  	_ =	shalt  }
0x82: {  	_ =	shalt  }
0x83: {  	_ =	shalt  }
0x84: {  	_ =	shalt  }
0x85: {  	_ =	shalt  }
0x86: {  	_ =	shalt  }
0x87: {  	_ =	shalt  }
.Lfunc_end0:
.L_simem_size_0:
called_computation_lowered:
.L_overlay_start_0:
0x88: {  	s2 =	sld [smem:$0x3FD9]  }
0x89: {  	s3 =	sld [smem:$0x3FFE];
	_ =	sdelay $0x1  }
0x8a: {  	s1 =	srdreg.scid  }
0x8b: {  	s0 =	sand.u32 $0x1, s1  }
0x8c: {  	s17 =	sshll.u32 s0, $0xA;
	s2 =	sadd.s32 s3, s2  }
0x8d: {  	s2 =	sadd.s32 s2, s17  }
0x8e: {  	[smem:$0x3FBD] =	sst s2  }
0x8f: {  	_ = 	snop  }
0x90: {  	s18 =	sld [smem:$0x3FD0];
	(tm) =	ssettm $0x1  }
0x91: {  	s19 =	sld [smem:$0x3FFB];
	_ =	sdelay $0x3  }
0x92: {  	_ =	strace s19  }
0x93: {  	s2 =	sld [smem:$0x3FFC];
	_ =	sdelay $0x3  }
0x94: {  	_ =	strace s2  }
0x95: {  	s2 =	sld [smem:$0x3FFD];
	_ =	sdelay $0x3  }
0x96: {  	_ =	strace s2  }
0x97: {  	_ =	strace $0x8FFFFFFF  }
0x98: {  	s20 =	sld [smem:$0x3FDB];
	_ =	sdelay $0x1  }
0x99: {  	s4 =	simm.s32 $_scs_section_size  }
0x9a: {  	s5 =	simm.s32 $_size__tile_overlayer_lowered;
	s6 =	simm.s32 $_tile_overlayer_lowered  }
0x9b: {  	s7 =	simm.s32 $0x1BFF;
	s21 =	sshll.u32 s6, $0x1;
	s4 =	sadd.s32 s4, s20  }
0x9c: {  	s22 =	simm.s32 $0x0;
	s5 =	sshll.u32 s5, $0x1;
	s6 =	sadd.s32 s21, s4  }
0x9d: {  	[timem:s22], [sflag:s7] =	dma.local [hbm:s6], s5  }
0x9e: {  	_ =	swait.ge [sflag:s7], s5  }
0x9f: {  	s5 =	ssub.s32 $0x0, s5;
	[sflag:s7] =	ssyncset.done $0x0  }
0xa0: {  	[sflag:s7] =	ssyncadd.s32 s5;
	_ =	sdelay $0x1  }
0xa1: {  	s23 =	simm.s32 $0x1B8B  }
0xa2: {  	_ =	swait.ge [sflag:s23], $0x1  }
0xa3: {  	[sflag:s23] =	ssyncset.done $0x0  }
0xa4: {  	[sflag:s23] =	ssyncadd.s32 $0xFFFFFFFF  }
0xa5: {  	s5 =	sld [smem:$0x0]  }
0xa6: {  	s6 =	sand.u32 $0xFFFFFFFE, s1  }
0xa7: {  	p0 =	sne.s32 s1, s6  }
0xa8: {  	s6 =	sshll.u32 @p0 s6, $0xE  }
0xa9: {  	s6 =	sadd.s32 @p0 $0x11B8D, s6;
	s7 =	sshll.u32 @p0 s5, $0x11  }
0xaa: {  	s6 =	sor.u32 @p0 s7, s6  }
0xab: {  	[sflag:s6] =	ssyncadd.remote.s32 @p0 $0x1;
	_ =	sdelay $0x1  }
0xac: {  	s6 =	simm.s32 @p0 $0x1B8D  }
0xad: {  	_ =	swait.eq @p0 [sflag:s6], $0x1  }
0xae: {  	[sflag:s6] =	ssyncadd.s32 @p0 $0xFFFFFFFF  }
0xaf: {  	s7 =	sshll.u32 @!p0 s1, $0xE  }
0xb0: {  	s7 =	sor.u32 @!p0 $0x4000, s7;
	s6 =	simm.s32 @!p0 $0x1B8D  }
0xb1: {  	s5 =	sshll.u32 @!p0 s5, $0x11;
	s7 =	sadd.s32 @!p0 $0x11B8D, s7;
	_ =	swait.eq @!p0 [sflag:s6], $0x1  }
0xb2: {  	s5 =	sor.u32 @!p0 s5, s7;
	[sflag:s6] =	ssyncadd.s32 @!p0 $0xFFFFFFFF  }
0xb3: {  	s25 =	simm.s32 $0x1B8E;
	s24 =	sld [smem:$0x3FFE];
	[sflag:s5] =	ssyncadd.remote.s32 @!p0 $0x1  }
0xb4: {  	s26 =	simm.s32 $execute0_lowered;
	[smem:$0x3FD2] =	sst s25  }
0xb5: {  	s6 =	sshll.u32 s26, $0x1;
	_ =	strace $0x80000049;
	[dreg:$0x1] =	wrdreg $0xFFFFFFFF  }
0xb6: {  	s28 =	simm.s32 $_size_execute0_lowered;
	s4 =	sadd.s32 s4, s6;
	[dreg:$0x0] =	wrdreg $0x0  }
0xb7: {  	s6 =	sshll.u32 s28, $0x1;
	[dreg:$0x2] =	wrdreg s4  }
0xb8: {  	[dreg:$0x3] =	wrdreg s6  }
0xb9: {  	[dreg:$0x4] =	wrdreg $0xC0  }
0xba: {  	_ =	task [dreg:s22], $0x5FFFF  }
0xbb: {  	[dreg:$0x1] =	wrdreg $0xFFFFFFFF  }
0xbc: {  	[dreg:$0x0] =	wrdreg $0x60  }
0xbd: {  	[dreg:$0x2] =	wrdreg s24  }
0xbe: {  	[dreg:$0x3] =	wrdreg s18  }
0xbf: {  	[dreg:$0x4] =	wrdreg $0x102000  }
0xc0: {  	[dreg:$0x5] =	wrdreg $0x9  }
0xc1: {  	_ =	task.clear_ibuf [dreg:s22], $0x6FFFF;
	_ =	strace $0x90000049  }
0xc2: {  	s29 =	simm.s32 $0x9;
	_ =	strace $0x8000004B  }
0xc3: {  	_ =	swait.ge [sflag:s29], $0x1  }
0xc4: {  	[sflag:s29] =	ssyncadd.s32 $0xFFFFFFFF  }
0xc5: {  	_ =	strace $0x9000004B  }
0xc6: {  	_ =	sfence  }
0xc7: {  	s30 =	sld [smem:$0x0];
	_ =	sdelay $0x2  }
0xc8: {  	s31 =	sshll.u32 s1, $0xD;
	s1 =	sshrl.u32 s1, $0x2  }
0xc9: {  	s4 =	sand.u32 $0x4000, s31;
	s1 =	sadd.s32 s1, s30  }
0xca: {  	s0 =	sor.u32 s4, s0;
	s1 =	sshll.u32 s1, $0x11  }
0xcb: {  	s0 =	sor.u32 s1, s0  }
0xcc: {  	s0 =	sadd.s32 $0x8F2B, s0  }
0xcd: {  	[sflag:s0] =	ssyncadd.remote.s32 $0x1  }
0xce: {  	_ =	sfence.sel $0xFFFF  }
0xcf: {  	[dreg:$0x0] =	wrdreg $0xFFFFFFFF;
	(pc) =	sbr.abs _section_cstart, $3  }
0xd0: {  	[dreg:$0x1] =	wrdreg $0xFFFFFFFF  }
0xd1: {  	_ =	task.clear_ibuf [dreg:s22], $0x2FFFF;
	_ =	strace $0x9FFFFFFF  }
0xd2: {  	(tm) =	ssettm $0x7FFFFFFF  }
0xd3: {  	_ =	shalt  }
tec
execute0_lowered:
.L_overlay_start_1:
0x0: {  	(tag) =	ssettag $0x1  }
0x1: {  	s0 =	rddreg [dreg:$0x0]  }
0x2: {  	s3 =	rddreg [dreg:$0x1]  }
0x3: {  	s1 =	rddreg [dreg:$0x2];
	s2 =	simm.s32 $0x0  }
0x4: {  	s4 =	srdreg.scid;
	s14 =	stileid.u32;
	s28 =	simm.s32 $0x180  }
0x5: {  	s29 =	simm.s32 $0xC200;
	s30 =	simm.s32 $0x3;
	s31 =	simm.s32 $0x4  }
0x6: {  	[smem:$0x7FF] =	sst s2;
	s5 =	sand.u32 $0x1, s4;
	s7 =	sadd.s32 $0x2A3E00, s0  }
0x7: {  	s0 =	sadd.s32 $0x29EE00, s0;
	s15 =	sshll.u32 s14, $0x5;
	s16 =	sshll.u32 s14, $0xC  }
0x8: {  	s9 =	sshll.u32 s14, $0x8;
	s21 =	sshll.u32 s14, $0xE;
	s22 =	sor.u32 $0x20, s14  }
0x9: {  	_ =	strace $0x8000004A;
	s4 =	ssub.s32 $0x2, s5;
	s10 =	smul.u32 $0x1388, s5  }
0xa: {  	s5 =	smul.u32 $0x9C400, s5;
	s17 =	sadd.s32 s0, s15;
	s9 =	sor.u32 $0x1000, s9  }
0xb: {  	s23 =	sor.u32 $0x40000, s21;
	s24 =	sshll.u32 s22, $0xE;
	p0 =	sgt.u32 s22, $0x26  }
0xc: {  	s22 =	simm.s32 $0x8200;
	s6 =	sshrl.u32 s4, $0x1;
	s12 =	sshrl.u32 s9, $0x3  }
0xd: {  	s9 =	sshll.u32 s9, $0x4;
	s13 =	sadd.s32 s24, s1;
	s15 =	smov.u32 s17  }
0xe: {  	p2 =	sne.s32 @!p0 s14, $0x0;
	s8 =	ssub.s32 s4, s6;
	s4 =	sadd.s32 $0x9C000, s1  }
0xf: {  	s6 =	sadd.s32 s7, s16;
	s11 =	sshrl.u32 s5, $0x3;
	s0 =	sadd.s32 s0, s12  }
0x10: {  	s18 =	sadd.s32 s7, s9;
	s12 =	sadd.s32 s23, s1;
	p1 =	por p2, p0  }
0x11: {  	p2 =	por !p2, p0;
	s11 =	sadd.s32 s3, s11;
	[dreg:$0x4] =	wrdreg s0  }
0x12: {  	[dreg:$0x5] =	wrdreg s18;
	s20 =	smax.u32 s8, $0x1;
	s0 =	sadd.s32 s5, s21  }
0x13: {  	s8 =	sadd.s32 s5, s23;
	s5 =	sadd.s32 s5, s24;
	s16 =	smov.u32 s6  }
0x14: {  	s9 =	sadd.s32 $0x20000, s6;
	s23 =	simm.s32 $0x1;
	s24 =	simm.s32 $0x80  }
0x15: {  	s19 =	sadd.s32 $0x13800, s11;
	[dreg:$0x7] =	wrdreg s20;
	s11 =	sadd.s32 s21, s1  }
0x16: {  	s0 =	sshrl.u32 s0, $0x3;
	s25 =	sshrl.u32 s8, $0x3;
	s5 =	sshrl.u32 s5, $0x3  }
.Ltmp0:
0x17: {  	s8 =	sadd.s32 $0x400, s17;
	s20 =	simm.s32 $0x5;
	(pc) =	sbr.rel .LBB2_1-.Ltmp0, $4  }
0x18: {  	s21 =	simm.s32 $0x100;
	[dreg:$0x6] =	wrdreg s19;
	s0 =	sadd.s32 s3, s0  }
0x19: {  	s26 =	sadd.s32 s3, s5;
	s19 =	simm.s32 $0x200;
	[dreg:$0x8] =	wrdreg s0  }
0x1a: {  	v2 =	vlaneseq.u32;
	s0 =	sadd.s32 s3, s25;
	[dreg:$0xa] =	wrdreg s26;
	s25 =	simm.s32 $0x4200  }
0x1b: {  	v1 =	vimm.f32 $0.0e+00;
	v2 =	vadd.s32 $0x1388, v2;
	v0 =	vmov s10;
	s26 =	simm.s32 $0x2;
	[dreg:$0x9] =	wrdreg s0;
	s0 =	simm.s32 $0x0  }
.LBB2_7:
0x1c: {  	_ =	swait.ge [sflag:s30], $0x4000  }
0x1d: {  	[sflag:s30] =	ssyncset.done $0x0  }
0x1e: {  	[sflag:s30] =	ssyncadd.s32 $0xFFFFC000  }
0x1f: {  	_ =	swait.ge [sflag:s30], $0x4000  }
0x20: {  	[sflag:s30] =	ssyncset.done $0x0  }
0x21: {  	[sflag:s30] =	ssyncadd.s32 $0xFFFFC000  }
0x22: {  	_ =	swait.ge [sflag:s31], $0x4000  }
0x23: {  	[sflag:s31] =	ssyncset.done $0x0  }
0x24: {  	[sflag:s31] =	ssyncadd.s32 $0xFFFFC000  }
0x25: {  	_ =	swait.ge [sflag:s31], $0x4000  }
0x26: {  	[sflag:s31] =	ssyncset.done $0x0  }
0x27: {  	s3 =	stileid.u32;
	[sflag:s31] =	ssyncadd.s32 $0xFFFFC000  }
0x28: {  	s3 =	sshll.u32 s3, $0x6;
	[bflag:$0x0] =	sbarrier.arrive $0xFFFF  }
0x29: {  	s5 =	sshrl.u32 s11, $0x3;
	s3 =	sor.u32 $0x1C05, s3;
	s6 =	rddreg [dreg:$0x8]  }
0x2a: {  	[hbm:s6], [sflag:s3] =	dma.local [spmem:s5], $0x800  }
0x2b: {  	_ =	swait.ge [sflag:s20], $0x800  }
0x2c: {  	[sflag:s20] =	ssyncset.done $0x0  }
0x2d: {  	s14 =	sshrl.u32 s12, $0x3;
	s17 =	rddreg [dreg:$0x9];
	[sflag:s20] =	ssyncadd.s32 $0xFFFFF800  }
0x2e: {  	[hbm:s17], [sflag:s3] =	dma.local [spmem:s14], $0x800  }
0x2f: {  	_ =	swait.ge [sflag:s20], $0x800  }
0x30: {  	[sflag:s20] =	ssyncset.done $0x0  }
0x31: {  	s5 =	sshrl.u32 @!p0 s13, $0x3;
	s6 =	rddreg [dreg:$0xa];
	[sflag:s20] =	ssyncadd.s32 $0xFFFFF800  }
0x32: {  	[hbm:s6], [sflag:s3] =	dma.local @!p0 [spmem:s5], $0x800  }
0x33: {  	s3 =	simm.s32 @!p0 $0x5  }
0x34: {  	_ =	swait.ge @!p0 [sflag:s3], $0x800  }
0x35: {  	s5 =	simm.s32 @!p1 $0x1C05;
	[sflag:s3] =	ssyncset.done @!p0 $0x0  }
0x36: {  	s6 =	rddreg [dreg:$0x6];
	[sflag:s3] =	ssyncadd.s32 @!p0 $0xFFFFF800;
	s3 =	sshrl.u32 @!p1 s4, $0x3  }
0x37: {  	[hbm:s6], [sflag:s5] =	dma.local @!p1 [spmem:s3], $0x80  }
0x38: {  	s3 =	simm.s32 @!p1 $0x5  }
0x39: {  	_ =	swait.ge @!p1 [sflag:s3], $0x80  }
0x3a: {  	s0 =	sadd.s32 $0x1, s0;
	s18 =	rddreg [dreg:$0x7]  }
0x3b: {  	p3 =	sne.s32 s0, s18  }
.Ltmp1:
0x3c: {  	_ = 	snop;
	(pc) =	sbr.rel @!p3 .LBB2_8-.Ltmp1, $3  }
0x3d: {  	_ =	sdelay $0x1  }
0x3e: {  	[sflag:s3] =	ssyncset.done @!p1 $0x0  }
0x3f: {  	[sflag:s3] =	ssyncadd.s32 @!p1 $0xFFFFFF80  }
.LBB2_1:
0x40: {  	s3 =	simm.s32 $0x0;
	s5 =	simm.s32 $0x200  }
.LBB2_2:
0x41: {  	p3 =	sne.s32 s5, $0xFE00;
	[tilespmem:s3+$0x270] =	vst v1  }
0x42: {  	[tilespmem:s3+$0x200] =	vst v1  }
0x43: {  	[tilespmem:s3+$0x210] =	vst v1  }
.Ltmp2:
0x44: {  	[tilespmem:s3+$0x220] =	vst v1;
	(pc) =	sbr.rel @p3 .LBB2_2-.Ltmp2, $4  }
0x45: {  	[tilespmem:s3+$0x230] =	vst v1  }
0x46: {  	[tilespmem:s3+$0x240] =	vst v1  }
0x47: {  	[tilespmem:s3+$0x250] =	vst v1  }
0x48: {  	[tilespmem:s3+$0x260] =	vst v1;
	s3 =	sshra.s32 s5, $0x2;
	s5 =	sadd.s32 $0x200, s5  }
0x49: {  	[tilespmem:s3+$0x270] =	vst v1  }
0x4a: {  	[tilespmem:s3+$0x200] =	vst v1  }
0x4b: {  	[tilespmem:s3+$0x210] =	vst v1  }
0x4c: {  	[tilespmem:s3+$0x220] =	vst v1  }
0x4d: {  	[tilespmem:s3+$0x230] =	vst v1  }
0x4e: {  	[tilespmem:s3+$0x240] =	vst v1  }
0x4f: {  	[tilespmem:s3+$0x250] =	vst v1  }
0x50: {  	[tilespmem:s3+$0x260] =	vst v1  }
0x51: {  	[spmem:s11] =	stream.linear.scatter [tilespmem:s19], [sflag:$0x5], $0x4000, $0x38;
	[tilespmem:$0x19EC0] =	vst v63  }
0x52: {  	_ =	swait.ge [sflag:s20], $0x4000  }
0x53: {  	[sflag:s20] =	ssyncset.done $0x0  }
0x54: {  	[sflag:s20] =	ssyncadd.s32 $0xFFFFC000  }
0x55: {  	[spmem:s12] =	stream.linear.scatter [tilespmem:s19], [sflag:$0x5], $0x4000, $0x38;
	[tilespmem:$0x19EC0] =	vst v63  }
0x56: {  	_ =	swait.ge [sflag:s20], $0x4000  }
0x57: {  	[sflag:s20] =	ssyncset.done $0x0  }
0x58: {  	s3 =	simm.s32 @!p0 $0x200;
	[sflag:s20] =	ssyncadd.s32 $0xFFFFC000  }
0x59: {  	[spmem:s13] =	stream.linear.scatter @!p0 [tilespmem:s3], [sflag:$0x5], $0x4000, $0x38;
	[tilespmem:$0x19EC0] =	vst v63  }
0x5a: {  	s3 =	simm.s32 @!p0 $0x5  }
0x5b: {  	_ =	swait.ge @!p0 [sflag:s3], $0x4000  }
0x5c: {  	[sflag:s3] =	ssyncset.done @!p0 $0x0  }
0x5d: {  	[sflag:s3] =	ssyncadd.s32 @!p0 $0xFFFFC000;
	s3 =	simm.s32 @!p1 $0x200  }
0x5e: {  	[spmem:s4] =	stream.linear.scatter @!p1 [tilespmem:s3], [sflag:$0x5], $0x400, $0x38;
	[tilespmem:$0x19EC0] =	vst v63  }
0x5f: {  	s3 =	simm.s32 @!p1 $0x5  }
0x60: {  	_ =	swait.ge @!p1 [sflag:s3], $0x400  }
0x61: {  	[sflag:s3] =	ssyncset.done @!p1 $0x0  }
0x62: {  	s10 =	simm.s32 $0x0;
	[sflag:s3] =	ssyncadd.s32 @!p1 $0xFFFFFC00  }
0x63: {  	[tilespmem:s10], [sflag:$0x1] =	stream.linear.gather [hbm4b:s15+s10], $0x100, $0x38;
	[tilespmem:$0x19EC0] =	vst v63  }
0x64: {  	_ = 	snop  }
0x65: {  	[tilespmem:s19], [sflag:$0x1] =	stream.linear.gather [hbm4b:s16+s10], $0x8000, $0x38;
	[tilespmem:$0x19EC0] =	vst v63  }
0x66: {  	s5 =	rddreg [dreg:$0x4]  }
0x67: {  	[tilespmem:s21], [sflag:$0x2] =	stream.linear.gather [hbm4b:s5+s10], $0x100, $0x38;
	[tilespmem:$0x19EC0] =	vst v63  }
.Ltmp3:
0x68: {  	s3 =	simm.s32 @!p0 $0x27;
	(pc) =	sbr.rel .LBB2_4-.Ltmp3, $4  }
0x69: {  	s18 =	rddreg [dreg:$0x5];
	s3 =	simm.s32 @p2 $0x28  }
0x6a: {  	[tilespmem:s22], [sflag:$0x2] =	stream.linear.gather [hbm4b:s18+s10], $0x8000, $0x38;
	[tilespmem:$0x19EC0] =	vst v63  }
0x6b: {  	s3 =	simm.s32 @p0 $0x27;
	[bflag:$0x0] =	sbarrier.arrive $0xFFFF  }
0x6c: {  	s17 =	smov.u32 s9;
	s7 =	sadd.s32 $0xFFFFFFFF, s3;
	s18 =	smov.u32 s8  }
.LBB2_6:
0x6d: {  	s6 =	sadd.s32 $0x3, s10  }
0x6e: {  	p3 =	sge.u32 s6, s3  }
0x6f: {  	s6 =	simm.s32 @!p3 $0x4  }
0x70: {  	_ =	swait.ge @!p3 [sflag:s6], $0x4000  }
0x71: {  	[sflag:s6] =	ssyncset.done @!p3 $0x0  }
0x72: {  	[sflag:s6] =	ssyncadd.s32 @!p3 $0xFFFFC000  }
0x73: {  	_ =	swait.ge @!p3 [sflag:s6], $0x4000  }
0x74: {  	s10 =	simm.s32 @!p3 $0x0;
	[sflag:s6] =	ssyncset.done @!p3 $0x0  }
0x75: {  	s14 =	simm.s32 @!p3 $0x100;
	[sflag:s6] =	ssyncadd.s32 @!p3 $0xFFFFC000;
	s6 =	sadd.s32 @!p3 $0x200, s18  }
0x76: {  	[tilespmem:s14], [sflag:$0x2] =	stream.linear.gather @!p3 [hbm4b:s6+s10], $0x100, $0x38;
	[tilespmem:$0x19EC0] =	vst v63  }
0x77: {  	s6 =	sadd.s32 @!p3 $0x10000, s17;
	s14 =	simm.s32 @!p3 $0x8200  }
0x78: {  	[tilespmem:s14], [sflag:$0x2] =	stream.linear.gather @!p3 [hbm4b:s6+s10], $0x8000, $0x38;
	[tilespmem:$0x19EC0] =	vst v63  }
0x79: {  	p3 =	sne.s32 s5, $0x28  }
.Ltmp4:
0x7a: {  	_ = 	snop;
	(pc) =	sbr.rel @!p3 .LBB2_7-.Ltmp4, $2  }
0x7b: {  	_ =	sdelay $0x2  }
0x7c: {  	s18 =	sadd.s32 $0x400, s18;
	s17 =	sadd.s32 $0x20000, s17;
	s10 =	smov.u32 s5  }
.LBB2_4:
0x7d: {  	_ =	swait.ge [sflag:s23], $0x100  }
0x7e: {  	[sflag:s23] =	ssyncset.done $0x0  }
0x7f: {  	[sflag:s23] =	ssyncadd.s32 $0xFFFFFF00  }
0x80: {  	_ =	swait.ge [sflag:s23], $0x8000  }
0x81: {  	[sflag:s23] =	ssyncset.done $0x0  }
0x82: {  	[sflag:s23] =	ssyncadd.s32 $0xFFFF8000  }
0x83: {  	v3 =	vld [tilespmem:$0x0]  }
0x84: {  	v4 =	vld [tilespmem:$0x10]  }
0x85: {  	v5 =	vld [tilespmem:$0x20]  }
0x86: {  	v6 =	vld [tilespmem:$0x30]  }
0x87: {  	v7 =	vld [tilespmem:$0x40]  }
0x88: {  	v8 =	vld [tilespmem:$0x50];
	v3 =	vsub.s32 v3, v0  }
0x89: {  	v9 =	vld [tilespmem:$0x60];
	v4 =	vsub.s32 v4, v0;
	vm0 =	vlt.u32 v3, $0x1388  }
0x8a: {  	v10 =	vld [tilespmem:$0x70];
	v5 =	vsub.s32 v5, v0;
	vm13 =	vlt.u32 v4, $0x1388;
	v3 =	vsel vm0, v3, v2  }
0x8b: {  	v44 =	vld [tilespmem:$0x80];
	v43 =	vsub.s32 v6, v0;
	vm14 =	vlt.u32 v5, $0x1388;
	[tilespmem:$0x0] =	vst v3;
	v3 =	vsel vm13, v4, v2  }
0x8c: {  	v46 =	vld [tilespmem:$0x90];
	v45 =	vsub.s32 v7, v0;
	vm15 =	vlt.u32 v43, $0x1388;
	[tilespmem:$0x10] =	vst v3;
	v3 =	vsel vm14, v5, v2  }
0x8d: {  	v48 =	vld [tilespmem:$0xA0];
	v47 =	vsub.s32 v8, v0;
	vm4 =	vlt.u32 v45, $0x1388;
	[tilespmem:$0x20] =	vst v3;
	v3 =	vsel vm15, v43, v2  }
0x8e: {  	v50 =	vld [tilespmem:$0xB0];
	v49 =	vsub.s32 v9, v0;
	vm5 =	vlt.u32 v47, $0x1388;
	[tilespmem:$0x30] =	vst v3;
	v3 =	vsel vm4, v45, v2  }
0x8f: {  	v52 =	vld [tilespmem:$0xC0];
	v51 =	vsub.s32 v10, v0;
	vm6 =	vlt.u32 v49, $0x1388;
	[tilespmem:$0x40] =	vst v3;
	v3 =	vsel vm5, v47, v2  }
0x90: {  	v54 =	vld [tilespmem:$0xD0];
	v53 =	vsub.s32 v44, v0;
	vm7 =	vlt.u32 v51, $0x1388;
	[tilespmem:$0x50] =	vst v3;
	v3 =	vsel vm6, v49, v2  }
0x91: {  	v56 =	vld [tilespmem:$0xE0];
	v55 =	vsub.s32 v46, v0;
	vm8 =	vlt.u32 v53, $0x1388;
	[tilespmem:$0x60] =	vst v3;
	v3 =	vsel vm7, v51, v2  }
0x92: {  	v58 =	vld [tilespmem:$0xF0];
	v57 =	vsub.s32 v48, v0;
	vm9 =	vlt.u32 v55, $0x1388;
	[tilespmem:$0x70] =	vst v3;
	v3 =	vsel vm8, v53, v2  }
0x93: {  	v59 =	vsub.s32 v50, v0;
	vm10 =	vlt.u32 v57, $0x1388;
	[tilespmem:$0x80] =	vst v3;
	v3 =	vsel vm9, v55, v2  }
0x94: {  	v60 =	vsub.s32 v52, v0;
	vm11 =	vlt.u32 v59, $0x1388;
	[tilespmem:$0x90] =	vst v3;
	v3 =	vsel vm10, v57, v2  }
0x95: {  	v61 =	vsub.s32 v54, v0;
	vm12 =	vlt.u32 v60, $0x1388;
	[tilespmem:$0xA0] =	vst v3;
	v3 =	vsel vm11, v59, v2  }
0x96: {  	v62 =	vsub.s32 v56, v0;
	vm13 =	vlt.u32 v61, $0x1388;
	[tilespmem:$0xB0] =	vst v3;
	v3 =	vsel vm12, v60, v2  }
0x97: {  	v63 =	vsub.s32 v58, v0;
	vm14 =	vlt.u32 v62, $0x1388;
	[tilespmem:$0xC0] =	vst v3;
	v3 =	vsel vm13, v61, v2  }
0x98: {  	vm15 =	vlt.u32 v63, $0x1388;
	[tilespmem:$0xD0] =	vst v3;
	v3 =	vsel vm14, v62, v2  }
0x99: {  	s5 =	sadd.s32 $0x2, s10;
	[tilespmem:$0xE0] =	vst v3;
	v3 =	vsel vm15, v63, v2  }
0x9a: {  	p3 =	sge.u32 s5, s3;
	[tilespmem:$0xF0] =	vst v3  }
0x9b: {  	[spmem:s1] =	stream.indirect.scatter.add.f32 [tilespmem:s19], [sflag:$0x3], $0x80, s2, s24, $0xb8;
	[tilespmem:$0x19EC0] =	vst v63  }
0x9c: {  	s6 =	simm.s32 @!p3 $0x3  }
0x9d: {  	[spmem:s1] =	stream.indirect.scatter.add.f32 [tilespmem:s25], [sflag:$0x3], $0x80, s24, s24, $0xb8;
	[tilespmem:$0x19EC0] =	vst v63  }
0x9e: {  	_ =	swait.ge @!p3 [sflag:s6], $0x4000  }
0x9f: {  	[sflag:s6] =	ssyncset.done @!p3 $0x0  }
0xa0: {  	[sflag:s6] =	ssyncadd.s32 @!p3 $0xFFFFC000  }
0xa1: {  	_ =	swait.ge @!p3 [sflag:s6], $0x4000  }
0xa2: {  	[sflag:s6] =	ssyncset.done @!p3 $0x0  }
0xa3: {  	[sflag:s6] =	ssyncadd.s32 @!p3 $0xFFFFC000;
	s6 =	simm.s32 @!p3 $0x0  }
0xa4: {  	[tilespmem:s6], [sflag:$0x1] =	stream.linear.gather @!p3 [hbm4b:s18+s6], $0x100, $0x38;
	[tilespmem:$0x19EC0] =	vst v63  }
0xa5: {  	s14 =	simm.s32 @!p3 $0x200  }
0xa6: {  	[tilespmem:s14], [sflag:$0x1] =	stream.linear.gather @!p3 [hbm4b:s17+s6], $0x8000, $0x38;
	[tilespmem:$0x19EC0] =	vst v63  }
0xa7: {  	p3 =	sge.u32 s10, s7  }
.Ltmp5:
0xa8: {  	_ = 	snop;
	(pc) =	sbr.rel @p3 .LBB2_6-.Ltmp5, $1  }
0xa9: {  	_ =	sdelay $0x3  }
0xaa: {  	_ =	swait.ge [sflag:s26], $0x100  }
0xab: {  	[sflag:s26] =	ssyncset.done $0x0  }
0xac: {  	[sflag:s26] =	ssyncadd.s32 $0xFFFFFF00  }
0xad: {  	_ =	swait.ge [sflag:s26], $0x8000  }
0xae: {  	[sflag:s26] =	ssyncset.done $0x0  }
0xaf: {  	[sflag:s26] =	ssyncadd.s32 $0xFFFF8000  }
0xb0: {  	v3 =	vld [tilespmem:$0x100]  }
0xb1: {  	v4 =	vld [tilespmem:$0x110]  }
0xb2: {  	v5 =	vld [tilespmem:$0x120]  }
0xb3: {  	v6 =	vld [tilespmem:$0x130]  }
0xb4: {  	v7 =	vld [tilespmem:$0x140]  }
0xb5: {  	v8 =	vld [tilespmem:$0x150];
	v3 =	vsub.s32 v3, v0  }
0xb6: {  	v9 =	vld [tilespmem:$0x160];
	v4 =	vsub.s32 v4, v0;
	vm0 =	vlt.u32 v3, $0x1388  }
0xb7: {  	v10 =	vld [tilespmem:$0x170];
	v5 =	vsub.s32 v5, v0;
	vm13 =	vlt.u32 v4, $0x1388;
	v3 =	vsel vm0, v3, v2  }
0xb8: {  	v44 =	vld [tilespmem:$0x180];
	v43 =	vsub.s32 v6, v0;
	vm14 =	vlt.u32 v5, $0x1388;
	[tilespmem:$0x100] =	vst v3;
	v3 =	vsel vm13, v4, v2  }
0xb9: {  	v46 =	vld [tilespmem:$0x190];
	v45 =	vsub.s32 v7, v0;
	vm15 =	vlt.u32 v43, $0x1388;
	[tilespmem:$0x110] =	vst v3;
	v3 =	vsel vm14, v5, v2  }
0xba: {  	v48 =	vld [tilespmem:$0x1A0];
	v47 =	vsub.s32 v8, v0;
	vm4 =	vlt.u32 v45, $0x1388;
	[tilespmem:$0x120] =	vst v3;
	v3 =	vsel vm15, v43, v2  }
0xbb: {  	v50 =	vld [tilespmem:$0x1B0];
	v49 =	vsub.s32 v9, v0;
	vm5 =	vlt.u32 v47, $0x1388;
	[tilespmem:$0x130] =	vst v3;
	v3 =	vsel vm4, v45, v2  }
0xbc: {  	v52 =	vld [tilespmem:$0x1C0];
	v51 =	vsub.s32 v10, v0;
	vm6 =	vlt.u32 v49, $0x1388;
	[tilespmem:$0x140] =	vst v3;
	v3 =	vsel vm5, v47, v2  }
0xbd: {  	v54 =	vld [tilespmem:$0x1D0];
	v53 =	vsub.s32 v44, v0;
	vm7 =	vlt.u32 v51, $0x1388;
	[tilespmem:$0x150] =	vst v3;
	v3 =	vsel vm6, v49, v2  }
0xbe: {  	v56 =	vld [tilespmem:$0x1E0];
	v55 =	vsub.s32 v46, v0;
	vm8 =	vlt.u32 v53, $0x1388;
	[tilespmem:$0x160] =	vst v3;
	v3 =	vsel vm7, v51, v2  }
0xbf: {  	v58 =	vld [tilespmem:$0x1F0];
	v57 =	vsub.s32 v48, v0;
	vm9 =	vlt.u32 v55, $0x1388;
	[tilespmem:$0x170] =	vst v3;
	v3 =	vsel vm8, v53, v2  }
0xc0: {  	v59 =	vsub.s32 v50, v0;
	vm10 =	vlt.u32 v57, $0x1388;
	[tilespmem:$0x180] =	vst v3;
	v3 =	vsel vm9, v55, v2  }
0xc1: {  	v60 =	vsub.s32 v52, v0;
	vm11 =	vlt.u32 v59, $0x1388;
	[tilespmem:$0x190] =	vst v3;
	v3 =	vsel vm10, v57, v2  }
0xc2: {  	v61 =	vsub.s32 v54, v0;
	vm12 =	vlt.u32 v60, $0x1388;
	[tilespmem:$0x1A0] =	vst v3;
	v3 =	vsel vm11, v59, v2  }
0xc3: {  	v62 =	vsub.s32 v56, v0;
	vm13 =	vlt.u32 v61, $0x1388;
	[tilespmem:$0x1B0] =	vst v3;
	v3 =	vsel vm12, v60, v2  }
0xc4: {  	v63 =	vsub.s32 v58, v0;
	vm14 =	vlt.u32 v62, $0x1388;
	[tilespmem:$0x1C0] =	vst v3;
	v3 =	vsel vm13, v61, v2  }
0xc5: {  	vm15 =	vlt.u32 v63, $0x1388;
	[tilespmem:$0x1D0] =	vst v3;
	v3 =	vsel vm14, v62, v2  }
.Ltmp6:
0xc6: {  	[tilespmem:$0x1E0] =	vst v3;
	v3 =	vsel vm15, v63, v2;
	(pc) =	sbr.rel .LBB2_6-.Ltmp6, $4  }
0xc7: {  	[tilespmem:$0x1F0] =	vst v3  }
0xc8: {  	[spmem:s1] =	stream.indirect.scatter.add.f32 [tilespmem:s22], [sflag:$0x4], $0x80, s21, s24, $0xb8;
	[tilespmem:$0x19EC0] =	vst v63  }
0xc9: {  	_ = 	snop  }
0xca: {  	[spmem:s1] =	stream.indirect.scatter.add.f32 [tilespmem:s29], [sflag:$0x4], $0x80, s28, s24, $0xb8;
	[tilespmem:$0x19EC0] =	vst v63  }
.LBB2_8:
0xcb: {  	_ =	sfence.sel $0x180000  }
0xcc: {  	[bflag:$0x0] =	sbarrier.arrive $0xFFFF  }
0xcd: {  	_ =	strace $0x9000004A  }
0xce: {  	s0 =	stileid.u32;
	[bflag:$0x2] =	sbarrier.arrive $0xFFFF  }
0xcf: {  	p0 =	sne.s32 s0, $0x0;
	s0 =	rddreg [dreg:$0x3]  }
0xd0: {  	s0 =	sadd.s32 @!p0 $0x100000, s0  }
0xd1: {  	[sflag:s0] =	ssyncadd.tile.s32 @!p0 $0x1;
	_ =	shalt  }
.Lfunc_end2:
_tile_overlayer_lowered:
.L_overlay_start_2:
0xd2: {  	(tag) =	ssettag $0x2  }
0xd3: {  	s0 =	rddreg [dreg:$0x0];
	s2 =	stileid.u32  }
0xd4: {  	s1 =	rddreg [dreg:$0x1];
	p0 =	sne.s32 s2, $0x0  }
0xd5: {  	s3 =	rddreg [dreg:$0x2];
	[bflag:$0x3] =	sbarrier.arrive $0xFFFF;
	s2 =	simm.s32 @!p0 $0x1C05  }
0xd6: {  	[timem:s3], [sflag:s2] =	dma.local @!p0 [hbm:s0], s1  }
0xd7: {  	s0 =	simm.s32 @!p0 $0x5  }
0xd8: {  	_ =	swait.ge @!p0 [sflag:s0], s1  }
0xd9: {  	s1 =	ssub.s32 @!p0 $0x0, s1;
	[sflag:s0] =	ssyncset.done @!p0 $0x0  }
0xda: {  	[sflag:s0] =	ssyncadd.s32 @!p0 s1  }
0xdb: {  	[bflag:$0x3] =	sbarrier.arrive $0xFFFF  }
0xdc: {  	_ =	shalt  }

</sc_bundles>
